<compile_context>
chip_gen: v7x
topology: tpu7x:2x2x1
jax: 0.10.2.dev20260603
libtpu: 0.0.44.dev20260713+nightly
codegen_flags: <defaults>
</compile_context>

<pallas_src>
import functools

import jax
import jax.numpy as jnp
from jax import lax
from jax.experimental import pallas as pl
from jax.experimental.pallas import tpu as pltpu
from jax.experimental.pallas import tpu_sc as plsc

NC = 2
NS = 16
NW = NC * NS
L = 16
CHUNK = 128


def _matmul_body(x_ref, w_ref, h_ref):
    h_ref[...] = lax.dot_general(
        x_ref[...], w_ref[...],
        dimension_numbers=(((1,), (1,)), ((), ())),
        preferred_element_type=jnp.float32,
    )


def _make_sc_sum(NPAD, D):
    rpt = NPAD // NW
    CH = 80
    mesh = plsc.VectorSubcoreMesh(core_axis_name="c", subcore_axis_name="s",
                                  num_cores=NC, num_subcores=NS)

    @functools.partial(
        pl.kernel,
        out_type=jax.ShapeDtypeStruct((NPAD, D), jnp.float32),
        mesh=mesh,
        scratch_types=[
            pltpu.VMEM((CH, D), jnp.float32),
            pltpu.VMEM((CH, D), jnp.float32),
        ],
    )
    def sc_sum(p_hbm, out_hbm, b0, b1):
        c = lax.axis_index("c")
        s = lax.axis_index("s")
        wid = s * NC + c
        for j in range(rpt // CH):
            r0 = wid * rpt + j * CH
            pltpu.sync_copy(p_hbm.at[0, pl.ds(r0, CH)], b0)
            pltpu.sync_copy(p_hbm.at[1, pl.ds(r0, CH)], b1)

            def body(i, carry):
                for kk in range(D // L):
                    sl = pl.ds(kk * L, L)
                    b0[i, sl] = b0[i, sl] + b1[i, sl]
                return carry

            lax.fori_loop(0, CH, body, 0)
            pltpu.sync_copy(b0, out_hbm.at[pl.ds(r0, CH)])

    return sc_sum


NBUF = 1
NBLK = 1


def _make_agg(NPAD, D, T):
    rows_per_tile = NPAD // NS
    assert T % NBLK == 0
    SBLK = T // NBLK
    assert SBLK % NBUF == 0 and SBLK % 8 == 0
    mesh = plsc.VectorSubcoreMesh(core_axis_name="c", subcore_axis_name="s",
                                  num_cores=NC, num_subcores=NS)

    @functools.partial(
        pl.kernel,
        out_type=jax.ShapeDtypeStruct((NC, NPAD, D), jnp.float32),
        mesh=mesh,
        scratch_types=[
            pltpu.VMEM((SBLK, CHUNK), jnp.int32),
            pltpu.VMEM((SBLK, CHUNK), jnp.int32),
            pltpu.VMEM((SBLK, CHUNK), jnp.float32),
            [pltpu.VMEM((CHUNK, D), jnp.float32) for _ in range(NBUF)],
            pltpu.VMEM((CHUNK,), jnp.int32),
            pltpu.VMEM((CHUNK,), jnp.int32),
            pltpu.VMEM_SHARED((NPAD, D), jnp.float32),
            [pltpu.SemaphoreType.DMA for _ in range(NBUF)],
            [pltpu.SemaphoreType.DMA for _ in range(NBUF)],
        ],
    )
    def agg(h_hbm, col_hbm, row_hbm, val_hbm, out_hbm,
            colv, rowv, valv, rows, colb, rowb, acc, gsem, ssem):
        c = lax.axis_index("c")
        s = lax.axis_index("s")
        wid = s * NC + c

        zero = jnp.zeros((L,), jnp.float32)

        def zbody(i, carry):
            for k in range(D // L):
                rows[0][i, pl.ds(k * L, L)] = zero
            return carry

        lax.fori_loop(0, CHUNK, zbody, 0)
        for j in range(rows_per_tile // CHUNK):
            pltpu.sync_copy(rows[0].at[:],
                            acc.at[pl.ds(s * rows_per_tile + j * CHUNK, CHUNK)])
        plsc.subcore_barrier()

        def gather_start(t, b):
            pltpu.async_copy(h_hbm.at[colv.at[t]], rows[b], gsem[b])

        def gather_wait(t, b):
            pltpu.make_async_copy(h_hbm.at[colv.at[t]], rows[b], gsem[b]).wait()

        def scatter_start(t, b):
            pltpu.async_copy(rows[b], acc.at[rowv.at[t]], ssem[b], add=True)

        def scatter_wait(t, b):
            pltpu.make_async_copy(rows[b], acc.at[rowv.at[t]], ssem[b]).wait()

        def block_body(blk, bcarry):
            base = pl.multiple_of(wid * T + blk * SBLK, 8)
            pltpu.sync_copy(col_hbm.at[pl.ds(base, SBLK)], colv)
            pltpu.sync_copy(row_hbm.at[pl.ds(base, SBLK)], rowv)
            pltpu.sync_copy(val_hbm.at[pl.ds(base, SBLK)], valv)

            if NBUF == 1:
                def chunk_body(t, carry):
                    for k in range(CHUNK // L):
                        sl = pl.ds(k * L, L)
                        colb[sl] = colv[t, sl]
                        rowb[sl] = rowv[t, sl]
                    pltpu.async_copy(h_hbm.at[colb], rows[0],
                                     gsem[0]).wait()

                    def sbody(g, carry2):
                        vv = valv[t, pl.ds(g * L, L)]
                        for j in range(L):
                            e = g * L + j
                            v = vv[j]
                            for k in range(D // L):
                                sl = pl.ds(k * L, L)
                                rows[0][e, sl] = rows[0][e, sl] * v
                        return carry2

                    lax.fori_loop(0, CHUNK // L, sbody, 0)
                    pltpu.sync_copy(rows[0], acc.at[rowb], add=True)
                    return carry

                lax.fori_loop(0, SBLK, chunk_body, 0)
                return bcarry

            gather_start(0, 0)

            def chunk_body(tn, carry):
                for b in range(NBUF):
                    t = tn * NBUF + b
                    gather_wait(t, b)

                    b1 = (b + 1) % NBUF

                    @pl.when(jnp.logical_and(t + 1 >= NBUF, t + 1 < SBLK))
                    def _():
                        scatter_wait(t + 1 - NBUF, b1)

                    @pl.when(t + 1 < SBLK)
                    def _():
                        gather_start(t + 1, b1)

                    def sbody(g, carry2):
                        vv = valv[t, pl.ds(g * L, L)]
                        for j in range(L):
                            e = g * L + j
                            v = vv[j]
                            for k in range(D // L):
                                sl = pl.ds(k * L, L)
                                rows[b][e, sl] = rows[b][e, sl] * v
                        return carry2

                    lax.fori_loop(0, CHUNK // L, sbody, 0)
                    scatter_start(t, b)
                return carry

            lax.fori_loop(0, SBLK // NBUF, chunk_body, 0)
            for b in range(NBUF):
                scatter_wait(SBLK - NBUF + b, b)
            return bcarry

        lax.fori_loop(0, NBLK, block_body, 0)
        plsc.subcore_barrier()

        pltpu.sync_copy(acc.at[pl.ds(s * rows_per_tile, rows_per_tile)],
                        out_hbm.at[c, pl.ds(s * rows_per_tile, rows_per_tile)])

    return agg


def kernel(x, edge_index, edge_values, W):
    N, D = x.shape
    E = edge_values.shape[0]
    NPAD = ((N + 2559) // 2560) * 2560

    Tq = NBLK * 8 * NBUF // __import__('math').gcd(8, NBUF)
    T = -(-E // (NW * CHUNK))
    T = -(-T // Tq) * Tq
    EPAD = NW * T * CHUNK
    pad = EPAD - E
    fill = jnp.arange(pad, dtype=jnp.int32) % N
    row = jnp.concatenate([edge_index[0], fill]).reshape(NW * T, CHUNK)
    col = jnp.concatenate([edge_index[1], fill]).reshape(NW * T, CHUNK)
    vals = jnp.pad(edge_values, (0, pad)).reshape(NW * T, CHUNK)

    rb = 1000
    h = pl.pallas_call(
        _matmul_body,
        grid=(N // rb,),
        in_specs=[
            pl.BlockSpec((rb, D), lambda i: (i, 0)),
            pl.BlockSpec((D, D), lambda i: (0, 0)),
        ],
        out_specs=pl.BlockSpec((rb, D), lambda i: (i, 0)),
        out_shape=jax.ShapeDtypeStruct((N, D), jnp.float32),
    )(x, W)

    partials = _make_agg(NPAD, D, T)(h, col, row, vals)
    out = _make_sc_sum(NPAD, D)(partials)
    return out[:N]

# --- scband reference (transcript-rebuilt; emitter-appended) ---
"""Pipeline reference for scband-gcnlayer-48189533061406 (READ-ONLY COPY).

The authoritative reference and input builder live on the scoring server;
editing this copy changes nothing except your own understanding.
"""

import jax, jax.numpy as jnp
import numpy as np

N = 10000
E = 320000
D = 128

def setup_inputs(seed: int = 0) -> dict:
    key = jax.random.key(seed)
    k1, k2, k3, k4 = jax.random.split(key, 4)
    x = jax.random.normal(k1, (N, D), dtype=jnp.float32)
    edge_index = jax.random.randint(k2, (2, E), 0, N, dtype=jnp.int32)
    edge_values = jax.random.uniform(k3, (E,), dtype=jnp.float32)
    # Linear(c_in, c_out, bias=False) weight, torch layout [c_out, c_in]
    W = jax.random.normal(k4, (D, D), dtype=jnp.float32) * 0.05
    return {"x": x, "edge_index": edge_index, "edge_values": edge_values, "W": W}

def reference(x, edge_index, edge_values, W):
    # h = self.layer(x) = x @ W^T
    h = x @ W.T
    # torch_sparse.spmm(index, value, m, n, h): out[row] += value * h[col]
    row = edge_index[0]
    col = edge_index[1]
    msgs = edge_values[:, None] * jnp.take(h, col, axis=0)
    out = jax.ops.segment_sum(msgs, row, num_segments=x.shape[0])
    return out

if __name__ == "__main__":
    import jax
    _d = setup_inputs()
    print(jax.jit(kernel)(*tuple(_d.values())))

</pallas_src>

<mosaic_0001>
#map = affine_map<(d0, d1) -> (0, 0)>
#map1 = affine_map<(d0, d1) -> (0, 0, 0)>
module attributes {stable_mosaic.version = 14 : i64} {
  func.func @agg(%arg0: i32, %arg1: i32, %arg2: memref<10000x128xf32, #tpu.memory_space<hbm>>, %arg3: memref<2560x128xi32, #tpu.memory_space<hbm>>, %arg4: memref<2560x128xi32, #tpu.memory_space<hbm>>, %arg5: memref<2560x128xf32, #tpu.memory_space<hbm>>, %arg6: memref<2x10240x128xf32, #tpu.memory_space<hbm>>, %arg7: memref<80x128xi32, #tpu.memory_space<vmem>>, %arg8: memref<80x128xi32, #tpu.memory_space<vmem>>, %arg9: memref<80x128xf32, #tpu.memory_space<vmem>>, %arg10: memref<128x128xf32, #tpu.memory_space<vmem>>, %arg11: memref<128xi32, #tpu.memory_space<vmem>>, %arg12: memref<128xi32, #tpu.memory_space<vmem>>, %arg13: memref<10240x128xf32, #tpu.memory_space<vmem_shared>>, %arg14: memref<!tpu.dma_semaphore, #tpu.memory_space<semaphore_mem>>, %arg15: memref<!tpu.dma_semaphore, #tpu.memory_space<semaphore_mem>>) attributes {dimension_semantics = [#tpu.dimension_semantics<core_parallel>, #tpu.dimension_semantics<subcore_parallel>], iteration_bounds = array<i64: 2, 16>, scalar_prefetch = 0 : i64, scratch_operands = 9 : i64, tpu.core_type = #tpu.core_type<sc_vector_subcore>, window_params = [{transform_indices = #map}, {transform_indices = #map}, {transform_indices = #map}, {transform_indices = #map}, {transform_indices = #map1}]} {
    %mul3A = arith.constant 2 : i32
    %mul3A_0 = arith.muli %arg1, %mul3A : i32
    %add3A = arith.addi %mul3A_0, %arg0 : i32
    %broadcast_in_dim3A = arith.constant 0.000000e+00 : f32
    %broadcast_in_dim3A_1 = vector.broadcast %broadcast_in_dim3A : f32 to vector<16xf32>
    %scan3A = arith.constant 0 : i32
    %scan3A_2 = arith.constant 0 : i32
    %scan3A_3 = arith.constant 128 : i32
    %scan3A_4 = arith.addi %scan3A_2, %scan3A_3 : i32
    %scan3A_5 = arith.constant 1 : i32
    scf.for %scan3A_46 = %scan3A_2 to %scan3A_4 step %scan3A_5  : i32 {
      %swap3A = arith.index_cast %scan3A_46 : i32 to index
      %swap3A_47 = arith.constant 0 : index
      %swap3A_48 = tpu.vector_load %arg10[%swap3A, %swap3A_47] {strides = array<i32>} : memref<128x128xf32, #tpu.memory_space<vmem>>, vector<1x16xf32>,
      %swap3A_49 = vector.shape_cast %swap3A_48 : vector<1x16xf32> to vector<16xf32>
      %swap3A_50 = vector.shape_cast %broadcast_in_dim3A_1 : vector<16xf32> to vector<1x16xf32>
      tpu.vector_store %arg10[%swap3A, %swap3A_47], %swap3A_50 {strides = array<i32>} : memref<128x128xf32, #tpu.memory_space<vmem>>, vector<1x16xf32>,
      %swap3A_51 = arith.index_cast %scan3A_46 : i32 to index
      %swap3A_52 = arith.constant 16 : index
      %swap3A_53 = tpu.vector_load %arg10[%swap3A_51, %swap3A_52] {strides = array<i32>} : memref<128x128xf32, #tpu.memory_space<vmem>>, vector<1x16xf32>,
      %swap3A_54 = vector.shape_cast %swap3A_53 : vector<1x16xf32> to vector<16xf32>
      %swap3A_55 = vector.shape_cast %broadcast_in_dim3A_1 : vector<16xf32> to vector<1x16xf32>
      tpu.vector_store %arg10[%swap3A_51, %swap3A_52], %swap3A_55 {strides = array<i32>} : memref<128x128xf32, #tpu.memory_space<vmem>>, vector<1x16xf32>,
      %swap3A_56 = arith.index_cast %scan3A_46 : i32 to index
      %swap3A_57 = arith.constant 32 : index
      %swap3A_58 = tpu.vector_load %arg10[%swap3A_56, %swap3A_57] {strides = array<i32>} : memref<128x128xf32, #tpu.memory_space<vmem>>, vector<1x16xf32>,
      %swap3A_59 = vector.shape_cast %swap3A_58 : vector<1x16xf32> to vector<16xf32>
      %swap3A_60 = vector.shape_cast %broadcast_in_dim3A_1 : vector<16xf32> to vector<1x16xf32>
      tpu.vector_store %arg10[%swap3A_56, %swap3A_57], %swap3A_60 {strides = array<i32>} : memref<128x128xf32, #tpu.memory_space<vmem>>, vector<1x16xf32>,
      %swap3A_61 = arith.index_cast %scan3A_46 : i32 to index
      %swap3A_62 = arith.constant 48 : index
      %swap3A_63 = tpu.vector_load %arg10[%swap3A_61, %swap3A_62] {strides = array<i32>} : memref<128x128xf32, #tpu.memory_space<vmem>>, vector<1x16xf32>,
      %swap3A_64 = vector.shape_cast %swap3A_63 : vector<1x16xf32> to vector<16xf32>
      %swap3A_65 = vector.shape_cast %broadcast_in_dim3A_1 : vector<16xf32> to vector<1x16xf32>
      tpu.vector_store %arg10[%swap3A_61, %swap3A_62], %swap3A_65 {strides = array<i32>} : memref<128x128xf32, #tpu.memory_space<vmem>>, vector<1x16xf32>,
      %swap3A_66 = arith.index_cast %scan3A_46 : i32 to index
      %swap3A_67 = arith.constant 64 : index
      %swap3A_68 = tpu.vector_load %arg10[%swap3A_66, %swap3A_67] {strides = array<i32>} : memref<128x128xf32, #tpu.memory_space<vmem>>, vector<1x16xf32>,
      %swap3A_69 = vector.shape_cast %swap3A_68 : vector<1x16xf32> to vector<16xf32>
      %swap3A_70 = vector.shape_cast %broadcast_in_dim3A_1 : vector<16xf32> to vector<1x16xf32>
      tpu.vector_store %arg10[%swap3A_66, %swap3A_67], %swap3A_70 {strides = array<i32>} : memref<128x128xf32, #tpu.memory_space<vmem>>, vector<1x16xf32>,
      %swap3A_71 = arith.index_cast %scan3A_46 : i32 to index
      %swap3A_72 = arith.constant 80 : index
      %swap3A_73 = tpu.vector_load %arg10[%swap3A_71, %swap3A_72] {strides = array<i32>} : memref<128x128xf32, #tpu.memory_space<vmem>>, vector<1x16xf32>,
      %swap3A_74 = vector.shape_cast %swap3A_73 : vector<1x16xf32> to vector<16xf32>
      %swap3A_75 = vector.shape_cast %broadcast_in_dim3A_1 : vector<16xf32> to vector<1x16xf32>
      tpu.vector_store %arg10[%swap3A_71, %swap3A_72], %swap3A_75 {strides = array<i32>} : memref<128x128xf32, #tpu.memory_space<vmem>>, vector<1x16xf32>,
      %swap3A_76 = arith.index_cast %scan3A_46 : i32 to index
      %swap3A_77 = arith.constant 96 : index
      %swap3A_78 = tpu.vector_load %arg10[%swap3A_76, %swap3A_77] {strides = array<i32>} : memref<128x128xf32, #tpu.memory_space<vmem>>, vector<1x16xf32>,
      %swap3A_79 = vector.shape_cast %swap3A_78 : vector<1x16xf32> to vector<16xf32>
      %swap3A_80 = vector.shape_cast %broadcast_in_dim3A_1 : vector<16xf32> to vector<1x16xf32>
      tpu.vector_store %arg10[%swap3A_76, %swap3A_77], %swap3A_80 {strides = array<i32>} : memref<128x128xf32, #tpu.memory_space<vmem>>, vector<1x16xf32>,
      %swap3A_81 = arith.index_cast %scan3A_46 : i32 to index
      %swap3A_82 = arith.constant 112 : index
      %swap3A_83 = tpu.vector_load %arg10[%swap3A_81, %swap3A_82] {strides = array<i32>} : memref<128x128xf32, #tpu.memory_space<vmem>>, vector<1x16xf32>,
      %swap3A_84 = vector.shape_cast %swap3A_83 : vector<1x16xf32> to vector<16xf32>
      %swap3A_85 = vector.shape_cast %broadcast_in_dim3A_1 : vector<16xf32> to vector<1x16xf32>
      tpu.vector_store %arg10[%swap3A_81, %swap3A_82], %swap3A_85 {strides = array<i32>} : memref<128x128xf32, #tpu.memory_space<vmem>>, vector<1x16xf32>,
    }
    %scan3A_6 = arith.constant 128 : i32
    %mul3A_7 = arith.constant 640 : i32
    %mul3A_8 = arith.muli %arg1, %mul3A_7 : i32
    %add3A_9 = arith.constant 0 : i32
    %add3A_10 = arith.addi %mul3A_8, %add3A_9 : i32
    "tpu.region"() ({
      %run_scoped3A = tpu.sem_alloc : memref<!tpu.dma_semaphore, #tpu.memory_space<semaphore_mem>>
      %dma_start3A = arith.constant 0 : i32
      %dma_start3A_46 = arith.constant 0 : i32
      %dma_start3A_47 = tpu.memref_slice %arg10[%dma_start3A, %dma_start3A_46] : memref<128x128xf32, #tpu.memory_space<vmem>> -> memref<128x128xf32, #tpu.memory_space<vmem>>
      %dma_start3A_48 = arith.constant 0 : i32
      %dma_start3A_49 = tpu.memref_slice %arg13[%add3A_10, %dma_start3A_48] : memref<10240x128xf32, #tpu.memory_space<vmem_shared>> -> memref<128x128xf32, #tpu.memory_space<vmem_shared>>
      %dma_start3A_50 = arith.constant 0 : i32
      %dma_start3A_51 = tpu.memref_slice %arg13[%add3A_10, %dma_start3A_50] : memref<10240x128xf32, #tpu.memory_space<vmem_shared>> -> memref<128x128xf32, #tpu.memory_space<vmem_shared>>
      %dma_start3A_52 = arith.constant 0 : i32
      %dma_start3A_53 = arith.constant 0 : i32
      %dma_start3A_54 = tpu.memref_slice %arg10[%dma_start3A_52, %dma_start3A_53] : memref<128x128xf32, #tpu.memory_space<vmem>> -> memref<128x128xf32, #tpu.memory_space<vmem>>
      tpu.enqueue_dma source(%dma_start3A_54 : memref<128x128xf32, #tpu.memory_space<vmem>>) target(%dma_start3A_51 : memref<128x128xf32, #tpu.memory_space<vmem_shared>>) target_semaphore(%run_scoped3A : memref<!tpu.dma_semaphore, #tpu.memory_space<semaphore_mem>>)
      %dma_wait3A = arith.constant 0 : i32
      %dma_wait3A_55 = arith.constant 0 : i32
      %dma_wait3A_56 = tpu.memref_slice %arg10[%dma_wait3A, %dma_wait3A_55] : memref<128x128xf32, #tpu.memory_space<vmem>> -> memref<128x128xf32, #tpu.memory_space<vmem>>
      %dma_wait3A_57 = arith.constant 0 : i32
      %dma_wait3A_58 = tpu.memref_slice %arg13[%add3A_10, %dma_wait3A_57] : memref<10240x128xf32, #tpu.memory_space<vmem_shared>> -> memref<128x128xf32, #tpu.memory_space<vmem_shared>>
      %dma_wait3A_59 = arith.constant 0 : i32
      %dma_wait3A_60 = tpu.memref_slice %arg13[%add3A_10, %dma_wait3A_59] : memref<10240x128xf32, #tpu.memory_space<vmem_shared>> -> memref<128x128xf32, #tpu.memory_space<vmem_shared>>
      %dma_wait3A_61 = arith.constant 0 : i32
      %dma_wait3A_62 = arith.constant 0 : i32
      %dma_wait3A_63 = tpu.memref_slice %arg10[%dma_wait3A_61, %dma_wait3A_62] : memref<128x128xf32, #tpu.memory_space<vmem>> -> memref<128x128xf32, #tpu.memory_space<vmem>>
      tpu.wait_dma2 semaphore(%run_scoped3A : memref<!tpu.dma_semaphore, #tpu.memory_space<semaphore_mem>>) src(%dma_wait3A_63 : memref<128x128xf32, #tpu.memory_space<vmem>>) dst(%dma_wait3A_60 : memref<128x128xf32, #tpu.memory_space<vmem_shared>>)
      tpu.yield
    }) : () -> ()
    %mul3A_11 = arith.constant 640 : i32
    %mul3A_12 = arith.muli %arg1, %mul3A_11 : i32
    %add3A_13 = arith.constant 128 : i32
    %add3A_14 = arith.addi %mul3A_12, %add3A_13 : i32
    "tpu.region"() ({
      %run_scoped3A = tpu.sem_alloc : memref<!tpu.dma_semaphore, #tpu.memory_space<semaphore_mem>>
      %dma_start3A = arith.constant 0 : i32
      %dma_start3A_46 = arith.constant 0 : i32
      %dma_start3A_47 = tpu.memref_slice %arg10[%dma_start3A, %dma_start3A_46] : memref<128x128xf32, #tpu.memory_space<vmem>> -> memref<128x128xf32, #tpu.memory_space<vmem>>
      %dma_start3A_48 = arith.constant 0 : i32
      %dma_start3A_49 = tpu.memref_slice %arg13[%add3A_14, %dma_start3A_48] : memref<10240x128xf32, #tpu.memory_space<vmem_shared>> -> memref<128x128xf32, #tpu.memory_space<vmem_shared>>
      %dma_start3A_50 = arith.constant 0 : i32
      %dma_start3A_51 = tpu.memref_slice %arg13[%add3A_14, %dma_start3A_50] : memref<10240x128xf32, #tpu.memory_space<vmem_shared>> -> memref<128x128xf32, #tpu.memory_space<vmem_shared>>
      %dma_start3A_52 = arith.constant 0 : i32
      %dma_start3A_53 = arith.constant 0 : i32
      %dma_start3A_54 = tpu.memref_slice %arg10[%dma_start3A_52, %dma_start3A_53] : memref<128x128xf32, #tpu.memory_space<vmem>> -> memref<128x128xf32, #tpu.memory_space<vmem>>
      tpu.enqueue_dma source(%dma_start3A_54 : memref<128x128xf32, #tpu.memory_space<vmem>>) target(%dma_start3A_51 : memref<128x128xf32, #tpu.memory_space<vmem_shared>>) target_semaphore(%run_scoped3A : memref<!tpu.dma_semaphore, #tpu.memory_space<semaphore_mem>>)
      %dma_wait3A = arith.constant 0 : i32
      %dma_wait3A_55 = arith.constant 0 : i32
      %dma_wait3A_56 = tpu.memref_slice %arg10[%dma_wait3A, %dma_wait3A_55] : memref<128x128xf32, #tpu.memory_space<vmem>> -> memref<128x128xf32, #tpu.memory_space<vmem>>
      %dma_wait3A_57 = arith.constant 0 : i32
      %dma_wait3A_58 = tpu.memref_slice %arg13[%add3A_14, %dma_wait3A_57] : memref<10240x128xf32, #tpu.memory_space<vmem_shared>> -> memref<128x128xf32, #tpu.memory_space<vmem_shared>>
      %dma_wait3A_59 = arith.constant 0 : i32
      %dma_wait3A_60 = tpu.memref_slice %arg13[%add3A_14, %dma_wait3A_59] : memref<10240x128xf32, #tpu.memory_space<vmem_shared>> -> memref<128x128xf32, #tpu.memory_space<vmem_shared>>
      %dma_wait3A_61 = arith.constant 0 : i32
      %dma_wait3A_62 = arith.constant 0 : i32
      %dma_wait3A_63 = tpu.memref_slice %arg10[%dma_wait3A_61, %dma_wait3A_62] : memref<128x128xf32, #tpu.memory_space<vmem>> -> memref<128x128xf32, #tpu.memory_space<vmem>>
      tpu.wait_dma2 semaphore(%run_scoped3A : memref<!tpu.dma_semaphore, #tpu.memory_space<semaphore_mem>>) src(%dma_wait3A_63 : memref<128x128xf32, #tpu.memory_space<vmem>>) dst(%dma_wait3A_60 : memref<128x128xf32, #tpu.memory_space<vmem_shared>>)
      tpu.yield
    }) : () -> ()
    %mul3A_15 = arith.constant 640 : i32
    %mul3A_16 = arith.muli %arg1, %mul3A_15 : i32
    %add3A_17 = arith.constant 256 : i32
    %add3A_18 = arith.addi %mul3A_16, %add3A_17 : i32
    "tpu.region"() ({
      %run_scoped3A = tpu.sem_alloc : memref<!tpu.dma_semaphore, #tpu.memory_space<semaphore_mem>>
      %dma_start3A = arith.constant 0 : i32
      %dma_start3A_46 = arith.constant 0 : i32
      %dma_start3A_47 = tpu.memref_slice %arg10[%dma_start3A, %dma_start3A_46] : memref<128x128xf32, #tpu.memory_space<vmem>> -> memref<128x128xf32, #tpu.memory_space<vmem>>
      %dma_start3A_48 = arith.constant 0 : i32
      %dma_start3A_49 = tpu.memref_slice %arg13[%add3A_18, %dma_start3A_48] : memref<10240x128xf32, #tpu.memory_space<vmem_shared>> -> memref<128x128xf32, #tpu.memory_space<vmem_shared>>
      %dma_start3A_50 = arith.constant 0 : i32
      %dma_start3A_51 = tpu.memref_slice %arg13[%add3A_18, %dma_start3A_50] : memref<10240x128xf32, #tpu.memory_space<vmem_shared>> -> memref<128x128xf32, #tpu.memory_space<vmem_shared>>
      %dma_start3A_52 = arith.constant 0 : i32
      %dma_start3A_53 = arith.constant 0 : i32
      %dma_start3A_54 = tpu.memref_slice %arg10[%dma_start3A_52, %dma_start3A_53] : memref<128x128xf32, #tpu.memory_space<vmem>> -> memref<128x128xf32, #tpu.memory_space<vmem>>
      tpu.enqueue_dma source(%dma_start3A_54 : memref<128x128xf32, #tpu.memory_space<vmem>>) target(%dma_start3A_51 : memref<128x128xf32, #tpu.memory_space<vmem_shared>>) target_semaphore(%run_scoped3A : memref<!tpu.dma_semaphore, #tpu.memory_space<semaphore_mem>>)
      %dma_wait3A = arith.constant 0 : i32
      %dma_wait3A_55 = arith.constant 0 : i32
      %dma_wait3A_56 = tpu.memref_slice %arg10[%dma_wait3A, %dma_wait3A_55] : memref<128x128xf32, #tpu.memory_space<vmem>> -> memref<128x128xf32, #tpu.memory_space<vmem>>
      %dma_wait3A_57 = arith.constant 0 : i32
      %dma_wait3A_58 = tpu.memref_slice %arg13[%add3A_18, %dma_wait3A_57] : memref<10240x128xf32, #tpu.memory_space<vmem_shared>> -> memref<128x128xf32, #tpu.memory_space<vmem_shared>>
      %dma_wait3A_59 = arith.constant 0 : i32
      %dma_wait3A_60 = tpu.memref_slice %arg13[%add3A_18, %dma_wait3A_59] : memref<10240x128xf32, #tpu.memory_space<vmem_shared>> -> memref<128x128xf32, #tpu.memory_space<vmem_shared>>
      %dma_wait3A_61 = arith.constant 0 : i32
      %dma_wait3A_62 = arith.constant 0 : i32
      %dma_wait3A_63 = tpu.memref_slice %arg10[%dma_wait3A_61, %dma_wait3A_62] : memref<128x128xf32, #tpu.memory_space<vmem>> -> memref<128x128xf32, #tpu.memory_space<vmem>>
      tpu.wait_dma2 semaphore(%run_scoped3A : memref<!tpu.dma_semaphore, #tpu.memory_space<semaphore_mem>>) src(%dma_wait3A_63 : memref<128x128xf32, #tpu.memory_space<vmem>>) dst(%dma_wait3A_60 : memref<128x128xf32, #tpu.memory_space<vmem_shared>>)
      tpu.yield
    }) : () -> ()
    %mul3A_19 = arith.constant 640 : i32
    %mul3A_20 = arith.muli %arg1, %mul3A_19 : i32
    %add3A_21 = arith.constant 384 : i32
    %add3A_22 = arith.addi %mul3A_20, %add3A_21 : i32
    "tpu.region"() ({
      %run_scoped3A = tpu.sem_alloc : memref<!tpu.dma_semaphore, #tpu.memory_space<semaphore_mem>>
      %dma_start3A = arith.constant 0 : i32
      %dma_start3A_46 = arith.constant 0 : i32
      %dma_start3A_47 = tpu.memref_slice %arg10[%dma_start3A, %dma_start3A_46] : memref<128x128xf32, #tpu.memory_space<vmem>> -> memref<128x128xf32, #tpu.memory_space<vmem>>
      %dma_start3A_48 = arith.constant 0 : i32
      %dma_start3A_49 = tpu.memref_slice %arg13[%add3A_22, %dma_start3A_48] : memref<10240x128xf32, #tpu.memory_space<vmem_shared>> -> memref<128x128xf32, #tpu.memory_space<vmem_shared>>
      %dma_start3A_50 = arith.constant 0 : i32
      %dma_start3A_51 = tpu.memref_slice %arg13[%add3A_22, %dma_start3A_50] : memref<10240x128xf32, #tpu.memory_space<vmem_shared>> -> memref<128x128xf32, #tpu.memory_space<vmem_shared>>
      %dma_start3A_52 = arith.constant 0 : i32
      %dma_start3A_53 = arith.constant 0 : i32
      %dma_start3A_54 = tpu.memref_slice %arg10[%dma_start3A_52, %dma_start3A_53] : memref<128x128xf32, #tpu.memory_space<vmem>> -> memref<128x128xf32, #tpu.memory_space<vmem>>
      tpu.enqueue_dma source(%dma_start3A_54 : memref<128x128xf32, #tpu.memory_space<vmem>>) target(%dma_start3A_51 : memref<128x128xf32, #tpu.memory_space<vmem_shared>>) target_semaphore(%run_scoped3A : memref<!tpu.dma_semaphore, #tpu.memory_space<semaphore_mem>>)
      %dma_wait3A = arith.constant 0 : i32
      %dma_wait3A_55 = arith.constant 0 : i32
      %dma_wait3A_56 = tpu.memref_slice %arg10[%dma_wait3A, %dma_wait3A_55] : memref<128x128xf32, #tpu.memory_space<vmem>> -> memref<128x128xf32, #tpu.memory_space<vmem>>
      %dma_wait3A_57 = arith.constant 0 : i32
      %dma_wait3A_58 = tpu.memref_slice %arg13[%add3A_22, %dma_wait3A_57] : memref<10240x128xf32, #tpu.memory_space<vmem_shared>> -> memref<128x128xf32, #tpu.memory_space<vmem_shared>>
      %dma_wait3A_59 = arith.constant 0 : i32
      %dma_wait3A_60 = tpu.memref_slice %arg13[%add3A_22, %dma_wait3A_59] : memref<10240x128xf32, #tpu.memory_space<vmem_shared>> -> memref<128x128xf32, #tpu.memory_space<vmem_shared>>
      %dma_wait3A_61 = arith.constant 0 : i32
      %dma_wait3A_62 = arith.constant 0 : i32
      %dma_wait3A_63 = tpu.memref_slice %arg10[%dma_wait3A_61, %dma_wait3A_62] : memref<128x128xf32, #tpu.memory_space<vmem>> -> memref<128x128xf32, #tpu.memory_space<vmem>>
      tpu.wait_dma2 semaphore(%run_scoped3A : memref<!tpu.dma_semaphore, #tpu.memory_space<semaphore_mem>>) src(%dma_wait3A_63 : memref<128x128xf32, #tpu.memory_space<vmem>>) dst(%dma_wait3A_60 : memref<128x128xf32, #tpu.memory_space<vmem_shared>>)
      tpu.yield
    }) : () -> ()
    %mul3A_23 = arith.constant 640 : i32
    %mul3A_24 = arith.muli %arg1, %mul3A_23 : i32
    %add3A_25 = arith.constant 512 : i32
    %add3A_26 = arith.addi %mul3A_24, %add3A_25 : i32
    "tpu.region"() ({
      %run_scoped3A = tpu.sem_alloc : memref<!tpu.dma_semaphore, #tpu.memory_space<semaphore_mem>>
      %dma_start3A = arith.constant 0 : i32
      %dma_start3A_46 = arith.constant 0 : i32
      %dma_start3A_47 = tpu.memref_slice %arg10[%dma_start3A, %dma_start3A_46] : memref<128x128xf32, #tpu.memory_space<vmem>> -> memref<128x128xf32, #tpu.memory_space<vmem>>
      %dma_start3A_48 = arith.constant 0 : i32
      %dma_start3A_49 = tpu.memref_slice %arg13[%add3A_26, %dma_start3A_48] : memref<10240x128xf32, #tpu.memory_space<vmem_shared>> -> memref<128x128xf32, #tpu.memory_space<vmem_shared>>
      %dma_start3A_50 = arith.constant 0 : i32
      %dma_start3A_51 = tpu.memref_slice %arg13[%add3A_26, %dma_start3A_50] : memref<10240x128xf32, #tpu.memory_space<vmem_shared>> -> memref<128x128xf32, #tpu.memory_space<vmem_shared>>
      %dma_start3A_52 = arith.constant 0 : i32
      %dma_start3A_53 = arith.constant 0 : i32
      %dma_start3A_54 = tpu.memref_slice %arg10[%dma_start3A_52, %dma_start3A_53] : memref<128x128xf32, #tpu.memory_space<vmem>> -> memref<128x128xf32, #tpu.memory_space<vmem>>
      tpu.enqueue_dma source(%dma_start3A_54 : memref<128x128xf32, #tpu.memory_space<vmem>>) target(%dma_start3A_51 : memref<128x128xf32, #tpu.memory_space<vmem_shared>>) target_semaphore(%run_scoped3A : memref<!tpu.dma_semaphore, #tpu.memory_space<semaphore_mem>>)
      %dma_wait3A = arith.constant 0 : i32
      %dma_wait3A_55 = arith.constant 0 : i32
      %dma_wait3A_56 = tpu.memref_slice %arg10[%dma_wait3A, %dma_wait3A_55] : memref<128x128xf32, #tpu.memory_space<vmem>> -> memref<128x128xf32, #tpu.memory_space<vmem>>
      %dma_wait3A_57 = arith.constant 0 : i32
      %dma_wait3A_58 = tpu.memref_slice %arg13[%add3A_26, %dma_wait3A_57] : memref<10240x128xf32, #tpu.memory_space<vmem_shared>> -> memref<128x128xf32, #tpu.memory_space<vmem_shared>>
      %dma_wait3A_59 = arith.constant 0 : i32
      %dma_wait3A_60 = tpu.memref_slice %arg13[%add3A_26, %dma_wait3A_59] : memref<10240x128xf32, #tpu.memory_space<vmem_shared>> -> memref<128x128xf32, #tpu.memory_space<vmem_shared>>
      %dma_wait3A_61 = arith.constant 0 : i32
      %dma_wait3A_62 = arith.constant 0 : i32
      %dma_wait3A_63 = tpu.memref_slice %arg10[%dma_wait3A_61, %dma_wait3A_62] : memref<128x128xf32, #tpu.memory_space<vmem>> -> memref<128x128xf32, #tpu.memory_space<vmem>>
      tpu.wait_dma2 semaphore(%run_scoped3A : memref<!tpu.dma_semaphore, #tpu.memory_space<semaphore_mem>>) src(%dma_wait3A_63 : memref<128x128xf32, #tpu.memory_space<vmem>>) dst(%dma_wait3A_60 : memref<128x128xf32, #tpu.memory_space<vmem_shared>>)
      tpu.yield
    }) : () -> ()
    %barrier3A = arith.constant 0 : index
    tpu.barrier barrier_id(%barrier3A)
    %scan3A_27 = arith.constant 0 : i32
    %scan3A_28 = arith.constant 0 : i32
    %mul3A_29 = arith.constant 80 : i32
    %mul3A_30 = arith.muli %add3A, %mul3A_29 : i32
    %mul3A_31 = arith.constant 80 : i32
    %mul3A_32 = arith.muli %scan3A_28, %mul3A_31 : i32
    %add3A_33 = arith.addi %mul3A_30, %mul3A_32 : i32
    %multiple_of3A = tpu.assume_multiple %add3A_33, 8 : i32
    "tpu.region"() ({
      %run_scoped3A = tpu.sem_alloc : memref<!tpu.dma_semaphore, #tpu.memory_space<semaphore_mem>>
      %dma_start3A = arith.constant 0 : i32
      %dma_start3A_46 = tpu.memref_slice %arg3[%multiple_of3A, %dma_start3A] : memref<2560x128xi32, #tpu.memory_space<hbm>> -> memref<80x128xi32, #tpu.memory_space<hbm>>
      %dma_start3A_47 = arith.constant 0 : i32
      %dma_start3A_48 = tpu.memref_slice %arg3[%multiple_of3A, %dma_start3A_47] : memref<2560x128xi32, #tpu.memory_space<hbm>> -> memref<80x128xi32, #tpu.memory_space<hbm>>
      tpu.enqueue_dma source(%dma_start3A_48 : memref<80x128xi32, #tpu.memory_space<hbm>>) target(%arg7 : memref<80x128xi32, #tpu.memory_space<vmem>>) target_semaphore(%run_scoped3A : memref<!tpu.dma_semaphore, #tpu.memory_space<semaphore_mem>>)
      %dma_wait3A = arith.constant 0 : i32
      %dma_wait3A_49 = tpu.memref_slice %arg3[%multiple_of3A, %dma_wait3A] : memref<2560x128xi32, #tpu.memory_space<hbm>> -> memref<80x128xi32, #tpu.memory_space<hbm>>
      %dma_wait3A_50 = arith.constant 0 : i32
      %dma_wait3A_51 = tpu.memref_slice %arg3[%multiple_of3A, %dma_wait3A_50] : memref<2560x128xi32, #tpu.memory_space<hbm>> -> memref<80x128xi32, #tpu.memory_space<hbm>>
      tpu.wait_dma2 semaphore(%run_scoped3A : memref<!tpu.dma_semaphore, #tpu.memory_space<semaphore_mem>>) src(%dma_wait3A_51 : memref<80x128xi32, #tpu.memory_space<hbm>>) dst(%arg7 : memref<80x128xi32, #tpu.memory_space<vmem>>)
      tpu.yield
    }) : () -> ()
    "tpu.region"() ({
      %run_scoped3A = tpu.sem_alloc : memref<!tpu.dma_semaphore, #tpu.memory_space<semaphore_mem>>
      %dma_start3A = arith.constant 0 : i32
      %dma_start3A_46 = tpu.memref_slice %arg4[%multiple_of3A, %dma_start3A] : memref<2560x128xi32, #tpu.memory_space<hbm>> -> memref<80x128xi32, #tpu.memory_space<hbm>>
      %dma_start3A_47 = arith.constant 0 : i32
      %dma_start3A_48 = tpu.memref_slice %arg4[%multiple_of3A, %dma_start3A_47] : memref<2560x128xi32, #tpu.memory_space<hbm>> -> memref<80x128xi32, #tpu.memory_space<hbm>>
      tpu.enqueue_dma source(%dma_start3A_48 : memref<80x128xi32, #tpu.memory_space<hbm>>) target(%arg8 : memref<80x128xi32, #tpu.memory_space<vmem>>) target_semaphore(%run_scoped3A : memref<!tpu.dma_semaphore, #tpu.memory_space<semaphore_mem>>)
      %dma_wait3A = arith.constant 0 : i32
      %dma_wait3A_49 = tpu.memref_slice %arg4[%multiple_of3A, %dma_wait3A] : memref<2560x128xi32, #tpu.memory_space<hbm>> -> memref<80x128xi32, #tpu.memory_space<hbm>>
      %dma_wait3A_50 = arith.constant 0 : i32
      %dma_wait3A_51 = tpu.memref_slice %arg4[%multiple_of3A, %dma_wait3A_50] : memref<2560x128xi32, #tpu.memory_space<hbm>> -> memref<80x128xi32, #tpu.memory_space<hbm>>
      tpu.wait_dma2 semaphore(%run_scoped3A : memref<!tpu.dma_semaphore, #tpu.memory_space<semaphore_mem>>) src(%dma_wait3A_51 : memref<80x128xi32, #tpu.memory_space<hbm>>) dst(%arg8 : memref<80x128xi32, #tpu.memory_space<vmem>>)
      tpu.yield
    }) : () -> ()
    "tpu.region"() ({
      %run_scoped3A = tpu.sem_alloc : memref<!tpu.dma_semaphore, #tpu.memory_space<semaphore_mem>>
      %dma_start3A = arith.constant 0 : i32
      %dma_start3A_46 = tpu.memref_slice %arg5[%multiple_of3A, %dma_start3A] : memref<2560x128xf32, #tpu.memory_space<hbm>> -> memref<80x128xf32, #tpu.memory_space<hbm>>
      %dma_start3A_47 = arith.constant 0 : i32
      %dma_start3A_48 = tpu.memref_slice %arg5[%multiple_of3A, %dma_start3A_47] : memref<2560x128xf32, #tpu.memory_space<hbm>> -> memref<80x128xf32, #tpu.memory_space<hbm>>
      tpu.enqueue_dma source(%dma_start3A_48 : memref<80x128xf32, #tpu.memory_space<hbm>>) target(%arg9 : memref<80x128xf32, #tpu.memory_space<vmem>>) target_semaphore(%run_scoped3A : memref<!tpu.dma_semaphore, #tpu.memory_space<semaphore_mem>>)
      %dma_wait3A = arith.constant 0 : i32
      %dma_wait3A_49 = tpu.memref_slice %arg5[%multiple_of3A, %dma_wait3A] : memref<2560x128xf32, #tpu.memory_space<hbm>> -> memref<80x128xf32, #tpu.memory_space<hbm>>
      %dma_wait3A_50 = arith.constant 0 : i32
      %dma_wait3A_51 = tpu.memref_slice %arg5[%multiple_of3A, %dma_wait3A_50] : memref<2560x128xf32, #tpu.memory_space<hbm>> -> memref<80x128xf32, #tpu.memory_space<hbm>>
      tpu.wait_dma2 semaphore(%run_scoped3A : memref<!tpu.dma_semaphore, #tpu.memory_space<semaphore_mem>>) src(%dma_wait3A_51 : memref<80x128xf32, #tpu.memory_space<hbm>>) dst(%arg9 : memref<80x128xf32, #tpu.memory_space<vmem>>)
      tpu.yield
    }) : () -> ()
    %scan3A_34 = arith.constant 0 : i32
    %scan3A_35 = arith.constant 0 : i32
    %scan3A_36 = arith.constant 80 : i32
    %scan3A_37 = arith.addi %scan3A_35, %scan3A_36 : i32
    %scan3A_38 = arith.constant 1 : i32
    scf.for %scan3A_46 = %scan3A_35 to %scan3A_37 step %scan3A_38  : i32 {
      %get3A = arith.index_cast %scan3A_46 : i32 to index
      %get3A_47 = arith.constant 0 : index
      %get3A_48 = tpu.vector_load %arg7[%get3A, %get3A_47] {strides = array<i32>} : memref<80x128xi32, #tpu.memory_space<vmem>>, vector<1x16xi32>,
      %get3A_49 = vector.shape_cast %get3A_48 : vector<1x16xi32> to vector<16xi32>
      %swap3A = arith.constant 0 : index
      %swap3A_50 = tpu.vector_load %arg11[%swap3A] {strides = array<i32>} : memref<128xi32, #tpu.memory_space<vmem>>, vector<16xi32>,
      %swap3A_51 = vector.shape_cast %swap3A_50 : vector<16xi32> to vector<16xi32>
      %swap3A_52 = vector.shape_cast %get3A_49 : vector<16xi32> to vector<16xi32>
      tpu.vector_store %arg11[%swap3A], %swap3A_52 {strides = array<i32>} : memref<128xi32, #tpu.memory_space<vmem>>, vector<16xi32>,
      %get3A_53 = arith.index_cast %scan3A_46 : i32 to index
      %get3A_54 = arith.constant 0 : index
      %get3A_55 = tpu.vector_load %arg8[%get3A_53, %get3A_54] {strides = array<i32>} : memref<80x128xi32, #tpu.memory_space<vmem>>, vector<1x16xi32>,
      %get3A_56 = vector.shape_cast %get3A_55 : vector<1x16xi32> to vector<16xi32>
      %swap3A_57 = arith.constant 0 : index
      %swap3A_58 = tpu.vector_load %arg12[%swap3A_57] {strides = array<i32>} : memref<128xi32, #tpu.memory_space<vmem>>, vector<16xi32>,
      %swap3A_59 = vector.shape_cast %swap3A_58 : vector<16xi32> to vector<16xi32>
      %swap3A_60 = vector.shape_cast %get3A_56 : vector<16xi32> to vector<16xi32>
      tpu.vector_store %arg12[%swap3A_57], %swap3A_60 {strides = array<i32>} : memref<128xi32, #tpu.memory_space<vmem>>, vector<16xi32>,
      %get3A_61 = arith.index_cast %scan3A_46 : i32 to index
      %get3A_62 = arith.constant 16 : index
      %get3A_63 = tpu.vector_load %arg7[%get3A_61, %get3A_62] {strides = array<i32>} : memref<80x128xi32, #tpu.memory_space<vmem>>, vector<1x16xi32>,
      %get3A_64 = vector.shape_cast %get3A_63 : vector<1x16xi32> to vector<16xi32>
      %swap3A_65 = arith.constant 16 : index
      %swap3A_66 = tpu.vector_load %arg11[%swap3A_65] {strides = array<i32>} : memref<128xi32, #tpu.memory_space<vmem>>, vector<16xi32>,
      %swap3A_67 = vector.shape_cast %swap3A_66 : vector<16xi32> to vector<16xi32>
      %swap3A_68 = vector.shape_cast %get3A_64 : vector<16xi32> to vector<16xi32>
      tpu.vector_store %arg11[%swap3A_65], %swap3A_68 {strides = array<i32>} : memref<128xi32, #tpu.memory_space<vmem>>, vector<16xi32>,
      %get3A_69 = arith.index_cast %scan3A_46 : i32 to index
      %get3A_70 = arith.constant 16 : index
      %get3A_71 = tpu.vector_load %arg8[%get3A_69, %get3A_70] {strides = array<i32>} : memref<80x128xi32, #tpu.memory_space<vmem>>, vector<1x16xi32>,
      %get3A_72 = vector.shape_cast %get3A_71 : vector<1x16xi32> to vector<16xi32>
      %swap3A_73 = arith.constant 16 : index
      %swap3A_74 = tpu.vector_load %arg12[%swap3A_73] {strides = array<i32>} : memref<128xi32, #tpu.memory_space<vmem>>, vector<16xi32>,
      %swap3A_75 = vector.shape_cast %swap3A_74 : vector<16xi32> to vector<16xi32>
      %swap3A_76 = vector.shape_cast %get3A_72 : vector<16xi32> to vector<16xi32>
      tpu.vector_store %arg12[%swap3A_73], %swap3A_76 {strides = array<i32>} : memref<128xi32, #tpu.memory_space<vmem>>, vector<16xi32>,
      %get3A_77 = arith.index_cast %scan3A_46 : i32 to index
      %get3A_78 = arith.constant 32 : index
      %get3A_79 = tpu.vector_load %arg7[%get3A_77, %get3A_78] {strides = array<i32>} : memref<80x128xi32, #tpu.memory_space<vmem>>, vector<1x16xi32>,
      %get3A_80 = vector.shape_cast %get3A_79 : vector<1x16xi32> to vector<16xi32>
      %swap3A_81 = arith.constant 32 : index
      %swap3A_82 = tpu.vector_load %arg11[%swap3A_81] {strides = array<i32>} : memref<128xi32, #tpu.memory_space<vmem>>, vector<16xi32>,
      %swap3A_83 = vector.shape_cast %swap3A_82 : vector<16xi32> to vector<16xi32>
      %swap3A_84 = vector.shape_cast %get3A_80 : vector<16xi32> to vector<16xi32>
      tpu.vector_store %arg11[%swap3A_81], %swap3A_84 {strides = array<i32>} : memref<128xi32, #tpu.memory_space<vmem>>, vector<16xi32>,
      %get3A_85 = arith.index_cast %scan3A_46 : i32 to index
      %get3A_86 = arith.constant 32 : index
      %get3A_87 = tpu.vector_load %arg8[%get3A_85, %get3A_86] {strides = array<i32>} : memref<80x128xi32, #tpu.memory_space<vmem>>, vector<1x16xi32>,
      %get3A_88 = vector.shape_cast %get3A_87 : vector<1x16xi32> to vector<16xi32>
      %swap3A_89 = arith.constant 32 : index
      %swap3A_90 = tpu.vector_load %arg12[%swap3A_89] {strides = array<i32>} : memref<128xi32, #tpu.memory_space<vmem>>, vector<16xi32>,
      %swap3A_91 = vector.shape_cast %swap3A_90 : vector<16xi32> to vector<16xi32>
      %swap3A_92 = vector.shape_cast %get3A_88 : vector<16xi32> to vector<16xi32>
      tpu.vector_store %arg12[%swap3A_89], %swap3A_92 {strides = array<i32>} : memref<128xi32, #tpu.memory_space<vmem>>, vector<16xi32>,
      %get3A_93 = arith.index_cast %scan3A_46 : i32 to index
      %get3A_94 = arith.constant 48 : index
      %get3A_95 = tpu.vector_load %arg7[%get3A_93, %get3A_94] {strides = array<i32>} : memref<80x128xi32, #tpu.memory_space<vmem>>, vector<1x16xi32>,
      %get3A_96 = vector.shape_cast %get3A_95 : vector<1x16xi32> to vector<16xi32>
      %swap3A_97 = arith.constant 48 : index
      %swap3A_98 = tpu.vector_load %arg11[%swap3A_97] {strides = array<i32>} : memref<128xi32, #tpu.memory_space<vmem>>, vector<16xi32>,
      %swap3A_99 = vector.shape_cast %swap3A_98 : vector<16xi32> to vector<16xi32>
      %swap3A_100 = vector.shape_cast %get3A_96 : vector<16xi32> to vector<16xi32>
      tpu.vector_store %arg11[%swap3A_97], %swap3A_100 {strides = array<i32>} : memref<128xi32, #tpu.memory_space<vmem>>, vector<16xi32>,
      %get3A_101 = arith.index_cast %scan3A_46 : i32 to index
      %get3A_102 = arith.constant 48 : index
      %get3A_103 = tpu.vector_load %arg8[%get3A_101, %get3A_102] {strides = array<i32>} : memref<80x128xi32, #tpu.memory_space<vmem>>, vector<1x16xi32>,
      %get3A_104 = vector.shape_cast %get3A_103 : vector<1x16xi32> to vector<16xi32>
      %swap3A_105 = arith.constant 48 : index
      %swap3A_106 = tpu.vector_load %arg12[%swap3A_105] {strides = array<i32>} : memref<128xi32, #tpu.memory_space<vmem>>, vector<16xi32>,
      %swap3A_107 = vector.shape_cast %swap3A_106 : vector<16xi32> to vector<16xi32>
      %swap3A_108 = vector.shape_cast %get3A_104 : vector<16xi32> to vector<16xi32>
      tpu.vector_store %arg12[%swap3A_105], %swap3A_108 {strides = array<i32>} : memref<128xi32, #tpu.memory_space<vmem>>, vector<16xi32>,
      %get3A_109 = arith.index_cast %scan3A_46 : i32 to index
      %get3A_110 = arith.constant 64 : index
      %get3A_111 = tpu.vector_load %arg7[%get3A_109, %get3A_110] {strides = array<i32>} : memref<80x128xi32, #tpu.memory_space<vmem>>, vector<1x16xi32>,
      %get3A_112 = vector.shape_cast %get3A_111 : vector<1x16xi32> to vector<16xi32>
      %swap3A_113 = arith.constant 64 : index
      %swap3A_114 = tpu.vector_load %arg11[%swap3A_113] {strides = array<i32>} : memref<128xi32, #tpu.memory_space<vmem>>, vector<16xi32>,
      %swap3A_115 = vector.shape_cast %swap3A_114 : vector<16xi32> to vector<16xi32>
      %swap3A_116 = vector.shape_cast %get3A_112 : vector<16xi32> to vector<16xi32>
      tpu.vector_store %arg11[%swap3A_113], %swap3A_116 {strides = array<i32>} : memref<128xi32, #tpu.memory_space<vmem>>, vector<16xi32>,
      %get3A_117 = arith.index_cast %scan3A_46 : i32 to index
      %get3A_118 = arith.constant 64 : index
      %get3A_119 = tpu.vector_load %arg8[%get3A_117, %get3A_118] {strides = array<i32>} : memref<80x128xi32, #tpu.memory_space<vmem>>, vector<1x16xi32>,
      %get3A_120 = vector.shape_cast %get3A_119 : vector<1x16xi32> to vector<16xi32>
      %swap3A_121 = arith.constant 64 : index
      %swap3A_122 = tpu.vector_load %arg12[%swap3A_121] {strides = array<i32>} : memref<128xi32, #tpu.memory_space<vmem>>, vector<16xi32>,
      %swap3A_123 = vector.shape_cast %swap3A_122 : vector<16xi32> to vector<16xi32>
      %swap3A_124 = vector.shape_cast %get3A_120 : vector<16xi32> to vector<16xi32>
      tpu.vector_store %arg12[%swap3A_121], %swap3A_124 {strides = array<i32>} : memref<128xi32, #tpu.memory_space<vmem>>, vector<16xi32>,
      %get3A_125 = arith.index_cast %scan3A_46 : i32 to index
      %get3A_126 = arith.constant 80 : index
      %get3A_127 = tpu.vector_load %arg7[%get3A_125, %get3A_126] {strides = array<i32>} : memref<80x128xi32, #tpu.memory_space<vmem>>, vector<1x16xi32>,
      %get3A_128 = vector.shape_cast %get3A_127 : vector<1x16xi32> to vector<16xi32>
      %swap3A_129 = arith.constant 80 : index
      %swap3A_130 = tpu.vector_load %arg11[%swap3A_129] {strides = array<i32>} : memref<128xi32, #tpu.memory_space<vmem>>, vector<16xi32>,
      %swap3A_131 = vector.shape_cast %swap3A_130 : vector<16xi32> to vector<16xi32>
      %swap3A_132 = vector.shape_cast %get3A_128 : vector<16xi32> to vector<16xi32>
      tpu.vector_store %arg11[%swap3A_129], %swap3A_132 {strides = array<i32>} : memref<128xi32, #tpu.memory_space<vmem>>, vector<16xi32>,
      %get3A_133 = arith.index_cast %scan3A_46 : i32 to index
      %get3A_134 = arith.constant 80 : index
      %get3A_135 = tpu.vector_load %arg8[%get3A_133, %get3A_134] {strides = array<i32>} : memref<80x128xi32, #tpu.memory_space<vmem>>, vector<1x16xi32>,
      %get3A_136 = vector.shape_cast %get3A_135 : vector<1x16xi32> to vector<16xi32>
      %swap3A_137 = arith.constant 80 : index
      %swap3A_138 = tpu.vector_load %arg12[%swap3A_137] {strides = array<i32>} : memref<128xi32, #tpu.memory_space<vmem>>, vector<16xi32>,
      %swap3A_139 = vector.shape_cast %swap3A_138 : vector<16xi32> to vector<16xi32>
      %swap3A_140 = vector.shape_cast %get3A_136 : vector<16xi32> to vector<16xi32>
      tpu.vector_store %arg12[%swap3A_137], %swap3A_140 {strides = array<i32>} : memref<128xi32, #tpu.memory_space<vmem>>, vector<16xi32>,
      %get3A_141 = arith.index_cast %scan3A_46 : i32 to index
      %get3A_142 = arith.constant 96 : index
      %get3A_143 = tpu.vector_load %arg7[%get3A_141, %get3A_142] {strides = array<i32>} : memref<80x128xi32, #tpu.memory_space<vmem>>, vector<1x16xi32>,
      %get3A_144 = vector.shape_cast %get3A_143 : vector<1x16xi32> to vector<16xi32>
      %swap3A_145 = arith.constant 96 : index
      %swap3A_146 = tpu.vector_load %arg11[%swap3A_145] {strides = array<i32>} : memref<128xi32, #tpu.memory_space<vmem>>, vector<16xi32>,
      %swap3A_147 = vector.shape_cast %swap3A_146 : vector<16xi32> to vector<16xi32>
      %swap3A_148 = vector.shape_cast %get3A_144 : vector<16xi32> to vector<16xi32>
      tpu.vector_store %arg11[%swap3A_145], %swap3A_148 {strides = array<i32>} : memref<128xi32, #tpu.memory_space<vmem>>, vector<16xi32>,
      %get3A_149 = arith.index_cast %scan3A_46 : i32 to index
      %get3A_150 = arith.constant 96 : index
      %get3A_151 = tpu.vector_load %arg8[%get3A_149, %get3A_150] {strides = array<i32>} : memref<80x128xi32, #tpu.memory_space<vmem>>, vector<1x16xi32>,
      %get3A_152 = vector.shape_cast %get3A_151 : vector<1x16xi32> to vector<16xi32>
      %swap3A_153 = arith.constant 96 : index
      %swap3A_154 = tpu.vector_load %arg12[%swap3A_153] {strides = array<i32>} : memref<128xi32, #tpu.memory_space<vmem>>, vector<16xi32>,
      %swap3A_155 = vector.shape_cast %swap3A_154 : vector<16xi32> to vector<16xi32>
      %swap3A_156 = vector.shape_cast %get3A_152 : vector<16xi32> to vector<16xi32>
      tpu.vector_store %arg12[%swap3A_153], %swap3A_156 {strides = array<i32>} : memref<128xi32, #tpu.memory_space<vmem>>, vector<16xi32>,
      %get3A_157 = arith.index_cast %scan3A_46 : i32 to index
      %get3A_158 = arith.constant 112 : index
      %get3A_159 = tpu.vector_load %arg7[%get3A_157, %get3A_158] {strides = array<i32>} : memref<80x128xi32, #tpu.memory_space<vmem>>, vector<1x16xi32>,
      %get3A_160 = vector.shape_cast %get3A_159 : vector<1x16xi32> to vector<16xi32>
      %swap3A_161 = arith.constant 112 : index
      %swap3A_162 = tpu.vector_load %arg11[%swap3A_161] {strides = array<i32>} : memref<128xi32, #tpu.memory_space<vmem>>, vector<16xi32>,
      %swap3A_163 = vector.shape_cast %swap3A_162 : vector<16xi32> to vector<16xi32>
      %swap3A_164 = vector.shape_cast %get3A_160 : vector<16xi32> to vector<16xi32>
      tpu.vector_store %arg11[%swap3A_161], %swap3A_164 {strides = array<i32>} : memref<128xi32, #tpu.memory_space<vmem>>, vector<16xi32>,
      %get3A_165 = arith.index_cast %scan3A_46 : i32 to index
      %get3A_166 = arith.constant 112 : index
      %get3A_167 = tpu.vector_load %arg8[%get3A_165, %get3A_166] {strides = array<i32>} : memref<80x128xi32, #tpu.memory_space<vmem>>, vector<1x16xi32>,
      %get3A_168 = vector.shape_cast %get3A_167 : vector<1x16xi32> to vector<16xi32>
      %swap3A_169 = arith.constant 112 : index
      %swap3A_170 = tpu.vector_load %arg12[%swap3A_169] {strides = array<i32>} : memref<128xi32, #tpu.memory_space<vmem>>, vector<16xi32>,
      %swap3A_171 = vector.shape_cast %swap3A_170 : vector<16xi32> to vector<16xi32>
      %swap3A_172 = vector.shape_cast %get3A_168 : vector<16xi32> to vector<16xi32>
      tpu.vector_store %arg12[%swap3A_169], %swap3A_172 {strides = array<i32>} : memref<128xi32, #tpu.memory_space<vmem>>, vector<16xi32>,
      %dma_start3A = arith.constant 0 : i32
      %dma_start3A_173 = arith.constant 0 : i32
      %dma_start3A_174 = tpu.memref_slice %arg2[%dma_start3A, %dma_start3A_173] : memref<10000x128xf32, #tpu.memory_space<hbm>> -> memref<10000x128xf32, #tpu.memory_space<hbm>>
      tpu.enqueue_indirect_dma source(%dma_start3A_174 : memref<10000x128xf32, #tpu.memory_space<hbm>>) target(%arg10 : memref<128x128xf32, #tpu.memory_space<vmem>>) offsets(%arg11 : memref<128xi32, #tpu.memory_space<vmem>>) semaphore(%arg14 : memref<!tpu.dma_semaphore, #tpu.memory_space<semaphore_mem>>)
      %dma_wait3A = arith.constant 0 : i32
      %dma_wait3A_175 = arith.constant 0 : i32
      %dma_wait3A_176 = tpu.memref_slice %arg2[%dma_wait3A, %dma_wait3A_175] : memref<10000x128xf32, #tpu.memory_space<hbm>> -> memref<10000x128xf32, #tpu.memory_space<hbm>>
      tpu.wait_indirect_dma semaphore(%arg14 : memref<!tpu.dma_semaphore, #tpu.memory_space<semaphore_mem>>) src(%dma_wait3A_176 : memref<10000x128xf32, #tpu.memory_space<hbm>>) dst(%arg10 : memref<128x128xf32, #tpu.memory_space<vmem>>)
      %scan3A_177 = arith.constant 0 : i32
      %scan3A_178 = arith.constant 0 : i32
      %scan3A_179 = arith.constant 8 : i32
      %scan3A_180 = arith.addi %scan3A_178, %scan3A_179 : i32
      %scan3A_181 = arith.constant 1 : i32
      scf.for %scan3A_183 = %scan3A_178 to %scan3A_180 step %scan3A_181  : i32 {
        %mul3A_184 = arith.constant 16 : i32
        %mul3A_185 = arith.muli %scan3A_183, %mul3A_184 : i32
        %get3A_186 = arith.index_cast %scan3A_46 : i32 to index
        %get3A_187 = arith.index_cast %mul3A_185 : i32 to index
        %get3A_188 = tpu.vector_load %arg9[%get3A_186, %get3A_187] {strides = array<i32>} : memref<80x128xf32, #tpu.memory_space<vmem>>, vector<1x16xf32>,
        %get3A_189 = vector.shape_cast %get3A_188 : vector<1x16xf32> to vector<16xf32>
        %mul3A_190 = arith.constant 16 : i32
        %mul3A_191 = arith.muli %scan3A_183, %mul3A_190 : i32
        %add3A_192 = arith.constant 0 : i32
        %add3A_193 = arith.addi %mul3A_191, %add3A_192 : i32
        %slice3A = vector.extract_strided_slice %get3A_189 {offsets = [0], sizes = [1], strides = [1]} : vector<16xf32> to vector<1xf32>
        %squeeze3A = vector.extract %slice3A[0] : f32 from vector<1xf32>
        %get3A_194 = arith.index_cast %add3A_193 : i32 to index
        %get3A_195 = arith.constant 0 : index
        %get3A_196 = tpu.vector_load %arg10[%get3A_194, %get3A_195] {strides = array<i32>} : memref<128x128xf32, #tpu.memory_space<vmem>>, vector<1x16xf32>,
        %get3A_197 = vector.shape_cast %get3A_196 : vector<1x16xf32> to vector<16xf32>
        %mul3A_198 = vector.broadcast %squeeze3A : f32 to vector<16xf32>
        %mul3A_199 = arith.mulf %get3A_197, %mul3A_198 : vector<16xf32>
        %swap3A_200 = arith.index_cast %add3A_193 : i32 to index
        %swap3A_201 = arith.constant 0 : index
        %swap3A_202 = tpu.vector_load %arg10[%swap3A_200, %swap3A_201] {strides = array<i32>} : memref<128x128xf32, #tpu.memory_space<vmem>>, vector<1x16xf32>,
        %swap3A_203 = vector.shape_cast %swap3A_202 : vector<1x16xf32> to vector<16xf32>
        %swap3A_204 = vector.shape_cast %mul3A_199 : vector<16xf32> to vector<1x16xf32>
        tpu.vector_store %arg10[%swap3A_200, %swap3A_201], %swap3A_204 {strides = array<i32>} : memref<128x128xf32, #tpu.memory_space<vmem>>, vector<1x16xf32>,
        %get3A_205 = arith.index_cast %add3A_193 : i32 to index
        %get3A_206 = arith.constant 16 : index
        %get3A_207 = tpu.vector_load %arg10[%get3A_205, %get3A_206] {strides = array<i32>} : memref<128x128xf32, #tpu.memory_space<vmem>>, vector<1x16xf32>,
        %get3A_208 = vector.shape_cast %get3A_207 : vector<1x16xf32> to vector<16xf32>
        %mul3A_209 = vector.broadcast %squeeze3A : f32 to vector<16xf32>
        %mul3A_210 = arith.mulf %get3A_208, %mul3A_209 : vector<16xf32>
        %swap3A_211 = arith.index_cast %add3A_193 : i32 to index
        %swap3A_212 = arith.constant 16 : index
        %swap3A_213 = tpu.vector_load %arg10[%swap3A_211, %swap3A_212] {strides = array<i32>} : memref<128x128xf32, #tpu.memory_space<vmem>>, vector<1x16xf32>,
        %swap3A_214 = vector.shape_cast %swap3A_213 : vector<1x16xf32> to vector<16xf32>
        %swap3A_215 = vector.shape_cast %mul3A_210 : vector<16xf32> to vector<1x16xf32>
        tpu.vector_store %arg10[%swap3A_211, %swap3A_212], %swap3A_215 {strides = array<i32>} : memref<128x128xf32, #tpu.memory_space<vmem>>, vector<1x16xf32>,
        %get3A_216 = arith.index_cast %add3A_193 : i32 to index
        %get3A_217 = arith.constant 32 : index
        %get3A_218 = tpu.vector_load %arg10[%get3A_216, %get3A_217] {strides = array<i32>} : memref<128x128xf32, #tpu.memory_space<vmem>>, vector<1x16xf32>,
        %get3A_219 = vector.shape_cast %get3A_218 : vector<1x16xf32> to vector<16xf32>
        %mul3A_220 = vector.broadcast %squeeze3A : f32 to vector<16xf32>
        %mul3A_221 = arith.mulf %get3A_219, %mul3A_220 : vector<16xf32>
        %swap3A_222 = arith.index_cast %add3A_193 : i32 to index
        %swap3A_223 = arith.constant 32 : index
        %swap3A_224 = tpu.vector_load %arg10[%swap3A_222, %swap3A_223] {strides = array<i32>} : memref<128x128xf32, #tpu.memory_space<vmem>>, vector<1x16xf32>,
        %swap3A_225 = vector.shape_cast %swap3A_224 : vector<1x16xf32> to vector<16xf32>
        %swap3A_226 = vector.shape_cast %mul3A_221 : vector<16xf32> to vector<1x16xf32>
        tpu.vector_store %arg10[%swap3A_222, %swap3A_223], %swap3A_226 {strides = array<i32>} : memref<128x128xf32, #tpu.memory_space<vmem>>, vector<1x16xf32>,
        %get3A_227 = arith.index_cast %add3A_193 : i32 to index
        %get3A_228 = arith.constant 48 : index
        %get3A_229 = tpu.vector_load %arg10[%get3A_227, %get3A_228] {strides = array<i32>} : memref<128x128xf32, #tpu.memory_space<vmem>>, vector<1x16xf32>,
        %get3A_230 = vector.shape_cast %get3A_229 : vector<1x16xf32> to vector<16xf32>
        %mul3A_231 = vector.broadcast %squeeze3A : f32 to vector<16xf32>
        %mul3A_232 = arith.mulf %get3A_230, %mul3A_231 : vector<16xf32>
        %swap3A_233 = arith.index_cast %add3A_193 : i32 to index
        %swap3A_234 = arith.constant 48 : index
        %swap3A_235 = tpu.vector_load %arg10[%swap3A_233, %swap3A_234] {strides = array<i32>} : memref<128x128xf32, #tpu.memory_space<vmem>>, vector<1x16xf32>,
        %swap3A_236 = vector.shape_cast %swap3A_235 : vector<1x16xf32> to vector<16xf32>
        %swap3A_237 = vector.shape_cast %mul3A_232 : vector<16xf32> to vector<1x16xf32>
        tpu.vector_store %arg10[%swap3A_233, %swap3A_234], %swap3A_237 {strides = array<i32>} : memref<128x128xf32, #tpu.memory_space<vmem>>, vector<1x16xf32>,
        %get3A_238 = arith.index_cast %add3A_193 : i32 to index
        %get3A_239 = arith.constant 64 : index
        %get3A_240 = tpu.vector_load %arg10[%get3A_238, %get3A_239] {strides = array<i32>} : memref<128x128xf32, #tpu.memory_space<vmem>>, vector<1x16xf32>,
        %get3A_241 = vector.shape_cast %get3A_240 : vector<1x16xf32> to vector<16xf32>
        %mul3A_242 = vector.broadcast %squeeze3A : f32 to vector<16xf32>
        %mul3A_243 = arith.mulf %get3A_241, %mul3A_242 : vector<16xf32>
        %swap3A_244 = arith.index_cast %add3A_193 : i32 to index
        %swap3A_245 = arith.constant 64 : index
        %swap3A_246 = tpu.vector_load %arg10[%swap3A_244, %swap3A_245] {strides = array<i32>} : memref<128x128xf32, #tpu.memory_space<vmem>>, vector<1x16xf32>,
        %swap3A_247 = vector.shape_cast %swap3A_246 : vector<1x16xf32> to vector<16xf32>
        %swap3A_248 = vector.shape_cast %mul3A_243 : vector<16xf32> to vector<1x16xf32>
        tpu.vector_store %arg10[%swap3A_244, %swap3A_245], %swap3A_248 {strides = array<i32>} : memref<128x128xf32, #tpu.memory_space<vmem>>, vector<1x16xf32>,
        %get3A_249 = arith.index_cast %add3A_193 : i32 to index
        %get3A_250 = arith.constant 80 : index
        %get3A_251 = tpu.vector_load %arg10[%get3A_249, %get3A_250] {strides = array<i32>} : memref<128x128xf32, #tpu.memory_space<vmem>>, vector<1x16xf32>,
        %get3A_252 = vector.shape_cast %get3A_251 : vector<1x16xf32> to vector<16xf32>
        %mul3A_253 = vector.broadcast %squeeze3A : f32 to vector<16xf32>
        %mul3A_254 = arith.mulf %get3A_252, %mul3A_253 : vector<16xf32>
        %swap3A_255 = arith.index_cast %add3A_193 : i32 to index
        %swap3A_256 = arith.constant 80 : index
        %swap3A_257 = tpu.vector_load %arg10[%swap3A_255, %swap3A_256] {strides = array<i32>} : memref<128x128xf32, #tpu.memory_space<vmem>>, vector<1x16xf32>,
        %swap3A_258 = vector.shape_cast %swap3A_257 : vector<1x16xf32> to vector<16xf32>
        %swap3A_259 = vector.shape_cast %mul3A_254 : vector<16xf32> to vector<1x16xf32>
        tpu.vector_store %arg10[%swap3A_255, %swap3A_256], %swap3A_259 {strides = array<i32>} : memref<128x128xf32, #tpu.memory_space<vmem>>, vector<1x16xf32>,
        %get3A_260 = arith.index_cast %add3A_193 : i32 to index
        %get3A_261 = arith.constant 96 : index
        %get3A_262 = tpu.vector_load %arg10[%get3A_260, %get3A_261] {strides = array<i32>} : memref<128x128xf32, #tpu.memory_space<vmem>>, vector<1x16xf32>,
        %get3A_263 = vector.shape_cast %get3A_262 : vector<1x16xf32> to vector<16xf32>
        %mul3A_264 = vector.broadcast %squeeze3A : f32 to vector<16xf32>
        %mul3A_265 = arith.mulf %get3A_263, %mul3A_264 : vector<16xf32>
        %swap3A_266 = arith.index_cast %add3A_193 : i32 to index
        %swap3A_267 = arith.constant 96 : index
        %swap3A_268 = tpu.vector_load %arg10[%swap3A_266, %swap3A_267] {strides = array<i32>} : memref<128x128xf32, #tpu.memory_space<vmem>>, vector<1x16xf32>,
        %swap3A_269 = vector.shape_cast %swap3A_268 : vector<1x16xf32> to vector<16xf32>
        %swap3A_270 = vector.shape_cast %mul3A_265 : vector<16xf32> to vector<1x16xf32>
        tpu.vector_store %arg10[%swap3A_266, %swap3A_267], %swap3A_270 {strides = array<i32>} : memref<128x128xf32, #tpu.memory_space<vmem>>, vector<1x16xf32>,
        %get3A_271 = arith.index_cast %add3A_193 : i32 to index
        %get3A_272 = arith.constant 112 : index
        %get3A_273 = tpu.vector_load %arg10[%get3A_271, %get3A_272] {strides = array<i32>} : memref<128x128xf32, #tpu.memory_space<vmem>>, vector<1x16xf32>,
        %get3A_274 = vector.shape_cast %get3A_273 : vector<1x16xf32> to vector<16xf32>
        %mul3A_275 = vector.broadcast %squeeze3A : f32 to vector<16xf32>
        %mul3A_276 = arith.mulf %get3A_274, %mul3A_275 : vector<16xf32>
        %swap3A_277 = arith.index_cast %add3A_193 : i32 to index
        %swap3A_278 = arith.constant 112 : index
        %swap3A_279 = tpu.vector_load %arg10[%swap3A_277, %swap3A_278] {strides = array<i32>} : memref<128x128xf32, #tpu.memory_space<vmem>>, vector<1x16xf32>,
        %swap3A_280 = vector.shape_cast %swap3A_279 : vector<1x16xf32> to vector<16xf32>
        %swap3A_281 = vector.shape_cast %mul3A_276 : vector<16xf32> to vector<1x16xf32>
        tpu.vector_store %arg10[%swap3A_277, %swap3A_278], %swap3A_281 {strides = array<i32>} : memref<128x128xf32, #tpu.memory_space<vmem>>, vector<1x16xf32>,
        %mul3A_282 = arith.constant 16 : i32
        %mul3A_283 = arith.muli %scan3A_183, %mul3A_282 : i32
        %add3A_284 = arith.constant 1 : i32
        %add3A_285 = arith.addi %mul3A_283, %add3A_284 : i32
        %slice3A_286 = vector.extract_strided_slice %get3A_189 {offsets = [1], sizes = [1], strides = [1]} : vector<16xf32> to vector<1xf32>
        %squeeze3A_287 = vector.extract %slice3A_286[0] : f32 from vector<1xf32>
        %get3A_288 = arith.index_cast %add3A_285 : i32 to index
        %get3A_289 = arith.constant 0 : index
        %get3A_290 = tpu.vector_load %arg10[%get3A_288, %get3A_289] {strides = array<i32>} : memref<128x128xf32, #tpu.memory_space<vmem>>, vector<1x16xf32>,
        %get3A_291 = vector.shape_cast %get3A_290 : vector<1x16xf32> to vector<16xf32>
        %mul3A_292 = vector.broadcast %squeeze3A_287 : f32 to vector<16xf32>
        %mul3A_293 = arith.mulf %get3A_291, %mul3A_292 : vector<16xf32>
        %swap3A_294 = arith.index_cast %add3A_285 : i32 to index
        %swap3A_295 = arith.constant 0 : index
        %swap3A_296 = tpu.vector_load %arg10[%swap3A_294, %swap3A_295] {strides = array<i32>} : memref<128x128xf32, #tpu.memory_space<vmem>>, vector<1x16xf32>,
        %swap3A_297 = vector.shape_cast %swap3A_296 : vector<1x16xf32> to vector<16xf32>
        %swap3A_298 = vector.shape_cast %mul3A_293 : vector<16xf32> to vector<1x16xf32>
        tpu.vector_store %arg10[%swap3A_294, %swap3A_295], %swap3A_298 {strides = array<i32>} : memref<128x128xf32, #tpu.memory_space<vmem>>, vector<1x16xf32>,
        %get3A_299 = arith.index_cast %add3A_285 : i32 to index
        %get3A_300 = arith.constant 16 : index
        %get3A_301 = tpu.vector_load %arg10[%get3A_299, %get3A_300] {strides = array<i32>} : memref<128x128xf32, #tpu.memory_space<vmem>>, vector<1x16xf32>,
        %get3A_302 = vector.shape_cast %get3A_301 : vector<1x16xf32> to vector<16xf32>
        %mul3A_303 = vector.broadcast %squeeze3A_287 : f32 to vector<16xf32>
        %mul3A_304 = arith.mulf %get3A_302, %mul3A_303 : vector<16xf32>
        %swap3A_305 = arith.index_cast %add3A_285 : i32 to index
        %swap3A_306 = arith.constant 16 : index
        %swap3A_307 = tpu.vector_load %arg10[%swap3A_305, %swap3A_306] {strides = array<i32>} : memref<128x128xf32, #tpu.memory_space<vmem>>, vector<1x16xf32>,
        %swap3A_308 = vector.shape_cast %swap3A_307 : vector<1x16xf32> to vector<16xf32>
        %swap3A_309 = vector.shape_cast %mul3A_304 : vector<16xf32> to vector<1x16xf32>
        tpu.vector_store %arg10[%swap3A_305, %swap3A_306], %swap3A_309 {strides = array<i32>} : memref<128x128xf32, #tpu.memory_space<vmem>>, vector<1x16xf32>,
        %get3A_310 = arith.index_cast %add3A_285 : i32 to index
        %get3A_311 = arith.constant 32 : index
        %get3A_312 = tpu.vector_load %arg10[%get3A_310, %get3A_311] {strides = array<i32>} : memref<128x128xf32, #tpu.memory_space<vmem>>, vector<1x16xf32>,
        %get3A_313 = vector.shape_cast %get3A_312 : vector<1x16xf32> to vector<16xf32>
        %mul3A_314 = vector.broadcast %squeeze3A_287 : f32 to vector<16xf32>
        %mul3A_315 = arith.mulf %get3A_313, %mul3A_314 : vector<16xf32>
        %swap3A_316 = arith.index_cast %add3A_285 : i32 to index
        %swap3A_317 = arith.constant 32 : index
        %swap3A_318 = tpu.vector_load %arg10[%swap3A_316, %swap3A_317] {strides = array<i32>} : memref<128x128xf32, #tpu.memory_space<vmem>>, vector<1x16xf32>,
        %swap3A_319 = vector.shape_cast %swap3A_318 : vector<1x16xf32> to vector<16xf32>
        %swap3A_320 = vector.shape_cast %mul3A_315 : vector<16xf32> to vector<1x16xf32>
        tpu.vector_store %arg10[%swap3A_316, %swap3A_317], %swap3A_320 {strides = array<i32>} : memref<128x128xf32, #tpu.memory_space<vmem>>, vector<1x16xf32>,
        %get3A_321 = arith.index_cast %add3A_285 : i32 to index
        %get3A_322 = arith.constant 48 : index
        %get3A_323 = tpu.vector_load %arg10[%get3A_321, %get3A_322] {strides = array<i32>} : memref<128x128xf32, #tpu.memory_space<vmem>>, vector<1x16xf32>,
        %get3A_324 = vector.shape_cast %get3A_323 : vector<1x16xf32> to vector<16xf32>
        %mul3A_325 = vector.broadcast %squeeze3A_287 : f32 to vector<16xf32>
        %mul3A_326 = arith.mulf %get3A_324, %mul3A_325 : vector<16xf32>
        %swap3A_327 = arith.index_cast %add3A_285 : i32 to index
        %swap3A_328 = arith.constant 48 : index
        %swap3A_329 = tpu.vector_load %arg10[%swap3A_327, %swap3A_328] {strides = array<i32>} : memref<128x128xf32, #tpu.memory_space<vmem>>, vector<1x16xf32>,
        %swap3A_330 = vector.shape_cast %swap3A_329 : vector<1x16xf32> to vector<16xf32>
        %swap3A_331 = vector.shape_cast %mul3A_326 : vector<16xf32> to vector<1x16xf32>
        tpu.vector_store %arg10[%swap3A_327, %swap3A_328], %swap3A_331 {strides = array<i32>} : memref<128x128xf32, #tpu.memory_space<vmem>>, vector<1x16xf32>,
        %get3A_332 = arith.index_cast %add3A_285 : i32 to index
        %get3A_333 = arith.constant 64 : index
        %get3A_334 = tpu.vector_load %arg10[%get3A_332, %get3A_333] {strides = array<i32>} : memref<128x128xf32, #tpu.memory_space<vmem>>, vector<1x16xf32>,
        %get3A_335 = vector.shape_cast %get3A_334 : vector<1x16xf32> to vector<16xf32>
        %mul3A_336 = vector.broadcast %squeeze3A_287 : f32 to vector<16xf32>
        %mul3A_337 = arith.mulf %get3A_335, %mul3A_336 : vector<16xf32>
        %swap3A_338 = arith.index_cast %add3A_285 : i32 to index
        %swap3A_339 = arith.constant 64 : index
        %swap3A_340 = tpu.vector_load %arg10[%swap3A_338, %swap3A_339] {strides = array<i32>} : memref<128x128xf32, #tpu.memory_space<vmem>>, vector<1x16xf32>,
        %swap3A_341 = vector.shape_cast %swap3A_340 : vector<1x16xf32> to vector<16xf32>
        %swap3A_342 = vector.shape_cast %mul3A_337 : vector<16xf32> to vector<1x16xf32>
        tpu.vector_store %arg10[%swap3A_338, %swap3A_339], %swap3A_342 {strides = array<i32>} : memref<128x128xf32, #tpu.memory_space<vmem>>, vector<1x16xf32>,
        %get3A_343 = arith.index_cast %add3A_285 : i32 to index
        %get3A_344 = arith.constant 80 : index
        %get3A_345 = tpu.vector_load %arg10[%get3A_343, %get3A_344] {strides = array<i32>} : memref<128x128xf32, #tpu.memory_space<vmem>>, vector<1x16xf32>,
        %get3A_346 = vector.shape_cast %get3A_345 : vector<1x16xf32> to vector<16xf32>
        %mul3A_347 = vector.broadcast %squeeze3A_287 : f32 to vector<16xf32>
        %mul3A_348 = arith.mulf %get3A_346, %mul3A_347 : vector<16xf32>
        %swap3A_349 = arith.index_cast %add3A_285 : i32 to index
        %swap3A_350 = arith.constant 80 : index
        %swap3A_351 = tpu.vector_load %arg10[%swap3A_349, %swap3A_350] {strides = array<i32>} : memref<128x128xf32, #tpu.memory_space<vmem>>, vector<1x16xf32>,
        %swap3A_352 = vector.shape_cast %swap3A_351 : vector<1x16xf32> to vector<16xf32>
        %swap3A_353 = vector.shape_cast %mul3A_348 : vector<16xf32> to vector<1x16xf32>
        tpu.vector_store %arg10[%swap3A_349, %swap3A_350], %swap3A_353 {strides = array<i32>} : memref<128x128xf32, #tpu.memory_space<vmem>>, vector<1x16xf32>,
        %get3A_354 = arith.index_cast %add3A_285 : i32 to index
        %get3A_355 = arith.constant 96 : index
        %get3A_356 = tpu.vector_load %arg10[%get3A_354, %get3A_355] {strides = array<i32>} : memref<128x128xf32, #tpu.memory_space<vmem>>, vector<1x16xf32>,
        %get3A_357 = vector.shape_cast %get3A_356 : vector<1x16xf32> to vector<16xf32>
        %mul3A_358 = vector.broadcast %squeeze3A_287 : f32 to vector<16xf32>
        %mul3A_359 = arith.mulf %get3A_357, %mul3A_358 : vector<16xf32>
        %swap3A_360 = arith.index_cast %add3A_285 : i32 to index
        %swap3A_361 = arith.constant 96 : index
        %swap3A_362 = tpu.vector_load %arg10[%swap3A_360, %swap3A_361] {strides = array<i32>} : memref<128x128xf32, #tpu.memory_space<vmem>>, vector<1x16xf32>,
        %swap3A_363 = vector.shape_cast %swap3A_362 : vector<1x16xf32> to vector<16xf32>
        %swap3A_364 = vector.shape_cast %mul3A_359 : vector<16xf32> to vector<1x16xf32>
        tpu.vector_store %arg10[%swap3A_360, %swap3A_361], %swap3A_364 {strides = array<i32>} : memref<128x128xf32, #tpu.memory_space<vmem>>, vector<1x16xf32>,
        %get3A_365 = arith.index_cast %add3A_285 : i32 to index
        %get3A_366 = arith.constant 112 : index
        %get3A_367 = tpu.vector_load %arg10[%get3A_365, %get3A_366] {strides = array<i32>} : memref<128x128xf32, #tpu.memory_space<vmem>>, vector<1x16xf32>,
        %get3A_368 = vector.shape_cast %get3A_367 : vector<1x16xf32> to vector<16xf32>
        %mul3A_369 = vector.broadcast %squeeze3A_287 : f32 to vector<16xf32>
        %mul3A_370 = arith.mulf %get3A_368, %mul3A_369 : vector<16xf32>
        %swap3A_371 = arith.index_cast %add3A_285 : i32 to index
        %swap3A_372 = arith.constant 112 : index
        %swap3A_373 = tpu.vector_load %arg10[%swap3A_371, %swap3A_372] {strides = array<i32>} : memref<128x128xf32, #tpu.memory_space<vmem>>, vector<1x16xf32>,
        %swap3A_374 = vector.shape_cast %swap3A_373 : vector<1x16xf32> to vector<16xf32>
        %swap3A_375 = vector.shape_cast %mul3A_370 : vector<16xf32> to vector<1x16xf32>
        tpu.vector_store %arg10[%swap3A_371, %swap3A_372], %swap3A_375 {strides = array<i32>} : memref<128x128xf32, #tpu.memory_space<vmem>>, vector<1x16xf32>,
        %mul3A_376 = arith.constant 16 : i32
        %mul3A_377 = arith.muli %scan3A_183, %mul3A_376 : i32
        %add3A_378 = arith.constant 2 : i32
        %add3A_379 = arith.addi %mul3A_377, %add3A_378 : i32
        %slice3A_380 = vector.extract_strided_slice %get3A_189 {offsets = [2], sizes = [1], strides = [1]} : vector<16xf32> to vector<1xf32>
        %squeeze3A_381 = vector.extract %slice3A_380[0] : f32 from vector<1xf32>
        %get3A_382 = arith.index_cast %add3A_379 : i32 to index
        %get3A_383 = arith.constant 0 : index
        %get3A_384 = tpu.vector_load %arg10[%get3A_382, %get3A_383] {strides = array<i32>} : memref<128x128xf32, #tpu.memory_space<vmem>>, vector<1x16xf32>,
        %get3A_385 = vector.shape_cast %get3A_384 : vector<1x16xf32> to vector<16xf32>
        %mul3A_386 = vector.broadcast %squeeze3A_381 : f32 to vector<16xf32>
        %mul3A_387 = arith.mulf %get3A_385, %mul3A_386 : vector<16xf32>
        %swap3A_388 = arith.index_cast %add3A_379 : i32 to index
        %swap3A_389 = arith.constant 0 : index
        %swap3A_390 = tpu.vector_load %arg10[%swap3A_388, %swap3A_389] {strides = array<i32>} : memref<128x128xf32, #tpu.memory_space<vmem>>, vector<1x16xf32>,
        %swap3A_391 = vector.shape_cast %swap3A_390 : vector<1x16xf32> to vector<16xf32>
        %swap3A_392 = vector.shape_cast %mul3A_387 : vector<16xf32> to vector<1x16xf32>
        tpu.vector_store %arg10[%swap3A_388, %swap3A_389], %swap3A_392 {strides = array<i32>} : memref<128x128xf32, #tpu.memory_space<vmem>>, vector<1x16xf32>,
        %get3A_393 = arith.index_cast %add3A_379 : i32 to index
        %get3A_394 = arith.constant 16 : index
        %get3A_395 = tpu.vector_load %arg10[%get3A_393, %get3A_394] {strides = array<i32>} : memref<128x128xf32, #tpu.memory_space<vmem>>, vector<1x16xf32>,
        %get3A_396 = vector.shape_cast %get3A_395 : vector<1x16xf32> to vector<16xf32>
        %mul3A_397 = vector.broadcast %squeeze3A_381 : f32 to vector<16xf32>
        %mul3A_398 = arith.mulf %get3A_396, %mul3A_397 : vector<16xf32>
        %swap3A_399 = arith.index_cast %add3A_379 : i32 to index
        %swap3A_400 = arith.constant 16 : index
        %swap3A_401 = tpu.vector_load %arg10[%swap3A_399, %swap3A_400] {strides = array<i32>} : memref<128x128xf32, #tpu.memory_space<vmem>>, vector<1x16xf32>,
        %swap3A_402 = vector.shape_cast %swap3A_401 : vector<1x16xf32> to vector<16xf32>
        %swap3A_403 = vector.shape_cast %mul3A_398 : vector<16xf32> to vector<1x16xf32>
        tpu.vector_store %arg10[%swap3A_399, %swap3A_400], %swap3A_403 {strides = array<i32>} : memref<128x128xf32, #tpu.memory_space<vmem>>, vector<1x16xf32>,
        %get3A_404 = arith.index_cast %add3A_379 : i32 to index
        %get3A_405 = arith.constant 32 : index
        %get3A_406 = tpu.vector_load %arg10[%get3A_404, %get3A_405] {strides = array<i32>} : memref<128x128xf32, #tpu.memory_space<vmem>>, vector<1x16xf32>,
        %get3A_407 = vector.shape_cast %get3A_406 : vector<1x16xf32> to vector<16xf32>
        %mul3A_408 = vector.broadcast %squeeze3A_381 : f32 to vector<16xf32>
        %mul3A_409 = arith.mulf %get3A_407, %mul3A_408 : vector<16xf32>
        %swap3A_410 = arith.index_cast %add3A_379 : i32 to index
        %swap3A_411 = arith.constant 32 : index
        %swap3A_412 = tpu.vector_load %arg10[%swap3A_410, %swap3A_411] {strides = array<i32>} : memref<128x128xf32, #tpu.memory_space<vmem>>, vector<1x16xf32>,
        %swap3A_413 = vector.shape_cast %swap3A_412 : vector<1x16xf32> to vector<16xf32>
        %swap3A_414 = vector.shape_cast %mul3A_409 : vector<16xf32> to vector<1x16xf32>
        tpu.vector_store %arg10[%swap3A_410, %swap3A_411], %swap3A_414 {strides = array<i32>} : memref<128x128xf32, #tpu.memory_space<vmem>>, vector<1x16xf32>,
        %get3A_415 = arith.index_cast %add3A_379 : i32 to index
        %get3A_416 = arith.constant 48 : index
        %get3A_417 = tpu.vector_load %arg10[%get3A_415, %get3A_416] {strides = array<i32>} : memref<128x128xf32, #tpu.memory_space<vmem>>, vector<1x16xf32>,
        %get3A_418 = vector.shape_cast %get3A_417 : vector<1x16xf32> to vector<16xf32>
        %mul3A_419 = vector.broadcast %squeeze3A_381 : f32 to vector<16xf32>
        %mul3A_420 = arith.mulf %get3A_418, %mul3A_419 : vector<16xf32>
        %swap3A_421 = arith.index_cast %add3A_379 : i32 to index
        %swap3A_422 = arith.constant 48 : index
        %swap3A_423 = tpu.vector_load %arg10[%swap3A_421, %swap3A_422] {strides = array<i32>} : memref<128x128xf32, #tpu.memory_space<vmem>>, vector<1x16xf32>,
        %swap3A_424 = vector.shape_cast %swap3A_423 : vector<1x16xf32> to vector<16xf32>
        %swap3A_425 = vector.shape_cast %mul3A_420 : vector<16xf32> to vector<1x16xf32>
        tpu.vector_store %arg10[%swap3A_421, %swap3A_422], %swap3A_425 {strides = array<i32>} : memref<128x128xf32, #tpu.memory_space<vmem>>, vector<1x16xf32>,
        %get3A_426 = arith.index_cast %add3A_379 : i32 to index
        %get3A_427 = arith.constant 64 : index
        %get3A_428 = tpu.vector_load %arg10[%get3A_426, %get3A_427] {strides = array<i32>} : memref<128x128xf32, #tpu.memory_space<vmem>>, vector<1x16xf32>,
        %get3A_429 = vector.shape_cast %get3A_428 : vector<1x16xf32> to vector<16xf32>
        %mul3A_430 = vector.broadcast %squeeze3A_381 : f32 to vector<16xf32>
        %mul3A_431 = arith.mulf %get3A_429, %mul3A_430 : vector<16xf32>
        %swap3A_432 = arith.index_cast %add3A_379 : i32 to index
        %swap3A_433 = arith.constant 64 : index
        %swap3A_434 = tpu.vector_load %arg10[%swap3A_432, %swap3A_433] {strides = array<i32>} : memref<128x128xf32, #tpu.memory_space<vmem>>, vector<1x16xf32>,
        %swap3A_435 = vector.shape_cast %swap3A_434 : vector<1x16xf32> to vector<16xf32>
        %swap3A_436 = vector.shape_cast %mul3A_431 : vector<16xf32> to vector<1x16xf32>
        tpu.vector_store %arg10[%swap3A_432, %swap3A_433], %swap3A_436 {strides = array<i32>} : memref<128x128xf32, #tpu.memory_space<vmem>>, vector<1x16xf32>,
        %get3A_437 = arith.index_cast %add3A_379 : i32 to index
        %get3A_438 = arith.constant 80 : index
        %get3A_439 = tpu.vector_load %arg10[%get3A_437, %get3A_438] {strides = array<i32>} : memref<128x128xf32, #tpu.memory_space<vmem>>, vector<1x16xf32>,
        %get3A_440 = vector.shape_cast %get3A_439 : vector<1x16xf32> to vector<16xf32>
        %mul3A_441 = vector.broadcast %squeeze3A_381 : f32 to vector<16xf32>
        %mul3A_442 = arith.mulf %get3A_440, %mul3A_441 : vector<16xf32>
        %swap3A_443 = arith.index_cast %add3A_379 : i32 to index
        %swap3A_444 = arith.constant 80 : index
        %swap3A_445 = tpu.vector_load %arg10[%swap3A_443, %swap3A_444] {strides = array<i32>} : memref<128x128xf32, #tpu.memory_space<vmem>>, vector<1x16xf32>,
        %swap3A_446 = vector.shape_cast %swap3A_445 : vector<1x16xf32> to vector<16xf32>
        %swap3A_447 = vector.shape_cast %mul3A_442 : vector<16xf32> to vector<1x16xf32>
        tpu.vector_store %arg10[%swap3A_443, %swap3A_444], %swap3A_447 {strides = array<i32>} : memref<128x128xf32, #tpu.memory_space<vmem>>, vector<1x16xf32>,
        %get3A_448 = arith.index_cast %add3A_379 : i32 to index
        %get3A_449 = arith.constant 96 : index
        %get3A_450 = tpu.vector_load %arg10[%get3A_448, %get3A_449] {strides = array<i32>} : memref<128x128xf32, #tpu.memory_space<vmem>>, vector<1x16xf32>,
        %get3A_451 = vector.shape_cast %get3A_450 : vector<1x16xf32> to vector<16xf32>
        %mul3A_452 = vector.broadcast %squeeze3A_381 : f32 to vector<16xf32>
        %mul3A_453 = arith.mulf %get3A_451, %mul3A_452 : vector<16xf32>
        %swap3A_454 = arith.index_cast %add3A_379 : i32 to index
        %swap3A_455 = arith.constant 96 : index
        %swap3A_456 = tpu.vector_load %arg10[%swap3A_454, %swap3A_455] {strides = array<i32>} : memref<128x128xf32, #tpu.memory_space<vmem>>, vector<1x16xf32>,
        %swap3A_457 = vector.shape_cast %swap3A_456 : vector<1x16xf32> to vector<16xf32>
        %swap3A_458 = vector.shape_cast %mul3A_453 : vector<16xf32> to vector<1x16xf32>
        tpu.vector_store %arg10[%swap3A_454, %swap3A_455], %swap3A_458 {strides = array<i32>} : memref<128x128xf32, #tpu.memory_space<vmem>>, vector<1x16xf32>,
        %get3A_459 = arith.index_cast %add3A_379 : i32 to index
        %get3A_460 = arith.constant 112 : index
        %get3A_461 = tpu.vector_load %arg10[%get3A_459, %get3A_460] {strides = array<i32>} : memref<128x128xf32, #tpu.memory_space<vmem>>, vector<1x16xf32>,
        %get3A_462 = vector.shape_cast %get3A_461 : vector<1x16xf32> to vector<16xf32>
        %mul3A_463 = vector.broadcast %squeeze3A_381 : f32 to vector<16xf32>
        %mul3A_464 = arith.mulf %get3A_462, %mul3A_463 : vector<16xf32>
        %swap3A_465 = arith.index_cast %add3A_379 : i32 to index
        %swap3A_466 = arith.constant 112 : index
        %swap3A_467 = tpu.vector_load %arg10[%swap3A_465, %swap3A_466] {strides = array<i32>} : memref<128x128xf32, #tpu.memory_space<vmem>>, vector<1x16xf32>,
        %swap3A_468 = vector.shape_cast %swap3A_467 : vector<1x16xf32> to vector<16xf32>
        %swap3A_469 = vector.shape_cast %mul3A_464 : vector<16xf32> to vector<1x16xf32>
        tpu.vector_store %arg10[%swap3A_465, %swap3A_466], %swap3A_469 {strides = array<i32>} : memref<128x128xf32, #tpu.memory_space<vmem>>, vector<1x16xf32>,
        %mul3A_470 = arith.constant 16 : i32
        %mul3A_471 = arith.muli %scan3A_183, %mul3A_470 : i32
        %add3A_472 = arith.constant 3 : i32
        %add3A_473 = arith.addi %mul3A_471, %add3A_472 : i32
        %slice3A_474 = vector.extract_strided_slice %get3A_189 {offsets = [3], sizes = [1], strides = [1]} : vector<16xf32> to vector<1xf32>
        %squeeze3A_475 = vector.extract %slice3A_474[0] : f32 from vector<1xf32>
        %get3A_476 = arith.index_cast %add3A_473 : i32 to index
        %get3A_477 = arith.constant 0 : index
        %get3A_478 = tpu.vector_load %arg10[%get3A_476, %get3A_477] {strides = array<i32>} : memref<128x128xf32, #tpu.memory_space<vmem>>, vector<1x16xf32>,
        %get3A_479 = vector.shape_cast %get3A_478 : vector<1x16xf32> to vector<16xf32>
        %mul3A_480 = vector.broadcast %squeeze3A_475 : f32 to vector<16xf32>
        %mul3A_481 = arith.mulf %get3A_479, %mul3A_480 : vector<16xf32>
        %swap3A_482 = arith.index_cast %add3A_473 : i32 to index
        %swap3A_483 = arith.constant 0 : index
        %swap3A_484 = tpu.vector_load %arg10[%swap3A_482, %swap3A_483] {strides = array<i32>} : memref<128x128xf32, #tpu.memory_space<vmem>>, vector<1x16xf32>,
        %swap3A_485 = vector.shape_cast %swap3A_484 : vector<1x16xf32> to vector<16xf32>
        %swap3A_486 = vector.shape_cast %mul3A_481 : vector<16xf32> to vector<1x16xf32>
        tpu.vector_store %arg10[%swap3A_482, %swap3A_483], %swap3A_486 {strides = array<i32>} : memref<128x128xf32, #tpu.memory_space<vmem>>, vector<1x16xf32>,
        %get3A_487 = arith.index_cast %add3A_473 : i32 to index
        %get3A_488 = arith.constant 16 : index
        %get3A_489 = tpu.vector_load %arg10[%get3A_487, %get3A_488] {strides = array<i32>} : memref<128x128xf32, #tpu.memory_space<vmem>>, vector<1x16xf32>,
        %get3A_490 = vector.shape_cast %get3A_489 : vector<1x16xf32> to vector<16xf32>
        %mul3A_491 = vector.broadcast %squeeze3A_475 : f32 to vector<16xf32>
        %mul3A_492 = arith.mulf %get3A_490, %mul3A_491 : vector<16xf32>
        %swap3A_493 = arith.index_cast %add3A_473 : i32 to index
        %swap3A_494 = arith.constant 16 : index
        %swap3A_495 = tpu.vector_load %arg10[%swap3A_493, %swap3A_494] {strides = array<i32>} : memref<128x128xf32, #tpu.memory_space<vmem>>, vector<1x16xf32>,
        %swap3A_496 = vector.shape_cast %swap3A_495 : vector<1x16xf32> to vector<16xf32>
        %swap3A_497 = vector.shape_cast %mul3A_492 : vector<16xf32> to vector<1x16xf32>
        tpu.vector_store %arg10[%swap3A_493, %swap3A_494], %swap3A_497 {strides = array<i32>} : memref<128x128xf32, #tpu.memory_space<vmem>>, vector<1x16xf32>,
        %get3A_498 = arith.index_cast %add3A_473 : i32 to index
        %get3A_499 = arith.constant 32 : index
        %get3A_500 = tpu.vector_load %arg10[%get3A_498, %get3A_499] {strides = array<i32>} : memref<128x128xf32, #tpu.memory_space<vmem>>, vector<1x16xf32>,
        %get3A_501 = vector.shape_cast %get3A_500 : vector<1x16xf32> to vector<16xf32>
        %mul3A_502 = vector.broadcast %squeeze3A_475 : f32 to vector<16xf32>
        %mul3A_503 = arith.mulf %get3A_501, %mul3A_502 : vector<16xf32>
        %swap3A_504 = arith.index_cast %add3A_473 : i32 to index
        %swap3A_505 = arith.constant 32 : index
        %swap3A_506 = tpu.vector_load %arg10[%swap3A_504, %swap3A_505] {strides = array<i32>} : memref<128x128xf32, #tpu.memory_space<vmem>>, vector<1x16xf32>,
        %swap3A_507 = vector.shape_cast %swap3A_506 : vector<1x16xf32> to vector<16xf32>
        %swap3A_508 = vector.shape_cast %mul3A_503 : vector<16xf32> to vector<1x16xf32>
        tpu.vector_store %arg10[%swap3A_504, %swap3A_505], %swap3A_508 {strides = array<i32>} : memref<128x128xf32, #tpu.memory_space<vmem>>, vector<1x16xf32>,
        %get3A_509 = arith.index_cast %add3A_473 : i32 to index
        %get3A_510 = arith.constant 48 : index
        %get3A_511 = tpu.vector_load %arg10[%get3A_509, %get3A_510] {strides = array<i32>} : memref<128x128xf32, #tpu.memory_space<vmem>>, vector<1x16xf32>,
        %get3A_512 = vector.shape_cast %get3A_511 : vector<1x16xf32> to vector<16xf32>
        %mul3A_513 = vector.broadcast %squeeze3A_475 : f32 to vector<16xf32>
        %mul3A_514 = arith.mulf %get3A_512, %mul3A_513 : vector<16xf32>
        %swap3A_515 = arith.index_cast %add3A_473 : i32 to index
        %swap3A_516 = arith.constant 48 : index
        %swap3A_517 = tpu.vector_load %arg10[%swap3A_515, %swap3A_516] {strides = array<i32>} : memref<128x128xf32, #tpu.memory_space<vmem>>, vector<1x16xf32>,
        %swap3A_518 = vector.shape_cast %swap3A_517 : vector<1x16xf32> to vector<16xf32>
        %swap3A_519 = vector.shape_cast %mul3A_514 : vector<16xf32> to vector<1x16xf32>
        tpu.vector_store %arg10[%swap3A_515, %swap3A_516], %swap3A_519 {strides = array<i32>} : memref<128x128xf32, #tpu.memory_space<vmem>>, vector<1x16xf32>,
        %get3A_520 = arith.index_cast %add3A_473 : i32 to index
        %get3A_521 = arith.constant 64 : index
        %get3A_522 = tpu.vector_load %arg10[%get3A_520, %get3A_521] {strides = array<i32>} : memref<128x128xf32, #tpu.memory_space<vmem>>, vector<1x16xf32>,
        %get3A_523 = vector.shape_cast %get3A_522 : vector<1x16xf32> to vector<16xf32>
        %mul3A_524 = vector.broadcast %squeeze3A_475 : f32 to vector<16xf32>
        %mul3A_525 = arith.mulf %get3A_523, %mul3A_524 : vector<16xf32>
        %swap3A_526 = arith.index_cast %add3A_473 : i32 to index
        %swap3A_527 = arith.constant 64 : index
        %swap3A_528 = tpu.vector_load %arg10[%swap3A_526, %swap3A_527] {strides = array<i32>} : memref<128x128xf32, #tpu.memory_space<vmem>>, vector<1x16xf32>,
        %swap3A_529 = vector.shape_cast %swap3A_528 : vector<1x16xf32> to vector<16xf32>
        %swap3A_530 = vector.shape_cast %mul3A_525 : vector<16xf32> to vector<1x16xf32>
        tpu.vector_store %arg10[%swap3A_526, %swap3A_527], %swap3A_530 {strides = array<i32>} : memref<128x128xf32, #tpu.memory_space<vmem>>, vector<1x16xf32>,
        %get3A_531 = arith.index_cast %add3A_473 : i32 to index
        %get3A_532 = arith.constant 80 : index
        %get3A_533 = tpu.vector_load %arg10[%get3A_531, %get3A_532] {strides = array<i32>} : memref<128x128xf32, #tpu.memory_space<vmem>>, vector<1x16xf32>,
        %get3A_534 = vector.shape_cast %get3A_533 : vector<1x16xf32> to vector<16xf32>
        %mul3A_535 = vector.broadcast %squeeze3A_475 : f32 to vector<16xf32>
        %mul3A_536 = arith.mulf %get3A_534, %mul3A_535 : vector<16xf32>
        %swap3A_537 = arith.index_cast %add3A_473 : i32 to index
        %swap3A_538 = arith.constant 80 : index
        %swap3A_539 = tpu.vector_load %arg10[%swap3A_537, %swap3A_538] {strides = array<i32>} : memref<128x128xf32, #tpu.memory_space<vmem>>, vector<1x16xf32>,
        %swap3A_540 = vector.shape_cast %swap3A_539 : vector<1x16xf32> to vector<16xf32>
        %swap3A_541 = vector.shape_cast %mul3A_536 : vector<16xf32> to vector<1x16xf32>
        tpu.vector_store %arg10[%swap3A_537, %swap3A_538], %swap3A_541 {strides = array<i32>} : memref<128x128xf32, #tpu.memory_space<vmem>>, vector<1x16xf32>,
        %get3A_542 = arith.index_cast %add3A_473 : i32 to index
        %get3A_543 = arith.constant 96 : index
        %get3A_544 = tpu.vector_load %arg10[%get3A_542, %get3A_543] {strides = array<i32>} : memref<128x128xf32, #tpu.memory_space<vmem>>, vector<1x16xf32>,
        %get3A_545 = vector.shape_cast %get3A_544 : vector<1x16xf32> to vector<16xf32>
        %mul3A_546 = vector.broadcast %squeeze3A_475 : f32 to vector<16xf32>
        %mul3A_547 = arith.mulf %get3A_545, %mul3A_546 : vector<16xf32>
        %swap3A_548 = arith.index_cast %add3A_473 : i32 to index
        %swap3A_549 = arith.constant 96 : index
        %swap3A_550 = tpu.vector_load %arg10[%swap3A_548, %swap3A_549] {strides = array<i32>} : memref<128x128xf32, #tpu.memory_space<vmem>>, vector<1x16xf32>,
        %swap3A_551 = vector.shape_cast %swap3A_550 : vector<1x16xf32> to vector<16xf32>
        %swap3A_552 = vector.shape_cast %mul3A_547 : vector<16xf32> to vector<1x16xf32>
        tpu.vector_store %arg10[%swap3A_548, %swap3A_549], %swap3A_552 {strides = array<i32>} : memref<128x128xf32, #tpu.memory_space<vmem>>, vector<1x16xf32>,
        %get3A_553 = arith.index_cast %add3A_473 : i32 to index
        %get3A_554 = arith.constant 112 : index
        %get3A_555 = tpu.vector_load %arg10[%get3A_553, %get3A_554] {strides = array<i32>} : memref<128x128xf32, #tpu.memory_space<vmem>>, vector<1x16xf32>,
        %get3A_556 = vector.shape_cast %get3A_555 : vector<1x16xf32> to vector<16xf32>
        %mul3A_557 = vector.broadcast %squeeze3A_475 : f32 to vector<16xf32>
        %mul3A_558 = arith.mulf %get3A_556, %mul3A_557 : vector<16xf32>
        %swap3A_559 = arith.index_cast %add3A_473 : i32 to index
        %swap3A_560 = arith.constant 112 : index
        %swap3A_561 = tpu.vector_load %arg10[%swap3A_559, %swap3A_560] {strides = array<i32>} : memref<128x128xf32, #tpu.memory_space<vmem>>, vector<1x16xf32>,
        %swap3A_562 = vector.shape_cast %swap3A_561 : vector<1x16xf32> to vector<16xf32>
        %swap3A_563 = vector.shape_cast %mul3A_558 : vector<16xf32> to vector<1x16xf32>
        tpu.vector_store %arg10[%swap3A_559, %swap3A_560], %swap3A_563 {strides = array<i32>} : memref<128x128xf32, #tpu.memory_space<vmem>>, vector<1x16xf32>,
        %mul3A_564 = arith.constant 16 : i32
        %mul3A_565 = arith.muli %scan3A_183, %mul3A_564 : i32
        %add3A_566 = arith.constant 4 : i32
        %add3A_567 = arith.addi %mul3A_565, %add3A_566 : i32
        %slice3A_568 = vector.extract_strided_slice %get3A_189 {offsets = [4], sizes = [1], strides = [1]} : vector<16xf32> to vector<1xf32>
        %squeeze3A_569 = vector.extract %slice3A_568[0] : f32 from vector<1xf32>
        %get3A_570 = arith.index_cast %add3A_567 : i32 to index
        %get3A_571 = arith.constant 0 : index
        %get3A_572 = tpu.vector_load %arg10[%get3A_570, %get3A_571] {strides = array<i32>} : memref<128x128xf32, #tpu.memory_space<vmem>>, vector<1x16xf32>,
        %get3A_573 = vector.shape_cast %get3A_572 : vector<1x16xf32> to vector<16xf32>
        %mul3A_574 = vector.broadcast %squeeze3A_569 : f32 to vector<16xf32>
        %mul3A_575 = arith.mulf %get3A_573, %mul3A_574 : vector<16xf32>
        %swap3A_576 = arith.index_cast %add3A_567 : i32 to index
        %swap3A_577 = arith.constant 0 : index
        %swap3A_578 = tpu.vector_load %arg10[%swap3A_576, %swap3A_577] {strides = array<i32>} : memref<128x128xf32, #tpu.memory_space<vmem>>, vector<1x16xf32>,
        %swap3A_579 = vector.shape_cast %swap3A_578 : vector<1x16xf32> to vector<16xf32>
        %swap3A_580 = vector.shape_cast %mul3A_575 : vector<16xf32> to vector<1x16xf32>
        tpu.vector_store %arg10[%swap3A_576, %swap3A_577], %swap3A_580 {strides = array<i32>} : memref<128x128xf32, #tpu.memory_space<vmem>>, vector<1x16xf32>,
        %get3A_581 = arith.index_cast %add3A_567 : i32 to index
        %get3A_582 = arith.constant 16 : index
        %get3A_583 = tpu.vector_load %arg10[%get3A_581, %get3A_582] {strides = array<i32>} : memref<128x128xf32, #tpu.memory_space<vmem>>, vector<1x16xf32>,
        %get3A_584 = vector.shape_cast %get3A_583 : vector<1x16xf32> to vector<16xf32>
        %mul3A_585 = vector.broadcast %squeeze3A_569 : f32 to vector<16xf32>
        %mul3A_586 = arith.mulf %get3A_584, %mul3A_585 : vector<16xf32>
        %swap3A_587 = arith.index_cast %add3A_567 : i32 to index
        %swap3A_588 = arith.constant 16 : index
        %swap3A_589 = tpu.vector_load %arg10[%swap3A_587, %swap3A_588] {strides = array<i32>} : memref<128x128xf32, #tpu.memory_space<vmem>>, vector<1x16xf32>,
        %swap3A_590 = vector.shape_cast %swap3A_589 : vector<1x16xf32> to vector<16xf32>
        %swap3A_591 = vector.shape_cast %mul3A_586 : vector<16xf32> to vector<1x16xf32>
        tpu.vector_store %arg10[%swap3A_587, %swap3A_588], %swap3A_591 {strides = array<i32>} : memref<128x128xf32, #tpu.memory_space<vmem>>, vector<1x16xf32>,
        %get3A_592 = arith.index_cast %add3A_567 : i32 to index
        %get3A_593 = arith.constant 32 : index
        %get3A_594 = tpu.vector_load %arg10[%get3A_592, %get3A_593] {strides = array<i32>} : memref<128x128xf32, #tpu.memory_space<vmem>>, vector<1x16xf32>,
        %get3A_595 = vector.shape_cast %get3A_594 : vector<1x16xf32> to vector<16xf32>
        %mul3A_596 = vector.broadcast %squeeze3A_569 : f32 to vector<16xf32>
        %mul3A_597 = arith.mulf %get3A_595, %mul3A_596 : vector<16xf32>
        %swap3A_598 = arith.index_cast %add3A_567 : i32 to index
        %swap3A_599 = arith.constant 32 : index
        %swap3A_600 = tpu.vector_load %arg10[%swap3A_598, %swap3A_599] {strides = array<i32>} : memref<128x128xf32, #tpu.memory_space<vmem>>, vector<1x16xf32>,
        %swap3A_601 = vector.shape_cast %swap3A_600 : vector<1x16xf32> to vector<16xf32>
        %swap3A_602 = vector.shape_cast %mul3A_597 : vector<16xf32> to vector<1x16xf32>
        tpu.vector_store %arg10[%swap3A_598, %swap3A_599], %swap3A_602 {strides = array<i32>} : memref<128x128xf32, #tpu.memory_space<vmem>>, vector<1x16xf32>,
        %get3A_603 = arith.index_cast %add3A_567 : i32 to index
        %get3A_604 = arith.constant 48 : index
        %get3A_605 = tpu.vector_load %arg10[%get3A_603, %get3A_604] {strides = array<i32>} : memref<128x128xf32, #tpu.memory_space<vmem>>, vector<1x16xf32>,
        %get3A_606 = vector.shape_cast %get3A_605 : vector<1x16xf32> to vector<16xf32>
        %mul3A_607 = vector.broadcast %squeeze3A_569 : f32 to vector<16xf32>
        %mul3A_608 = arith.mulf %get3A_606, %mul3A_607 : vector<16xf32>
        %swap3A_609 = arith.index_cast %add3A_567 : i32 to index
        %swap3A_610 = arith.constant 48 : index
        %swap3A_611 = tpu.vector_load %arg10[%swap3A_609, %swap3A_610] {strides = array<i32>} : memref<128x128xf32, #tpu.memory_space<vmem>>, vector<1x16xf32>,
        %swap3A_612 = vector.shape_cast %swap3A_611 : vector<1x16xf32> to vector<16xf32>
        %swap3A_613 = vector.shape_cast %mul3A_608 : vector<16xf32> to vector<1x16xf32>
        tpu.vector_store %arg10[%swap3A_609, %swap3A_610], %swap3A_613 {strides = array<i32>} : memref<128x128xf32, #tpu.memory_space<vmem>>, vector<1x16xf32>,
        %get3A_614 = arith.index_cast %add3A_567 : i32 to index
        %get3A_615 = arith.constant 64 : index
        %get3A_616 = tpu.vector_load %arg10[%get3A_614, %get3A_615] {strides = array<i32>} : memref<128x128xf32, #tpu.memory_space<vmem>>, vector<1x16xf32>,
        %get3A_617 = vector.shape_cast %get3A_616 : vector<1x16xf32> to vector<16xf32>
        %mul3A_618 = vector.broadcast %squeeze3A_569 : f32 to vector<16xf32>
        %mul3A_619 = arith.mulf %get3A_617, %mul3A_618 : vector<16xf32>
        %swap3A_620 = arith.index_cast %add3A_567 : i32 to index
        %swap3A_621 = arith.constant 64 : index
        %swap3A_622 = tpu.vector_load %arg10[%swap3A_620, %swap3A_621] {strides = array<i32>} : memref<128x128xf32, #tpu.memory_space<vmem>>, vector<1x16xf32>,
        %swap3A_623 = vector.shape_cast %swap3A_622 : vector<1x16xf32> to vector<16xf32>
        %swap3A_624 = vector.shape_cast %mul3A_619 : vector<16xf32> to vector<1x16xf32>
        tpu.vector_store %arg10[%swap3A_620, %swap3A_621], %swap3A_624 {strides = array<i32>} : memref<128x128xf32, #tpu.memory_space<vmem>>, vector<1x16xf32>,
        %get3A_625 = arith.index_cast %add3A_567 : i32 to index
        %get3A_626 = arith.constant 80 : index
        %get3A_627 = tpu.vector_load %arg10[%get3A_625, %get3A_626] {strides = array<i32>} : memref<128x128xf32, #tpu.memory_space<vmem>>, vector<1x16xf32>,
        %get3A_628 = vector.shape_cast %get3A_627 : vector<1x16xf32> to vector<16xf32>
        %mul3A_629 = vector.broadcast %squeeze3A_569 : f32 to vector<16xf32>
        %mul3A_630 = arith.mulf %get3A_628, %mul3A_629 : vector<16xf32>
        %swap3A_631 = arith.index_cast %add3A_567 : i32 to index
        %swap3A_632 = arith.constant 80 : index
        %swap3A_633 = tpu.vector_load %arg10[%swap3A_631, %swap3A_632] {strides = array<i32>} : memref<128x128xf32, #tpu.memory_space<vmem>>, vector<1x16xf32>,
        %swap3A_634 = vector.shape_cast %swap3A_633 : vector<1x16xf32> to vector<16xf32>
        %swap3A_635 = vector.shape_cast %mul3A_630 : vector<16xf32> to vector<1x16xf32>
        tpu.vector_store %arg10[%swap3A_631, %swap3A_632], %swap3A_635 {strides = array<i32>} : memref<128x128xf32, #tpu.memory_space<vmem>>, vector<1x16xf32>,
        %get3A_636 = arith.index_cast %add3A_567 : i32 to index
        %get3A_637 = arith.constant 96 : index
        %get3A_638 = tpu.vector_load %arg10[%get3A_636, %get3A_637] {strides = array<i32>} : memref<128x128xf32, #tpu.memory_space<vmem>>, vector<1x16xf32>,
        %get3A_639 = vector.shape_cast %get3A_638 : vector<1x16xf32> to vector<16xf32>
        %mul3A_640 = vector.broadcast %squeeze3A_569 : f32 to vector<16xf32>
        %mul3A_641 = arith.mulf %get3A_639, %mul3A_640 : vector<16xf32>
        %swap3A_642 = arith.index_cast %add3A_567 : i32 to index
        %swap3A_643 = arith.constant 96 : index
        %swap3A_644 = tpu.vector_load %arg10[%swap3A_642, %swap3A_643] {strides = array<i32>} : memref<128x128xf32, #tpu.memory_space<vmem>>, vector<1x16xf32>,
        %swap3A_645 = vector.shape_cast %swap3A_644 : vector<1x16xf32> to vector<16xf32>
        %swap3A_646 = vector.shape_cast %mul3A_641 : vector<16xf32> to vector<1x16xf32>
        tpu.vector_store %arg10[%swap3A_642, %swap3A_643], %swap3A_646 {strides = array<i32>} : memref<128x128xf32, #tpu.memory_space<vmem>>, vector<1x16xf32>,
        %get3A_647 = arith.index_cast %add3A_567 : i32 to index
        %get3A_648 = arith.constant 112 : index
        %get3A_649 = tpu.vector_load %arg10[%get3A_647, %get3A_648] {strides = array<i32>} : memref<128x128xf32, #tpu.memory_space<vmem>>, vector<1x16xf32>,
        %get3A_650 = vector.shape_cast %get3A_649 : vector<1x16xf32> to vector<16xf32>
        %mul3A_651 = vector.broadcast %squeeze3A_569 : f32 to vector<16xf32>
        %mul3A_652 = arith.mulf %get3A_650, %mul3A_651 : vector<16xf32>
        %swap3A_653 = arith.index_cast %add3A_567 : i32 to index
        %swap3A_654 = arith.constant 112 : index
        %swap3A_655 = tpu.vector_load %arg10[%swap3A_653, %swap3A_654] {strides = array<i32>} : memref<128x128xf32, #tpu.memory_space<vmem>>, vector<1x16xf32>,
        %swap3A_656 = vector.shape_cast %swap3A_655 : vector<1x16xf32> to vector<16xf32>
        %swap3A_657 = vector.shape_cast %mul3A_652 : vector<16xf32> to vector<1x16xf32>
        tpu.vector_store %arg10[%swap3A_653, %swap3A_654], %swap3A_657 {strides = array<i32>} : memref<128x128xf32, #tpu.memory_space<vmem>>, vector<1x16xf32>,
        %mul3A_658 = arith.constant 16 : i32
        %mul3A_659 = arith.muli %scan3A_183, %mul3A_658 : i32
        %add3A_660 = arith.constant 5 : i32
        %add3A_661 = arith.addi %mul3A_659, %add3A_660 : i32
        %slice3A_662 = vector.extract_strided_slice %get3A_189 {offsets = [5], sizes = [1], strides = [1]} : vector<16xf32> to vector<1xf32>
        %squeeze3A_663 = vector.extract %slice3A_662[0] : f32 from vector<1xf32>
        %get3A_664 = arith.index_cast %add3A_661 : i32 to index
        %get3A_665 = arith.constant 0 : index
        %get3A_666 = tpu.vector_load %arg10[%get3A_664, %get3A_665] {strides = array<i32>} : memref<128x128xf32, #tpu.memory_space<vmem>>, vector<1x16xf32>,
        %get3A_667 = vector.shape_cast %get3A_666 : vector<1x16xf32> to vector<16xf32>
        %mul3A_668 = vector.broadcast %squeeze3A_663 : f32 to vector<16xf32>
        %mul3A_669 = arith.mulf %get3A_667, %mul3A_668 : vector<16xf32>
        %swap3A_670 = arith.index_cast %add3A_661 : i32 to index
        %swap3A_671 = arith.constant 0 : index
        %swap3A_672 = tpu.vector_load %arg10[%swap3A_670, %swap3A_671] {strides = array<i32>} : memref<128x128xf32, #tpu.memory_space<vmem>>, vector<1x16xf32>,
        %swap3A_673 = vector.shape_cast %swap3A_672 : vector<1x16xf32> to vector<16xf32>
        %swap3A_674 = vector.shape_cast %mul3A_669 : vector<16xf32> to vector<1x16xf32>
        tpu.vector_store %arg10[%swap3A_670, %swap3A_671], %swap3A_674 {strides = array<i32>} : memref<128x128xf32, #tpu.memory_space<vmem>>, vector<1x16xf32>,
        %get3A_675 = arith.index_cast %add3A_661 : i32 to index
        %get3A_676 = arith.constant 16 : index
        %get3A_677 = tpu.vector_load %arg10[%get3A_675, %get3A_676] {strides = array<i32>} : memref<128x128xf32, #tpu.memory_space<vmem>>, vector<1x16xf32>,
        %get3A_678 = vector.shape_cast %get3A_677 : vector<1x16xf32> to vector<16xf32>
        %mul3A_679 = vector.broadcast %squeeze3A_663 : f32 to vector<16xf32>
        %mul3A_680 = arith.mulf %get3A_678, %mul3A_679 : vector<16xf32>
        %swap3A_681 = arith.index_cast %add3A_661 : i32 to index
        %swap3A_682 = arith.constant 16 : index
        %swap3A_683 = tpu.vector_load %arg10[%swap3A_681, %swap3A_682] {strides = array<i32>} : memref<128x128xf32, #tpu.memory_space<vmem>>, vector<1x16xf32>,
        %swap3A_684 = vector.shape_cast %swap3A_683 : vector<1x16xf32> to vector<16xf32>
        %swap3A_685 = vector.shape_cast %mul3A_680 : vector<16xf32> to vector<1x16xf32>
        tpu.vector_store %arg10[%swap3A_681, %swap3A_682], %swap3A_685 {strides = array<i32>} : memref<128x128xf32, #tpu.memory_space<vmem>>, vector<1x16xf32>,
        %get3A_686 = arith.index_cast %add3A_661 : i32 to index
        %get3A_687 = arith.constant 32 : index
        %get3A_688 = tpu.vector_load %arg10[%get3A_686, %get3A_687] {strides = array<i32>} : memref<128x128xf32, #tpu.memory_space<vmem>>, vector<1x16xf32>,
        %get3A_689 = vector.shape_cast %get3A_688 : vector<1x16xf32> to vector<16xf32>
        %mul3A_690 = vector.broadcast %squeeze3A_663 : f32 to vector<16xf32>
        %mul3A_691 = arith.mulf %get3A_689, %mul3A_690 : vector<16xf32>
        %swap3A_692 = arith.index_cast %add3A_661 : i32 to index
        %swap3A_693 = arith.constant 32 : index
        %swap3A_694 = tpu.vector_load %arg10[%swap3A_692, %swap3A_693] {strides = array<i32>} : memref<128x128xf32, #tpu.memory_space<vmem>>, vector<1x16xf32>,
        %swap3A_695 = vector.shape_cast %swap3A_694 : vector<1x16xf32> to vector<16xf32>
        %swap3A_696 = vector.shape_cast %mul3A_691 : vector<16xf32> to vector<1x16xf32>
        tpu.vector_store %arg10[%swap3A_692, %swap3A_693], %swap3A_696 {strides = array<i32>} : memref<128x128xf32, #tpu.memory_space<vmem>>, vector<1x16xf32>,
        %get3A_697 = arith.index_cast %add3A_661 : i32 to index
        %get3A_698 = arith.constant 48 : index
        %get3A_699 = tpu.vector_load %arg10[%get3A_697, %get3A_698] {strides = array<i32>} : memref<128x128xf32, #tpu.memory_space<vmem>>, vector<1x16xf32>,
        %get3A_700 = vector.shape_cast %get3A_699 : vector<1x16xf32> to vector<16xf32>
        %mul3A_701 = vector.broadcast %squeeze3A_663 : f32 to vector<16xf32>
        %mul3A_702 = arith.mulf %get3A_700, %mul3A_701 : vector<16xf32>
        %swap3A_703 = arith.index_cast %add3A_661 : i32 to index
        %swap3A_704 = arith.constant 48 : index
        %swap3A_705 = tpu.vector_load %arg10[%swap3A_703, %swap3A_704] {strides = array<i32>} : memref<128x128xf32, #tpu.memory_space<vmem>>, vector<1x16xf32>,
        %swap3A_706 = vector.shape_cast %swap3A_705 : vector<1x16xf32> to vector<16xf32>
        %swap3A_707 = vector.shape_cast %mul3A_702 : vector<16xf32> to vector<1x16xf32>
        tpu.vector_store %arg10[%swap3A_703, %swap3A_704], %swap3A_707 {strides = array<i32>} : memref<128x128xf32, #tpu.memory_space<vmem>>, vector<1x16xf32>,
        %get3A_708 = arith.index_cast %add3A_661 : i32 to index
        %get3A_709 = arith.constant 64 : index
        %get3A_710 = tpu.vector_load %arg10[%get3A_708, %get3A_709] {strides = array<i32>} : memref<128x128xf32, #tpu.memory_space<vmem>>, vector<1x16xf32>,
        %get3A_711 = vector.shape_cast %get3A_710 : vector<1x16xf32> to vector<16xf32>
        %mul3A_712 = vector.broadcast %squeeze3A_663 : f32 to vector<16xf32>
        %mul3A_713 = arith.mulf %get3A_711, %mul3A_712 : vector<16xf32>
        %swap3A_714 = arith.index_cast %add3A_661 : i32 to index
        %swap3A_715 = arith.constant 64 : index
        %swap3A_716 = tpu.vector_load %arg10[%swap3A_714, %swap3A_715] {strides = array<i32>} : memref<128x128xf32, #tpu.memory_space<vmem>>, vector<1x16xf32>,
        %swap3A_717 = vector.shape_cast %swap3A_716 : vector<1x16xf32> to vector<16xf32>
        %swap3A_718 = vector.shape_cast %mul3A_713 : vector<16xf32> to vector<1x16xf32>
        tpu.vector_store %arg10[%swap3A_714, %swap3A_715], %swap3A_718 {strides = array<i32>} : memref<128x128xf32, #tpu.memory_space<vmem>>, vector<1x16xf32>,
        %get3A_719 = arith.index_cast %add3A_661 : i32 to index
        %get3A_720 = arith.constant 80 : index
        %get3A_721 = tpu.vector_load %arg10[%get3A_719, %get3A_720] {strides = array<i32>} : memref<128x128xf32, #tpu.memory_space<vmem>>, vector<1x16xf32>,
        %get3A_722 = vector.shape_cast %get3A_721 : vector<1x16xf32> to vector<16xf32>
        %mul3A_723 = vector.broadcast %squeeze3A_663 : f32 to vector<16xf32>
        %mul3A_724 = arith.mulf %get3A_722, %mul3A_723 : vector<16xf32>
        %swap3A_725 = arith.index_cast %add3A_661 : i32 to index
        %swap3A_726 = arith.constant 80 : index
        %swap3A_727 = tpu.vector_load %arg10[%swap3A_725, %swap3A_726] {strides = array<i32>} : memref<128x128xf32, #tpu.memory_space<vmem>>, vector<1x16xf32>,
        %swap3A_728 = vector.shape_cast %swap3A_727 : vector<1x16xf32> to vector<16xf32>
        %swap3A_729 = vector.shape_cast %mul3A_724 : vector<16xf32> to vector<1x16xf32>
        tpu.vector_store %arg10[%swap3A_725, %swap3A_726], %swap3A_729 {strides = array<i32>} : memref<128x128xf32, #tpu.memory_space<vmem>>, vector<1x16xf32>,
        %get3A_730 = arith.index_cast %add3A_661 : i32 to index
        %get3A_731 = arith.constant 96 : index
        %get3A_732 = tpu.vector_load %arg10[%get3A_730, %get3A_731] {strides = array<i32>} : memref<128x128xf32, #tpu.memory_space<vmem>>, vector<1x16xf32>,
        %get3A_733 = vector.shape_cast %get3A_732 : vector<1x16xf32> to vector<16xf32>
        %mul3A_734 = vector.broadcast %squeeze3A_663 : f32 to vector<16xf32>
        %mul3A_735 = arith.mulf %get3A_733, %mul3A_734 : vector<16xf32>
        %swap3A_736 = arith.index_cast %add3A_661 : i32 to index
        %swap3A_737 = arith.constant 96 : index
        %swap3A_738 = tpu.vector_load %arg10[%swap3A_736, %swap3A_737] {strides = array<i32>} : memref<128x128xf32, #tpu.memory_space<vmem>>, vector<1x16xf32>,
        %swap3A_739 = vector.shape_cast %swap3A_738 : vector<1x16xf32> to vector<16xf32>
        %swap3A_740 = vector.shape_cast %mul3A_735 : vector<16xf32> to vector<1x16xf32>
        tpu.vector_store %arg10[%swap3A_736, %swap3A_737], %swap3A_740 {strides = array<i32>} : memref<128x128xf32, #tpu.memory_space<vmem>>, vector<1x16xf32>,
        %get3A_741 = arith.index_cast %add3A_661 : i32 to index
        %get3A_742 = arith.constant 112 : index
        %get3A_743 = tpu.vector_load %arg10[%get3A_741, %get3A_742] {strides = array<i32>} : memref<128x128xf32, #tpu.memory_space<vmem>>, vector<1x16xf32>,
        %get3A_744 = vector.shape_cast %get3A_743 : vector<1x16xf32> to vector<16xf32>
        %mul3A_745 = vector.broadcast %squeeze3A_663 : f32 to vector<16xf32>
        %mul3A_746 = arith.mulf %get3A_744, %mul3A_745 : vector<16xf32>
        %swap3A_747 = arith.index_cast %add3A_661 : i32 to index
        %swap3A_748 = arith.constant 112 : index
        %swap3A_749 = tpu.vector_load %arg10[%swap3A_747, %swap3A_748] {strides = array<i32>} : memref<128x128xf32, #tpu.memory_space<vmem>>, vector<1x16xf32>,
        %swap3A_750 = vector.shape_cast %swap3A_749 : vector<1x16xf32> to vector<16xf32>
        %swap3A_751 = vector.shape_cast %mul3A_746 : vector<16xf32> to vector<1x16xf32>
        tpu.vector_store %arg10[%swap3A_747, %swap3A_748], %swap3A_751 {strides = array<i32>} : memref<128x128xf32, #tpu.memory_space<vmem>>, vector<1x16xf32>,
        %mul3A_752 = arith.constant 16 : i32
        %mul3A_753 = arith.muli %scan3A_183, %mul3A_752 : i32
        %add3A_754 = arith.constant 6 : i32
        %add3A_755 = arith.addi %mul3A_753, %add3A_754 : i32
        %slice3A_756 = vector.extract_strided_slice %get3A_189 {offsets = [6], sizes = [1], strides = [1]} : vector<16xf32> to vector<1xf32>
        %squeeze3A_757 = vector.extract %slice3A_756[0] : f32 from vector<1xf32>
        %get3A_758 = arith.index_cast %add3A_755 : i32 to index
        %get3A_759 = arith.constant 0 : index
        %get3A_760 = tpu.vector_load %arg10[%get3A_758, %get3A_759] {strides = array<i32>} : memref<128x128xf32, #tpu.memory_space<vmem>>, vector<1x16xf32>,
        %get3A_761 = vector.shape_cast %get3A_760 : vector<1x16xf32> to vector<16xf32>
        %mul3A_762 = vector.broadcast %squeeze3A_757 : f32 to vector<16xf32>
        %mul3A_763 = arith.mulf %get3A_761, %mul3A_762 : vector<16xf32>
        %swap3A_764 = arith.index_cast %add3A_755 : i32 to index
        %swap3A_765 = arith.constant 0 : index
        %swap3A_766 = tpu.vector_load %arg10[%swap3A_764, %swap3A_765] {strides = array<i32>} : memref<128x128xf32, #tpu.memory_space<vmem>>, vector<1x16xf32>,
        %swap3A_767 = vector.shape_cast %swap3A_766 : vector<1x16xf32> to vector<16xf32>
        %swap3A_768 = vector.shape_cast %mul3A_763 : vector<16xf32> to vector<1x16xf32>
        tpu.vector_store %arg10[%swap3A_764, %swap3A_765], %swap3A_768 {strides = array<i32>} : memref<128x128xf32, #tpu.memory_space<vmem>>, vector<1x16xf32>,
        %get3A_769 = arith.index_cast %add3A_755 : i32 to index
        %get3A_770 = arith.constant 16 : index
        %get3A_771 = tpu.vector_load %arg10[%get3A_769, %get3A_770] {strides = array<i32>} : memref<128x128xf32, #tpu.memory_space<vmem>>, vector<1x16xf32>,
        %get3A_772 = vector.shape_cast %get3A_771 : vector<1x16xf32> to vector<16xf32>
        %mul3A_773 = vector.broadcast %squeeze3A_757 : f32 to vector<16xf32>
        %mul3A_774 = arith.mulf %get3A_772, %mul3A_773 : vector<16xf32>
        %swap3A_775 = arith.index_cast %add3A_755 : i32 to index
        %swap3A_776 = arith.constant 16 : index
        %swap3A_777 = tpu.vector_load %arg10[%swap3A_775, %swap3A_776] {strides = array<i32>} : memref<128x128xf32, #tpu.memory_space<vmem>>, vector<1x16xf32>,
        %swap3A_778 = vector.shape_cast %swap3A_777 : vector<1x16xf32> to vector<16xf32>
        %swap3A_779 = vector.shape_cast %mul3A_774 : vector<16xf32> to vector<1x16xf32>
        tpu.vector_store %arg10[%swap3A_775, %swap3A_776], %swap3A_779 {strides = array<i32>} : memref<128x128xf32, #tpu.memory_space<vmem>>, vector<1x16xf32>,
        %get3A_780 = arith.index_cast %add3A_755 : i32 to index
        %get3A_781 = arith.constant 32 : index
        %get3A_782 = tpu.vector_load %arg10[%get3A_780, %get3A_781] {strides = array<i32>} : memref<128x128xf32, #tpu.memory_space<vmem>>, vector<1x16xf32>,
        %get3A_783 = vector.shape_cast %get3A_782 : vector<1x16xf32> to vector<16xf32>
        %mul3A_784 = vector.broadcast %squeeze3A_757 : f32 to vector<16xf32>
        %mul3A_785 = arith.mulf %get3A_783, %mul3A_784 : vector<16xf32>
        %swap3A_786 = arith.index_cast %add3A_755 : i32 to index
        %swap3A_787 = arith.constant 32 : index
        %swap3A_788 = tpu.vector_load %arg10[%swap3A_786, %swap3A_787] {strides = array<i32>} : memref<128x128xf32, #tpu.memory_space<vmem>>, vector<1x16xf32>,
        %swap3A_789 = vector.shape_cast %swap3A_788 : vector<1x16xf32> to vector<16xf32>
        %swap3A_790 = vector.shape_cast %mul3A_785 : vector<16xf32> to vector<1x16xf32>
        tpu.vector_store %arg10[%swap3A_786, %swap3A_787], %swap3A_790 {strides = array<i32>} : memref<128x128xf32, #tpu.memory_space<vmem>>, vector<1x16xf32>,
        %get3A_791 = arith.index_cast %add3A_755 : i32 to index
        %get3A_792 = arith.constant 48 : index
        %get3A_793 = tpu.vector_load %arg10[%get3A_791, %get3A_792] {strides = array<i32>} : memref<128x128xf32, #tpu.memory_space<vmem>>, vector<1x16xf32>,
        %get3A_794 = vector.shape_cast %get3A_793 : vector<1x16xf32> to vector<16xf32>
        %mul3A_795 = vector.broadcast %squeeze3A_757 : f32 to vector<16xf32>
        %mul3A_796 = arith.mulf %get3A_794, %mul3A_795 : vector<16xf32>
        %swap3A_797 = arith.index_cast %add3A_755 : i32 to index
        %swap3A_798 = arith.constant 48 : index
        %swap3A_799 = tpu.vector_load %arg10[%swap3A_797, %swap3A_798] {strides = array<i32>} : memref<128x128xf32, #tpu.memory_space<vmem>>, vector<1x16xf32>,
        %swap3A_800 = vector.shape_cast %swap3A_799 : vector<1x16xf32> to vector<16xf32>
        %swap3A_801 = vector.shape_cast %mul3A_796 : vector<16xf32> to vector<1x16xf32>
        tpu.vector_store %arg10[%swap3A_797, %swap3A_798], %swap3A_801 {strides = array<i32>} : memref<128x128xf32, #tpu.memory_space<vmem>>, vector<1x16xf32>,
        %get3A_802 = arith.index_cast %add3A_755 : i32 to index
        %get3A_803 = arith.constant 64 : index
        %get3A_804 = tpu.vector_load %arg10[%get3A_802, %get3A_803] {strides = array<i32>} : memref<128x128xf32, #tpu.memory_space<vmem>>, vector<1x16xf32>,
        %get3A_805 = vector.shape_cast %get3A_804 : vector<1x16xf32> to vector<16xf32>
        %mul3A_806 = vector.broadcast %squeeze3A_757 : f32 to vector<16xf32>
        %mul3A_807 = arith.mulf %get3A_805, %mul3A_806 : vector<16xf32>
        %swap3A_808 = arith.index_cast %add3A_755 : i32 to index
        %swap3A_809 = arith.constant 64 : index
        %swap3A_810 = tpu.vector_load %arg10[%swap3A_808, %swap3A_809] {strides = array<i32>} : memref<128x128xf32, #tpu.memory_space<vmem>>, vector<1x16xf32>,
        %swap3A_811 = vector.shape_cast %swap3A_810 : vector<1x16xf32> to vector<16xf32>
        %swap3A_812 = vector.shape_cast %mul3A_807 : vector<16xf32> to vector<1x16xf32>
        tpu.vector_store %arg10[%swap3A_808, %swap3A_809], %swap3A_812 {strides = array<i32>} : memref<128x128xf32, #tpu.memory_space<vmem>>, vector<1x16xf32>,
        %get3A_813 = arith.index_cast %add3A_755 : i32 to index
        %get3A_814 = arith.constant 80 : index
        %get3A_815 = tpu.vector_load %arg10[%get3A_813, %get3A_814] {strides = array<i32>} : memref<128x128xf32, #tpu.memory_space<vmem>>, vector<1x16xf32>,
        %get3A_816 = vector.shape_cast %get3A_815 : vector<1x16xf32> to vector<16xf32>
        %mul3A_817 = vector.broadcast %squeeze3A_757 : f32 to vector<16xf32>
        %mul3A_818 = arith.mulf %get3A_816, %mul3A_817 : vector<16xf32>
        %swap3A_819 = arith.index_cast %add3A_755 : i32 to index
        %swap3A_820 = arith.constant 80 : index
        %swap3A_821 = tpu.vector_load %arg10[%swap3A_819, %swap3A_820] {strides = array<i32>} : memref<128x128xf32, #tpu.memory_space<vmem>>, vector<1x16xf32>,
        %swap3A_822 = vector.shape_cast %swap3A_821 : vector<1x16xf32> to vector<16xf32>
        %swap3A_823 = vector.shape_cast %mul3A_818 : vector<16xf32> to vector<1x16xf32>
        tpu.vector_store %arg10[%swap3A_819, %swap3A_820], %swap3A_823 {strides = array<i32>} : memref<128x128xf32, #tpu.memory_space<vmem>>, vector<1x16xf32>,
        %get3A_824 = arith.index_cast %add3A_755 : i32 to index
        %get3A_825 = arith.constant 96 : index
        %get3A_826 = tpu.vector_load %arg10[%get3A_824, %get3A_825] {strides = array<i32>} : memref<128x128xf32, #tpu.memory_space<vmem>>, vector<1x16xf32>,
        %get3A_827 = vector.shape_cast %get3A_826 : vector<1x16xf32> to vector<16xf32>
        %mul3A_828 = vector.broadcast %squeeze3A_757 : f32 to vector<16xf32>
        %mul3A_829 = arith.mulf %get3A_827, %mul3A_828 : vector<16xf32>
        %swap3A_830 = arith.index_cast %add3A_755 : i32 to index
        %swap3A_831 = arith.constant 96 : index
        %swap3A_832 = tpu.vector_load %arg10[%swap3A_830, %swap3A_831] {strides = array<i32>} : memref<128x128xf32, #tpu.memory_space<vmem>>, vector<1x16xf32>,
        %swap3A_833 = vector.shape_cast %swap3A_832 : vector<1x16xf32> to vector<16xf32>
        %swap3A_834 = vector.shape_cast %mul3A_829 : vector<16xf32> to vector<1x16xf32>
        tpu.vector_store %arg10[%swap3A_830, %swap3A_831], %swap3A_834 {strides = array<i32>} : memref<128x128xf32, #tpu.memory_space<vmem>>, vector<1x16xf32>,
        %get3A_835 = arith.index_cast %add3A_755 : i32 to index
        %get3A_836 = arith.constant 112 : index
        %get3A_837 = tpu.vector_load %arg10[%get3A_835, %get3A_836] {strides = array<i32>} : memref<128x128xf32, #tpu.memory_space<vmem>>, vector<1x16xf32>,
        %get3A_838 = vector.shape_cast %get3A_837 : vector<1x16xf32> to vector<16xf32>
        %mul3A_839 = vector.broadcast %squeeze3A_757 : f32 to vector<16xf32>
        %mul3A_840 = arith.mulf %get3A_838, %mul3A_839 : vector<16xf32>
        %swap3A_841 = arith.index_cast %add3A_755 : i32 to index
        %swap3A_842 = arith.constant 112 : index
        %swap3A_843 = tpu.vector_load %arg10[%swap3A_841, %swap3A_842] {strides = array<i32>} : memref<128x128xf32, #tpu.memory_space<vmem>>, vector<1x16xf32>,
        %swap3A_844 = vector.shape_cast %swap3A_843 : vector<1x16xf32> to vector<16xf32>
        %swap3A_845 = vector.shape_cast %mul3A_840 : vector<16xf32> to vector<1x16xf32>
        tpu.vector_store %arg10[%swap3A_841, %swap3A_842], %swap3A_845 {strides = array<i32>} : memref<128x128xf32, #tpu.memory_space<vmem>>, vector<1x16xf32>,
        %mul3A_846 = arith.constant 16 : i32
        %mul3A_847 = arith.muli %scan3A_183, %mul3A_846 : i32
        %add3A_848 = arith.constant 7 : i32
        %add3A_849 = arith.addi %mul3A_847, %add3A_848 : i32
        %slice3A_850 = vector.extract_strided_slice %get3A_189 {offsets = [7], sizes = [1], strides = [1]} : vector<16xf32> to vector<1xf32>
        %squeeze3A_851 = vector.extract %slice3A_850[0] : f32 from vector<1xf32>
        %get3A_852 = arith.index_cast %add3A_849 : i32 to index
        %get3A_853 = arith.constant 0 : index
        %get3A_854 = tpu.vector_load %arg10[%get3A_852, %get3A_853] {strides = array<i32>} : memref<128x128xf32, #tpu.memory_space<vmem>>, vector<1x16xf32>,
        %get3A_855 = vector.shape_cast %get3A_854 : vector<1x16xf32> to vector<16xf32>
        %mul3A_856 = vector.broadcast %squeeze3A_851 : f32 to vector<16xf32>
        %mul3A_857 = arith.mulf %get3A_855, %mul3A_856 : vector<16xf32>
        %swap3A_858 = arith.index_cast %add3A_849 : i32 to index
        %swap3A_859 = arith.constant 0 : index
        %swap3A_860 = tpu.vector_load %arg10[%swap3A_858, %swap3A_859] {strides = array<i32>} : memref<128x128xf32, #tpu.memory_space<vmem>>, vector<1x16xf32>,
        %swap3A_861 = vector.shape_cast %swap3A_860 : vector<1x16xf32> to vector<16xf32>
        %swap3A_862 = vector.shape_cast %mul3A_857 : vector<16xf32> to vector<1x16xf32>
        tpu.vector_store %arg10[%swap3A_858, %swap3A_859], %swap3A_862 {strides = array<i32>} : memref<128x128xf32, #tpu.memory_space<vmem>>, vector<1x16xf32>,
        %get3A_863 = arith.index_cast %add3A_849 : i32 to index
        %get3A_864 = arith.constant 16 : index
        %get3A_865 = tpu.vector_load %arg10[%get3A_863, %get3A_864] {strides = array<i32>} : memref<128x128xf32, #tpu.memory_space<vmem>>, vector<1x16xf32>,
        %get3A_866 = vector.shape_cast %get3A_865 : vector<1x16xf32> to vector<16xf32>
        %mul3A_867 = vector.broadcast %squeeze3A_851 : f32 to vector<16xf32>
        %mul3A_868 = arith.mulf %get3A_866, %mul3A_867 : vector<16xf32>
        %swap3A_869 = arith.index_cast %add3A_849 : i32 to index
        %swap3A_870 = arith.constant 16 : index
        %swap3A_871 = tpu.vector_load %arg10[%swap3A_869, %swap3A_870] {strides = array<i32>} : memref<128x128xf32, #tpu.memory_space<vmem>>, vector<1x16xf32>,
        %swap3A_872 = vector.shape_cast %swap3A_871 : vector<1x16xf32> to vector<16xf32>
        %swap3A_873 = vector.shape_cast %mul3A_868 : vector<16xf32> to vector<1x16xf32>
        tpu.vector_store %arg10[%swap3A_869, %swap3A_870], %swap3A_873 {strides = array<i32>} : memref<128x128xf32, #tpu.memory_space<vmem>>, vector<1x16xf32>,
        %get3A_874 = arith.index_cast %add3A_849 : i32 to index
        %get3A_875 = arith.constant 32 : index
        %get3A_876 = tpu.vector_load %arg10[%get3A_874, %get3A_875] {strides = array<i32>} : memref<128x128xf32, #tpu.memory_space<vmem>>, vector<1x16xf32>,
        %get3A_877 = vector.shape_cast %get3A_876 : vector<1x16xf32> to vector<16xf32>
        %mul3A_878 = vector.broadcast %squeeze3A_851 : f32 to vector<16xf32>
        %mul3A_879 = arith.mulf %get3A_877, %mul3A_878 : vector<16xf32>
        %swap3A_880 = arith.index_cast %add3A_849 : i32 to index
        %swap3A_881 = arith.constant 32 : index
        %swap3A_882 = tpu.vector_load %arg10[%swap3A_880, %swap3A_881] {strides = array<i32>} : memref<128x128xf32, #tpu.memory_space<vmem>>, vector<1x16xf32>,
        %swap3A_883 = vector.shape_cast %swap3A_882 : vector<1x16xf32> to vector<16xf32>
        %swap3A_884 = vector.shape_cast %mul3A_879 : vector<16xf32> to vector<1x16xf32>
        tpu.vector_store %arg10[%swap3A_880, %swap3A_881], %swap3A_884 {strides = array<i32>} : memref<128x128xf32, #tpu.memory_space<vmem>>, vector<1x16xf32>,
        %get3A_885 = arith.index_cast %add3A_849 : i32 to index
        %get3A_886 = arith.constant 48 : index
        %get3A_887 = tpu.vector_load %arg10[%get3A_885, %get3A_886] {strides = array<i32>} : memref<128x128xf32, #tpu.memory_space<vmem>>, vector<1x16xf32>,
        %get3A_888 = vector.shape_cast %get3A_887 : vector<1x16xf32> to vector<16xf32>
        %mul3A_889 = vector.broadcast %squeeze3A_851 : f32 to vector<16xf32>
        %mul3A_890 = arith.mulf %get3A_888, %mul3A_889 : vector<16xf32>
        %swap3A_891 = arith.index_cast %add3A_849 : i32 to index
        %swap3A_892 = arith.constant 48 : index
        %swap3A_893 = tpu.vector_load %arg10[%swap3A_891, %swap3A_892] {strides = array<i32>} : memref<128x128xf32, #tpu.memory_space<vmem>>, vector<1x16xf32>,
        %swap3A_894 = vector.shape_cast %swap3A_893 : vector<1x16xf32> to vector<16xf32>
        %swap3A_895 = vector.shape_cast %mul3A_890 : vector<16xf32> to vector<1x16xf32>
        tpu.vector_store %arg10[%swap3A_891, %swap3A_892], %swap3A_895 {strides = array<i32>} : memref<128x128xf32, #tpu.memory_space<vmem>>, vector<1x16xf32>,
        %get3A_896 = arith.index_cast %add3A_849 : i32 to index
        %get3A_897 = arith.constant 64 : index
        %get3A_898 = tpu.vector_load %arg10[%get3A_896, %get3A_897] {strides = array<i32>} : memref<128x128xf32, #tpu.memory_space<vmem>>, vector<1x16xf32>,
        %get3A_899 = vector.shape_cast %get3A_898 : vector<1x16xf32> to vector<16xf32>
        %mul3A_900 = vector.broadcast %squeeze3A_851 : f32 to vector<16xf32>
        %mul3A_901 = arith.mulf %get3A_899, %mul3A_900 : vector<16xf32>
        %swap3A_902 = arith.index_cast %add3A_849 : i32 to index
        %swap3A_903 = arith.constant 64 : index
        %swap3A_904 = tpu.vector_load %arg10[%swap3A_902, %swap3A_903] {strides = array<i32>} : memref<128x128xf32, #tpu.memory_space<vmem>>, vector<1x16xf32>,
        %swap3A_905 = vector.shape_cast %swap3A_904 : vector<1x16xf32> to vector<16xf32>
        %swap3A_906 = vector.shape_cast %mul3A_901 : vector<16xf32> to vector<1x16xf32>
        tpu.vector_store %arg10[%swap3A_902, %swap3A_903], %swap3A_906 {strides = array<i32>} : memref<128x128xf32, #tpu.memory_space<vmem>>, vector<1x16xf32>,
        %get3A_907 = arith.index_cast %add3A_849 : i32 to index
        %get3A_908 = arith.constant 80 : index
        %get3A_909 = tpu.vector_load %arg10[%get3A_907, %get3A_908] {strides = array<i32>} : memref<128x128xf32, #tpu.memory_space<vmem>>, vector<1x16xf32>,
        %get3A_910 = vector.shape_cast %get3A_909 : vector<1x16xf32> to vector<16xf32>
        %mul3A_911 = vector.broadcast %squeeze3A_851 : f32 to vector<16xf32>
        %mul3A_912 = arith.mulf %get3A_910, %mul3A_911 : vector<16xf32>
        %swap3A_913 = arith.index_cast %add3A_849 : i32 to index
        %swap3A_914 = arith.constant 80 : index
        %swap3A_915 = tpu.vector_load %arg10[%swap3A_913, %swap3A_914] {strides = array<i32>} : memref<128x128xf32, #tpu.memory_space<vmem>>, vector<1x16xf32>,
        %swap3A_916 = vector.shape_cast %swap3A_915 : vector<1x16xf32> to vector<16xf32>
        %swap3A_917 = vector.shape_cast %mul3A_912 : vector<16xf32> to vector<1x16xf32>
        tpu.vector_store %arg10[%swap3A_913, %swap3A_914], %swap3A_917 {strides = array<i32>} : memref<128x128xf32, #tpu.memory_space<vmem>>, vector<1x16xf32>,
        %get3A_918 = arith.index_cast %add3A_849 : i32 to index
        %get3A_919 = arith.constant 96 : index
        %get3A_920 = tpu.vector_load %arg10[%get3A_918, %get3A_919] {strides = array<i32>} : memref<128x128xf32, #tpu.memory_space<vmem>>, vector<1x16xf32>,
        %get3A_921 = vector.shape_cast %get3A_920 : vector<1x16xf32> to vector<16xf32>
        %mul3A_922 = vector.broadcast %squeeze3A_851 : f32 to vector<16xf32>
        %mul3A_923 = arith.mulf %get3A_921, %mul3A_922 : vector<16xf32>
        %swap3A_924 = arith.index_cast %add3A_849 : i32 to index
        %swap3A_925 = arith.constant 96 : index
        %swap3A_926 = tpu.vector_load %arg10[%swap3A_924, %swap3A_925] {strides = array<i32>} : memref<128x128xf32, #tpu.memory_space<vmem>>, vector<1x16xf32>,
        %swap3A_927 = vector.shape_cast %swap3A_926 : vector<1x16xf32> to vector<16xf32>
        %swap3A_928 = vector.shape_cast %mul3A_923 : vector<16xf32> to vector<1x16xf32>
        tpu.vector_store %arg10[%swap3A_924, %swap3A_925], %swap3A_928 {strides = array<i32>} : memref<128x128xf32, #tpu.memory_space<vmem>>, vector<1x16xf32>,
        %get3A_929 = arith.index_cast %add3A_849 : i32 to index
        %get3A_930 = arith.constant 112 : index
        %get3A_931 = tpu.vector_load %arg10[%get3A_929, %get3A_930] {strides = array<i32>} : memref<128x128xf32, #tpu.memory_space<vmem>>, vector<1x16xf32>,
        %get3A_932 = vector.shape_cast %get3A_931 : vector<1x16xf32> to vector<16xf32>
        %mul3A_933 = vector.broadcast %squeeze3A_851 : f32 to vector<16xf32>
        %mul3A_934 = arith.mulf %get3A_932, %mul3A_933 : vector<16xf32>
        %swap3A_935 = arith.index_cast %add3A_849 : i32 to index
        %swap3A_936 = arith.constant 112 : index
        %swap3A_937 = tpu.vector_load %arg10[%swap3A_935, %swap3A_936] {strides = array<i32>} : memref<128x128xf32, #tpu.memory_space<vmem>>, vector<1x16xf32>,
        %swap3A_938 = vector.shape_cast %swap3A_937 : vector<1x16xf32> to vector<16xf32>
        %swap3A_939 = vector.shape_cast %mul3A_934 : vector<16xf32> to vector<1x16xf32>
        tpu.vector_store %arg10[%swap3A_935, %swap3A_936], %swap3A_939 {strides = array<i32>} : memref<128x128xf32, #tpu.memory_space<vmem>>, vector<1x16xf32>,
        %mul3A_940 = arith.constant 16 : i32
        %mul3A_941 = arith.muli %scan3A_183, %mul3A_940 : i32
        %add3A_942 = arith.constant 8 : i32
        %add3A_943 = arith.addi %mul3A_941, %add3A_942 : i32
        %slice3A_944 = vector.extract_strided_slice %get3A_189 {offsets = [8], sizes = [1], strides = [1]} : vector<16xf32> to vector<1xf32>
        %squeeze3A_945 = vector.extract %slice3A_944[0] : f32 from vector<1xf32>
        %get3A_946 = arith.index_cast %add3A_943 : i32 to index
        %get3A_947 = arith.constant 0 : index
        %get3A_948 = tpu.vector_load %arg10[%get3A_946, %get3A_947] {strides = array<i32>} : memref<128x128xf32, #tpu.memory_space<vmem>>, vector<1x16xf32>,
        %get3A_949 = vector.shape_cast %get3A_948 : vector<1x16xf32> to vector<16xf32>
        %mul3A_950 = vector.broadcast %squeeze3A_945 : f32 to vector<16xf32>
        %mul3A_951 = arith.mulf %get3A_949, %mul3A_950 : vector<16xf32>
        %swap3A_952 = arith.index_cast %add3A_943 : i32 to index
        %swap3A_953 = arith.constant 0 : index
        %swap3A_954 = tpu.vector_load %arg10[%swap3A_952, %swap3A_953] {strides = array<i32>} : memref<128x128xf32, #tpu.memory_space<vmem>>, vector<1x16xf32>,
        %swap3A_955 = vector.shape_cast %swap3A_954 : vector<1x16xf32> to vector<16xf32>
        %swap3A_956 = vector.shape_cast %mul3A_951 : vector<16xf32> to vector<1x16xf32>
        tpu.vector_store %arg10[%swap3A_952, %swap3A_953], %swap3A_956 {strides = array<i32>} : memref<128x128xf32, #tpu.memory_space<vmem>>, vector<1x16xf32>,
        %get3A_957 = arith.index_cast %add3A_943 : i32 to index
        %get3A_958 = arith.constant 16 : index
        %get3A_959 = tpu.vector_load %arg10[%get3A_957, %get3A_958] {strides = array<i32>} : memref<128x128xf32, #tpu.memory_space<vmem>>, vector<1x16xf32>,
        %get3A_960 = vector.shape_cast %get3A_959 : vector<1x16xf32> to vector<16xf32>
        %mul3A_961 = vector.broadcast %squeeze3A_945 : f32 to vector<16xf32>
        %mul3A_962 = arith.mulf %get3A_960, %mul3A_961 : vector<16xf32>
        %swap3A_963 = arith.index_cast %add3A_943 : i32 to index
        %swap3A_964 = arith.constant 16 : index
        %swap3A_965 = tpu.vector_load %arg10[%swap3A_963, %swap3A_964] {strides = array<i32>} : memref<128x128xf32, #tpu.memory_space<vmem>>, vector<1x16xf32>,
        %swap3A_966 = vector.shape_cast %swap3A_965 : vector<1x16xf32> to vector<16xf32>
        %swap3A_967 = vector.shape_cast %mul3A_962 : vector<16xf32> to vector<1x16xf32>
        tpu.vector_store %arg10[%swap3A_963, %swap3A_964], %swap3A_967 {strides = array<i32>} : memref<128x128xf32, #tpu.memory_space<vmem>>, vector<1x16xf32>,
        %get3A_968 = arith.index_cast %add3A_943 : i32 to index
        %get3A_969 = arith.constant 32 : index
        %get3A_970 = tpu.vector_load %arg10[%get3A_968, %get3A_969] {strides = array<i32>} : memref<128x128xf32, #tpu.memory_space<vmem>>, vector<1x16xf32>,
        %get3A_971 = vector.shape_cast %get3A_970 : vector<1x16xf32> to vector<16xf32>
        %mul3A_972 = vector.broadcast %squeeze3A_945 : f32 to vector<16xf32>
        %mul3A_973 = arith.mulf %get3A_971, %mul3A_972 : vector<16xf32>
        %swap3A_974 = arith.index_cast %add3A_943 : i32 to index
        %swap3A_975 = arith.constant 32 : index
        %swap3A_976 = tpu.vector_load %arg10[%swap3A_974, %swap3A_975] {strides = array<i32>} : memref<128x128xf32, #tpu.memory_space<vmem>>, vector<1x16xf32>,
        %swap3A_977 = vector.shape_cast %swap3A_976 : vector<1x16xf32> to vector<16xf32>
        %swap3A_978 = vector.shape_cast %mul3A_973 : vector<16xf32> to vector<1x16xf32>
        tpu.vector_store %arg10[%swap3A_974, %swap3A_975], %swap3A_978 {strides = array<i32>} : memref<128x128xf32, #tpu.memory_space<vmem>>, vector<1x16xf32>,
        %get3A_979 = arith.index_cast %add3A_943 : i32 to index
        %get3A_980 = arith.constant 48 : index
        %get3A_981 = tpu.vector_load %arg10[%get3A_979, %get3A_980] {strides = array<i32>} : memref<128x128xf32, #tpu.memory_space<vmem>>, vector<1x16xf32>,
        %get3A_982 = vector.shape_cast %get3A_981 : vector<1x16xf32> to vector<16xf32>
        %mul3A_983 = vector.broadcast %squeeze3A_945 : f32 to vector<16xf32>
        %mul3A_984 = arith.mulf %get3A_982, %mul3A_983 : vector<16xf32>
        %swap3A_985 = arith.index_cast %add3A_943 : i32 to index
        %swap3A_986 = arith.constant 48 : index
        %swap3A_987 = tpu.vector_load %arg10[%swap3A_985, %swap3A_986] {strides = array<i32>} : memref<128x128xf32, #tpu.memory_space<vmem>>, vector<1x16xf32>,
        %swap3A_988 = vector.shape_cast %swap3A_987 : vector<1x16xf32> to vector<16xf32>
        %swap3A_989 = vector.shape_cast %mul3A_984 : vector<16xf32> to vector<1x16xf32>
        tpu.vector_store %arg10[%swap3A_985, %swap3A_986], %swap3A_989 {strides = array<i32>} : memref<128x128xf32, #tpu.memory_space<vmem>>, vector<1x16xf32>,
        %get3A_990 = arith.index_cast %add3A_943 : i32 to index
        %get3A_991 = arith.constant 64 : index
        %get3A_992 = tpu.vector_load %arg10[%get3A_990, %get3A_991] {strides = array<i32>} : memref<128x128xf32, #tpu.memory_space<vmem>>, vector<1x16xf32>,
        %get3A_993 = vector.shape_cast %get3A_992 : vector<1x16xf32> to vector<16xf32>
        %mul3A_994 = vector.broadcast %squeeze3A_945 : f32 to vector<16xf32>
        %mul3A_995 = arith.mulf %get3A_993, %mul3A_994 : vector<16xf32>
        %swap3A_996 = arith.index_cast %add3A_943 : i32 to index
        %swap3A_997 = arith.constant 64 : index
        %swap3A_998 = tpu.vector_load %arg10[%swap3A_996, %swap3A_997] {strides = array<i32>} : memref<128x128xf32, #tpu.memory_space<vmem>>, vector<1x16xf32>,
        %swap3A_999 = vector.shape_cast %swap3A_998 : vector<1x16xf32> to vector<16xf32>
        %swap3A_1000 = vector.shape_cast %mul3A_995 : vector<16xf32> to vector<1x16xf32>
        tpu.vector_store %arg10[%swap3A_996, %swap3A_997], %swap3A_1000 {strides = array<i32>} : memref<128x128xf32, #tpu.memory_space<vmem>>, vector<1x16xf32>,
        %get3A_1001 = arith.index_cast %add3A_943 : i32 to index
        %get3A_1002 = arith.constant 80 : index
        %get3A_1003 = tpu.vector_load %arg10[%get3A_1001, %get3A_1002] {strides = array<i32>} : memref<128x128xf32, #tpu.memory_space<vmem>>, vector<1x16xf32>,
        %get3A_1004 = vector.shape_cast %get3A_1003 : vector<1x16xf32> to vector<16xf32>
        %mul3A_1005 = vector.broadcast %squeeze3A_945 : f32 to vector<16xf32>
        %mul3A_1006 = arith.mulf %get3A_1004, %mul3A_1005 : vector<16xf32>
        %swap3A_1007 = arith.index_cast %add3A_943 : i32 to index
        %swap3A_1008 = arith.constant 80 : index
        %swap3A_1009 = tpu.vector_load %arg10[%swap3A_1007, %swap3A_1008] {strides = array<i32>} : memref<128x128xf32, #tpu.memory_space<vmem>>, vector<1x16xf32>,
        %swap3A_1010 = vector.shape_cast %swap3A_1009 : vector<1x16xf32> to vector<16xf32>
        %swap3A_1011 = vector.shape_cast %mul3A_1006 : vector<16xf32> to vector<1x16xf32>
        tpu.vector_store %arg10[%swap3A_1007, %swap3A_1008], %swap3A_1011 {strides = array<i32>} : memref<128x128xf32, #tpu.memory_space<vmem>>, vector<1x16xf32>,
        %get3A_1012 = arith.index_cast %add3A_943 : i32 to index
        %get3A_1013 = arith.constant 96 : index
        %get3A_1014 = tpu.vector_load %arg10[%get3A_1012, %get3A_1013] {strides = array<i32>} : memref<128x128xf32, #tpu.memory_space<vmem>>, vector<1x16xf32>,
        %get3A_1015 = vector.shape_cast %get3A_1014 : vector<1x16xf32> to vector<16xf32>
        %mul3A_1016 = vector.broadcast %squeeze3A_945 : f32 to vector<16xf32>
        %mul3A_1017 = arith.mulf %get3A_1015, %mul3A_1016 : vector<16xf32>
        %swap3A_1018 = arith.index_cast %add3A_943 : i32 to index
        %swap3A_1019 = arith.constant 96 : index
        %swap3A_1020 = tpu.vector_load %arg10[%swap3A_1018, %swap3A_1019] {strides = array<i32>} : memref<128x128xf32, #tpu.memory_space<vmem>>, vector<1x16xf32>,
        %swap3A_1021 = vector.shape_cast %swap3A_1020 : vector<1x16xf32> to vector<16xf32>
        %swap3A_1022 = vector.shape_cast %mul3A_1017 : vector<16xf32> to vector<1x16xf32>
        tpu.vector_store %arg10[%swap3A_1018, %swap3A_1019], %swap3A_1022 {strides = array<i32>} : memref<128x128xf32, #tpu.memory_space<vmem>>, vector<1x16xf32>,
        %get3A_1023 = arith.index_cast %add3A_943 : i32 to index
        %get3A_1024 = arith.constant 112 : index
        %get3A_1025 = tpu.vector_load %arg10[%get3A_1023, %get3A_1024] {strides = array<i32>} : memref<128x128xf32, #tpu.memory_space<vmem>>, vector<1x16xf32>,
        %get3A_1026 = vector.shape_cast %get3A_1025 : vector<1x16xf32> to vector<16xf32>
        %mul3A_1027 = vector.broadcast %squeeze3A_945 : f32 to vector<16xf32>
        %mul3A_1028 = arith.mulf %get3A_1026, %mul3A_1027 : vector<16xf32>
        %swap3A_1029 = arith.index_cast %add3A_943 : i32 to index
        %swap3A_1030 = arith.constant 112 : index
        %swap3A_1031 = tpu.vector_load %arg10[%swap3A_1029, %swap3A_1030] {strides = array<i32>} : memref<128x128xf32, #tpu.memory_space<vmem>>, vector<1x16xf32>,
        %swap3A_1032 = vector.shape_cast %swap3A_1031 : vector<1x16xf32> to vector<16xf32>
        %swap3A_1033 = vector.shape_cast %mul3A_1028 : vector<16xf32> to vector<1x16xf32>
        tpu.vector_store %arg10[%swap3A_1029, %swap3A_1030], %swap3A_1033 {strides = array<i32>} : memref<128x128xf32, #tpu.memory_space<vmem>>, vector<1x16xf32>,
        %mul3A_1034 = arith.constant 16 : i32
        %mul3A_1035 = arith.muli %scan3A_183, %mul3A_1034 : i32
        %add3A_1036 = arith.constant 9 : i32
        %add3A_1037 = arith.addi %mul3A_1035, %add3A_1036 : i32
        %slice3A_1038 = vector.extract_strided_slice %get3A_189 {offsets = [9], sizes = [1], strides = [1]} : vector<16xf32> to vector<1xf32>
        %squeeze3A_1039 = vector.extract %slice3A_1038[0] : f32 from vector<1xf32>
        %get3A_1040 = arith.index_cast %add3A_1037 : i32 to index
        %get3A_1041 = arith.constant 0 : index
        %get3A_1042 = tpu.vector_load %arg10[%get3A_1040, %get3A_1041] {strides = array<i32>} : memref<128x128xf32, #tpu.memory_space<vmem>>, vector<1x16xf32>,
        %get3A_1043 = vector.shape_cast %get3A_1042 : vector<1x16xf32> to vector<16xf32>
        %mul3A_1044 = vector.broadcast %squeeze3A_1039 : f32 to vector<16xf32>
        %mul3A_1045 = arith.mulf %get3A_1043, %mul3A_1044 : vector<16xf32>
        %swap3A_1046 = arith.index_cast %add3A_1037 : i32 to index
        %swap3A_1047 = arith.constant 0 : index
        %swap3A_1048 = tpu.vector_load %arg10[%swap3A_1046, %swap3A_1047] {strides = array<i32>} : memref<128x128xf32, #tpu.memory_space<vmem>>, vector<1x16xf32>,
        %swap3A_1049 = vector.shape_cast %swap3A_1048 : vector<1x16xf32> to vector<16xf32>
        %swap3A_1050 = vector.shape_cast %mul3A_1045 : vector<16xf32> to vector<1x16xf32>
        tpu.vector_store %arg10[%swap3A_1046, %swap3A_1047], %swap3A_1050 {strides = array<i32>} : memref<128x128xf32, #tpu.memory_space<vmem>>, vector<1x16xf32>,
        %get3A_1051 = arith.index_cast %add3A_1037 : i32 to index
        %get3A_1052 = arith.constant 16 : index
        %get3A_1053 = tpu.vector_load %arg10[%get3A_1051, %get3A_1052] {strides = array<i32>} : memref<128x128xf32, #tpu.memory_space<vmem>>, vector<1x16xf32>,
        %get3A_1054 = vector.shape_cast %get3A_1053 : vector<1x16xf32> to vector<16xf32>
        %mul3A_1055 = vector.broadcast %squeeze3A_1039 : f32 to vector<16xf32>
        %mul3A_1056 = arith.mulf %get3A_1054, %mul3A_1055 : vector<16xf32>
        %swap3A_1057 = arith.index_cast %add3A_1037 : i32 to index
        %swap3A_1058 = arith.constant 16 : index
        %swap3A_1059 = tpu.vector_load %arg10[%swap3A_1057, %swap3A_1058] {strides = array<i32>} : memref<128x128xf32, #tpu.memory_space<vmem>>, vector<1x16xf32>,
        %swap3A_1060 = vector.shape_cast %swap3A_1059 : vector<1x16xf32> to vector<16xf32>
        %swap3A_1061 = vector.shape_cast %mul3A_1056 : vector<16xf32> to vector<1x16xf32>
        tpu.vector_store %arg10[%swap3A_1057, %swap3A_1058], %swap3A_1061 {strides = array<i32>} : memref<128x128xf32, #tpu.memory_space<vmem>>, vector<1x16xf32>,
        %get3A_1062 = arith.index_cast %add3A_1037 : i32 to index
        %get3A_1063 = arith.constant 32 : index
        %get3A_1064 = tpu.vector_load %arg10[%get3A_1062, %get3A_1063] {strides = array<i32>} : memref<128x128xf32, #tpu.memory_space<vmem>>, vector<1x16xf32>,
        %get3A_1065 = vector.shape_cast %get3A_1064 : vector<1x16xf32> to vector<16xf32>
        %mul3A_1066 = vector.broadcast %squeeze3A_1039 : f32 to vector<16xf32>
        %mul3A_1067 = arith.mulf %get3A_1065, %mul3A_1066 : vector<16xf32>
        %swap3A_1068 = arith.index_cast %add3A_1037 : i32 to index
        %swap3A_1069 = arith.constant 32 : index
        %swap3A_1070 = tpu.vector_load %arg10[%swap3A_1068, %swap3A_1069] {strides = array<i32>} : memref<128x128xf32, #tpu.memory_space<vmem>>, vector<1x16xf32>,
        %swap3A_1071 = vector.shape_cast %swap3A_1070 : vector<1x16xf32> to vector<16xf32>
        %swap3A_1072 = vector.shape_cast %mul3A_1067 : vector<16xf32> to vector<1x16xf32>
        tpu.vector_store %arg10[%swap3A_1068, %swap3A_1069], %swap3A_1072 {strides = array<i32>} : memref<128x128xf32, #tpu.memory_space<vmem>>, vector<1x16xf32>,
        %get3A_1073 = arith.index_cast %add3A_1037 : i32 to index
        %get3A_1074 = arith.constant 48 : index
        %get3A_1075 = tpu.vector_load %arg10[%get3A_1073, %get3A_1074] {strides = array<i32>} : memref<128x128xf32, #tpu.memory_space<vmem>>, vector<1x16xf32>,
        %get3A_1076 = vector.shape_cast %get3A_1075 : vector<1x16xf32> to vector<16xf32>
        %mul3A_1077 = vector.broadcast %squeeze3A_1039 : f32 to vector<16xf32>
        %mul3A_1078 = arith.mulf %get3A_1076, %mul3A_1077 : vector<16xf32>
        %swap3A_1079 = arith.index_cast %add3A_1037 : i32 to index
        %swap3A_1080 = arith.constant 48 : index
        %swap3A_1081 = tpu.vector_load %arg10[%swap3A_1079, %swap3A_1080] {strides = array<i32>} : memref<128x128xf32, #tpu.memory_space<vmem>>, vector<1x16xf32>,
        %swap3A_1082 = vector.shape_cast %swap3A_1081 : vector<1x16xf32> to vector<16xf32>
        %swap3A_1083 = vector.shape_cast %mul3A_1078 : vector<16xf32> to vector<1x16xf32>
        tpu.vector_store %arg10[%swap3A_1079, %swap3A_1080], %swap3A_1083 {strides = array<i32>} : memref<128x128xf32, #tpu.memory_space<vmem>>, vector<1x16xf32>,
        %get3A_1084 = arith.index_cast %add3A_1037 : i32 to index
        %get3A_1085 = arith.constant 64 : index
        %get3A_1086 = tpu.vector_load %arg10[%get3A_1084, %get3A_1085] {strides = array<i32>} : memref<128x128xf32, #tpu.memory_space<vmem>>, vector<1x16xf32>,
        %get3A_1087 = vector.shape_cast %get3A_1086 : vector<1x16xf32> to vector<16xf32>
        %mul3A_1088 = vector.broadcast %squeeze3A_1039 : f32 to vector<16xf32>
        %mul3A_1089 = arith.mulf %get3A_1087, %mul3A_1088 : vector<16xf32>
        %swap3A_1090 = arith.index_cast %add3A_1037 : i32 to index
        %swap3A_1091 = arith.constant 64 : index
        %swap3A_1092 = tpu.vector_load %arg10[%swap3A_1090, %swap3A_1091] {strides = array<i32>} : memref<128x128xf32, #tpu.memory_space<vmem>>, vector<1x16xf32>,
        %swap3A_1093 = vector.shape_cast %swap3A_1092 : vector<1x16xf32> to vector<16xf32>
        %swap3A_1094 = vector.shape_cast %mul3A_1089 : vector<16xf32> to vector<1x16xf32>
        tpu.vector_store %arg10[%swap3A_1090, %swap3A_1091], %swap3A_1094 {strides = array<i32>} : memref<128x128xf32, #tpu.memory_space<vmem>>, vector<1x16xf32>,
        %get3A_1095 = arith.index_cast %add3A_1037 : i32 to index
        %get3A_1096 = arith.constant 80 : index
        %get3A_1097 = tpu.vector_load %arg10[%get3A_1095, %get3A_1096] {strides = array<i32>} : memref<128x128xf32, #tpu.memory_space<vmem>>, vector<1x16xf32>,
        %get3A_1098 = vector.shape_cast %get3A_1097 : vector<1x16xf32> to vector<16xf32>
        %mul3A_1099 = vector.broadcast %squeeze3A_1039 : f32 to vector<16xf32>
        %mul3A_1100 = arith.mulf %get3A_1098, %mul3A_1099 : vector<16xf32>
        %swap3A_1101 = arith.index_cast %add3A_1037 : i32 to index
        %swap3A_1102 = arith.constant 80 : index
        %swap3A_1103 = tpu.vector_load %arg10[%swap3A_1101, %swap3A_1102] {strides = array<i32>} : memref<128x128xf32, #tpu.memory_space<vmem>>, vector<1x16xf32>,
        %swap3A_1104 = vector.shape_cast %swap3A_1103 : vector<1x16xf32> to vector<16xf32>
        %swap3A_1105 = vector.shape_cast %mul3A_1100 : vector<16xf32> to vector<1x16xf32>
        tpu.vector_store %arg10[%swap3A_1101, %swap3A_1102], %swap3A_1105 {strides = array<i32>} : memref<128x128xf32, #tpu.memory_space<vmem>>, vector<1x16xf32>,
        %get3A_1106 = arith.index_cast %add3A_1037 : i32 to index
        %get3A_1107 = arith.constant 96 : index
        %get3A_1108 = tpu.vector_load %arg10[%get3A_1106, %get3A_1107] {strides = array<i32>} : memref<128x128xf32, #tpu.memory_space<vmem>>, vector<1x16xf32>,
        %get3A_1109 = vector.shape_cast %get3A_1108 : vector<1x16xf32> to vector<16xf32>
        %mul3A_1110 = vector.broadcast %squeeze3A_1039 : f32 to vector<16xf32>
        %mul3A_1111 = arith.mulf %get3A_1109, %mul3A_1110 : vector<16xf32>
        %swap3A_1112 = arith.index_cast %add3A_1037 : i32 to index
        %swap3A_1113 = arith.constant 96 : index
        %swap3A_1114 = tpu.vector_load %arg10[%swap3A_1112, %swap3A_1113] {strides = array<i32>} : memref<128x128xf32, #tpu.memory_space<vmem>>, vector<1x16xf32>,
        %swap3A_1115 = vector.shape_cast %swap3A_1114 : vector<1x16xf32> to vector<16xf32>
        %swap3A_1116 = vector.shape_cast %mul3A_1111 : vector<16xf32> to vector<1x16xf32>
        tpu.vector_store %arg10[%swap3A_1112, %swap3A_1113], %swap3A_1116 {strides = array<i32>} : memref<128x128xf32, #tpu.memory_space<vmem>>, vector<1x16xf32>,
        %get3A_1117 = arith.index_cast %add3A_1037 : i32 to index
        %get3A_1118 = arith.constant 112 : index
        %get3A_1119 = tpu.vector_load %arg10[%get3A_1117, %get3A_1118] {strides = array<i32>} : memref<128x128xf32, #tpu.memory_space<vmem>>, vector<1x16xf32>,
        %get3A_1120 = vector.shape_cast %get3A_1119 : vector<1x16xf32> to vector<16xf32>
        %mul3A_1121 = vector.broadcast %squeeze3A_1039 : f32 to vector<16xf32>
        %mul3A_1122 = arith.mulf %get3A_1120, %mul3A_1121 : vector<16xf32>
        %swap3A_1123 = arith.index_cast %add3A_1037 : i32 to index
        %swap3A_1124 = arith.constant 112 : index
        %swap3A_1125 = tpu.vector_load %arg10[%swap3A_1123, %swap3A_1124] {strides = array<i32>} : memref<128x128xf32, #tpu.memory_space<vmem>>, vector<1x16xf32>,
        %swap3A_1126 = vector.shape_cast %swap3A_1125 : vector<1x16xf32> to vector<16xf32>
        %swap3A_1127 = vector.shape_cast %mul3A_1122 : vector<16xf32> to vector<1x16xf32>
        tpu.vector_store %arg10[%swap3A_1123, %swap3A_1124], %swap3A_1127 {strides = array<i32>} : memref<128x128xf32, #tpu.memory_space<vmem>>, vector<1x16xf32>,
        %mul3A_1128 = arith.constant 16 : i32
        %mul3A_1129 = arith.muli %scan3A_183, %mul3A_1128 : i32
        %add3A_1130 = arith.constant 10 : i32
        %add3A_1131 = arith.addi %mul3A_1129, %add3A_1130 : i32
        %slice3A_1132 = vector.extract_strided_slice %get3A_189 {offsets = [10], sizes = [1], strides = [1]} : vector<16xf32> to vector<1xf32>
        %squeeze3A_1133 = vector.extract %slice3A_1132[0] : f32 from vector<1xf32>
        %get3A_1134 = arith.index_cast %add3A_1131 : i32 to index
        %get3A_1135 = arith.constant 0 : index
        %get3A_1136 = tpu.vector_load %arg10[%get3A_1134, %get3A_1135] {strides = array<i32>} : memref<128x128xf32, #tpu.memory_space<vmem>>, vector<1x16xf32>,
        %get3A_1137 = vector.shape_cast %get3A_1136 : vector<1x16xf32> to vector<16xf32>
        %mul3A_1138 = vector.broadcast %squeeze3A_1133 : f32 to vector<16xf32>
        %mul3A_1139 = arith.mulf %get3A_1137, %mul3A_1138 : vector<16xf32>
        %swap3A_1140 = arith.index_cast %add3A_1131 : i32 to index
        %swap3A_1141 = arith.constant 0 : index
        %swap3A_1142 = tpu.vector_load %arg10[%swap3A_1140, %swap3A_1141] {strides = array<i32>} : memref<128x128xf32, #tpu.memory_space<vmem>>, vector<1x16xf32>,
        %swap3A_1143 = vector.shape_cast %swap3A_1142 : vector<1x16xf32> to vector<16xf32>
        %swap3A_1144 = vector.shape_cast %mul3A_1139 : vector<16xf32> to vector<1x16xf32>
        tpu.vector_store %arg10[%swap3A_1140, %swap3A_1141], %swap3A_1144 {strides = array<i32>} : memref<128x128xf32, #tpu.memory_space<vmem>>, vector<1x16xf32>,
        %get3A_1145 = arith.index_cast %add3A_1131 : i32 to index
        %get3A_1146 = arith.constant 16 : index
        %get3A_1147 = tpu.vector_load %arg10[%get3A_1145, %get3A_1146] {strides = array<i32>} : memref<128x128xf32, #tpu.memory_space<vmem>>, vector<1x16xf32>,
        %get3A_1148 = vector.shape_cast %get3A_1147 : vector<1x16xf32> to vector<16xf32>
        %mul3A_1149 = vector.broadcast %squeeze3A_1133 : f32 to vector<16xf32>
        %mul3A_1150 = arith.mulf %get3A_1148, %mul3A_1149 : vector<16xf32>
        %swap3A_1151 = arith.index_cast %add3A_1131 : i32 to index
        %swap3A_1152 = arith.constant 16 : index
        %swap3A_1153 = tpu.vector_load %arg10[%swap3A_1151, %swap3A_1152] {strides = array<i32>} : memref<128x128xf32, #tpu.memory_space<vmem>>, vector<1x16xf32>,
        %swap3A_1154 = vector.shape_cast %swap3A_1153 : vector<1x16xf32> to vector<16xf32>
        %swap3A_1155 = vector.shape_cast %mul3A_1150 : vector<16xf32> to vector<1x16xf32>
        tpu.vector_store %arg10[%swap3A_1151, %swap3A_1152], %swap3A_1155 {strides = array<i32>} : memref<128x128xf32, #tpu.memory_space<vmem>>, vector<1x16xf32>,
        %get3A_1156 = arith.index_cast %add3A_1131 : i32 to index
        %get3A_1157 = arith.constant 32 : index
        %get3A_1158 = tpu.vector_load %arg10[%get3A_1156, %get3A_1157] {strides = array<i32>} : memref<128x128xf32, #tpu.memory_space<vmem>>, vector<1x16xf32>,
        %get3A_1159 = vector.shape_cast %get3A_1158 : vector<1x16xf32> to vector<16xf32>
        %mul3A_1160 = vector.broadcast %squeeze3A_1133 : f32 to vector<16xf32>
        %mul3A_1161 = arith.mulf %get3A_1159, %mul3A_1160 : vector<16xf32>
        %swap3A_1162 = arith.index_cast %add3A_1131 : i32 to index
        %swap3A_1163 = arith.constant 32 : index
        %swap3A_1164 = tpu.vector_load %arg10[%swap3A_1162, %swap3A_1163] {strides = array<i32>} : memref<128x128xf32, #tpu.memory_space<vmem>>, vector<1x16xf32>,
        %swap3A_1165 = vector.shape_cast %swap3A_1164 : vector<1x16xf32> to vector<16xf32>
        %swap3A_1166 = vector.shape_cast %mul3A_1161 : vector<16xf32> to vector<1x16xf32>
        tpu.vector_store %arg10[%swap3A_1162, %swap3A_1163], %swap3A_1166 {strides = array<i32>} : memref<128x128xf32, #tpu.memory_space<vmem>>, vector<1x16xf32>,
        %get3A_1167 = arith.index_cast %add3A_1131 : i32 to index
        %get3A_1168 = arith.constant 48 : index
        %get3A_1169 = tpu.vector_load %arg10[%get3A_1167, %get3A_1168] {strides = array<i32>} : memref<128x128xf32, #tpu.memory_space<vmem>>, vector<1x16xf32>,
        %get3A_1170 = vector.shape_cast %get3A_1169 : vector<1x16xf32> to vector<16xf32>
        %mul3A_1171 = vector.broadcast %squeeze3A_1133 : f32 to vector<16xf32>
        %mul3A_1172 = arith.mulf %get3A_1170, %mul3A_1171 : vector<16xf32>
        %swap3A_1173 = arith.index_cast %add3A_1131 : i32 to index
        %swap3A_1174 = arith.constant 48 : index
        %swap3A_1175 = tpu.vector_load %arg10[%swap3A_1173, %swap3A_1174] {strides = array<i32>} : memref<128x128xf32, #tpu.memory_space<vmem>>, vector<1x16xf32>,
        %swap3A_1176 = vector.shape_cast %swap3A_1175 : vector<1x16xf32> to vector<16xf32>
        %swap3A_1177 = vector.shape_cast %mul3A_1172 : vector<16xf32> to vector<1x16xf32>
        tpu.vector_store %arg10[%swap3A_1173, %swap3A_1174], %swap3A_1177 {strides = array<i32>} : memref<128x128xf32, #tpu.memory_space<vmem>>, vector<1x16xf32>,
        %get3A_1178 = arith.index_cast %add3A_1131 : i32 to index
        %get3A_1179 = arith.constant 64 : index
        %get3A_1180 = tpu.vector_load %arg10[%get3A_1178, %get3A_1179] {strides = array<i32>} : memref<128x128xf32, #tpu.memory_space<vmem>>, vector<1x16xf32>,
        %get3A_1181 = vector.shape_cast %get3A_1180 : vector<1x16xf32> to vector<16xf32>
        %mul3A_1182 = vector.broadcast %squeeze3A_1133 : f32 to vector<16xf32>
        %mul3A_1183 = arith.mulf %get3A_1181, %mul3A_1182 : vector<16xf32>
        %swap3A_1184 = arith.index_cast %add3A_1131 : i32 to index
        %swap3A_1185 = arith.constant 64 : index
        %swap3A_1186 = tpu.vector_load %arg10[%swap3A_1184, %swap3A_1185] {strides = array<i32>} : memref<128x128xf32, #tpu.memory_space<vmem>>, vector<1x16xf32>,
        %swap3A_1187 = vector.shape_cast %swap3A_1186 : vector<1x16xf32> to vector<16xf32>
        %swap3A_1188 = vector.shape_cast %mul3A_1183 : vector<16xf32> to vector<1x16xf32>
        tpu.vector_store %arg10[%swap3A_1184, %swap3A_1185], %swap3A_1188 {strides = array<i32>} : memref<128x128xf32, #tpu.memory_space<vmem>>, vector<1x16xf32>,
        %get3A_1189 = arith.index_cast %add3A_1131 : i32 to index
        %get3A_1190 = arith.constant 80 : index
        %get3A_1191 = tpu.vector_load %arg10[%get3A_1189, %get3A_1190] {strides = array<i32>} : memref<128x128xf32, #tpu.memory_space<vmem>>, vector<1x16xf32>,
        %get3A_1192 = vector.shape_cast %get3A_1191 : vector<1x16xf32> to vector<16xf32>
        %mul3A_1193 = vector.broadcast %squeeze3A_1133 : f32 to vector<16xf32>
        %mul3A_1194 = arith.mulf %get3A_1192, %mul3A_1193 : vector<16xf32>
        %swap3A_1195 = arith.index_cast %add3A_1131 : i32 to index
        %swap3A_1196 = arith.constant 80 : index
        %swap3A_1197 = tpu.vector_load %arg10[%swap3A_1195, %swap3A_1196] {strides = array<i32>} : memref<128x128xf32, #tpu.memory_space<vmem>>, vector<1x16xf32>,
        %swap3A_1198 = vector.shape_cast %swap3A_1197 : vector<1x16xf32> to vector<16xf32>
        %swap3A_1199 = vector.shape_cast %mul3A_1194 : vector<16xf32> to vector<1x16xf32>
        tpu.vector_store %arg10[%swap3A_1195, %swap3A_1196], %swap3A_1199 {strides = array<i32>} : memref<128x128xf32, #tpu.memory_space<vmem>>, vector<1x16xf32>,
        %get3A_1200 = arith.index_cast %add3A_1131 : i32 to index
        %get3A_1201 = arith.constant 96 : index
        %get3A_1202 = tpu.vector_load %arg10[%get3A_1200, %get3A_1201] {strides = array<i32>} : memref<128x128xf32, #tpu.memory_space<vmem>>, vector<1x16xf32>,
        %get3A_1203 = vector.shape_cast %get3A_1202 : vector<1x16xf32> to vector<16xf32>
        %mul3A_1204 = vector.broadcast %squeeze3A_1133 : f32 to vector<16xf32>
        %mul3A_1205 = arith.mulf %get3A_1203, %mul3A_1204 : vector<16xf32>
        %swap3A_1206 = arith.index_cast %add3A_1131 : i32 to index
        %swap3A_1207 = arith.constant 96 : index
        %swap3A_1208 = tpu.vector_load %arg10[%swap3A_1206, %swap3A_1207] {strides = array<i32>} : memref<128x128xf32, #tpu.memory_space<vmem>>, vector<1x16xf32>,
        %swap3A_1209 = vector.shape_cast %swap3A_1208 : vector<1x16xf32> to vector<16xf32>
        %swap3A_1210 = vector.shape_cast %mul3A_1205 : vector<16xf32> to vector<1x16xf32>
        tpu.vector_store %arg10[%swap3A_1206, %swap3A_1207], %swap3A_1210 {strides = array<i32>} : memref<128x128xf32, #tpu.memory_space<vmem>>, vector<1x16xf32>,
        %get3A_1211 = arith.index_cast %add3A_1131 : i32 to index
        %get3A_1212 = arith.constant 112 : index
        %get3A_1213 = tpu.vector_load %arg10[%get3A_1211, %get3A_1212] {strides = array<i32>} : memref<128x128xf32, #tpu.memory_space<vmem>>, vector<1x16xf32>,
        %get3A_1214 = vector.shape_cast %get3A_1213 : vector<1x16xf32> to vector<16xf32>
        %mul3A_1215 = vector.broadcast %squeeze3A_1133 : f32 to vector<16xf32>
        %mul3A_1216 = arith.mulf %get3A_1214, %mul3A_1215 : vector<16xf32>
        %swap3A_1217 = arith.index_cast %add3A_1131 : i32 to index
        %swap3A_1218 = arith.constant 112 : index
        %swap3A_1219 = tpu.vector_load %arg10[%swap3A_1217, %swap3A_1218] {strides = array<i32>} : memref<128x128xf32, #tpu.memory_space<vmem>>, vector<1x16xf32>,
        %swap3A_1220 = vector.shape_cast %swap3A_1219 : vector<1x16xf32> to vector<16xf32>
        %swap3A_1221 = vector.shape_cast %mul3A_1216 : vector<16xf32> to vector<1x16xf32>
        tpu.vector_store %arg10[%swap3A_1217, %swap3A_1218], %swap3A_1221 {strides = array<i32>} : memref<128x128xf32, #tpu.memory_space<vmem>>, vector<1x16xf32>,
        %mul3A_1222 = arith.constant 16 : i32
        %mul3A_1223 = arith.muli %scan3A_183, %mul3A_1222 : i32
        %add3A_1224 = arith.constant 11 : i32
        %add3A_1225 = arith.addi %mul3A_1223, %add3A_1224 : i32
        %slice3A_1226 = vector.extract_strided_slice %get3A_189 {offsets = [11], sizes = [1], strides = [1]} : vector<16xf32> to vector<1xf32>
        %squeeze3A_1227 = vector.extract %slice3A_1226[0] : f32 from vector<1xf32>
        %get3A_1228 = arith.index_cast %add3A_1225 : i32 to index
        %get3A_1229 = arith.constant 0 : index
        %get3A_1230 = tpu.vector_load %arg10[%get3A_1228, %get3A_1229] {strides = array<i32>} : memref<128x128xf32, #tpu.memory_space<vmem>>, vector<1x16xf32>,
        %get3A_1231 = vector.shape_cast %get3A_1230 : vector<1x16xf32> to vector<16xf32>
        %mul3A_1232 = vector.broadcast %squeeze3A_1227 : f32 to vector<16xf32>
        %mul3A_1233 = arith.mulf %get3A_1231, %mul3A_1232 : vector<16xf32>
        %swap3A_1234 = arith.index_cast %add3A_1225 : i32 to index
        %swap3A_1235 = arith.constant 0 : index
        %swap3A_1236 = tpu.vector_load %arg10[%swap3A_1234, %swap3A_1235] {strides = array<i32>} : memref<128x128xf32, #tpu.memory_space<vmem>>, vector<1x16xf32>,
        %swap3A_1237 = vector.shape_cast %swap3A_1236 : vector<1x16xf32> to vector<16xf32>
        %swap3A_1238 = vector.shape_cast %mul3A_1233 : vector<16xf32> to vector<1x16xf32>
        tpu.vector_store %arg10[%swap3A_1234, %swap3A_1235], %swap3A_1238 {strides = array<i32>} : memref<128x128xf32, #tpu.memory_space<vmem>>, vector<1x16xf32>,
        %get3A_1239 = arith.index_cast %add3A_1225 : i32 to index
        %get3A_1240 = arith.constant 16 : index
        %get3A_1241 = tpu.vector_load %arg10[%get3A_1239, %get3A_1240] {strides = array<i32>} : memref<128x128xf32, #tpu.memory_space<vmem>>, vector<1x16xf32>,
        %get3A_1242 = vector.shape_cast %get3A_1241 : vector<1x16xf32> to vector<16xf32>
        %mul3A_1243 = vector.broadcast %squeeze3A_1227 : f32 to vector<16xf32>
        %mul3A_1244 = arith.mulf %get3A_1242, %mul3A_1243 : vector<16xf32>
        %swap3A_1245 = arith.index_cast %add3A_1225 : i32 to index
        %swap3A_1246 = arith.constant 16 : index
        %swap3A_1247 = tpu.vector_load %arg10[%swap3A_1245, %swap3A_1246] {strides = array<i32>} : memref<128x128xf32, #tpu.memory_space<vmem>>, vector<1x16xf32>,
        %swap3A_1248 = vector.shape_cast %swap3A_1247 : vector<1x16xf32> to vector<16xf32>
        %swap3A_1249 = vector.shape_cast %mul3A_1244 : vector<16xf32> to vector<1x16xf32>
        tpu.vector_store %arg10[%swap3A_1245, %swap3A_1246], %swap3A_1249 {strides = array<i32>} : memref<128x128xf32, #tpu.memory_space<vmem>>, vector<1x16xf32>,
        %get3A_1250 = arith.index_cast %add3A_1225 : i32 to index
        %get3A_1251 = arith.constant 32 : index
        %get3A_1252 = tpu.vector_load %arg10[%get3A_1250, %get3A_1251] {strides = array<i32>} : memref<128x128xf32, #tpu.memory_space<vmem>>, vector<1x16xf32>,
        %get3A_1253 = vector.shape_cast %get3A_1252 : vector<1x16xf32> to vector<16xf32>
        %mul3A_1254 = vector.broadcast %squeeze3A_1227 : f32 to vector<16xf32>
        %mul3A_1255 = arith.mulf %get3A_1253, %mul3A_1254 : vector<16xf32>
        %swap3A_1256 = arith.index_cast %add3A_1225 : i32 to index
        %swap3A_1257 = arith.constant 32 : index
        %swap3A_1258 = tpu.vector_load %arg10[%swap3A_1256, %swap3A_1257] {strides = array<i32>} : memref<128x128xf32, #tpu.memory_space<vmem>>, vector<1x16xf32>,
        %swap3A_1259 = vector.shape_cast %swap3A_1258 : vector<1x16xf32> to vector<16xf32>
        %swap3A_1260 = vector.shape_cast %mul3A_1255 : vector<16xf32> to vector<1x16xf32>
        tpu.vector_store %arg10[%swap3A_1256, %swap3A_1257], %swap3A_1260 {strides = array<i32>} : memref<128x128xf32, #tpu.memory_space<vmem>>, vector<1x16xf32>,
        %get3A_1261 = arith.index_cast %add3A_1225 : i32 to index
        %get3A_1262 = arith.constant 48 : index
        %get3A_1263 = tpu.vector_load %arg10[%get3A_1261, %get3A_1262] {strides = array<i32>} : memref<128x128xf32, #tpu.memory_space<vmem>>, vector<1x16xf32>,
        %get3A_1264 = vector.shape_cast %get3A_1263 : vector<1x16xf32> to vector<16xf32>
        %mul3A_1265 = vector.broadcast %squeeze3A_1227 : f32 to vector<16xf32>
        %mul3A_1266 = arith.mulf %get3A_1264, %mul3A_1265 : vector<16xf32>
        %swap3A_1267 = arith.index_cast %add3A_1225 : i32 to index
        %swap3A_1268 = arith.constant 48 : index
        %swap3A_1269 = tpu.vector_load %arg10[%swap3A_1267, %swap3A_1268] {strides = array<i32>} : memref<128x128xf32, #tpu.memory_space<vmem>>, vector<1x16xf32>,
        %swap3A_1270 = vector.shape_cast %swap3A_1269 : vector<1x16xf32> to vector<16xf32>
        %swap3A_1271 = vector.shape_cast %mul3A_1266 : vector<16xf32> to vector<1x16xf32>
        tpu.vector_store %arg10[%swap3A_1267, %swap3A_1268], %swap3A_1271 {strides = array<i32>} : memref<128x128xf32, #tpu.memory_space<vmem>>, vector<1x16xf32>,
        %get3A_1272 = arith.index_cast %add3A_1225 : i32 to index
        %get3A_1273 = arith.constant 64 : index
        %get3A_1274 = tpu.vector_load %arg10[%get3A_1272, %get3A_1273] {strides = array<i32>} : memref<128x128xf32, #tpu.memory_space<vmem>>, vector<1x16xf32>,
        %get3A_1275 = vector.shape_cast %get3A_1274 : vector<1x16xf32> to vector<16xf32>
        %mul3A_1276 = vector.broadcast %squeeze3A_1227 : f32 to vector<16xf32>
        %mul3A_1277 = arith.mulf %get3A_1275, %mul3A_1276 : vector<16xf32>
        %swap3A_1278 = arith.index_cast %add3A_1225 : i32 to index
        %swap3A_1279 = arith.constant 64 : index
        %swap3A_1280 = tpu.vector_load %arg10[%swap3A_1278, %swap3A_1279] {strides = array<i32>} : memref<128x128xf32, #tpu.memory_space<vmem>>, vector<1x16xf32>,
        %swap3A_1281 = vector.shape_cast %swap3A_1280 : vector<1x16xf32> to vector<16xf32>
        %swap3A_1282 = vector.shape_cast %mul3A_1277 : vector<16xf32> to vector<1x16xf32>
        tpu.vector_store %arg10[%swap3A_1278, %swap3A_1279], %swap3A_1282 {strides = array<i32>} : memref<128x128xf32, #tpu.memory_space<vmem>>, vector<1x16xf32>,
        %get3A_1283 = arith.index_cast %add3A_1225 : i32 to index
        %get3A_1284 = arith.constant 80 : index
        %get3A_1285 = tpu.vector_load %arg10[%get3A_1283, %get3A_1284] {strides = array<i32>} : memref<128x128xf32, #tpu.memory_space<vmem>>, vector<1x16xf32>,
        %get3A_1286 = vector.shape_cast %get3A_1285 : vector<1x16xf32> to vector<16xf32>
        %mul3A_1287 = vector.broadcast %squeeze3A_1227 : f32 to vector<16xf32>
        %mul3A_1288 = arith.mulf %get3A_1286, %mul3A_1287 : vector<16xf32>
        %swap3A_1289 = arith.index_cast %add3A_1225 : i32 to index
        %swap3A_1290 = arith.constant 80 : index
        %swap3A_1291 = tpu.vector_load %arg10[%swap3A_1289, %swap3A_1290] {strides = array<i32>} : memref<128x128xf32, #tpu.memory_space<vmem>>, vector<1x16xf32>,
        %swap3A_1292 = vector.shape_cast %swap3A_1291 : vector<1x16xf32> to vector<16xf32>
        %swap3A_1293 = vector.shape_cast %mul3A_1288 : vector<16xf32> to vector<1x16xf32>
        tpu.vector_store %arg10[%swap3A_1289, %swap3A_1290], %swap3A_1293 {strides = array<i32>} : memref<128x128xf32, #tpu.memory_space<vmem>>, vector<1x16xf32>,
        %get3A_1294 = arith.index_cast %add3A_1225 : i32 to index
        %get3A_1295 = arith.constant 96 : index
        %get3A_1296 = tpu.vector_load %arg10[%get3A_1294, %get3A_1295] {strides = array<i32>} : memref<128x128xf32, #tpu.memory_space<vmem>>, vector<1x16xf32>,
        %get3A_1297 = vector.shape_cast %get3A_1296 : vector<1x16xf32> to vector<16xf32>
        %mul3A_1298 = vector.broadcast %squeeze3A_1227 : f32 to vector<16xf32>
        %mul3A_1299 = arith.mulf %get3A_1297, %mul3A_1298 : vector<16xf32>
        %swap3A_1300 = arith.index_cast %add3A_1225 : i32 to index
        %swap3A_1301 = arith.constant 96 : index
        %swap3A_1302 = tpu.vector_load %arg10[%swap3A_1300, %swap3A_1301] {strides = array<i32>} : memref<128x128xf32, #tpu.memory_space<vmem>>, vector<1x16xf32>,
        %swap3A_1303 = vector.shape_cast %swap3A_1302 : vector<1x16xf32> to vector<16xf32>
        %swap3A_1304 = vector.shape_cast %mul3A_1299 : vector<16xf32> to vector<1x16xf32>
        tpu.vector_store %arg10[%swap3A_1300, %swap3A_1301], %swap3A_1304 {strides = array<i32>} : memref<128x128xf32, #tpu.memory_space<vmem>>, vector<1x16xf32>,
        %get3A_1305 = arith.index_cast %add3A_1225 : i32 to index
        %get3A_1306 = arith.constant 112 : index
        %get3A_1307 = tpu.vector_load %arg10[%get3A_1305, %get3A_1306] {strides = array<i32>} : memref<128x128xf32, #tpu.memory_space<vmem>>, vector<1x16xf32>,
        %get3A_1308 = vector.shape_cast %get3A_1307 : vector<1x16xf32> to vector<16xf32>
        %mul3A_1309 = vector.broadcast %squeeze3A_1227 : f32 to vector<16xf32>
        %mul3A_1310 = arith.mulf %get3A_1308, %mul3A_1309 : vector<16xf32>
        %swap3A_1311 = arith.index_cast %add3A_1225 : i32 to index
        %swap3A_1312 = arith.constant 112 : index
        %swap3A_1313 = tpu.vector_load %arg10[%swap3A_1311, %swap3A_1312] {strides = array<i32>} : memref<128x128xf32, #tpu.memory_space<vmem>>, vector<1x16xf32>,
        %swap3A_1314 = vector.shape_cast %swap3A_1313 : vector<1x16xf32> to vector<16xf32>
        %swap3A_1315 = vector.shape_cast %mul3A_1310 : vector<16xf32> to vector<1x16xf32>
        tpu.vector_store %arg10[%swap3A_1311, %swap3A_1312], %swap3A_1315 {strides = array<i32>} : memref<128x128xf32, #tpu.memory_space<vmem>>, vector<1x16xf32>,
        %mul3A_1316 = arith.constant 16 : i32
        %mul3A_1317 = arith.muli %scan3A_183, %mul3A_1316 : i32
        %add3A_1318 = arith.constant 12 : i32
        %add3A_1319 = arith.addi %mul3A_1317, %add3A_1318 : i32
        %slice3A_1320 = vector.extract_strided_slice %get3A_189 {offsets = [12], sizes = [1], strides = [1]} : vector<16xf32> to vector<1xf32>
        %squeeze3A_1321 = vector.extract %slice3A_1320[0] : f32 from vector<1xf32>
        %get3A_1322 = arith.index_cast %add3A_1319 : i32 to index
        %get3A_1323 = arith.constant 0 : index
        %get3A_1324 = tpu.vector_load %arg10[%get3A_1322, %get3A_1323] {strides = array<i32>} : memref<128x128xf32, #tpu.memory_space<vmem>>, vector<1x16xf32>,
        %get3A_1325 = vector.shape_cast %get3A_1324 : vector<1x16xf32> to vector<16xf32>
        %mul3A_1326 = vector.broadcast %squeeze3A_1321 : f32 to vector<16xf32>
        %mul3A_1327 = arith.mulf %get3A_1325, %mul3A_1326 : vector<16xf32>
        %swap3A_1328 = arith.index_cast %add3A_1319 : i32 to index
        %swap3A_1329 = arith.constant 0 : index
        %swap3A_1330 = tpu.vector_load %arg10[%swap3A_1328, %swap3A_1329] {strides = array<i32>} : memref<128x128xf32, #tpu.memory_space<vmem>>, vector<1x16xf32>,
        %swap3A_1331 = vector.shape_cast %swap3A_1330 : vector<1x16xf32> to vector<16xf32>
        %swap3A_1332 = vector.shape_cast %mul3A_1327 : vector<16xf32> to vector<1x16xf32>
        tpu.vector_store %arg10[%swap3A_1328, %swap3A_1329], %swap3A_1332 {strides = array<i32>} : memref<128x128xf32, #tpu.memory_space<vmem>>, vector<1x16xf32>,
        %get3A_1333 = arith.index_cast %add3A_1319 : i32 to index
        %get3A_1334 = arith.constant 16 : index
        %get3A_1335 = tpu.vector_load %arg10[%get3A_1333, %get3A_1334] {strides = array<i32>} : memref<128x128xf32, #tpu.memory_space<vmem>>, vector<1x16xf32>,
        %get3A_1336 = vector.shape_cast %get3A_1335 : vector<1x16xf32> to vector<16xf32>
        %mul3A_1337 = vector.broadcast %squeeze3A_1321 : f32 to vector<16xf32>
        %mul3A_1338 = arith.mulf %get3A_1336, %mul3A_1337 : vector<16xf32>
        %swap3A_1339 = arith.index_cast %add3A_1319 : i32 to index
        %swap3A_1340 = arith.constant 16 : index
        %swap3A_1341 = tpu.vector_load %arg10[%swap3A_1339, %swap3A_1340] {strides = array<i32>} : memref<128x128xf32, #tpu.memory_space<vmem>>, vector<1x16xf32>,
        %swap3A_1342 = vector.shape_cast %swap3A_1341 : vector<1x16xf32> to vector<16xf32>
        %swap3A_1343 = vector.shape_cast %mul3A_1338 : vector<16xf32> to vector<1x16xf32>
        tpu.vector_store %arg10[%swap3A_1339, %swap3A_1340], %swap3A_1343 {strides = array<i32>} : memref<128x128xf32, #tpu.memory_space<vmem>>, vector<1x16xf32>,
        %get3A_1344 = arith.index_cast %add3A_1319 : i32 to index
        %get3A_1345 = arith.constant 32 : index
        %get3A_1346 = tpu.vector_load %arg10[%get3A_1344, %get3A_1345] {strides = array<i32>} : memref<128x128xf32, #tpu.memory_space<vmem>>, vector<1x16xf32>,
        %get3A_1347 = vector.shape_cast %get3A_1346 : vector<1x16xf32> to vector<16xf32>
        %mul3A_1348 = vector.broadcast %squeeze3A_1321 : f32 to vector<16xf32>
        %mul3A_1349 = arith.mulf %get3A_1347, %mul3A_1348 : vector<16xf32>
        %swap3A_1350 = arith.index_cast %add3A_1319 : i32 to index
        %swap3A_1351 = arith.constant 32 : index
        %swap3A_1352 = tpu.vector_load %arg10[%swap3A_1350, %swap3A_1351] {strides = array<i32>} : memref<128x128xf32, #tpu.memory_space<vmem>>, vector<1x16xf32>,
        %swap3A_1353 = vector.shape_cast %swap3A_1352 : vector<1x16xf32> to vector<16xf32>
        %swap3A_1354 = vector.shape_cast %mul3A_1349 : vector<16xf32> to vector<1x16xf32>
        tpu.vector_store %arg10[%swap3A_1350, %swap3A_1351], %swap3A_1354 {strides = array<i32>} : memref<128x128xf32, #tpu.memory_space<vmem>>, vector<1x16xf32>,
        %get3A_1355 = arith.index_cast %add3A_1319 : i32 to index
        %get3A_1356 = arith.constant 48 : index
        %get3A_1357 = tpu.vector_load %arg10[%get3A_1355, %get3A_1356] {strides = array<i32>} : memref<128x128xf32, #tpu.memory_space<vmem>>, vector<1x16xf32>,
        %get3A_1358 = vector.shape_cast %get3A_1357 : vector<1x16xf32> to vector<16xf32>
        %mul3A_1359 = vector.broadcast %squeeze3A_1321 : f32 to vector<16xf32>
        %mul3A_1360 = arith.mulf %get3A_1358, %mul3A_1359 : vector<16xf32>
        %swap3A_1361 = arith.index_cast %add3A_1319 : i32 to index
        %swap3A_1362 = arith.constant 48 : index
        %swap3A_1363 = tpu.vector_load %arg10[%swap3A_1361, %swap3A_1362] {strides = array<i32>} : memref<128x128xf32, #tpu.memory_space<vmem>>, vector<1x16xf32>,
        %swap3A_1364 = vector.shape_cast %swap3A_1363 : vector<1x16xf32> to vector<16xf32>
        %swap3A_1365 = vector.shape_cast %mul3A_1360 : vector<16xf32> to vector<1x16xf32>
        tpu.vector_store %arg10[%swap3A_1361, %swap3A_1362], %swap3A_1365 {strides = array<i32>} : memref<128x128xf32, #tpu.memory_space<vmem>>, vector<1x16xf32>,
        %get3A_1366 = arith.index_cast %add3A_1319 : i32 to index
        %get3A_1367 = arith.constant 64 : index
        %get3A_1368 = tpu.vector_load %arg10[%get3A_1366, %get3A_1367] {strides = array<i32>} : memref<128x128xf32, #tpu.memory_space<vmem>>, vector<1x16xf32>,
        %get3A_1369 = vector.shape_cast %get3A_1368 : vector<1x16xf32> to vector<16xf32>
        %mul3A_1370 = vector.broadcast %squeeze3A_1321 : f32 to vector<16xf32>
        %mul3A_1371 = arith.mulf %get3A_1369, %mul3A_1370 : vector<16xf32>
        %swap3A_1372 = arith.index_cast %add3A_1319 : i32 to index
        %swap3A_1373 = arith.constant 64 : index
        %swap3A_1374 = tpu.vector_load %arg10[%swap3A_1372, %swap3A_1373] {strides = array<i32>} : memref<128x128xf32, #tpu.memory_space<vmem>>, vector<1x16xf32>,
        %swap3A_1375 = vector.shape_cast %swap3A_1374 : vector<1x16xf32> to vector<16xf32>
        %swap3A_1376 = vector.shape_cast %mul3A_1371 : vector<16xf32> to vector<1x16xf32>
        tpu.vector_store %arg10[%swap3A_1372, %swap3A_1373], %swap3A_1376 {strides = array<i32>} : memref<128x128xf32, #tpu.memory_space<vmem>>, vector<1x16xf32>,
        %get3A_1377 = arith.index_cast %add3A_1319 : i32 to index
        %get3A_1378 = arith.constant 80 : index
        %get3A_1379 = tpu.vector_load %arg10[%get3A_1377, %get3A_1378] {strides = array<i32>} : memref<128x128xf32, #tpu.memory_space<vmem>>, vector<1x16xf32>,
        %get3A_1380 = vector.shape_cast %get3A_1379 : vector<1x16xf32> to vector<16xf32>
        %mul3A_1381 = vector.broadcast %squeeze3A_1321 : f32 to vector<16xf32>
        %mul3A_1382 = arith.mulf %get3A_1380, %mul3A_1381 : vector<16xf32>
        %swap3A_1383 = arith.index_cast %add3A_1319 : i32 to index
        %swap3A_1384 = arith.constant 80 : index
        %swap3A_1385 = tpu.vector_load %arg10[%swap3A_1383, %swap3A_1384] {strides = array<i32>} : memref<128x128xf32, #tpu.memory_space<vmem>>, vector<1x16xf32>,
        %swap3A_1386 = vector.shape_cast %swap3A_1385 : vector<1x16xf32> to vector<16xf32>
        %swap3A_1387 = vector.shape_cast %mul3A_1382 : vector<16xf32> to vector<1x16xf32>
        tpu.vector_store %arg10[%swap3A_1383, %swap3A_1384], %swap3A_1387 {strides = array<i32>} : memref<128x128xf32, #tpu.memory_space<vmem>>, vector<1x16xf32>,
        %get3A_1388 = arith.index_cast %add3A_1319 : i32 to index
        %get3A_1389 = arith.constant 96 : index
        %get3A_1390 = tpu.vector_load %arg10[%get3A_1388, %get3A_1389] {strides = array<i32>} : memref<128x128xf32, #tpu.memory_space<vmem>>, vector<1x16xf32>,
        %get3A_1391 = vector.shape_cast %get3A_1390 : vector<1x16xf32> to vector<16xf32>
        %mul3A_1392 = vector.broadcast %squeeze3A_1321 : f32 to vector<16xf32>
        %mul3A_1393 = arith.mulf %get3A_1391, %mul3A_1392 : vector<16xf32>
        %swap3A_1394 = arith.index_cast %add3A_1319 : i32 to index
        %swap3A_1395 = arith.constant 96 : index
        %swap3A_1396 = tpu.vector_load %arg10[%swap3A_1394, %swap3A_1395] {strides = array<i32>} : memref<128x128xf32, #tpu.memory_space<vmem>>, vector<1x16xf32>,
        %swap3A_1397 = vector.shape_cast %swap3A_1396 : vector<1x16xf32> to vector<16xf32>
        %swap3A_1398 = vector.shape_cast %mul3A_1393 : vector<16xf32> to vector<1x16xf32>
        tpu.vector_store %arg10[%swap3A_1394, %swap3A_1395], %swap3A_1398 {strides = array<i32>} : memref<128x128xf32, #tpu.memory_space<vmem>>, vector<1x16xf32>,
        %get3A_1399 = arith.index_cast %add3A_1319 : i32 to index
        %get3A_1400 = arith.constant 112 : index
        %get3A_1401 = tpu.vector_load %arg10[%get3A_1399, %get3A_1400] {strides = array<i32>} : memref<128x128xf32, #tpu.memory_space<vmem>>, vector<1x16xf32>,
        %get3A_1402 = vector.shape_cast %get3A_1401 : vector<1x16xf32> to vector<16xf32>
        %mul3A_1403 = vector.broadcast %squeeze3A_1321 : f32 to vector<16xf32>
        %mul3A_1404 = arith.mulf %get3A_1402, %mul3A_1403 : vector<16xf32>
        %swap3A_1405 = arith.index_cast %add3A_1319 : i32 to index
        %swap3A_1406 = arith.constant 112 : index
        %swap3A_1407 = tpu.vector_load %arg10[%swap3A_1405, %swap3A_1406] {strides = array<i32>} : memref<128x128xf32, #tpu.memory_space<vmem>>, vector<1x16xf32>,
        %swap3A_1408 = vector.shape_cast %swap3A_1407 : vector<1x16xf32> to vector<16xf32>
        %swap3A_1409 = vector.shape_cast %mul3A_1404 : vector<16xf32> to vector<1x16xf32>
        tpu.vector_store %arg10[%swap3A_1405, %swap3A_1406], %swap3A_1409 {strides = array<i32>} : memref<128x128xf32, #tpu.memory_space<vmem>>, vector<1x16xf32>,
        %mul3A_1410 = arith.constant 16 : i32
        %mul3A_1411 = arith.muli %scan3A_183, %mul3A_1410 : i32
        %add3A_1412 = arith.constant 13 : i32
        %add3A_1413 = arith.addi %mul3A_1411, %add3A_1412 : i32
        %slice3A_1414 = vector.extract_strided_slice %get3A_189 {offsets = [13], sizes = [1], strides = [1]} : vector<16xf32> to vector<1xf32>
        %squeeze3A_1415 = vector.extract %slice3A_1414[0] : f32 from vector<1xf32>
        %get3A_1416 = arith.index_cast %add3A_1413 : i32 to index
        %get3A_1417 = arith.constant 0 : index
        %get3A_1418 = tpu.vector_load %arg10[%get3A_1416, %get3A_1417] {strides = array<i32>} : memref<128x128xf32, #tpu.memory_space<vmem>>, vector<1x16xf32>,
        %get3A_1419 = vector.shape_cast %get3A_1418 : vector<1x16xf32> to vector<16xf32>
        %mul3A_1420 = vector.broadcast %squeeze3A_1415 : f32 to vector<16xf32>
        %mul3A_1421 = arith.mulf %get3A_1419, %mul3A_1420 : vector<16xf32>
        %swap3A_1422 = arith.index_cast %add3A_1413 : i32 to index
        %swap3A_1423 = arith.constant 0 : index
        %swap3A_1424 = tpu.vector_load %arg10[%swap3A_1422, %swap3A_1423] {strides = array<i32>} : memref<128x128xf32, #tpu.memory_space<vmem>>, vector<1x16xf32>,
        %swap3A_1425 = vector.shape_cast %swap3A_1424 : vector<1x16xf32> to vector<16xf32>
        %swap3A_1426 = vector.shape_cast %mul3A_1421 : vector<16xf32> to vector<1x16xf32>
        tpu.vector_store %arg10[%swap3A_1422, %swap3A_1423], %swap3A_1426 {strides = array<i32>} : memref<128x128xf32, #tpu.memory_space<vmem>>, vector<1x16xf32>,
        %get3A_1427 = arith.index_cast %add3A_1413 : i32 to index
        %get3A_1428 = arith.constant 16 : index
        %get3A_1429 = tpu.vector_load %arg10[%get3A_1427, %get3A_1428] {strides = array<i32>} : memref<128x128xf32, #tpu.memory_space<vmem>>, vector<1x16xf32>,
        %get3A_1430 = vector.shape_cast %get3A_1429 : vector<1x16xf32> to vector<16xf32>
        %mul3A_1431 = vector.broadcast %squeeze3A_1415 : f32 to vector<16xf32>
        %mul3A_1432 = arith.mulf %get3A_1430, %mul3A_1431 : vector<16xf32>
        %swap3A_1433 = arith.index_cast %add3A_1413 : i32 to index
        %swap3A_1434 = arith.constant 16 : index
        %swap3A_1435 = tpu.vector_load %arg10[%swap3A_1433, %swap3A_1434] {strides = array<i32>} : memref<128x128xf32, #tpu.memory_space<vmem>>, vector<1x16xf32>,
        %swap3A_1436 = vector.shape_cast %swap3A_1435 : vector<1x16xf32> to vector<16xf32>
        %swap3A_1437 = vector.shape_cast %mul3A_1432 : vector<16xf32> to vector<1x16xf32>
        tpu.vector_store %arg10[%swap3A_1433, %swap3A_1434], %swap3A_1437 {strides = array<i32>} : memref<128x128xf32, #tpu.memory_space<vmem>>, vector<1x16xf32>,
        %get3A_1438 = arith.index_cast %add3A_1413 : i32 to index
        %get3A_1439 = arith.constant 32 : index
        %get3A_1440 = tpu.vector_load %arg10[%get3A_1438, %get3A_1439] {strides = array<i32>} : memref<128x128xf32, #tpu.memory_space<vmem>>, vector<1x16xf32>,
        %get3A_1441 = vector.shape_cast %get3A_1440 : vector<1x16xf32> to vector<16xf32>
        %mul3A_1442 = vector.broadcast %squeeze3A_1415 : f32 to vector<16xf32>
        %mul3A_1443 = arith.mulf %get3A_1441, %mul3A_1442 : vector<16xf32>
        %swap3A_1444 = arith.index_cast %add3A_1413 : i32 to index
        %swap3A_1445 = arith.constant 32 : index
        %swap3A_1446 = tpu.vector_load %arg10[%swap3A_1444, %swap3A_1445] {strides = array<i32>} : memref<128x128xf32, #tpu.memory_space<vmem>>, vector<1x16xf32>,
        %swap3A_1447 = vector.shape_cast %swap3A_1446 : vector<1x16xf32> to vector<16xf32>
        %swap3A_1448 = vector.shape_cast %mul3A_1443 : vector<16xf32> to vector<1x16xf32>
        tpu.vector_store %arg10[%swap3A_1444, %swap3A_1445], %swap3A_1448 {strides = array<i32>} : memref<128x128xf32, #tpu.memory_space<vmem>>, vector<1x16xf32>,
        %get3A_1449 = arith.index_cast %add3A_1413 : i32 to index
        %get3A_1450 = arith.constant 48 : index
        %get3A_1451 = tpu.vector_load %arg10[%get3A_1449, %get3A_1450] {strides = array<i32>} : memref<128x128xf32, #tpu.memory_space<vmem>>, vector<1x16xf32>,
        %get3A_1452 = vector.shape_cast %get3A_1451 : vector<1x16xf32> to vector<16xf32>
        %mul3A_1453 = vector.broadcast %squeeze3A_1415 : f32 to vector<16xf32>
        %mul3A_1454 = arith.mulf %get3A_1452, %mul3A_1453 : vector<16xf32>
        %swap3A_1455 = arith.index_cast %add3A_1413 : i32 to index
        %swap3A_1456 = arith.constant 48 : index
        %swap3A_1457 = tpu.vector_load %arg10[%swap3A_1455, %swap3A_1456] {strides = array<i32>} : memref<128x128xf32, #tpu.memory_space<vmem>>, vector<1x16xf32>,
        %swap3A_1458 = vector.shape_cast %swap3A_1457 : vector<1x16xf32> to vector<16xf32>
        %swap3A_1459 = vector.shape_cast %mul3A_1454 : vector<16xf32> to vector<1x16xf32>
        tpu.vector_store %arg10[%swap3A_1455, %swap3A_1456], %swap3A_1459 {strides = array<i32>} : memref<128x128xf32, #tpu.memory_space<vmem>>, vector<1x16xf32>,
        %get3A_1460 = arith.index_cast %add3A_1413 : i32 to index
        %get3A_1461 = arith.constant 64 : index
        %get3A_1462 = tpu.vector_load %arg10[%get3A_1460, %get3A_1461] {strides = array<i32>} : memref<128x128xf32, #tpu.memory_space<vmem>>, vector<1x16xf32>,
        %get3A_1463 = vector.shape_cast %get3A_1462 : vector<1x16xf32> to vector<16xf32>
        %mul3A_1464 = vector.broadcast %squeeze3A_1415 : f32 to vector<16xf32>
        %mul3A_1465 = arith.mulf %get3A_1463, %mul3A_1464 : vector<16xf32>
        %swap3A_1466 = arith.index_cast %add3A_1413 : i32 to index
        %swap3A_1467 = arith.constant 64 : index
        %swap3A_1468 = tpu.vector_load %arg10[%swap3A_1466, %swap3A_1467] {strides = array<i32>} : memref<128x128xf32, #tpu.memory_space<vmem>>, vector<1x16xf32>,
        %swap3A_1469 = vector.shape_cast %swap3A_1468 : vector<1x16xf32> to vector<16xf32>
        %swap3A_1470 = vector.shape_cast %mul3A_1465 : vector<16xf32> to vector<1x16xf32>
        tpu.vector_store %arg10[%swap3A_1466, %swap3A_1467], %swap3A_1470 {strides = array<i32>} : memref<128x128xf32, #tpu.memory_space<vmem>>, vector<1x16xf32>,
        %get3A_1471 = arith.index_cast %add3A_1413 : i32 to index
        %get3A_1472 = arith.constant 80 : index
        %get3A_1473 = tpu.vector_load %arg10[%get3A_1471, %get3A_1472] {strides = array<i32>} : memref<128x128xf32, #tpu.memory_space<vmem>>, vector<1x16xf32>,
        %get3A_1474 = vector.shape_cast %get3A_1473 : vector<1x16xf32> to vector<16xf32>
        %mul3A_1475 = vector.broadcast %squeeze3A_1415 : f32 to vector<16xf32>
        %mul3A_1476 = arith.mulf %get3A_1474, %mul3A_1475 : vector<16xf32>
        %swap3A_1477 = arith.index_cast %add3A_1413 : i32 to index
        %swap3A_1478 = arith.constant 80 : index
        %swap3A_1479 = tpu.vector_load %arg10[%swap3A_1477, %swap3A_1478] {strides = array<i32>} : memref<128x128xf32, #tpu.memory_space<vmem>>, vector<1x16xf32>,
        %swap3A_1480 = vector.shape_cast %swap3A_1479 : vector<1x16xf32> to vector<16xf32>
        %swap3A_1481 = vector.shape_cast %mul3A_1476 : vector<16xf32> to vector<1x16xf32>
        tpu.vector_store %arg10[%swap3A_1477, %swap3A_1478], %swap3A_1481 {strides = array<i32>} : memref<128x128xf32, #tpu.memory_space<vmem>>, vector<1x16xf32>,
        %get3A_1482 = arith.index_cast %add3A_1413 : i32 to index
        %get3A_1483 = arith.constant 96 : index
        %get3A_1484 = tpu.vector_load %arg10[%get3A_1482, %get3A_1483] {strides = array<i32>} : memref<128x128xf32, #tpu.memory_space<vmem>>, vector<1x16xf32>,
        %get3A_1485 = vector.shape_cast %get3A_1484 : vector<1x16xf32> to vector<16xf32>
        %mul3A_1486 = vector.broadcast %squeeze3A_1415 : f32 to vector<16xf32>
        %mul3A_1487 = arith.mulf %get3A_1485, %mul3A_1486 : vector<16xf32>
        %swap3A_1488 = arith.index_cast %add3A_1413 : i32 to index
        %swap3A_1489 = arith.constant 96 : index
        %swap3A_1490 = tpu.vector_load %arg10[%swap3A_1488, %swap3A_1489] {strides = array<i32>} : memref<128x128xf32, #tpu.memory_space<vmem>>, vector<1x16xf32>,
        %swap3A_1491 = vector.shape_cast %swap3A_1490 : vector<1x16xf32> to vector<16xf32>
        %swap3A_1492 = vector.shape_cast %mul3A_1487 : vector<16xf32> to vector<1x16xf32>
        tpu.vector_store %arg10[%swap3A_1488, %swap3A_1489], %swap3A_1492 {strides = array<i32>} : memref<128x128xf32, #tpu.memory_space<vmem>>, vector<1x16xf32>,
        %get3A_1493 = arith.index_cast %add3A_1413 : i32 to index
        %get3A_1494 = arith.constant 112 : index
        %get3A_1495 = tpu.vector_load %arg10[%get3A_1493, %get3A_1494] {strides = array<i32>} : memref<128x128xf32, #tpu.memory_space<vmem>>, vector<1x16xf32>,
        %get3A_1496 = vector.shape_cast %get3A_1495 : vector<1x16xf32> to vector<16xf32>
        %mul3A_1497 = vector.broadcast %squeeze3A_1415 : f32 to vector<16xf32>
        %mul3A_1498 = arith.mulf %get3A_1496, %mul3A_1497 : vector<16xf32>
        %swap3A_1499 = arith.index_cast %add3A_1413 : i32 to index
        %swap3A_1500 = arith.constant 112 : index
        %swap3A_1501 = tpu.vector_load %arg10[%swap3A_1499, %swap3A_1500] {strides = array<i32>} : memref<128x128xf32, #tpu.memory_space<vmem>>, vector<1x16xf32>,
        %swap3A_1502 = vector.shape_cast %swap3A_1501 : vector<1x16xf32> to vector<16xf32>
        %swap3A_1503 = vector.shape_cast %mul3A_1498 : vector<16xf32> to vector<1x16xf32>
        tpu.vector_store %arg10[%swap3A_1499, %swap3A_1500], %swap3A_1503 {strides = array<i32>} : memref<128x128xf32, #tpu.memory_space<vmem>>, vector<1x16xf32>,
        %mul3A_1504 = arith.constant 16 : i32
        %mul3A_1505 = arith.muli %scan3A_183, %mul3A_1504 : i32
        %add3A_1506 = arith.constant 14 : i32
        %add3A_1507 = arith.addi %mul3A_1505, %add3A_1506 : i32
        %slice3A_1508 = vector.extract_strided_slice %get3A_189 {offsets = [14], sizes = [1], strides = [1]} : vector<16xf32> to vector<1xf32>
        %squeeze3A_1509 = vector.extract %slice3A_1508[0] : f32 from vector<1xf32>
        %get3A_1510 = arith.index_cast %add3A_1507 : i32 to index
        %get3A_1511 = arith.constant 0 : index
        %get3A_1512 = tpu.vector_load %arg10[%get3A_1510, %get3A_1511] {strides = array<i32>} : memref<128x128xf32, #tpu.memory_space<vmem>>, vector<1x16xf32>,
        %get3A_1513 = vector.shape_cast %get3A_1512 : vector<1x16xf32> to vector<16xf32>
        %mul3A_1514 = vector.broadcast %squeeze3A_1509 : f32 to vector<16xf32>
        %mul3A_1515 = arith.mulf %get3A_1513, %mul3A_1514 : vector<16xf32>
        %swap3A_1516 = arith.index_cast %add3A_1507 : i32 to index
        %swap3A_1517 = arith.constant 0 : index
        %swap3A_1518 = tpu.vector_load %arg10[%swap3A_1516, %swap3A_1517] {strides = array<i32>} : memref<128x128xf32, #tpu.memory_space<vmem>>, vector<1x16xf32>,
        %swap3A_1519 = vector.shape_cast %swap3A_1518 : vector<1x16xf32> to vector<16xf32>
        %swap3A_1520 = vector.shape_cast %mul3A_1515 : vector<16xf32> to vector<1x16xf32>
        tpu.vector_store %arg10[%swap3A_1516, %swap3A_1517], %swap3A_1520 {strides = array<i32>} : memref<128x128xf32, #tpu.memory_space<vmem>>, vector<1x16xf32>,
        %get3A_1521 = arith.index_cast %add3A_1507 : i32 to index
        %get3A_1522 = arith.constant 16 : index
        %get3A_1523 = tpu.vector_load %arg10[%get3A_1521, %get3A_1522] {strides = array<i32>} : memref<128x128xf32, #tpu.memory_space<vmem>>, vector<1x16xf32>,
        %get3A_1524 = vector.shape_cast %get3A_1523 : vector<1x16xf32> to vector<16xf32>
        %mul3A_1525 = vector.broadcast %squeeze3A_1509 : f32 to vector<16xf32>
        %mul3A_1526 = arith.mulf %get3A_1524, %mul3A_1525 : vector<16xf32>
        %swap3A_1527 = arith.index_cast %add3A_1507 : i32 to index
        %swap3A_1528 = arith.constant 16 : index
        %swap3A_1529 = tpu.vector_load %arg10[%swap3A_1527, %swap3A_1528] {strides = array<i32>} : memref<128x128xf32, #tpu.memory_space<vmem>>, vector<1x16xf32>,
        %swap3A_1530 = vector.shape_cast %swap3A_1529 : vector<1x16xf32> to vector<16xf32>
        %swap3A_1531 = vector.shape_cast %mul3A_1526 : vector<16xf32> to vector<1x16xf32>
        tpu.vector_store %arg10[%swap3A_1527, %swap3A_1528], %swap3A_1531 {strides = array<i32>} : memref<128x128xf32, #tpu.memory_space<vmem>>, vector<1x16xf32>,
        %get3A_1532 = arith.index_cast %add3A_1507 : i32 to index
        %get3A_1533 = arith.constant 32 : index
        %get3A_1534 = tpu.vector_load %arg10[%get3A_1532, %get3A_1533] {strides = array<i32>} : memref<128x128xf32, #tpu.memory_space<vmem>>, vector<1x16xf32>,
        %get3A_1535 = vector.shape_cast %get3A_1534 : vector<1x16xf32> to vector<16xf32>
        %mul3A_1536 = vector.broadcast %squeeze3A_1509 : f32 to vector<16xf32>
        %mul3A_1537 = arith.mulf %get3A_1535, %mul3A_1536 : vector<16xf32>
        %swap3A_1538 = arith.index_cast %add3A_1507 : i32 to index
        %swap3A_1539 = arith.constant 32 : index
        %swap3A_1540 = tpu.vector_load %arg10[%swap3A_1538, %swap3A_1539] {strides = array<i32>} : memref<128x128xf32, #tpu.memory_space<vmem>>, vector<1x16xf32>,
        %swap3A_1541 = vector.shape_cast %swap3A_1540 : vector<1x16xf32> to vector<16xf32>
        %swap3A_1542 = vector.shape_cast %mul3A_1537 : vector<16xf32> to vector<1x16xf32>
        tpu.vector_store %arg10[%swap3A_1538, %swap3A_1539], %swap3A_1542 {strides = array<i32>} : memref<128x128xf32, #tpu.memory_space<vmem>>, vector<1x16xf32>,
        %get3A_1543 = arith.index_cast %add3A_1507 : i32 to index
        %get3A_1544 = arith.constant 48 : index
        %get3A_1545 = tpu.vector_load %arg10[%get3A_1543, %get3A_1544] {strides = array<i32>} : memref<128x128xf32, #tpu.memory_space<vmem>>, vector<1x16xf32>,
        %get3A_1546 = vector.shape_cast %get3A_1545 : vector<1x16xf32> to vector<16xf32>
        %mul3A_1547 = vector.broadcast %squeeze3A_1509 : f32 to vector<16xf32>
        %mul3A_1548 = arith.mulf %get3A_1546, %mul3A_1547 : vector<16xf32>
        %swap3A_1549 = arith.index_cast %add3A_1507 : i32 to index
        %swap3A_1550 = arith.constant 48 : index
        %swap3A_1551 = tpu.vector_load %arg10[%swap3A_1549, %swap3A_1550] {strides = array<i32>} : memref<128x128xf32, #tpu.memory_space<vmem>>, vector<1x16xf32>,
        %swap3A_1552 = vector.shape_cast %swap3A_1551 : vector<1x16xf32> to vector<16xf32>
        %swap3A_1553 = vector.shape_cast %mul3A_1548 : vector<16xf32> to vector<1x16xf32>
        tpu.vector_store %arg10[%swap3A_1549, %swap3A_1550], %swap3A_1553 {strides = array<i32>} : memref<128x128xf32, #tpu.memory_space<vmem>>, vector<1x16xf32>,
        %get3A_1554 = arith.index_cast %add3A_1507 : i32 to index
        %get3A_1555 = arith.constant 64 : index
        %get3A_1556 = tpu.vector_load %arg10[%get3A_1554, %get3A_1555] {strides = array<i32>} : memref<128x128xf32, #tpu.memory_space<vmem>>, vector<1x16xf32>,
        %get3A_1557 = vector.shape_cast %get3A_1556 : vector<1x16xf32> to vector<16xf32>
        %mul3A_1558 = vector.broadcast %squeeze3A_1509 : f32 to vector<16xf32>
        %mul3A_1559 = arith.mulf %get3A_1557, %mul3A_1558 : vector<16xf32>
        %swap3A_1560 = arith.index_cast %add3A_1507 : i32 to index
        %swap3A_1561 = arith.constant 64 : index
        %swap3A_1562 = tpu.vector_load %arg10[%swap3A_1560, %swap3A_1561] {strides = array<i32>} : memref<128x128xf32, #tpu.memory_space<vmem>>, vector<1x16xf32>,
        %swap3A_1563 = vector.shape_cast %swap3A_1562 : vector<1x16xf32> to vector<16xf32>
        %swap3A_1564 = vector.shape_cast %mul3A_1559 : vector<16xf32> to vector<1x16xf32>
        tpu.vector_store %arg10[%swap3A_1560, %swap3A_1561], %swap3A_1564 {strides = array<i32>} : memref<128x128xf32, #tpu.memory_space<vmem>>, vector<1x16xf32>,
        %get3A_1565 = arith.index_cast %add3A_1507 : i32 to index
        %get3A_1566 = arith.constant 80 : index
        %get3A_1567 = tpu.vector_load %arg10[%get3A_1565, %get3A_1566] {strides = array<i32>} : memref<128x128xf32, #tpu.memory_space<vmem>>, vector<1x16xf32>,
        %get3A_1568 = vector.shape_cast %get3A_1567 : vector<1x16xf32> to vector<16xf32>
        %mul3A_1569 = vector.broadcast %squeeze3A_1509 : f32 to vector<16xf32>
        %mul3A_1570 = arith.mulf %get3A_1568, %mul3A_1569 : vector<16xf32>
        %swap3A_1571 = arith.index_cast %add3A_1507 : i32 to index
        %swap3A_1572 = arith.constant 80 : index
        %swap3A_1573 = tpu.vector_load %arg10[%swap3A_1571, %swap3A_1572] {strides = array<i32>} : memref<128x128xf32, #tpu.memory_space<vmem>>, vector<1x16xf32>,
        %swap3A_1574 = vector.shape_cast %swap3A_1573 : vector<1x16xf32> to vector<16xf32>
        %swap3A_1575 = vector.shape_cast %mul3A_1570 : vector<16xf32> to vector<1x16xf32>
        tpu.vector_store %arg10[%swap3A_1571, %swap3A_1572], %swap3A_1575 {strides = array<i32>} : memref<128x128xf32, #tpu.memory_space<vmem>>, vector<1x16xf32>,
        %get3A_1576 = arith.index_cast %add3A_1507 : i32 to index
        %get3A_1577 = arith.constant 96 : index
        %get3A_1578 = tpu.vector_load %arg10[%get3A_1576, %get3A_1577] {strides = array<i32>} : memref<128x128xf32, #tpu.memory_space<vmem>>, vector<1x16xf32>,
        %get3A_1579 = vector.shape_cast %get3A_1578 : vector<1x16xf32> to vector<16xf32>
        %mul3A_1580 = vector.broadcast %squeeze3A_1509 : f32 to vector<16xf32>
        %mul3A_1581 = arith.mulf %get3A_1579, %mul3A_1580 : vector<16xf32>
        %swap3A_1582 = arith.index_cast %add3A_1507 : i32 to index
        %swap3A_1583 = arith.constant 96 : index
        %swap3A_1584 = tpu.vector_load %arg10[%swap3A_1582, %swap3A_1583] {strides = array<i32>} : memref<128x128xf32, #tpu.memory_space<vmem>>, vector<1x16xf32>,
        %swap3A_1585 = vector.shape_cast %swap3A_1584 : vector<1x16xf32> to vector<16xf32>
        %swap3A_1586 = vector.shape_cast %mul3A_1581 : vector<16xf32> to vector<1x16xf32>
        tpu.vector_store %arg10[%swap3A_1582, %swap3A_1583], %swap3A_1586 {strides = array<i32>} : memref<128x128xf32, #tpu.memory_space<vmem>>, vector<1x16xf32>,
        %get3A_1587 = arith.index_cast %add3A_1507 : i32 to index
        %get3A_1588 = arith.constant 112 : index
        %get3A_1589 = tpu.vector_load %arg10[%get3A_1587, %get3A_1588] {strides = array<i32>} : memref<128x128xf32, #tpu.memory_space<vmem>>, vector<1x16xf32>,
        %get3A_1590 = vector.shape_cast %get3A_1589 : vector<1x16xf32> to vector<16xf32>
        %mul3A_1591 = vector.broadcast %squeeze3A_1509 : f32 to vector<16xf32>
        %mul3A_1592 = arith.mulf %get3A_1590, %mul3A_1591 : vector<16xf32>
        %swap3A_1593 = arith.index_cast %add3A_1507 : i32 to index
        %swap3A_1594 = arith.constant 112 : index
        %swap3A_1595 = tpu.vector_load %arg10[%swap3A_1593, %swap3A_1594] {strides = array<i32>} : memref<128x128xf32, #tpu.memory_space<vmem>>, vector<1x16xf32>,
        %swap3A_1596 = vector.shape_cast %swap3A_1595 : vector<1x16xf32> to vector<16xf32>
        %swap3A_1597 = vector.shape_cast %mul3A_1592 : vector<16xf32> to vector<1x16xf32>
        tpu.vector_store %arg10[%swap3A_1593, %swap3A_1594], %swap3A_1597 {strides = array<i32>} : memref<128x128xf32, #tpu.memory_space<vmem>>, vector<1x16xf32>,
        %mul3A_1598 = arith.constant 16 : i32
        %mul3A_1599 = arith.muli %scan3A_183, %mul3A_1598 : i32
        %add3A_1600 = arith.constant 15 : i32
        %add3A_1601 = arith.addi %mul3A_1599, %add3A_1600 : i32
        %slice3A_1602 = vector.extract_strided_slice %get3A_189 {offsets = [15], sizes = [1], strides = [1]} : vector<16xf32> to vector<1xf32>
        %squeeze3A_1603 = vector.extract %slice3A_1602[0] : f32 from vector<1xf32>
        %get3A_1604 = arith.index_cast %add3A_1601 : i32 to index
        %get3A_1605 = arith.constant 0 : index
        %get3A_1606 = tpu.vector_load %arg10[%get3A_1604, %get3A_1605] {strides = array<i32>} : memref<128x128xf32, #tpu.memory_space<vmem>>, vector<1x16xf32>,
        %get3A_1607 = vector.shape_cast %get3A_1606 : vector<1x16xf32> to vector<16xf32>
        %mul3A_1608 = vector.broadcast %squeeze3A_1603 : f32 to vector<16xf32>
        %mul3A_1609 = arith.mulf %get3A_1607, %mul3A_1608 : vector<16xf32>
        %swap3A_1610 = arith.index_cast %add3A_1601 : i32 to index
        %swap3A_1611 = arith.constant 0 : index
        %swap3A_1612 = tpu.vector_load %arg10[%swap3A_1610, %swap3A_1611] {strides = array<i32>} : memref<128x128xf32, #tpu.memory_space<vmem>>, vector<1x16xf32>,
        %swap3A_1613 = vector.shape_cast %swap3A_1612 : vector<1x16xf32> to vector<16xf32>
        %swap3A_1614 = vector.shape_cast %mul3A_1609 : vector<16xf32> to vector<1x16xf32>
        tpu.vector_store %arg10[%swap3A_1610, %swap3A_1611], %swap3A_1614 {strides = array<i32>} : memref<128x128xf32, #tpu.memory_space<vmem>>, vector<1x16xf32>,
        %get3A_1615 = arith.index_cast %add3A_1601 : i32 to index
        %get3A_1616 = arith.constant 16 : index
        %get3A_1617 = tpu.vector_load %arg10[%get3A_1615, %get3A_1616] {strides = array<i32>} : memref<128x128xf32, #tpu.memory_space<vmem>>, vector<1x16xf32>,
        %get3A_1618 = vector.shape_cast %get3A_1617 : vector<1x16xf32> to vector<16xf32>
        %mul3A_1619 = vector.broadcast %squeeze3A_1603 : f32 to vector<16xf32>
        %mul3A_1620 = arith.mulf %get3A_1618, %mul3A_1619 : vector<16xf32>
        %swap3A_1621 = arith.index_cast %add3A_1601 : i32 to index
        %swap3A_1622 = arith.constant 16 : index
        %swap3A_1623 = tpu.vector_load %arg10[%swap3A_1621, %swap3A_1622] {strides = array<i32>} : memref<128x128xf32, #tpu.memory_space<vmem>>, vector<1x16xf32>,
        %swap3A_1624 = vector.shape_cast %swap3A_1623 : vector<1x16xf32> to vector<16xf32>
        %swap3A_1625 = vector.shape_cast %mul3A_1620 : vector<16xf32> to vector<1x16xf32>
        tpu.vector_store %arg10[%swap3A_1621, %swap3A_1622], %swap3A_1625 {strides = array<i32>} : memref<128x128xf32, #tpu.memory_space<vmem>>, vector<1x16xf32>,
        %get3A_1626 = arith.index_cast %add3A_1601 : i32 to index
        %get3A_1627 = arith.constant 32 : index
        %get3A_1628 = tpu.vector_load %arg10[%get3A_1626, %get3A_1627] {strides = array<i32>} : memref<128x128xf32, #tpu.memory_space<vmem>>, vector<1x16xf32>,
        %get3A_1629 = vector.shape_cast %get3A_1628 : vector<1x16xf32> to vector<16xf32>
        %mul3A_1630 = vector.broadcast %squeeze3A_1603 : f32 to vector<16xf32>
        %mul3A_1631 = arith.mulf %get3A_1629, %mul3A_1630 : vector<16xf32>
        %swap3A_1632 = arith.index_cast %add3A_1601 : i32 to index
        %swap3A_1633 = arith.constant 32 : index
        %swap3A_1634 = tpu.vector_load %arg10[%swap3A_1632, %swap3A_1633] {strides = array<i32>} : memref<128x128xf32, #tpu.memory_space<vmem>>, vector<1x16xf32>,
        %swap3A_1635 = vector.shape_cast %swap3A_1634 : vector<1x16xf32> to vector<16xf32>
        %swap3A_1636 = vector.shape_cast %mul3A_1631 : vector<16xf32> to vector<1x16xf32>
        tpu.vector_store %arg10[%swap3A_1632, %swap3A_1633], %swap3A_1636 {strides = array<i32>} : memref<128x128xf32, #tpu.memory_space<vmem>>, vector<1x16xf32>,
        %get3A_1637 = arith.index_cast %add3A_1601 : i32 to index
        %get3A_1638 = arith.constant 48 : index
        %get3A_1639 = tpu.vector_load %arg10[%get3A_1637, %get3A_1638] {strides = array<i32>} : memref<128x128xf32, #tpu.memory_space<vmem>>, vector<1x16xf32>,
        %get3A_1640 = vector.shape_cast %get3A_1639 : vector<1x16xf32> to vector<16xf32>
        %mul3A_1641 = vector.broadcast %squeeze3A_1603 : f32 to vector<16xf32>
        %mul3A_1642 = arith.mulf %get3A_1640, %mul3A_1641 : vector<16xf32>
        %swap3A_1643 = arith.index_cast %add3A_1601 : i32 to index
        %swap3A_1644 = arith.constant 48 : index
        %swap3A_1645 = tpu.vector_load %arg10[%swap3A_1643, %swap3A_1644] {strides = array<i32>} : memref<128x128xf32, #tpu.memory_space<vmem>>, vector<1x16xf32>,
        %swap3A_1646 = vector.shape_cast %swap3A_1645 : vector<1x16xf32> to vector<16xf32>
        %swap3A_1647 = vector.shape_cast %mul3A_1642 : vector<16xf32> to vector<1x16xf32>
        tpu.vector_store %arg10[%swap3A_1643, %swap3A_1644], %swap3A_1647 {strides = array<i32>} : memref<128x128xf32, #tpu.memory_space<vmem>>, vector<1x16xf32>,
        %get3A_1648 = arith.index_cast %add3A_1601 : i32 to index
        %get3A_1649 = arith.constant 64 : index
        %get3A_1650 = tpu.vector_load %arg10[%get3A_1648, %get3A_1649] {strides = array<i32>} : memref<128x128xf32, #tpu.memory_space<vmem>>, vector<1x16xf32>,
        %get3A_1651 = vector.shape_cast %get3A_1650 : vector<1x16xf32> to vector<16xf32>
        %mul3A_1652 = vector.broadcast %squeeze3A_1603 : f32 to vector<16xf32>
        %mul3A_1653 = arith.mulf %get3A_1651, %mul3A_1652 : vector<16xf32>
        %swap3A_1654 = arith.index_cast %add3A_1601 : i32 to index
        %swap3A_1655 = arith.constant 64 : index
        %swap3A_1656 = tpu.vector_load %arg10[%swap3A_1654, %swap3A_1655] {strides = array<i32>} : memref<128x128xf32, #tpu.memory_space<vmem>>, vector<1x16xf32>,
        %swap3A_1657 = vector.shape_cast %swap3A_1656 : vector<1x16xf32> to vector<16xf32>
        %swap3A_1658 = vector.shape_cast %mul3A_1653 : vector<16xf32> to vector<1x16xf32>
        tpu.vector_store %arg10[%swap3A_1654, %swap3A_1655], %swap3A_1658 {strides = array<i32>} : memref<128x128xf32, #tpu.memory_space<vmem>>, vector<1x16xf32>,
        %get3A_1659 = arith.index_cast %add3A_1601 : i32 to index
        %get3A_1660 = arith.constant 80 : index
        %get3A_1661 = tpu.vector_load %arg10[%get3A_1659, %get3A_1660] {strides = array<i32>} : memref<128x128xf32, #tpu.memory_space<vmem>>, vector<1x16xf32>,
        %get3A_1662 = vector.shape_cast %get3A_1661 : vector<1x16xf32> to vector<16xf32>
        %mul3A_1663 = vector.broadcast %squeeze3A_1603 : f32 to vector<16xf32>
        %mul3A_1664 = arith.mulf %get3A_1662, %mul3A_1663 : vector<16xf32>
        %swap3A_1665 = arith.index_cast %add3A_1601 : i32 to index
        %swap3A_1666 = arith.constant 80 : index
        %swap3A_1667 = tpu.vector_load %arg10[%swap3A_1665, %swap3A_1666] {strides = array<i32>} : memref<128x128xf32, #tpu.memory_space<vmem>>, vector<1x16xf32>,
        %swap3A_1668 = vector.shape_cast %swap3A_1667 : vector<1x16xf32> to vector<16xf32>
        %swap3A_1669 = vector.shape_cast %mul3A_1664 : vector<16xf32> to vector<1x16xf32>
        tpu.vector_store %arg10[%swap3A_1665, %swap3A_1666], %swap3A_1669 {strides = array<i32>} : memref<128x128xf32, #tpu.memory_space<vmem>>, vector<1x16xf32>,
        %get3A_1670 = arith.index_cast %add3A_1601 : i32 to index
        %get3A_1671 = arith.constant 96 : index
        %get3A_1672 = tpu.vector_load %arg10[%get3A_1670, %get3A_1671] {strides = array<i32>} : memref<128x128xf32, #tpu.memory_space<vmem>>, vector<1x16xf32>,
        %get3A_1673 = vector.shape_cast %get3A_1672 : vector<1x16xf32> to vector<16xf32>
        %mul3A_1674 = vector.broadcast %squeeze3A_1603 : f32 to vector<16xf32>
        %mul3A_1675 = arith.mulf %get3A_1673, %mul3A_1674 : vector<16xf32>
        %swap3A_1676 = arith.index_cast %add3A_1601 : i32 to index
        %swap3A_1677 = arith.constant 96 : index
        %swap3A_1678 = tpu.vector_load %arg10[%swap3A_1676, %swap3A_1677] {strides = array<i32>} : memref<128x128xf32, #tpu.memory_space<vmem>>, vector<1x16xf32>,
        %swap3A_1679 = vector.shape_cast %swap3A_1678 : vector<1x16xf32> to vector<16xf32>
        %swap3A_1680 = vector.shape_cast %mul3A_1675 : vector<16xf32> to vector<1x16xf32>
        tpu.vector_store %arg10[%swap3A_1676, %swap3A_1677], %swap3A_1680 {strides = array<i32>} : memref<128x128xf32, #tpu.memory_space<vmem>>, vector<1x16xf32>,
        %get3A_1681 = arith.index_cast %add3A_1601 : i32 to index
        %get3A_1682 = arith.constant 112 : index
        %get3A_1683 = tpu.vector_load %arg10[%get3A_1681, %get3A_1682] {strides = array<i32>} : memref<128x128xf32, #tpu.memory_space<vmem>>, vector<1x16xf32>,
        %get3A_1684 = vector.shape_cast %get3A_1683 : vector<1x16xf32> to vector<16xf32>
        %mul3A_1685 = vector.broadcast %squeeze3A_1603 : f32 to vector<16xf32>
        %mul3A_1686 = arith.mulf %get3A_1684, %mul3A_1685 : vector<16xf32>
        %swap3A_1687 = arith.index_cast %add3A_1601 : i32 to index
        %swap3A_1688 = arith.constant 112 : index
        %swap3A_1689 = tpu.vector_load %arg10[%swap3A_1687, %swap3A_1688] {strides = array<i32>} : memref<128x128xf32, #tpu.memory_space<vmem>>, vector<1x16xf32>,
        %swap3A_1690 = vector.shape_cast %swap3A_1689 : vector<1x16xf32> to vector<16xf32>
        %swap3A_1691 = vector.shape_cast %mul3A_1686 : vector<16xf32> to vector<1x16xf32>
        tpu.vector_store %arg10[%swap3A_1687, %swap3A_1688], %swap3A_1691 {strides = array<i32>} : memref<128x128xf32, #tpu.memory_space<vmem>>, vector<1x16xf32>,
      }
      %scan3A_182 = arith.constant 8 : i32
      "tpu.region"() ({
        %run_scoped3A = tpu.sem_alloc : memref<!tpu.dma_semaphore, #tpu.memory_space<semaphore_mem>>
        %dma_start3A_183 = arith.constant 0 : i32
        %dma_start3A_184 = arith.constant 0 : i32
        %dma_start3A_185 = tpu.memref_slice %arg13[%dma_start3A_183, %dma_start3A_184] : memref<10240x128xf32, #tpu.memory_space<vmem_shared>> -> memref<10240x128xf32, #tpu.memory_space<vmem_shared>>
        tpu.enqueue_indirect_dma source(%arg10 : memref<128x128xf32, #tpu.memory_space<vmem>>) target(%dma_start3A_185 : memref<10240x128xf32, #tpu.memory_space<vmem_shared>>) offsets(%arg12 : memref<128xi32, #tpu.memory_space<vmem>>) semaphore(%run_scoped3A : memref<!tpu.dma_semaphore, #tpu.memory_space<semaphore_mem>>) {add = true}
        %dma_wait3A_186 = arith.constant 0 : i32
        %dma_wait3A_187 = arith.constant 0 : i32
        %dma_wait3A_188 = tpu.memref_slice %arg13[%dma_wait3A_186, %dma_wait3A_187] : memref<10240x128xf32, #tpu.memory_space<vmem_shared>> -> memref<10240x128xf32, #tpu.memory_space<vmem_shared>>
        tpu.wait_indirect_dma semaphore(%run_scoped3A : memref<!tpu.dma_semaphore, #tpu.memory_space<semaphore_mem>>) src(%arg10 : memref<128x128xf32, #tpu.memory_space<vmem>>) dst(%dma_wait3A_188 : memref<10240x128xf32, #tpu.memory_space<vmem_shared>>)
        tpu.yield
      }) : () -> ()
    }
    %scan3A_39 = arith.constant 80 : i32
    %scan3A_40 = arith.constant 1 : i32
    %barrier3A_41 = arith.constant 0 : index
    tpu.barrier barrier_id(%barrier3A_41)
    %mul3A_42 = arith.constant 640 : i32
    %mul3A_43 = arith.muli %arg1, %mul3A_42 : i32
    %mul3A_44 = arith.constant 640 : i32
    %mul3A_45 = arith.muli %arg1, %mul3A_44 : i32
    "tpu.region"() ({
      %run_scoped3A = tpu.sem_alloc : memref<!tpu.dma_semaphore, #tpu.memory_space<semaphore_mem>>
      %dma_start3A = arith.constant 0 : i32
      %dma_start3A_46 = tpu.memref_slice %arg6[%arg0, %mul3A_45, %dma_start3A] : memref<2x10240x128xf32, #tpu.memory_space<hbm>> -> memref<1x640x128xf32, #tpu.memory_space<hbm>>
      %dma_start3A_47 = tpu.memref_squeeze %dma_start3A_46 : memref<1x640x128xf32, #tpu.memory_space<hbm>> -> memref<640x128xf32, #tpu.memory_space<hbm>>
      %dma_start3A_48 = arith.constant 0 : i32
      %dma_start3A_49 = tpu.memref_slice %arg13[%mul3A_43, %dma_start3A_48] : memref<10240x128xf32, #tpu.memory_space<vmem_shared>> -> memref<640x128xf32, #tpu.memory_space<vmem_shared>>
      tpu.enqueue_dma source(%dma_start3A_49 : memref<640x128xf32, #tpu.memory_space<vmem_shared>>) target(%dma_start3A_47 : memref<640x128xf32, #tpu.memory_space<hbm>>) target_semaphore(%run_scoped3A : memref<!tpu.dma_semaphore, #tpu.memory_space<semaphore_mem>>)
      %dma_wait3A = arith.constant 0 : i32
      %dma_wait3A_50 = tpu.memref_slice %arg6[%arg0, %mul3A_45, %dma_wait3A] : memref<2x10240x128xf32, #tpu.memory_space<hbm>> -> memref<1x640x128xf32, #tpu.memory_space<hbm>>
      %dma_wait3A_51 = tpu.memref_squeeze %dma_wait3A_50 : memref<1x640x128xf32, #tpu.memory_space<hbm>> -> memref<640x128xf32, #tpu.memory_space<hbm>>
      %dma_wait3A_52 = arith.constant 0 : i32
      %dma_wait3A_53 = tpu.memref_slice %arg13[%mul3A_43, %dma_wait3A_52] : memref<10240x128xf32, #tpu.memory_space<vmem_shared>> -> memref<640x128xf32, #tpu.memory_space<vmem_shared>>
      tpu.wait_dma2 semaphore(%run_scoped3A : memref<!tpu.dma_semaphore, #tpu.memory_space<semaphore_mem>>) src(%dma_wait3A_53 : memref<640x128xf32, #tpu.memory_space<vmem_shared>>) dst(%dma_wait3A_51 : memref<640x128xf32, #tpu.memory_space<hbm>>)
      tpu.yield
    }) : () -> ()
    return
  }
}

#map = affine_map<(d0, d1) -> (0, 0, 0)>
#map1 = affine_map<(d0, d1) -> (0, 0)>
module attributes {stable_mosaic.version = 14 : i64} {
  func.func @sc_sum(%arg0: i32, %arg1: i32, %arg2: memref<2x10240x128xf32, #tpu.memory_space<hbm>>, %arg3: memref<10240x128xf32, #tpu.memory_space<hbm>>, %arg4: memref<80x128xf32, #tpu.memory_space<vmem>>, %arg5: memref<80x128xf32, #tpu.memory_space<vmem>>) attributes {dimension_semantics = [#tpu.dimension_semantics<core_parallel>, #tpu.dimension_semantics<subcore_parallel>], iteration_bounds = array<i64: 2, 16>, scalar_prefetch = 0 : i64, scratch_operands = 2 : i64, tpu.core_type = #tpu.core_type<sc_vector_subcore>, window_params = [{transform_indices = #map}, {transform_indices = #map1}]} {
    %mul3A = arith.constant 2 : i32
    %mul3A_0 = arith.muli %arg1, %mul3A : i32
    %add3A = arith.addi %mul3A_0, %arg0 : i32
    %mul3A_1 = arith.constant 320 : i32
    %mul3A_2 = arith.muli %add3A, %mul3A_1 : i32
    %add3A_3 = arith.constant 0 : i32
    %add3A_4 = arith.addi %mul3A_2, %add3A_3 : i32
    %run_scoped3A = arith.constant 0 : i32
    "tpu.region"() ({
      %run_scoped3A_47 = tpu.sem_alloc : memref<!tpu.dma_semaphore, #tpu.memory_space<semaphore_mem>>
      %dma_start3A = arith.constant 0 : i32
      %dma_start3A_48 = tpu.memref_slice %arg2[%run_scoped3A, %add3A_4, %dma_start3A] : memref<2x10240x128xf32, #tpu.memory_space<hbm>> -> memref<1x80x128xf32, #tpu.memory_space<hbm>>
      %dma_start3A_49 = tpu.memref_squeeze %dma_start3A_48 : memref<1x80x128xf32, #tpu.memory_space<hbm>> -> memref<80x128xf32, #tpu.memory_space<hbm>>
      %dma_start3A_50 = arith.constant 0 : i32
      %dma_start3A_51 = tpu.memref_slice %arg2[%run_scoped3A, %add3A_4, %dma_start3A_50] : memref<2x10240x128xf32, #tpu.memory_space<hbm>> -> memref<1x80x128xf32, #tpu.memory_space<hbm>>
      %dma_start3A_52 = tpu.memref_squeeze %dma_start3A_51 : memref<1x80x128xf32, #tpu.memory_space<hbm>> -> memref<80x128xf32, #tpu.memory_space<hbm>>
      tpu.enqueue_dma source(%dma_start3A_52 : memref<80x128xf32, #tpu.memory_space<hbm>>) target(%arg4 : memref<80x128xf32, #tpu.memory_space<vmem>>) target_semaphore(%run_scoped3A_47 : memref<!tpu.dma_semaphore, #tpu.memory_space<semaphore_mem>>)
      %dma_wait3A = arith.constant 0 : i32
      %dma_wait3A_53 = tpu.memref_slice %arg2[%run_scoped3A, %add3A_4, %dma_wait3A] : memref<2x10240x128xf32, #tpu.memory_space<hbm>> -> memref<1x80x128xf32, #tpu.memory_space<hbm>>
      %dma_wait3A_54 = tpu.memref_squeeze %dma_wait3A_53 : memref<1x80x128xf32, #tpu.memory_space<hbm>> -> memref<80x128xf32, #tpu.memory_space<hbm>>
      %dma_wait3A_55 = arith.constant 0 : i32
      %dma_wait3A_56 = tpu.memref_slice %arg2[%run_scoped3A, %add3A_4, %dma_wait3A_55] : memref<2x10240x128xf32, #tpu.memory_space<hbm>> -> memref<1x80x128xf32, #tpu.memory_space<hbm>>
      %dma_wait3A_57 = tpu.memref_squeeze %dma_wait3A_56 : memref<1x80x128xf32, #tpu.memory_space<hbm>> -> memref<80x128xf32, #tpu.memory_space<hbm>>
      tpu.wait_dma2 semaphore(%run_scoped3A_47 : memref<!tpu.dma_semaphore, #tpu.memory_space<semaphore_mem>>) src(%dma_wait3A_57 : memref<80x128xf32, #tpu.memory_space<hbm>>) dst(%arg4 : memref<80x128xf32, #tpu.memory_space<vmem>>)
      tpu.yield
    }) : () -> ()
    %run_scoped3A_5 = arith.constant 1 : i32
    "tpu.region"() ({
      %run_scoped3A_47 = tpu.sem_alloc : memref<!tpu.dma_semaphore, #tpu.memory_space<semaphore_mem>>
      %dma_start3A = arith.constant 0 : i32
      %dma_start3A_48 = tpu.memref_slice %arg2[%run_scoped3A_5, %add3A_4, %dma_start3A] : memref<2x10240x128xf32, #tpu.memory_space<hbm>> -> memref<1x80x128xf32, #tpu.memory_space<hbm>>
      %dma_start3A_49 = tpu.memref_squeeze %dma_start3A_48 : memref<1x80x128xf32, #tpu.memory_space<hbm>> -> memref<80x128xf32, #tpu.memory_space<hbm>>
      %dma_start3A_50 = arith.constant 0 : i32
      %dma_start3A_51 = tpu.memref_slice %arg2[%run_scoped3A_5, %add3A_4, %dma_start3A_50] : memref<2x10240x128xf32, #tpu.memory_space<hbm>> -> memref<1x80x128xf32, #tpu.memory_space<hbm>>
      %dma_start3A_52 = tpu.memref_squeeze %dma_start3A_51 : memref<1x80x128xf32, #tpu.memory_space<hbm>> -> memref<80x128xf32, #tpu.memory_space<hbm>>
      tpu.enqueue_dma source(%dma_start3A_52 : memref<80x128xf32, #tpu.memory_space<hbm>>) target(%arg5 : memref<80x128xf32, #tpu.memory_space<vmem>>) target_semaphore(%run_scoped3A_47 : memref<!tpu.dma_semaphore, #tpu.memory_space<semaphore_mem>>)
      %dma_wait3A = arith.constant 0 : i32
      %dma_wait3A_53 = tpu.memref_slice %arg2[%run_scoped3A_5, %add3A_4, %dma_wait3A] : memref<2x10240x128xf32, #tpu.memory_space<hbm>> -> memref<1x80x128xf32, #tpu.memory_space<hbm>>
      %dma_wait3A_54 = tpu.memref_squeeze %dma_wait3A_53 : memref<1x80x128xf32, #tpu.memory_space<hbm>> -> memref<80x128xf32, #tpu.memory_space<hbm>>
      %dma_wait3A_55 = arith.constant 0 : i32
      %dma_wait3A_56 = tpu.memref_slice %arg2[%run_scoped3A_5, %add3A_4, %dma_wait3A_55] : memref<2x10240x128xf32, #tpu.memory_space<hbm>> -> memref<1x80x128xf32, #tpu.memory_space<hbm>>
      %dma_wait3A_57 = tpu.memref_squeeze %dma_wait3A_56 : memref<1x80x128xf32, #tpu.memory_space<hbm>> -> memref<80x128xf32, #tpu.memory_space<hbm>>
      tpu.wait_dma2 semaphore(%run_scoped3A_47 : memref<!tpu.dma_semaphore, #tpu.memory_space<semaphore_mem>>) src(%dma_wait3A_57 : memref<80x128xf32, #tpu.memory_space<hbm>>) dst(%arg5 : memref<80x128xf32, #tpu.memory_space<vmem>>)
      tpu.yield
    }) : () -> ()
    %scan3A = arith.constant 0 : i32
    %scan3A_6 = arith.constant 0 : i32
    %scan3A_7 = arith.constant 80 : i32
    %scan3A_8 = arith.addi %scan3A_6, %scan3A_7 : i32
    %scan3A_9 = arith.constant 1 : i32
    scf.for %scan3A_47 = %scan3A_6 to %scan3A_8 step %scan3A_9  : i32 {
      %get3A = arith.index_cast %scan3A_47 : i32 to index
      %get3A_48 = arith.constant 0 : index
      %get3A_49 = tpu.vector_load %arg4[%get3A, %get3A_48] {strides = array<i32>} : memref<80x128xf32, #tpu.memory_space<vmem>>, vector<1x16xf32>,
      %get3A_50 = vector.shape_cast %get3A_49 : vector<1x16xf32> to vector<16xf32>
      %get3A_51 = arith.index_cast %scan3A_47 : i32 to index
      %get3A_52 = arith.constant 0 : index
      %get3A_53 = tpu.vector_load %arg5[%get3A_51, %get3A_52] {strides = array<i32>} : memref<80x128xf32, #tpu.memory_space<vmem>>, vector<1x16xf32>,
      %get3A_54 = vector.shape_cast %get3A_53 : vector<1x16xf32> to vector<16xf32>
      %add3A_55 = arith.addf %get3A_50, %get3A_54 : vector<16xf32>
      %swap3A = arith.index_cast %scan3A_47 : i32 to index
      %swap3A_56 = arith.constant 0 : index
      %swap3A_57 = tpu.vector_load %arg4[%swap3A, %swap3A_56] {strides = array<i32>} : memref<80x128xf32, #tpu.memory_space<vmem>>, vector<1x16xf32>,
      %swap3A_58 = vector.shape_cast %swap3A_57 : vector<1x16xf32> to vector<16xf32>
      %swap3A_59 = vector.shape_cast %add3A_55 : vector<16xf32> to vector<1x16xf32>
      tpu.vector_store %arg4[%swap3A, %swap3A_56], %swap3A_59 {strides = array<i32>} : memref<80x128xf32, #tpu.memory_space<vmem>>, vector<1x16xf32>,
      %get3A_60 = arith.index_cast %scan3A_47 : i32 to index
      %get3A_61 = arith.constant 16 : index
      %get3A_62 = tpu.vector_load %arg4[%get3A_60, %get3A_61] {strides = array<i32>} : memref<80x128xf32, #tpu.memory_space<vmem>>, vector<1x16xf32>,
      %get3A_63 = vector.shape_cast %get3A_62 : vector<1x16xf32> to vector<16xf32>
      %get3A_64 = arith.index_cast %scan3A_47 : i32 to index
      %get3A_65 = arith.constant 16 : index
      %get3A_66 = tpu.vector_load %arg5[%get3A_64, %get3A_65] {strides = array<i32>} : memref<80x128xf32, #tpu.memory_space<vmem>>, vector<1x16xf32>,
      %get3A_67 = vector.shape_cast %get3A_66 : vector<1x16xf32> to vector<16xf32>
      %add3A_68 = arith.addf %get3A_63, %get3A_67 : vector<16xf32>
      %swap3A_69 = arith.index_cast %scan3A_47 : i32 to index
      %swap3A_70 = arith.constant 16 : index
      %swap3A_71 = tpu.vector_load %arg4[%swap3A_69, %swap3A_70] {strides = array<i32>} : memref<80x128xf32, #tpu.memory_space<vmem>>, vector<1x16xf32>,
      %swap3A_72 = vector.shape_cast %swap3A_71 : vector<1x16xf32> to vector<16xf32>
      %swap3A_73 = vector.shape_cast %add3A_68 : vector<16xf32> to vector<1x16xf32>
      tpu.vector_store %arg4[%swap3A_69, %swap3A_70], %swap3A_73 {strides = array<i32>} : memref<80x128xf32, #tpu.memory_space<vmem>>, vector<1x16xf32>,
      %get3A_74 = arith.index_cast %scan3A_47 : i32 to index
      %get3A_75 = arith.constant 32 : index
      %get3A_76 = tpu.vector_load %arg4[%get3A_74, %get3A_75] {strides = array<i32>} : memref<80x128xf32, #tpu.memory_space<vmem>>, vector<1x16xf32>,
      %get3A_77 = vector.shape_cast %get3A_76 : vector<1x16xf32> to vector<16xf32>
      %get3A_78 = arith.index_cast %scan3A_47 : i32 to index
      %get3A_79 = arith.constant 32 : index
      %get3A_80 = tpu.vector_load %arg5[%get3A_78, %get3A_79] {strides = array<i32>} : memref<80x128xf32, #tpu.memory_space<vmem>>, vector<1x16xf32>,
      %get3A_81 = vector.shape_cast %get3A_80 : vector<1x16xf32> to vector<16xf32>
      %add3A_82 = arith.addf %get3A_77, %get3A_81 : vector<16xf32>
      %swap3A_83 = arith.index_cast %scan3A_47 : i32 to index
      %swap3A_84 = arith.constant 32 : index
      %swap3A_85 = tpu.vector_load %arg4[%swap3A_83, %swap3A_84] {strides = array<i32>} : memref<80x128xf32, #tpu.memory_space<vmem>>, vector<1x16xf32>,
      %swap3A_86 = vector.shape_cast %swap3A_85 : vector<1x16xf32> to vector<16xf32>
      %swap3A_87 = vector.shape_cast %add3A_82 : vector<16xf32> to vector<1x16xf32>
      tpu.vector_store %arg4[%swap3A_83, %swap3A_84], %swap3A_87 {strides = array<i32>} : memref<80x128xf32, #tpu.memory_space<vmem>>, vector<1x16xf32>,
      %get3A_88 = arith.index_cast %scan3A_47 : i32 to index
      %get3A_89 = arith.constant 48 : index
      %get3A_90 = tpu.vector_load %arg4[%get3A_88, %get3A_89] {strides = array<i32>} : memref<80x128xf32, #tpu.memory_space<vmem>>, vector<1x16xf32>,
      %get3A_91 = vector.shape_cast %get3A_90 : vector<1x16xf32> to vector<16xf32>
      %get3A_92 = arith.index_cast %scan3A_47 : i32 to index
      %get3A_93 = arith.constant 48 : index
      %get3A_94 = tpu.vector_load %arg5[%get3A_92, %get3A_93] {strides = array<i32>} : memref<80x128xf32, #tpu.memory_space<vmem>>, vector<1x16xf32>,
      %get3A_95 = vector.shape_cast %get3A_94 : vector<1x16xf32> to vector<16xf32>
      %add3A_96 = arith.addf %get3A_91, %get3A_95 : vector<16xf32>
      %swap3A_97 = arith.index_cast %scan3A_47 : i32 to index
      %swap3A_98 = arith.constant 48 : index
      %swap3A_99 = tpu.vector_load %arg4[%swap3A_97, %swap3A_98] {strides = array<i32>} : memref<80x128xf32, #tpu.memory_space<vmem>>, vector<1x16xf32>,
      %swap3A_100 = vector.shape_cast %swap3A_99 : vector<1x16xf32> to vector<16xf32>
      %swap3A_101 = vector.shape_cast %add3A_96 : vector<16xf32> to vector<1x16xf32>
      tpu.vector_store %arg4[%swap3A_97, %swap3A_98], %swap3A_101 {strides = array<i32>} : memref<80x128xf32, #tpu.memory_space<vmem>>, vector<1x16xf32>,
      %get3A_102 = arith.index_cast %scan3A_47 : i32 to index
      %get3A_103 = arith.constant 64 : index
      %get3A_104 = tpu.vector_load %arg4[%get3A_102, %get3A_103] {strides = array<i32>} : memref<80x128xf32, #tpu.memory_space<vmem>>, vector<1x16xf32>,
      %get3A_105 = vector.shape_cast %get3A_104 : vector<1x16xf32> to vector<16xf32>
      %get3A_106 = arith.index_cast %scan3A_47 : i32 to index
      %get3A_107 = arith.constant 64 : index
      %get3A_108 = tpu.vector_load %arg5[%get3A_106, %get3A_107] {strides = array<i32>} : memref<80x128xf32, #tpu.memory_space<vmem>>, vector<1x16xf32>,
      %get3A_109 = vector.shape_cast %get3A_108 : vector<1x16xf32> to vector<16xf32>
      %add3A_110 = arith.addf %get3A_105, %get3A_109 : vector<16xf32>
      %swap3A_111 = arith.index_cast %scan3A_47 : i32 to index
      %swap3A_112 = arith.constant 64 : index
      %swap3A_113 = tpu.vector_load %arg4[%swap3A_111, %swap3A_112] {strides = array<i32>} : memref<80x128xf32, #tpu.memory_space<vmem>>, vector<1x16xf32>,
      %swap3A_114 = vector.shape_cast %swap3A_113 : vector<1x16xf32> to vector<16xf32>
      %swap3A_115 = vector.shape_cast %add3A_110 : vector<16xf32> to vector<1x16xf32>
      tpu.vector_store %arg4[%swap3A_111, %swap3A_112], %swap3A_115 {strides = array<i32>} : memref<80x128xf32, #tpu.memory_space<vmem>>, vector<1x16xf32>,
      %get3A_116 = arith.index_cast %scan3A_47 : i32 to index
      %get3A_117 = arith.constant 80 : index
      %get3A_118 = tpu.vector_load %arg4[%get3A_116, %get3A_117] {strides = array<i32>} : memref<80x128xf32, #tpu.memory_space<vmem>>, vector<1x16xf32>,
      %get3A_119 = vector.shape_cast %get3A_118 : vector<1x16xf32> to vector<16xf32>
      %get3A_120 = arith.index_cast %scan3A_47 : i32 to index
      %get3A_121 = arith.constant 80 : index
      %get3A_122 = tpu.vector_load %arg5[%get3A_120, %get3A_121] {strides = array<i32>} : memref<80x128xf32, #tpu.memory_space<vmem>>, vector<1x16xf32>,
      %get3A_123 = vector.shape_cast %get3A_122 : vector<1x16xf32> to vector<16xf32>
      %add3A_124 = arith.addf %get3A_119, %get3A_123 : vector<16xf32>
      %swap3A_125 = arith.index_cast %scan3A_47 : i32 to index
      %swap3A_126 = arith.constant 80 : index
      %swap3A_127 = tpu.vector_load %arg4[%swap3A_125, %swap3A_126] {strides = array<i32>} : memref<80x128xf32, #tpu.memory_space<vmem>>, vector<1x16xf32>,
      %swap3A_128 = vector.shape_cast %swap3A_127 : vector<1x16xf32> to vector<16xf32>
      %swap3A_129 = vector.shape_cast %add3A_124 : vector<16xf32> to vector<1x16xf32>
      tpu.vector_store %arg4[%swap3A_125, %swap3A_126], %swap3A_129 {strides = array<i32>} : memref<80x128xf32, #tpu.memory_space<vmem>>, vector<1x16xf32>,
      %get3A_130 = arith.index_cast %scan3A_47 : i32 to index
      %get3A_131 = arith.constant 96 : index
      %get3A_132 = tpu.vector_load %arg4[%get3A_130, %get3A_131] {strides = array<i32>} : memref<80x128xf32, #tpu.memory_space<vmem>>, vector<1x16xf32>,
      %get3A_133 = vector.shape_cast %get3A_132 : vector<1x16xf32> to vector<16xf32>
      %get3A_134 = arith.index_cast %scan3A_47 : i32 to index
      %get3A_135 = arith.constant 96 : index
      %get3A_136 = tpu.vector_load %arg5[%get3A_134, %get3A_135] {strides = array<i32>} : memref<80x128xf32, #tpu.memory_space<vmem>>, vector<1x16xf32>,
      %get3A_137 = vector.shape_cast %get3A_136 : vector<1x16xf32> to vector<16xf32>
      %add3A_138 = arith.addf %get3A_133, %get3A_137 : vector<16xf32>
      %swap3A_139 = arith.index_cast %scan3A_47 : i32 to index
      %swap3A_140 = arith.constant 96 : index
      %swap3A_141 = tpu.vector_load %arg4[%swap3A_139, %swap3A_140] {strides = array<i32>} : memref<80x128xf32, #tpu.memory_space<vmem>>, vector<1x16xf32>,
      %swap3A_142 = vector.shape_cast %swap3A_141 : vector<1x16xf32> to vector<16xf32>
      %swap3A_143 = vector.shape_cast %add3A_138 : vector<16xf32> to vector<1x16xf32>
      tpu.vector_store %arg4[%swap3A_139, %swap3A_140], %swap3A_143 {strides = array<i32>} : memref<80x128xf32, #tpu.memory_space<vmem>>, vector<1x16xf32>,
      %get3A_144 = arith.index_cast %scan3A_47 : i32 to index
      %get3A_145 = arith.constant 112 : index
      %get3A_146 = tpu.vector_load %arg4[%get3A_144, %get3A_145] {strides = array<i32>} : memref<80x128xf32, #tpu.memory_space<vmem>>, vector<1x16xf32>,
      %get3A_147 = vector.shape_cast %get3A_146 : vector<1x16xf32> to vector<16xf32>
      %get3A_148 = arith.index_cast %scan3A_47 : i32 to index
      %get3A_149 = arith.constant 112 : index
      %get3A_150 = tpu.vector_load %arg5[%get3A_148, %get3A_149] {strides = array<i32>} : memref<80x128xf32, #tpu.memory_space<vmem>>, vector<1x16xf32>,
      %get3A_151 = vector.shape_cast %get3A_150 : vector<1x16xf32> to vector<16xf32>
      %add3A_152 = arith.addf %get3A_147, %get3A_151 : vector<16xf32>
      %swap3A_153 = arith.index_cast %scan3A_47 : i32 to index
      %swap3A_154 = arith.constant 112 : index
      %swap3A_155 = tpu.vector_load %arg4[%swap3A_153, %swap3A_154] {strides = array<i32>} : memref<80x128xf32, #tpu.memory_space<vmem>>, vector<1x16xf32>,
      %swap3A_156 = vector.shape_cast %swap3A_155 : vector<1x16xf32> to vector<16xf32>
      %swap3A_157 = vector.shape_cast %add3A_152 : vector<16xf32> to vector<1x16xf32>
      tpu.vector_store %arg4[%swap3A_153, %swap3A_154], %swap3A_157 {strides = array<i32>} : memref<80x128xf32, #tpu.memory_space<vmem>>, vector<1x16xf32>,
    }
    %scan3A_10 = arith.constant 80 : i32
    "tpu.region"() ({
      %run_scoped3A_47 = tpu.sem_alloc : memref<!tpu.dma_semaphore, #tpu.memory_space<semaphore_mem>>
      %dma_start3A = arith.constant 0 : i32
      %dma_start3A_48 = tpu.memref_slice %arg3[%add3A_4, %dma_start3A] : memref<10240x128xf32, #tpu.memory_space<hbm>> -> memref<80x128xf32, #tpu.memory_space<hbm>>
      %dma_start3A_49 = arith.constant 0 : i32
      %dma_start3A_50 = tpu.memref_slice %arg3[%add3A_4, %dma_start3A_49] : memref<10240x128xf32, #tpu.memory_space<hbm>> -> memref<80x128xf32, #tpu.memory_space<hbm>>
      tpu.enqueue_dma source(%arg4 : memref<80x128xf32, #tpu.memory_space<vmem>>) target(%dma_start3A_50 : memref<80x128xf32, #tpu.memory_space<hbm>>) target_semaphore(%run_scoped3A_47 : memref<!tpu.dma_semaphore, #tpu.memory_space<semaphore_mem>>)
      %dma_wait3A = arith.constant 0 : i32
      %dma_wait3A_51 = tpu.memref_slice %arg3[%add3A_4, %dma_wait3A] : memref<10240x128xf32, #tpu.memory_space<hbm>> -> memref<80x128xf32, #tpu.memory_space<hbm>>
      %dma_wait3A_52 = arith.constant 0 : i32
      %dma_wait3A_53 = tpu.memref_slice %arg3[%add3A_4, %dma_wait3A_52] : memref<10240x128xf32, #tpu.memory_space<hbm>> -> memref<80x128xf32, #tpu.memory_space<hbm>>
      tpu.wait_dma2 semaphore(%run_scoped3A_47 : memref<!tpu.dma_semaphore, #tpu.memory_space<semaphore_mem>>) src(%arg4 : memref<80x128xf32, #tpu.memory_space<vmem>>) dst(%dma_wait3A_53 : memref<80x128xf32, #tpu.memory_space<hbm>>)
      tpu.yield
    }) : () -> ()
    %mul3A_11 = arith.constant 320 : i32
    %mul3A_12 = arith.muli %add3A, %mul3A_11 : i32
    %add3A_13 = arith.constant 80 : i32
    %add3A_14 = arith.addi %mul3A_12, %add3A_13 : i32
    %run_scoped3A_15 = arith.constant 0 : i32
    "tpu.region"() ({
      %run_scoped3A_47 = tpu.sem_alloc : memref<!tpu.dma_semaphore, #tpu.memory_space<semaphore_mem>>
      %dma_start3A = arith.constant 0 : i32
      %dma_start3A_48 = tpu.memref_slice %arg2[%run_scoped3A_15, %add3A_14, %dma_start3A] : memref<2x10240x128xf32, #tpu.memory_space<hbm>> -> memref<1x80x128xf32, #tpu.memory_space<hbm>>
      %dma_start3A_49 = tpu.memref_squeeze %dma_start3A_48 : memref<1x80x128xf32, #tpu.memory_space<hbm>> -> memref<80x128xf32, #tpu.memory_space<hbm>>
      %dma_start3A_50 = arith.constant 0 : i32
      %dma_start3A_51 = tpu.memref_slice %arg2[%run_scoped3A_15, %add3A_14, %dma_start3A_50] : memref<2x10240x128xf32, #tpu.memory_space<hbm>> -> memref<1x80x128xf32, #tpu.memory_space<hbm>>
      %dma_start3A_52 = tpu.memref_squeeze %dma_start3A_51 : memref<1x80x128xf32, #tpu.memory_space<hbm>> -> memref<80x128xf32, #tpu.memory_space<hbm>>
      tpu.enqueue_dma source(%dma_start3A_52 : memref<80x128xf32, #tpu.memory_space<hbm>>) target(%arg4 : memref<80x128xf32, #tpu.memory_space<vmem>>) target_semaphore(%run_scoped3A_47 : memref<!tpu.dma_semaphore, #tpu.memory_space<semaphore_mem>>)
      %dma_wait3A = arith.constant 0 : i32
      %dma_wait3A_53 = tpu.memref_slice %arg2[%run_scoped3A_15, %add3A_14, %dma_wait3A] : memref<2x10240x128xf32, #tpu.memory_space<hbm>> -> memref<1x80x128xf32, #tpu.memory_space<hbm>>
      %dma_wait3A_54 = tpu.memref_squeeze %dma_wait3A_53 : memref<1x80x128xf32, #tpu.memory_space<hbm>> -> memref<80x128xf32, #tpu.memory_space<hbm>>
      %dma_wait3A_55 = arith.constant 0 : i32
      %dma_wait3A_56 = tpu.memref_slice %arg2[%run_scoped3A_15, %add3A_14, %dma_wait3A_55] : memref<2x10240x128xf32, #tpu.memory_space<hbm>> -> memref<1x80x128xf32, #tpu.memory_space<hbm>>
      %dma_wait3A_57 = tpu.memref_squeeze %dma_wait3A_56 : memref<1x80x128xf32, #tpu.memory_space<hbm>> -> memref<80x128xf32, #tpu.memory_space<hbm>>
      tpu.wait_dma2 semaphore(%run_scoped3A_47 : memref<!tpu.dma_semaphore, #tpu.memory_space<semaphore_mem>>) src(%dma_wait3A_57 : memref<80x128xf32, #tpu.memory_space<hbm>>) dst(%arg4 : memref<80x128xf32, #tpu.memory_space<vmem>>)
      tpu.yield
    }) : () -> ()
    %run_scoped3A_16 = arith.constant 1 : i32
    "tpu.region"() ({
      %run_scoped3A_47 = tpu.sem_alloc : memref<!tpu.dma_semaphore, #tpu.memory_space<semaphore_mem>>
      %dma_start3A = arith.constant 0 : i32
      %dma_start3A_48 = tpu.memref_slice %arg2[%run_scoped3A_16, %add3A_14, %dma_start3A] : memref<2x10240x128xf32, #tpu.memory_space<hbm>> -> memref<1x80x128xf32, #tpu.memory_space<hbm>>
      %dma_start3A_49 = tpu.memref_squeeze %dma_start3A_48 : memref<1x80x128xf32, #tpu.memory_space<hbm>> -> memref<80x128xf32, #tpu.memory_space<hbm>>
      %dma_start3A_50 = arith.constant 0 : i32
      %dma_start3A_51 = tpu.memref_slice %arg2[%run_scoped3A_16, %add3A_14, %dma_start3A_50] : memref<2x10240x128xf32, #tpu.memory_space<hbm>> -> memref<1x80x128xf32, #tpu.memory_space<hbm>>
      %dma_start3A_52 = tpu.memref_squeeze %dma_start3A_51 : memref<1x80x128xf32, #tpu.memory_space<hbm>> -> memref<80x128xf32, #tpu.memory_space<hbm>>
      tpu.enqueue_dma source(%dma_start3A_52 : memref<80x128xf32, #tpu.memory_space<hbm>>) target(%arg5 : memref<80x128xf32, #tpu.memory_space<vmem>>) target_semaphore(%run_scoped3A_47 : memref<!tpu.dma_semaphore, #tpu.memory_space<semaphore_mem>>)
      %dma_wait3A = arith.constant 0 : i32
      %dma_wait3A_53 = tpu.memref_slice %arg2[%run_scoped3A_16, %add3A_14, %dma_wait3A] : memref<2x10240x128xf32, #tpu.memory_space<hbm>> -> memref<1x80x128xf32, #tpu.memory_space<hbm>>
      %dma_wait3A_54 = tpu.memref_squeeze %dma_wait3A_53 : memref<1x80x128xf32, #tpu.memory_space<hbm>> -> memref<80x128xf32, #tpu.memory_space<hbm>>
      %dma_wait3A_55 = arith.constant 0 : i32
      %dma_wait3A_56 = tpu.memref_slice %arg2[%run_scoped3A_16, %add3A_14, %dma_wait3A_55] : memref<2x10240x128xf32, #tpu.memory_space<hbm>> -> memref<1x80x128xf32, #tpu.memory_space<hbm>>
      %dma_wait3A_57 = tpu.memref_squeeze %dma_wait3A_56 : memref<1x80x128xf32, #tpu.memory_space<hbm>> -> memref<80x128xf32, #tpu.memory_space<hbm>>
      tpu.wait_dma2 semaphore(%run_scoped3A_47 : memref<!tpu.dma_semaphore, #tpu.memory_space<semaphore_mem>>) src(%dma_wait3A_57 : memref<80x128xf32, #tpu.memory_space<hbm>>) dst(%arg5 : memref<80x128xf32, #tpu.memory_space<vmem>>)
      tpu.yield
    }) : () -> ()
    %scan3A_17 = arith.constant 0 : i32
    %scan3A_18 = arith.constant 0 : i32
    %scan3A_19 = arith.constant 80 : i32
    %scan3A_20 = arith.addi %scan3A_18, %scan3A_19 : i32
    %scan3A_21 = arith.constant 1 : i32
    scf.for %scan3A_47 = %scan3A_18 to %scan3A_20 step %scan3A_21  : i32 {
      %get3A = arith.index_cast %scan3A_47 : i32 to index
      %get3A_48 = arith.constant 0 : index
      %get3A_49 = tpu.vector_load %arg4[%get3A, %get3A_48] {strides = array<i32>} : memref<80x128xf32, #tpu.memory_space<vmem>>, vector<1x16xf32>,
      %get3A_50 = vector.shape_cast %get3A_49 : vector<1x16xf32> to vector<16xf32>
      %get3A_51 = arith.index_cast %scan3A_47 : i32 to index
      %get3A_52 = arith.constant 0 : index
      %get3A_53 = tpu.vector_load %arg5[%get3A_51, %get3A_52] {strides = array<i32>} : memref<80x128xf32, #tpu.memory_space<vmem>>, vector<1x16xf32>,
      %get3A_54 = vector.shape_cast %get3A_53 : vector<1x16xf32> to vector<16xf32>
      %add3A_55 = arith.addf %get3A_50, %get3A_54 : vector<16xf32>
      %swap3A = arith.index_cast %scan3A_47 : i32 to index
      %swap3A_56 = arith.constant 0 : index
      %swap3A_57 = tpu.vector_load %arg4[%swap3A, %swap3A_56] {strides = array<i32>} : memref<80x128xf32, #tpu.memory_space<vmem>>, vector<1x16xf32>,
      %swap3A_58 = vector.shape_cast %swap3A_57 : vector<1x16xf32> to vector<16xf32>
      %swap3A_59 = vector.shape_cast %add3A_55 : vector<16xf32> to vector<1x16xf32>
      tpu.vector_store %arg4[%swap3A, %swap3A_56], %swap3A_59 {strides = array<i32>} : memref<80x128xf32, #tpu.memory_space<vmem>>, vector<1x16xf32>,
      %get3A_60 = arith.index_cast %scan3A_47 : i32 to index
      %get3A_61 = arith.constant 16 : index
      %get3A_62 = tpu.vector_load %arg4[%get3A_60, %get3A_61] {strides = array<i32>} : memref<80x128xf32, #tpu.memory_space<vmem>>, vector<1x16xf32>,
      %get3A_63 = vector.shape_cast %get3A_62 : vector<1x16xf32> to vector<16xf32>
      %get3A_64 = arith.index_cast %scan3A_47 : i32 to index
      %get3A_65 = arith.constant 16 : index
      %get3A_66 = tpu.vector_load %arg5[%get3A_64, %get3A_65] {strides = array<i32>} : memref<80x128xf32, #tpu.memory_space<vmem>>, vector<1x16xf32>,
      %get3A_67 = vector.shape_cast %get3A_66 : vector<1x16xf32> to vector<16xf32>
      %add3A_68 = arith.addf %get3A_63, %get3A_67 : vector<16xf32>
      %swap3A_69 = arith.index_cast %scan3A_47 : i32 to index
      %swap3A_70 = arith.constant 16 : index
      %swap3A_71 = tpu.vector_load %arg4[%swap3A_69, %swap3A_70] {strides = array<i32>} : memref<80x128xf32, #tpu.memory_space<vmem>>, vector<1x16xf32>,
      %swap3A_72 = vector.shape_cast %swap3A_71 : vector<1x16xf32> to vector<16xf32>
      %swap3A_73 = vector.shape_cast %add3A_68 : vector<16xf32> to vector<1x16xf32>
      tpu.vector_store %arg4[%swap3A_69, %swap3A_70], %swap3A_73 {strides = array<i32>} : memref<80x128xf32, #tpu.memory_space<vmem>>, vector<1x16xf32>,
      %get3A_74 = arith.index_cast %scan3A_47 : i32 to index
      %get3A_75 = arith.constant 32 : index
      %get3A_76 = tpu.vector_load %arg4[%get3A_74, %get3A_75] {strides = array<i32>} : memref<80x128xf32, #tpu.memory_space<vmem>>, vector<1x16xf32>,
      %get3A_77 = vector.shape_cast %get3A_76 : vector<1x16xf32> to vector<16xf32>
      %get3A_78 = arith.index_cast %scan3A_47 : i32 to index
      %get3A_79 = arith.constant 32 : index
      %get3A_80 = tpu.vector_load %arg5[%get3A_78, %get3A_79] {strides = array<i32>} : memref<80x128xf32, #tpu.memory_space<vmem>>, vector<1x16xf32>,
      %get3A_81 = vector.shape_cast %get3A_80 : vector<1x16xf32> to vector<16xf32>
      %add3A_82 = arith.addf %get3A_77, %get3A_81 : vector<16xf32>
      %swap3A_83 = arith.index_cast %scan3A_47 : i32 to index
      %swap3A_84 = arith.constant 32 : index
      %swap3A_85 = tpu.vector_load %arg4[%swap3A_83, %swap3A_84] {strides = array<i32>} : memref<80x128xf32, #tpu.memory_space<vmem>>, vector<1x16xf32>,
      %swap3A_86 = vector.shape_cast %swap3A_85 : vector<1x16xf32> to vector<16xf32>
      %swap3A_87 = vector.shape_cast %add3A_82 : vector<16xf32> to vector<1x16xf32>
      tpu.vector_store %arg4[%swap3A_83, %swap3A_84], %swap3A_87 {strides = array<i32>} : memref<80x128xf32, #tpu.memory_space<vmem>>, vector<1x16xf32>,
      %get3A_88 = arith.index_cast %scan3A_47 : i32 to index
      %get3A_89 = arith.constant 48 : index
      %get3A_90 = tpu.vector_load %arg4[%get3A_88, %get3A_89] {strides = array<i32>} : memref<80x128xf32, #tpu.memory_space<vmem>>, vector<1x16xf32>,
      %get3A_91 = vector.shape_cast %get3A_90 : vector<1x16xf32> to vector<16xf32>
      %get3A_92 = arith.index_cast %scan3A_47 : i32 to index
      %get3A_93 = arith.constant 48 : index
      %get3A_94 = tpu.vector_load %arg5[%get3A_92, %get3A_93] {strides = array<i32>} : memref<80x128xf32, #tpu.memory_space<vmem>>, vector<1x16xf32>,
      %get3A_95 = vector.shape_cast %get3A_94 : vector<1x16xf32> to vector<16xf32>
      %add3A_96 = arith.addf %get3A_91, %get3A_95 : vector<16xf32>
      %swap3A_97 = arith.index_cast %scan3A_47 : i32 to index
      %swap3A_98 = arith.constant 48 : index
      %swap3A_99 = tpu.vector_load %arg4[%swap3A_97, %swap3A_98] {strides = array<i32>} : memref<80x128xf32, #tpu.memory_space<vmem>>, vector<1x16xf32>,
      %swap3A_100 = vector.shape_cast %swap3A_99 : vector<1x16xf32> to vector<16xf32>
      %swap3A_101 = vector.shape_cast %add3A_96 : vector<16xf32> to vector<1x16xf32>
      tpu.vector_store %arg4[%swap3A_97, %swap3A_98], %swap3A_101 {strides = array<i32>} : memref<80x128xf32, #tpu.memory_space<vmem>>, vector<1x16xf32>,
      %get3A_102 = arith.index_cast %scan3A_47 : i32 to index
      %get3A_103 = arith.constant 64 : index
      %get3A_104 = tpu.vector_load %arg4[%get3A_102, %get3A_103] {strides = array<i32>} : memref<80x128xf32, #tpu.memory_space<vmem>>, vector<1x16xf32>,
      %get3A_105 = vector.shape_cast %get3A_104 : vector<1x16xf32> to vector<16xf32>
      %get3A_106 = arith.index_cast %scan3A_47 : i32 to index
      %get3A_107 = arith.constant 64 : index
      %get3A_108 = tpu.vector_load %arg5[%get3A_106, %get3A_107] {strides = array<i32>} : memref<80x128xf32, #tpu.memory_space<vmem>>, vector<1x16xf32>,
      %get3A_109 = vector.shape_cast %get3A_108 : vector<1x16xf32> to vector<16xf32>
      %add3A_110 = arith.addf %get3A_105, %get3A_109 : vector<16xf32>
      %swap3A_111 = arith.index_cast %scan3A_47 : i32 to index
      %swap3A_112 = arith.constant 64 : index
      %swap3A_113 = tpu.vector_load %arg4[%swap3A_111, %swap3A_112] {strides = array<i32>} : memref<80x128xf32, #tpu.memory_space<vmem>>, vector<1x16xf32>,
      %swap3A_114 = vector.shape_cast %swap3A_113 : vector<1x16xf32> to vector<16xf32>
      %swap3A_115 = vector.shape_cast %add3A_110 : vector<16xf32> to vector<1x16xf32>
      tpu.vector_store %arg4[%swap3A_111, %swap3A_112], %swap3A_115 {strides = array<i32>} : memref<80x128xf32, #tpu.memory_space<vmem>>, vector<1x16xf32>,
      %get3A_116 = arith.index_cast %scan3A_47 : i32 to index
      %get3A_117 = arith.constant 80 : index
      %get3A_118 = tpu.vector_load %arg4[%get3A_116, %get3A_117] {strides = array<i32>} : memref<80x128xf32, #tpu.memory_space<vmem>>, vector<1x16xf32>,
      %get3A_119 = vector.shape_cast %get3A_118 : vector<1x16xf32> to vector<16xf32>
      %get3A_120 = arith.index_cast %scan3A_47 : i32 to index
      %get3A_121 = arith.constant 80 : index
      %get3A_122 = tpu.vector_load %arg5[%get3A_120, %get3A_121] {strides = array<i32>} : memref<80x128xf32, #tpu.memory_space<vmem>>, vector<1x16xf32>,
      %get3A_123 = vector.shape_cast %get3A_122 : vector<1x16xf32> to vector<16xf32>
      %add3A_124 = arith.addf %get3A_119, %get3A_123 : vector<16xf32>
      %swap3A_125 = arith.index_cast %scan3A_47 : i32 to index
      %swap3A_126 = arith.constant 80 : index
      %swap3A_127 = tpu.vector_load %arg4[%swap3A_125, %swap3A_126] {strides = array<i32>} : memref<80x128xf32, #tpu.memory_space<vmem>>, vector<1x16xf32>,
      %swap3A_128 = vector.shape_cast %swap3A_127 : vector<1x16xf32> to vector<16xf32>
      %swap3A_129 = vector.shape_cast %add3A_124 : vector<16xf32> to vector<1x16xf32>
      tpu.vector_store %arg4[%swap3A_125, %swap3A_126], %swap3A_129 {strides = array<i32>} : memref<80x128xf32, #tpu.memory_space<vmem>>, vector<1x16xf32>,
      %get3A_130 = arith.index_cast %scan3A_47 : i32 to index
      %get3A_131 = arith.constant 96 : index
      %get3A_132 = tpu.vector_load %arg4[%get3A_130, %get3A_131] {strides = array<i32>} : memref<80x128xf32, #tpu.memory_space<vmem>>, vector<1x16xf32>,
      %get3A_133 = vector.shape_cast %get3A_132 : vector<1x16xf32> to vector<16xf32>
      %get3A_134 = arith.index_cast %scan3A_47 : i32 to index
      %get3A_135 = arith.constant 96 : index
      %get3A_136 = tpu.vector_load %arg5[%get3A_134, %get3A_135] {strides = array<i32>} : memref<80x128xf32, #tpu.memory_space<vmem>>, vector<1x16xf32>,
      %get3A_137 = vector.shape_cast %get3A_136 : vector<1x16xf32> to vector<16xf32>
      %add3A_138 = arith.addf %get3A_133, %get3A_137 : vector<16xf32>
      %swap3A_139 = arith.index_cast %scan3A_47 : i32 to index
      %swap3A_140 = arith.constant 96 : index
      %swap3A_141 = tpu.vector_load %arg4[%swap3A_139, %swap3A_140] {strides = array<i32>} : memref<80x128xf32, #tpu.memory_space<vmem>>, vector<1x16xf32>,
      %swap3A_142 = vector.shape_cast %swap3A_141 : vector<1x16xf32> to vector<16xf32>
      %swap3A_143 = vector.shape_cast %add3A_138 : vector<16xf32> to vector<1x16xf32>
      tpu.vector_store %arg4[%swap3A_139, %swap3A_140], %swap3A_143 {strides = array<i32>} : memref<80x128xf32, #tpu.memory_space<vmem>>, vector<1x16xf32>,
      %get3A_144 = arith.index_cast %scan3A_47 : i32 to index
      %get3A_145 = arith.constant 112 : index
      %get3A_146 = tpu.vector_load %arg4[%get3A_144, %get3A_145] {strides = array<i32>} : memref<80x128xf32, #tpu.memory_space<vmem>>, vector<1x16xf32>,
      %get3A_147 = vector.shape_cast %get3A_146 : vector<1x16xf32> to vector<16xf32>
      %get3A_148 = arith.index_cast %scan3A_47 : i32 to index
      %get3A_149 = arith.constant 112 : index
      %get3A_150 = tpu.vector_load %arg5[%get3A_148, %get3A_149] {strides = array<i32>} : memref<80x128xf32, #tpu.memory_space<vmem>>, vector<1x16xf32>,
      %get3A_151 = vector.shape_cast %get3A_150 : vector<1x16xf32> to vector<16xf32>
      %add3A_152 = arith.addf %get3A_147, %get3A_151 : vector<16xf32>
      %swap3A_153 = arith.index_cast %scan3A_47 : i32 to index
      %swap3A_154 = arith.constant 112 : index
      %swap3A_155 = tpu.vector_load %arg4[%swap3A_153, %swap3A_154] {strides = array<i32>} : memref<80x128xf32, #tpu.memory_space<vmem>>, vector<1x16xf32>,
      %swap3A_156 = vector.shape_cast %swap3A_155 : vector<1x16xf32> to vector<16xf32>
      %swap3A_157 = vector.shape_cast %add3A_152 : vector<16xf32> to vector<1x16xf32>
      tpu.vector_store %arg4[%swap3A_153, %swap3A_154], %swap3A_157 {strides = array<i32>} : memref<80x128xf32, #tpu.memory_space<vmem>>, vector<1x16xf32>,
    }
    %scan3A_22 = arith.constant 80 : i32
    "tpu.region"() ({
      %run_scoped3A_47 = tpu.sem_alloc : memref<!tpu.dma_semaphore, #tpu.memory_space<semaphore_mem>>
      %dma_start3A = arith.constant 0 : i32
      %dma_start3A_48 = tpu.memref_slice %arg3[%add3A_14, %dma_start3A] : memref<10240x128xf32, #tpu.memory_space<hbm>> -> memref<80x128xf32, #tpu.memory_space<hbm>>
      %dma_start3A_49 = arith.constant 0 : i32
      %dma_start3A_50 = tpu.memref_slice %arg3[%add3A_14, %dma_start3A_49] : memref<10240x128xf32, #tpu.memory_space<hbm>> -> memref<80x128xf32, #tpu.memory_space<hbm>>
      tpu.enqueue_dma source(%arg4 : memref<80x128xf32, #tpu.memory_space<vmem>>) target(%dma_start3A_50 : memref<80x128xf32, #tpu.memory_space<hbm>>) target_semaphore(%run_scoped3A_47 : memref<!tpu.dma_semaphore, #tpu.memory_space<semaphore_mem>>)
      %dma_wait3A = arith.constant 0 : i32
      %dma_wait3A_51 = tpu.memref_slice %arg3[%add3A_14, %dma_wait3A] : memref<10240x128xf32, #tpu.memory_space<hbm>> -> memref<80x128xf32, #tpu.memory_space<hbm>>
      %dma_wait3A_52 = arith.constant 0 : i32
      %dma_wait3A_53 = tpu.memref_slice %arg3[%add3A_14, %dma_wait3A_52] : memref<10240x128xf32, #tpu.memory_space<hbm>> -> memref<80x128xf32, #tpu.memory_space<hbm>>
      tpu.wait_dma2 semaphore(%run_scoped3A_47 : memref<!tpu.dma_semaphore, #tpu.memory_space<semaphore_mem>>) src(%arg4 : memref<80x128xf32, #tpu.memory_space<vmem>>) dst(%dma_wait3A_53 : memref<80x128xf32, #tpu.memory_space<hbm>>)
      tpu.yield
    }) : () -> ()
    %mul3A_23 = arith.constant 320 : i32
    %mul3A_24 = arith.muli %add3A, %mul3A_23 : i32
    %add3A_25 = arith.constant 160 : i32
    %add3A_26 = arith.addi %mul3A_24, %add3A_25 : i32
    %run_scoped3A_27 = arith.constant 0 : i32
    "tpu.region"() ({
      %run_scoped3A_47 = tpu.sem_alloc : memref<!tpu.dma_semaphore, #tpu.memory_space<semaphore_mem>>
      %dma_start3A = arith.constant 0 : i32
      %dma_start3A_48 = tpu.memref_slice %arg2[%run_scoped3A_27, %add3A_26, %dma_start3A] : memref<2x10240x128xf32, #tpu.memory_space<hbm>> -> memref<1x80x128xf32, #tpu.memory_space<hbm>>
      %dma_start3A_49 = tpu.memref_squeeze %dma_start3A_48 : memref<1x80x128xf32, #tpu.memory_space<hbm>> -> memref<80x128xf32, #tpu.memory_space<hbm>>
      %dma_start3A_50 = arith.constant 0 : i32
      %dma_start3A_51 = tpu.memref_slice %arg2[%run_scoped3A_27, %add3A_26, %dma_start3A_50] : memref<2x10240x128xf32, #tpu.memory_space<hbm>> -> memref<1x80x128xf32, #tpu.memory_space<hbm>>
      %dma_start3A_52 = tpu.memref_squeeze %dma_start3A_51 : memref<1x80x128xf32, #tpu.memory_space<hbm>> -> memref<80x128xf32, #tpu.memory_space<hbm>>
      tpu.enqueue_dma source(%dma_start3A_52 : memref<80x128xf32, #tpu.memory_space<hbm>>) target(%arg4 : memref<80x128xf32, #tpu.memory_space<vmem>>) target_semaphore(%run_scoped3A_47 : memref<!tpu.dma_semaphore, #tpu.memory_space<semaphore_mem>>)
      %dma_wait3A = arith.constant 0 : i32
      %dma_wait3A_53 = tpu.memref_slice %arg2[%run_scoped3A_27, %add3A_26, %dma_wait3A] : memref<2x10240x128xf32, #tpu.memory_space<hbm>> -> memref<1x80x128xf32, #tpu.memory_space<hbm>>
      %dma_wait3A_54 = tpu.memref_squeeze %dma_wait3A_53 : memref<1x80x128xf32, #tpu.memory_space<hbm>> -> memref<80x128xf32, #tpu.memory_space<hbm>>
      %dma_wait3A_55 = arith.constant 0 : i32
      %dma_wait3A_56 = tpu.memref_slice %arg2[%run_scoped3A_27, %add3A_26, %dma_wait3A_55] : memref<2x10240x128xf32, #tpu.memory_space<hbm>> -> memref<1x80x128xf32, #tpu.memory_space<hbm>>
      %dma_wait3A_57 = tpu.memref_squeeze %dma_wait3A_56 : memref<1x80x128xf32, #tpu.memory_space<hbm>> -> memref<80x128xf32, #tpu.memory_space<hbm>>
      tpu.wait_dma2 semaphore(%run_scoped3A_47 : memref<!tpu.dma_semaphore, #tpu.memory_space<semaphore_mem>>) src(%dma_wait3A_57 : memref<80x128xf32, #tpu.memory_space<hbm>>) dst(%arg4 : memref<80x128xf32, #tpu.memory_space<vmem>>)
      tpu.yield
    }) : () -> ()
    %run_scoped3A_28 = arith.constant 1 : i32
    "tpu.region"() ({
      %run_scoped3A_47 = tpu.sem_alloc : memref<!tpu.dma_semaphore, #tpu.memory_space<semaphore_mem>>
      %dma_start3A = arith.constant 0 : i32
      %dma_start3A_48 = tpu.memref_slice %arg2[%run_scoped3A_28, %add3A_26, %dma_start3A] : memref<2x10240x128xf32, #tpu.memory_space<hbm>> -> memref<1x80x128xf32, #tpu.memory_space<hbm>>
      %dma_start3A_49 = tpu.memref_squeeze %dma_start3A_48 : memref<1x80x128xf32, #tpu.memory_space<hbm>> -> memref<80x128xf32, #tpu.memory_space<hbm>>
      %dma_start3A_50 = arith.constant 0 : i32
      %dma_start3A_51 = tpu.memref_slice %arg2[%run_scoped3A_28, %add3A_26, %dma_start3A_50] : memref<2x10240x128xf32, #tpu.memory_space<hbm>> -> memref<1x80x128xf32, #tpu.memory_space<hbm>>
      %dma_start3A_52 = tpu.memref_squeeze %dma_start3A_51 : memref<1x80x128xf32, #tpu.memory_space<hbm>> -> memref<80x128xf32, #tpu.memory_space<hbm>>
      tpu.enqueue_dma source(%dma_start3A_52 : memref<80x128xf32, #tpu.memory_space<hbm>>) target(%arg5 : memref<80x128xf32, #tpu.memory_space<vmem>>) target_semaphore(%run_scoped3A_47 : memref<!tpu.dma_semaphore, #tpu.memory_space<semaphore_mem>>)
      %dma_wait3A = arith.constant 0 : i32
      %dma_wait3A_53 = tpu.memref_slice %arg2[%run_scoped3A_28, %add3A_26, %dma_wait3A] : memref<2x10240x128xf32, #tpu.memory_space<hbm>> -> memref<1x80x128xf32, #tpu.memory_space<hbm>>
      %dma_wait3A_54 = tpu.memref_squeeze %dma_wait3A_53 : memref<1x80x128xf32, #tpu.memory_space<hbm>> -> memref<80x128xf32, #tpu.memory_space<hbm>>
      %dma_wait3A_55 = arith.constant 0 : i32
      %dma_wait3A_56 = tpu.memref_slice %arg2[%run_scoped3A_28, %add3A_26, %dma_wait3A_55] : memref<2x10240x128xf32, #tpu.memory_space<hbm>> -> memref<1x80x128xf32, #tpu.memory_space<hbm>>
      %dma_wait3A_57 = tpu.memref_squeeze %dma_wait3A_56 : memref<1x80x128xf32, #tpu.memory_space<hbm>> -> memref<80x128xf32, #tpu.memory_space<hbm>>
      tpu.wait_dma2 semaphore(%run_scoped3A_47 : memref<!tpu.dma_semaphore, #tpu.memory_space<semaphore_mem>>) src(%dma_wait3A_57 : memref<80x128xf32, #tpu.memory_space<hbm>>) dst(%arg5 : memref<80x128xf32, #tpu.memory_space<vmem>>)
      tpu.yield
    }) : () -> ()
    %scan3A_29 = arith.constant 0 : i32
    %scan3A_30 = arith.constant 0 : i32
    %scan3A_31 = arith.constant 80 : i32
    %scan3A_32 = arith.addi %scan3A_30, %scan3A_31 : i32
    %scan3A_33 = arith.constant 1 : i32
    scf.for %scan3A_47 = %scan3A_30 to %scan3A_32 step %scan3A_33  : i32 {
      %get3A = arith.index_cast %scan3A_47 : i32 to index
      %get3A_48 = arith.constant 0 : index
      %get3A_49 = tpu.vector_load %arg4[%get3A, %get3A_48] {strides = array<i32>} : memref<80x128xf32, #tpu.memory_space<vmem>>, vector<1x16xf32>,
      %get3A_50 = vector.shape_cast %get3A_49 : vector<1x16xf32> to vector<16xf32>
      %get3A_51 = arith.index_cast %scan3A_47 : i32 to index
      %get3A_52 = arith.constant 0 : index
      %get3A_53 = tpu.vector_load %arg5[%get3A_51, %get3A_52] {strides = array<i32>} : memref<80x128xf32, #tpu.memory_space<vmem>>, vector<1x16xf32>,
      %get3A_54 = vector.shape_cast %get3A_53 : vector<1x16xf32> to vector<16xf32>
      %add3A_55 = arith.addf %get3A_50, %get3A_54 : vector<16xf32>
      %swap3A = arith.index_cast %scan3A_47 : i32 to index
      %swap3A_56 = arith.constant 0 : index
      %swap3A_57 = tpu.vector_load %arg4[%swap3A, %swap3A_56] {strides = array<i32>} : memref<80x128xf32, #tpu.memory_space<vmem>>, vector<1x16xf32>,
      %swap3A_58 = vector.shape_cast %swap3A_57 : vector<1x16xf32> to vector<16xf32>
      %swap3A_59 = vector.shape_cast %add3A_55 : vector<16xf32> to vector<1x16xf32>
      tpu.vector_store %arg4[%swap3A, %swap3A_56], %swap3A_59 {strides = array<i32>} : memref<80x128xf32, #tpu.memory_space<vmem>>, vector<1x16xf32>,
      %get3A_60 = arith.index_cast %scan3A_47 : i32 to index
      %get3A_61 = arith.constant 16 : index
      %get3A_62 = tpu.vector_load %arg4[%get3A_60, %get3A_61] {strides = array<i32>} : memref<80x128xf32, #tpu.memory_space<vmem>>, vector<1x16xf32>,
      %get3A_63 = vector.shape_cast %get3A_62 : vector<1x16xf32> to vector<16xf32>
      %get3A_64 = arith.index_cast %scan3A_47 : i32 to index
      %get3A_65 = arith.constant 16 : index
      %get3A_66 = tpu.vector_load %arg5[%get3A_64, %get3A_65] {strides = array<i32>} : memref<80x128xf32, #tpu.memory_space<vmem>>, vector<1x16xf32>,
      %get3A_67 = vector.shape_cast %get3A_66 : vector<1x16xf32> to vector<16xf32>
      %add3A_68 = arith.addf %get3A_63, %get3A_67 : vector<16xf32>
      %swap3A_69 = arith.index_cast %scan3A_47 : i32 to index
      %swap3A_70 = arith.constant 16 : index
      %swap3A_71 = tpu.vector_load %arg4[%swap3A_69, %swap3A_70] {strides = array<i32>} : memref<80x128xf32, #tpu.memory_space<vmem>>, vector<1x16xf32>,
      %swap3A_72 = vector.shape_cast %swap3A_71 : vector<1x16xf32> to vector<16xf32>
      %swap3A_73 = vector.shape_cast %add3A_68 : vector<16xf32> to vector<1x16xf32>
      tpu.vector_store %arg4[%swap3A_69, %swap3A_70], %swap3A_73 {strides = array<i32>} : memref<80x128xf32, #tpu.memory_space<vmem>>, vector<1x16xf32>,
      %get3A_74 = arith.index_cast %scan3A_47 : i32 to index
      %get3A_75 = arith.constant 32 : index
      %get3A_76 = tpu.vector_load %arg4[%get3A_74, %get3A_75] {strides = array<i32>} : memref<80x128xf32, #tpu.memory_space<vmem>>, vector<1x16xf32>,
      %get3A_77 = vector.shape_cast %get3A_76 : vector<1x16xf32> to vector<16xf32>
      %get3A_78 = arith.index_cast %scan3A_47 : i32 to index
      %get3A_79 = arith.constant 32 : index
      %get3A_80 = tpu.vector_load %arg5[%get3A_78, %get3A_79] {strides = array<i32>} : memref<80x128xf32, #tpu.memory_space<vmem>>, vector<1x16xf32>,
      %get3A_81 = vector.shape_cast %get3A_80 : vector<1x16xf32> to vector<16xf32>
      %add3A_82 = arith.addf %get3A_77, %get3A_81 : vector<16xf32>
      %swap3A_83 = arith.index_cast %scan3A_47 : i32 to index
      %swap3A_84 = arith.constant 32 : index
      %swap3A_85 = tpu.vector_load %arg4[%swap3A_83, %swap3A_84] {strides = array<i32>} : memref<80x128xf32, #tpu.memory_space<vmem>>, vector<1x16xf32>,
      %swap3A_86 = vector.shape_cast %swap3A_85 : vector<1x16xf32> to vector<16xf32>
      %swap3A_87 = vector.shape_cast %add3A_82 : vector<16xf32> to vector<1x16xf32>
      tpu.vector_store %arg4[%swap3A_83, %swap3A_84], %swap3A_87 {strides = array<i32>} : memref<80x128xf32, #tpu.memory_space<vmem>>, vector<1x16xf32>,
      %get3A_88 = arith.index_cast %scan3A_47 : i32 to index
      %get3A_89 = arith.constant 48 : index
      %get3A_90 = tpu.vector_load %arg4[%get3A_88, %get3A_89] {strides = array<i32>} : memref<80x128xf32, #tpu.memory_space<vmem>>, vector<1x16xf32>,
      %get3A_91 = vector.shape_cast %get3A_90 : vector<1x16xf32> to vector<16xf32>
      %get3A_92 = arith.index_cast %scan3A_47 : i32 to index
      %get3A_93 = arith.constant 48 : index
      %get3A_94 = tpu.vector_load %arg5[%get3A_92, %get3A_93] {strides = array<i32>} : memref<80x128xf32, #tpu.memory_space<vmem>>, vector<1x16xf32>,
      %get3A_95 = vector.shape_cast %get3A_94 : vector<1x16xf32> to vector<16xf32>
      %add3A_96 = arith.addf %get3A_91, %get3A_95 : vector<16xf32>
      %swap3A_97 = arith.index_cast %scan3A_47 : i32 to index
      %swap3A_98 = arith.constant 48 : index
      %swap3A_99 = tpu.vector_load %arg4[%swap3A_97, %swap3A_98] {strides = array<i32>} : memref<80x128xf32, #tpu.memory_space<vmem>>, vector<1x16xf32>,
      %swap3A_100 = vector.shape_cast %swap3A_99 : vector<1x16xf32> to vector<16xf32>
      %swap3A_101 = vector.shape_cast %add3A_96 : vector<16xf32> to vector<1x16xf32>
      tpu.vector_store %arg4[%swap3A_97, %swap3A_98], %swap3A_101 {strides = array<i32>} : memref<80x128xf32, #tpu.memory_space<vmem>>, vector<1x16xf32>,
      %get3A_102 = arith.index_cast %scan3A_47 : i32 to index
      %get3A_103 = arith.constant 64 : index
      %get3A_104 = tpu.vector_load %arg4[%get3A_102, %get3A_103] {strides = array<i32>} : memref<80x128xf32, #tpu.memory_space<vmem>>, vector<1x16xf32>,
      %get3A_105 = vector.shape_cast %get3A_104 : vector<1x16xf32> to vector<16xf32>
      %get3A_106 = arith.index_cast %scan3A_47 : i32 to index
      %get3A_107 = arith.constant 64 : index
      %get3A_108 = tpu.vector_load %arg5[%get3A_106, %get3A_107] {strides = array<i32>} : memref<80x128xf32, #tpu.memory_space<vmem>>, vector<1x16xf32>,
      %get3A_109 = vector.shape_cast %get3A_108 : vector<1x16xf32> to vector<16xf32>
      %add3A_110 = arith.addf %get3A_105, %get3A_109 : vector<16xf32>
      %swap3A_111 = arith.index_cast %scan3A_47 : i32 to index
      %swap3A_112 = arith.constant 64 : index
      %swap3A_113 = tpu.vector_load %arg4[%swap3A_111, %swap3A_112] {strides = array<i32>} : memref<80x128xf32, #tpu.memory_space<vmem>>, vector<1x16xf32>,
      %swap3A_114 = vector.shape_cast %swap3A_113 : vector<1x16xf32> to vector<16xf32>
      %swap3A_115 = vector.shape_cast %add3A_110 : vector<16xf32> to vector<1x16xf32>
      tpu.vector_store %arg4[%swap3A_111, %swap3A_112], %swap3A_115 {strides = array<i32>} : memref<80x128xf32, #tpu.memory_space<vmem>>, vector<1x16xf32>,
      %get3A_116 = arith.index_cast %scan3A_47 : i32 to index
      %get3A_117 = arith.constant 80 : index
      %get3A_118 = tpu.vector_load %arg4[%get3A_116, %get3A_117] {strides = array<i32>} : memref<80x128xf32, #tpu.memory_space<vmem>>, vector<1x16xf32>,
      %get3A_119 = vector.shape_cast %get3A_118 : vector<1x16xf32> to vector<16xf32>
      %get3A_120 = arith.index_cast %scan3A_47 : i32 to index
      %get3A_121 = arith.constant 80 : index
      %get3A_122 = tpu.vector_load %arg5[%get3A_120, %get3A_121] {strides = array<i32>} : memref<80x128xf32, #tpu.memory_space<vmem>>, vector<1x16xf32>,
      %get3A_123 = vector.shape_cast %get3A_122 : vector<1x16xf32> to vector<16xf32>
      %add3A_124 = arith.addf %get3A_119, %get3A_123 : vector<16xf32>
      %swap3A_125 = arith.index_cast %scan3A_47 : i32 to index
      %swap3A_126 = arith.constant 80 : index
      %swap3A_127 = tpu.vector_load %arg4[%swap3A_125, %swap3A_126] {strides = array<i32>} : memref<80x128xf32, #tpu.memory_space<vmem>>, vector<1x16xf32>,
      %swap3A_128 = vector.shape_cast %swap3A_127 : vector<1x16xf32> to vector<16xf32>
      %swap3A_129 = vector.shape_cast %add3A_124 : vector<16xf32> to vector<1x16xf32>
      tpu.vector_store %arg4[%swap3A_125, %swap3A_126], %swap3A_129 {strides = array<i32>} : memref<80x128xf32, #tpu.memory_space<vmem>>, vector<1x16xf32>,
      %get3A_130 = arith.index_cast %scan3A_47 : i32 to index
      %get3A_131 = arith.constant 96 : index
      %get3A_132 = tpu.vector_load %arg4[%get3A_130, %get3A_131] {strides = array<i32>} : memref<80x128xf32, #tpu.memory_space<vmem>>, vector<1x16xf32>,
      %get3A_133 = vector.shape_cast %get3A_132 : vector<1x16xf32> to vector<16xf32>
      %get3A_134 = arith.index_cast %scan3A_47 : i32 to index
      %get3A_135 = arith.constant 96 : index
      %get3A_136 = tpu.vector_load %arg5[%get3A_134, %get3A_135] {strides = array<i32>} : memref<80x128xf32, #tpu.memory_space<vmem>>, vector<1x16xf32>,
      %get3A_137 = vector.shape_cast %get3A_136 : vector<1x16xf32> to vector<16xf32>
      %add3A_138 = arith.addf %get3A_133, %get3A_137 : vector<16xf32>
      %swap3A_139 = arith.index_cast %scan3A_47 : i32 to index
      %swap3A_140 = arith.constant 96 : index
      %swap3A_141 = tpu.vector_load %arg4[%swap3A_139, %swap3A_140] {strides = array<i32>} : memref<80x128xf32, #tpu.memory_space<vmem>>, vector<1x16xf32>,
      %swap3A_142 = vector.shape_cast %swap3A_141 : vector<1x16xf32> to vector<16xf32>
      %swap3A_143 = vector.shape_cast %add3A_138 : vector<16xf32> to vector<1x16xf32>
      tpu.vector_store %arg4[%swap3A_139, %swap3A_140], %swap3A_143 {strides = array<i32>} : memref<80x128xf32, #tpu.memory_space<vmem>>, vector<1x16xf32>,
      %get3A_144 = arith.index_cast %scan3A_47 : i32 to index
      %get3A_145 = arith.constant 112 : index
      %get3A_146 = tpu.vector_load %arg4[%get3A_144, %get3A_145] {strides = array<i32>} : memref<80x128xf32, #tpu.memory_space<vmem>>, vector<1x16xf32>,
      %get3A_147 = vector.shape_cast %get3A_146 : vector<1x16xf32> to vector<16xf32>
      %get3A_148 = arith.index_cast %scan3A_47 : i32 to index
      %get3A_149 = arith.constant 112 : index
      %get3A_150 = tpu.vector_load %arg5[%get3A_148, %get3A_149] {strides = array<i32>} : memref<80x128xf32, #tpu.memory_space<vmem>>, vector<1x16xf32>,
      %get3A_151 = vector.shape_cast %get3A_150 : vector<1x16xf32> to vector<16xf32>
      %add3A_152 = arith.addf %get3A_147, %get3A_151 : vector<16xf32>
      %swap3A_153 = arith.index_cast %scan3A_47 : i32 to index
      %swap3A_154 = arith.constant 112 : index
      %swap3A_155 = tpu.vector_load %arg4[%swap3A_153, %swap3A_154] {strides = array<i32>} : memref<80x128xf32, #tpu.memory_space<vmem>>, vector<1x16xf32>,
      %swap3A_156 = vector.shape_cast %swap3A_155 : vector<1x16xf32> to vector<16xf32>
      %swap3A_157 = vector.shape_cast %add3A_152 : vector<16xf32> to vector<1x16xf32>
      tpu.vector_store %arg4[%swap3A_153, %swap3A_154], %swap3A_157 {strides = array<i32>} : memref<80x128xf32, #tpu.memory_space<vmem>>, vector<1x16xf32>,
    }
    %scan3A_34 = arith.constant 80 : i32
    "tpu.region"() ({
      %run_scoped3A_47 = tpu.sem_alloc : memref<!tpu.dma_semaphore, #tpu.memory_space<semaphore_mem>>
      %dma_start3A = arith.constant 0 : i32
      %dma_start3A_48 = tpu.memref_slice %arg3[%add3A_26, %dma_start3A] : memref<10240x128xf32, #tpu.memory_space<hbm>> -> memref<80x128xf32, #tpu.memory_space<hbm>>
      %dma_start3A_49 = arith.constant 0 : i32
      %dma_start3A_50 = tpu.memref_slice %arg3[%add3A_26, %dma_start3A_49] : memref<10240x128xf32, #tpu.memory_space<hbm>> -> memref<80x128xf32, #tpu.memory_space<hbm>>
      tpu.enqueue_dma source(%arg4 : memref<80x128xf32, #tpu.memory_space<vmem>>) target(%dma_start3A_50 : memref<80x128xf32, #tpu.memory_space<hbm>>) target_semaphore(%run_scoped3A_47 : memref<!tpu.dma_semaphore, #tpu.memory_space<semaphore_mem>>)
      %dma_wait3A = arith.constant 0 : i32
      %dma_wait3A_51 = tpu.memref_slice %arg3[%add3A_26, %dma_wait3A] : memref<10240x128xf32, #tpu.memory_space<hbm>> -> memref<80x128xf32, #tpu.memory_space<hbm>>
      %dma_wait3A_52 = arith.constant 0 : i32
      %dma_wait3A_53 = tpu.memref_slice %arg3[%add3A_26, %dma_wait3A_52] : memref<10240x128xf32, #tpu.memory_space<hbm>> -> memref<80x128xf32, #tpu.memory_space<hbm>>
      tpu.wait_dma2 semaphore(%run_scoped3A_47 : memref<!tpu.dma_semaphore, #tpu.memory_space<semaphore_mem>>) src(%arg4 : memref<80x128xf32, #tpu.memory_space<vmem>>) dst(%dma_wait3A_53 : memref<80x128xf32, #tpu.memory_space<hbm>>)
      tpu.yield
    }) : () -> ()
    %mul3A_35 = arith.constant 320 : i32
    %mul3A_36 = arith.muli %add3A, %mul3A_35 : i32
    %add3A_37 = arith.constant 240 : i32
    %add3A_38 = arith.addi %mul3A_36, %add3A_37 : i32
    %run_scoped3A_39 = arith.constant 0 : i32
    "tpu.region"() ({
      %run_scoped3A_47 = tpu.sem_alloc : memref<!tpu.dma_semaphore, #tpu.memory_space<semaphore_mem>>
      %dma_start3A = arith.constant 0 : i32
      %dma_start3A_48 = tpu.memref_slice %arg2[%run_scoped3A_39, %add3A_38, %dma_start3A] : memref<2x10240x128xf32, #tpu.memory_space<hbm>> -> memref<1x80x128xf32, #tpu.memory_space<hbm>>
      %dma_start3A_49 = tpu.memref_squeeze %dma_start3A_48 : memref<1x80x128xf32, #tpu.memory_space<hbm>> -> memref<80x128xf32, #tpu.memory_space<hbm>>
      %dma_start3A_50 = arith.constant 0 : i32
      %dma_start3A_51 = tpu.memref_slice %arg2[%run_scoped3A_39, %add3A_38, %dma_start3A_50] : memref<2x10240x128xf32, #tpu.memory_space<hbm>> -> memref<1x80x128xf32, #tpu.memory_space<hbm>>
      %dma_start3A_52 = tpu.memref_squeeze %dma_start3A_51 : memref<1x80x128xf32, #tpu.memory_space<hbm>> -> memref<80x128xf32, #tpu.memory_space<hbm>>
      tpu.enqueue_dma source(%dma_start3A_52 : memref<80x128xf32, #tpu.memory_space<hbm>>) target(%arg4 : memref<80x128xf32, #tpu.memory_space<vmem>>) target_semaphore(%run_scoped3A_47 : memref<!tpu.dma_semaphore, #tpu.memory_space<semaphore_mem>>)
      %dma_wait3A = arith.constant 0 : i32
      %dma_wait3A_53 = tpu.memref_slice %arg2[%run_scoped3A_39, %add3A_38, %dma_wait3A] : memref<2x10240x128xf32, #tpu.memory_space<hbm>> -> memref<1x80x128xf32, #tpu.memory_space<hbm>>
      %dma_wait3A_54 = tpu.memref_squeeze %dma_wait3A_53 : memref<1x80x128xf32, #tpu.memory_space<hbm>> -> memref<80x128xf32, #tpu.memory_space<hbm>>
      %dma_wait3A_55 = arith.constant 0 : i32
      %dma_wait3A_56 = tpu.memref_slice %arg2[%run_scoped3A_39, %add3A_38, %dma_wait3A_55] : memref<2x10240x128xf32, #tpu.memory_space<hbm>> -> memref<1x80x128xf32, #tpu.memory_space<hbm>>
      %dma_wait3A_57 = tpu.memref_squeeze %dma_wait3A_56 : memref<1x80x128xf32, #tpu.memory_space<hbm>> -> memref<80x128xf32, #tpu.memory_space<hbm>>
      tpu.wait_dma2 semaphore(%run_scoped3A_47 : memref<!tpu.dma_semaphore, #tpu.memory_space<semaphore_mem>>) src(%dma_wait3A_57 : memref<80x128xf32, #tpu.memory_space<hbm>>) dst(%arg4 : memref<80x128xf32, #tpu.memory_space<vmem>>)
      tpu.yield
    }) : () -> ()
    %run_scoped3A_40 = arith.constant 1 : i32
    "tpu.region"() ({
      %run_scoped3A_47 = tpu.sem_alloc : memref<!tpu.dma_semaphore, #tpu.memory_space<semaphore_mem>>
      %dma_start3A = arith.constant 0 : i32
      %dma_start3A_48 = tpu.memref_slice %arg2[%run_scoped3A_40, %add3A_38, %dma_start3A] : memref<2x10240x128xf32, #tpu.memory_space<hbm>> -> memref<1x80x128xf32, #tpu.memory_space<hbm>>
      %dma_start3A_49 = tpu.memref_squeeze %dma_start3A_48 : memref<1x80x128xf32, #tpu.memory_space<hbm>> -> memref<80x128xf32, #tpu.memory_space<hbm>>
      %dma_start3A_50 = arith.constant 0 : i32
      %dma_start3A_51 = tpu.memref_slice %arg2[%run_scoped3A_40, %add3A_38, %dma_start3A_50] : memref<2x10240x128xf32, #tpu.memory_space<hbm>> -> memref<1x80x128xf32, #tpu.memory_space<hbm>>
      %dma_start3A_52 = tpu.memref_squeeze %dma_start3A_51 : memref<1x80x128xf32, #tpu.memory_space<hbm>> -> memref<80x128xf32, #tpu.memory_space<hbm>>
      tpu.enqueue_dma source(%dma_start3A_52 : memref<80x128xf32, #tpu.memory_space<hbm>>) target(%arg5 : memref<80x128xf32, #tpu.memory_space<vmem>>) target_semaphore(%run_scoped3A_47 : memref<!tpu.dma_semaphore, #tpu.memory_space<semaphore_mem>>)
      %dma_wait3A = arith.constant 0 : i32
      %dma_wait3A_53 = tpu.memref_slice %arg2[%run_scoped3A_40, %add3A_38, %dma_wait3A] : memref<2x10240x128xf32, #tpu.memory_space<hbm>> -> memref<1x80x128xf32, #tpu.memory_space<hbm>>
      %dma_wait3A_54 = tpu.memref_squeeze %dma_wait3A_53 : memref<1x80x128xf32, #tpu.memory_space<hbm>> -> memref<80x128xf32, #tpu.memory_space<hbm>>
      %dma_wait3A_55 = arith.constant 0 : i32
      %dma_wait3A_56 = tpu.memref_slice %arg2[%run_scoped3A_40, %add3A_38, %dma_wait3A_55] : memref<2x10240x128xf32, #tpu.memory_space<hbm>> -> memref<1x80x128xf32, #tpu.memory_space<hbm>>
      %dma_wait3A_57 = tpu.memref_squeeze %dma_wait3A_56 : memref<1x80x128xf32, #tpu.memory_space<hbm>> -> memref<80x128xf32, #tpu.memory_space<hbm>>
      tpu.wait_dma2 semaphore(%run_scoped3A_47 : memref<!tpu.dma_semaphore, #tpu.memory_space<semaphore_mem>>) src(%dma_wait3A_57 : memref<80x128xf32, #tpu.memory_space<hbm>>) dst(%arg5 : memref<80x128xf32, #tpu.memory_space<vmem>>)
      tpu.yield
    }) : () -> ()
    %scan3A_41 = arith.constant 0 : i32
    %scan3A_42 = arith.constant 0 : i32
    %scan3A_43 = arith.constant 80 : i32
    %scan3A_44 = arith.addi %scan3A_42, %scan3A_43 : i32
    %scan3A_45 = arith.constant 1 : i32
    scf.for %scan3A_47 = %scan3A_42 to %scan3A_44 step %scan3A_45  : i32 {
      %get3A = arith.index_cast %scan3A_47 : i32 to index
      %get3A_48 = arith.constant 0 : index
      %get3A_49 = tpu.vector_load %arg4[%get3A, %get3A_48] {strides = array<i32>} : memref<80x128xf32, #tpu.memory_space<vmem>>, vector<1x16xf32>,
      %get3A_50 = vector.shape_cast %get3A_49 : vector<1x16xf32> to vector<16xf32>
      %get3A_51 = arith.index_cast %scan3A_47 : i32 to index
      %get3A_52 = arith.constant 0 : index
      %get3A_53 = tpu.vector_load %arg5[%get3A_51, %get3A_52] {strides = array<i32>} : memref<80x128xf32, #tpu.memory_space<vmem>>, vector<1x16xf32>,
      %get3A_54 = vector.shape_cast %get3A_53 : vector<1x16xf32> to vector<16xf32>
      %add3A_55 = arith.addf %get3A_50, %get3A_54 : vector<16xf32>
      %swap3A = arith.index_cast %scan3A_47 : i32 to index
      %swap3A_56 = arith.constant 0 : index
      %swap3A_57 = tpu.vector_load %arg4[%swap3A, %swap3A_56] {strides = array<i32>} : memref<80x128xf32, #tpu.memory_space<vmem>>, vector<1x16xf32>,
      %swap3A_58 = vector.shape_cast %swap3A_57 : vector<1x16xf32> to vector<16xf32>
      %swap3A_59 = vector.shape_cast %add3A_55 : vector<16xf32> to vector<1x16xf32>
      tpu.vector_store %arg4[%swap3A, %swap3A_56], %swap3A_59 {strides = array<i32>} : memref<80x128xf32, #tpu.memory_space<vmem>>, vector<1x16xf32>,
      %get3A_60 = arith.index_cast %scan3A_47 : i32 to index
      %get3A_61 = arith.constant 16 : index
      %get3A_62 = tpu.vector_load %arg4[%get3A_60, %get3A_61] {strides = array<i32>} : memref<80x128xf32, #tpu.memory_space<vmem>>, vector<1x16xf32>,
      %get3A_63 = vector.shape_cast %get3A_62 : vector<1x16xf32> to vector<16xf32>
      %get3A_64 = arith.index_cast %scan3A_47 : i32 to index
      %get3A_65 = arith.constant 16 : index
      %get3A_66 = tpu.vector_load %arg5[%get3A_64, %get3A_65] {strides = array<i32>} : memref<80x128xf32, #tpu.memory_space<vmem>>, vector<1x16xf32>,
      %get3A_67 = vector.shape_cast %get3A_66 : vector<1x16xf32> to vector<16xf32>
      %add3A_68 = arith.addf %get3A_63, %get3A_67 : vector<16xf32>
      %swap3A_69 = arith.index_cast %scan3A_47 : i32 to index
      %swap3A_70 = arith.constant 16 : index
      %swap3A_71 = tpu.vector_load %arg4[%swap3A_69, %swap3A_70] {strides = array<i32>} : memref<80x128xf32, #tpu.memory_space<vmem>>, vector<1x16xf32>,
      %swap3A_72 = vector.shape_cast %swap3A_71 : vector<1x16xf32> to vector<16xf32>
      %swap3A_73 = vector.shape_cast %add3A_68 : vector<16xf32> to vector<1x16xf32>
      tpu.vector_store %arg4[%swap3A_69, %swap3A_70], %swap3A_73 {strides = array<i32>} : memref<80x128xf32, #tpu.memory_space<vmem>>, vector<1x16xf32>,
      %get3A_74 = arith.index_cast %scan3A_47 : i32 to index
      %get3A_75 = arith.constant 32 : index
      %get3A_76 = tpu.vector_load %arg4[%get3A_74, %get3A_75] {strides = array<i32>} : memref<80x128xf32, #tpu.memory_space<vmem>>, vector<1x16xf32>,
      %get3A_77 = vector.shape_cast %get3A_76 : vector<1x16xf32> to vector<16xf32>
      %get3A_78 = arith.index_cast %scan3A_47 : i32 to index
      %get3A_79 = arith.constant 32 : index
      %get3A_80 = tpu.vector_load %arg5[%get3A_78, %get3A_79] {strides = array<i32>} : memref<80x128xf32, #tpu.memory_space<vmem>>, vector<1x16xf32>,
      %get3A_81 = vector.shape_cast %get3A_80 : vector<1x16xf32> to vector<16xf32>
      %add3A_82 = arith.addf %get3A_77, %get3A_81 : vector<16xf32>
      %swap3A_83 = arith.index_cast %scan3A_47 : i32 to index
      %swap3A_84 = arith.constant 32 : index
      %swap3A_85 = tpu.vector_load %arg4[%swap3A_83, %swap3A_84] {strides = array<i32>} : memref<80x128xf32, #tpu.memory_space<vmem>>, vector<1x16xf32>,
      %swap3A_86 = vector.shape_cast %swap3A_85 : vector<1x16xf32> to vector<16xf32>
      %swap3A_87 = vector.shape_cast %add3A_82 : vector<16xf32> to vector<1x16xf32>
      tpu.vector_store %arg4[%swap3A_83, %swap3A_84], %swap3A_87 {strides = array<i32>} : memref<80x128xf32, #tpu.memory_space<vmem>>, vector<1x16xf32>,
      %get3A_88 = arith.index_cast %scan3A_47 : i32 to index
      %get3A_89 = arith.constant 48 : index
      %get3A_90 = tpu.vector_load %arg4[%get3A_88, %get3A_89] {strides = array<i32>} : memref<80x128xf32, #tpu.memory_space<vmem>>, vector<1x16xf32>,
      %get3A_91 = vector.shape_cast %get3A_90 : vector<1x16xf32> to vector<16xf32>
      %get3A_92 = arith.index_cast %scan3A_47 : i32 to index
      %get3A_93 = arith.constant 48 : index
      %get3A_94 = tpu.vector_load %arg5[%get3A_92, %get3A_93] {strides = array<i32>} : memref<80x128xf32, #tpu.memory_space<vmem>>, vector<1x16xf32>,
      %get3A_95 = vector.shape_cast %get3A_94 : vector<1x16xf32> to vector<16xf32>
      %add3A_96 = arith.addf %get3A_91, %get3A_95 : vector<16xf32>
      %swap3A_97 = arith.index_cast %scan3A_47 : i32 to index
      %swap3A_98 = arith.constant 48 : index
      %swap3A_99 = tpu.vector_load %arg4[%swap3A_97, %swap3A_98] {strides = array<i32>} : memref<80x128xf32, #tpu.memory_space<vmem>>, vector<1x16xf32>,
      %swap3A_100 = vector.shape_cast %swap3A_99 : vector<1x16xf32> to vector<16xf32>
      %swap3A_101 = vector.shape_cast %add3A_96 : vector<16xf32> to vector<1x16xf32>
      tpu.vector_store %arg4[%swap3A_97, %swap3A_98], %swap3A_101 {strides = array<i32>} : memref<80x128xf32, #tpu.memory_space<vmem>>, vector<1x16xf32>,
      %get3A_102 = arith.index_cast %scan3A_47 : i32 to index
      %get3A_103 = arith.constant 64 : index
      %get3A_104 = tpu.vector_load %arg4[%get3A_102, %get3A_103] {strides = array<i32>} : memref<80x128xf32, #tpu.memory_space<vmem>>, vector<1x16xf32>,
      %get3A_105 = vector.shape_cast %get3A_104 : vector<1x16xf32> to vector<16xf32>
      %get3A_106 = arith.index_cast %scan3A_47 : i32 to index
      %get3A_107 = arith.constant 64 : index
      %get3A_108 = tpu.vector_load %arg5[%get3A_106, %get3A_107] {strides = array<i32>} : memref<80x128xf32, #tpu.memory_space<vmem>>, vector<1x16xf32>,
      %get3A_109 = vector.shape_cast %get3A_108 : vector<1x16xf32> to vector<16xf32>
      %add3A_110 = arith.addf %get3A_105, %get3A_109 : vector<16xf32>
      %swap3A_111 = arith.index_cast %scan3A_47 : i32 to index
      %swap3A_112 = arith.constant 64 : index
      %swap3A_113 = tpu.vector_load %arg4[%swap3A_111, %swap3A_112] {strides = array<i32>} : memref<80x128xf32, #tpu.memory_space<vmem>>, vector<1x16xf32>,
      %swap3A_114 = vector.shape_cast %swap3A_113 : vector<1x16xf32> to vector<16xf32>
      %swap3A_115 = vector.shape_cast %add3A_110 : vector<16xf32> to vector<1x16xf32>
      tpu.vector_store %arg4[%swap3A_111, %swap3A_112], %swap3A_115 {strides = array<i32>} : memref<80x128xf32, #tpu.memory_space<vmem>>, vector<1x16xf32>,
      %get3A_116 = arith.index_cast %scan3A_47 : i32 to index
      %get3A_117 = arith.constant 80 : index
      %get3A_118 = tpu.vector_load %arg4[%get3A_116, %get3A_117] {strides = array<i32>} : memref<80x128xf32, #tpu.memory_space<vmem>>, vector<1x16xf32>,
      %get3A_119 = vector.shape_cast %get3A_118 : vector<1x16xf32> to vector<16xf32>
      %get3A_120 = arith.index_cast %scan3A_47 : i32 to index
      %get3A_121 = arith.constant 80 : index
      %get3A_122 = tpu.vector_load %arg5[%get3A_120, %get3A_121] {strides = array<i32>} : memref<80x128xf32, #tpu.memory_space<vmem>>, vector<1x16xf32>,
      %get3A_123 = vector.shape_cast %get3A_122 : vector<1x16xf32> to vector<16xf32>
      %add3A_124 = arith.addf %get3A_119, %get3A_123 : vector<16xf32>
      %swap3A_125 = arith.index_cast %scan3A_47 : i32 to index
      %swap3A_126 = arith.constant 80 : index
      %swap3A_127 = tpu.vector_load %arg4[%swap3A_125, %swap3A_126] {strides = array<i32>} : memref<80x128xf32, #tpu.memory_space<vmem>>, vector<1x16xf32>,
      %swap3A_128 = vector.shape_cast %swap3A_127 : vector<1x16xf32> to vector<16xf32>
      %swap3A_129 = vector.shape_cast %add3A_124 : vector<16xf32> to vector<1x16xf32>
      tpu.vector_store %arg4[%swap3A_125, %swap3A_126], %swap3A_129 {strides = array<i32>} : memref<80x128xf32, #tpu.memory_space<vmem>>, vector<1x16xf32>,
      %get3A_130 = arith.index_cast %scan3A_47 : i32 to index
      %get3A_131 = arith.constant 96 : index
      %get3A_132 = tpu.vector_load %arg4[%get3A_130, %get3A_131] {strides = array<i32>} : memref<80x128xf32, #tpu.memory_space<vmem>>, vector<1x16xf32>,
      %get3A_133 = vector.shape_cast %get3A_132 : vector<1x16xf32> to vector<16xf32>
      %get3A_134 = arith.index_cast %scan3A_47 : i32 to index
      %get3A_135 = arith.constant 96 : index
      %get3A_136 = tpu.vector_load %arg5[%get3A_134, %get3A_135] {strides = array<i32>} : memref<80x128xf32, #tpu.memory_space<vmem>>, vector<1x16xf32>,
      %get3A_137 = vector.shape_cast %get3A_136 : vector<1x16xf32> to vector<16xf32>
      %add3A_138 = arith.addf %get3A_133, %get3A_137 : vector<16xf32>
      %swap3A_139 = arith.index_cast %scan3A_47 : i32 to index
      %swap3A_140 = arith.constant 96 : index
      %swap3A_141 = tpu.vector_load %arg4[%swap3A_139, %swap3A_140] {strides = array<i32>} : memref<80x128xf32, #tpu.memory_space<vmem>>, vector<1x16xf32>,
      %swap3A_142 = vector.shape_cast %swap3A_141 : vector<1x16xf32> to vector<16xf32>
      %swap3A_143 = vector.shape_cast %add3A_138 : vector<16xf32> to vector<1x16xf32>
      tpu.vector_store %arg4[%swap3A_139, %swap3A_140], %swap3A_143 {strides = array<i32>} : memref<80x128xf32, #tpu.memory_space<vmem>>, vector<1x16xf32>,
      %get3A_144 = arith.index_cast %scan3A_47 : i32 to index
      %get3A_145 = arith.constant 112 : index
      %get3A_146 = tpu.vector_load %arg4[%get3A_144, %get3A_145] {strides = array<i32>} : memref<80x128xf32, #tpu.memory_space<vmem>>, vector<1x16xf32>,
      %get3A_147 = vector.shape_cast %get3A_146 : vector<1x16xf32> to vector<16xf32>
      %get3A_148 = arith.index_cast %scan3A_47 : i32 to index
      %get3A_149 = arith.constant 112 : index
      %get3A_150 = tpu.vector_load %arg5[%get3A_148, %get3A_149] {strides = array<i32>} : memref<80x128xf32, #tpu.memory_space<vmem>>, vector<1x16xf32>,
      %get3A_151 = vector.shape_cast %get3A_150 : vector<1x16xf32> to vector<16xf32>
      %add3A_152 = arith.addf %get3A_147, %get3A_151 : vector<16xf32>
      %swap3A_153 = arith.index_cast %scan3A_47 : i32 to index
      %swap3A_154 = arith.constant 112 : index
      %swap3A_155 = tpu.vector_load %arg4[%swap3A_153, %swap3A_154] {strides = array<i32>} : memref<80x128xf32, #tpu.memory_space<vmem>>, vector<1x16xf32>,
      %swap3A_156 = vector.shape_cast %swap3A_155 : vector<1x16xf32> to vector<16xf32>
      %swap3A_157 = vector.shape_cast %add3A_152 : vector<16xf32> to vector<1x16xf32>
      tpu.vector_store %arg4[%swap3A_153, %swap3A_154], %swap3A_157 {strides = array<i32>} : memref<80x128xf32, #tpu.memory_space<vmem>>, vector<1x16xf32>,
    }
    %scan3A_46 = arith.constant 80 : i32
    "tpu.region"() ({
      %run_scoped3A_47 = tpu.sem_alloc : memref<!tpu.dma_semaphore, #tpu.memory_space<semaphore_mem>>
      %dma_start3A = arith.constant 0 : i32
      %dma_start3A_48 = tpu.memref_slice %arg3[%add3A_38, %dma_start3A] : memref<10240x128xf32, #tpu.memory_space<hbm>> -> memref<80x128xf32, #tpu.memory_space<hbm>>
      %dma_start3A_49 = arith.constant 0 : i32
      %dma_start3A_50 = tpu.memref_slice %arg3[%add3A_38, %dma_start3A_49] : memref<10240x128xf32, #tpu.memory_space<hbm>> -> memref<80x128xf32, #tpu.memory_space<hbm>>
      tpu.enqueue_dma source(%arg4 : memref<80x128xf32, #tpu.memory_space<vmem>>) target(%dma_start3A_50 : memref<80x128xf32, #tpu.memory_space<hbm>>) target_semaphore(%run_scoped3A_47 : memref<!tpu.dma_semaphore, #tpu.memory_space<semaphore_mem>>)
      %dma_wait3A = arith.constant 0 : i32
      %dma_wait3A_51 = tpu.memref_slice %arg3[%add3A_38, %dma_wait3A] : memref<10240x128xf32, #tpu.memory_space<hbm>> -> memref<80x128xf32, #tpu.memory_space<hbm>>
      %dma_wait3A_52 = arith.constant 0 : i32
      %dma_wait3A_53 = tpu.memref_slice %arg3[%add3A_38, %dma_wait3A_52] : memref<10240x128xf32, #tpu.memory_space<hbm>> -> memref<80x128xf32, #tpu.memory_space<hbm>>
      tpu.wait_dma2 semaphore(%run_scoped3A_47 : memref<!tpu.dma_semaphore, #tpu.memory_space<semaphore_mem>>) src(%arg4 : memref<80x128xf32, #tpu.memory_space<vmem>>) dst(%dma_wait3A_53 : memref<80x128xf32, #tpu.memory_space<hbm>>)
      tpu.yield
    }) : () -> ()
    return
  }
}

module attributes {stable_mosaic.version = 14 : i64} {
  func.func @_matmul_body(%arg0: i32, %arg1: memref<1000x128xf32, #tpu.memory_space<vmem>>, %arg2: memref<128x128xf32, #tpu.memory_space<vmem>>, %arg3: memref<1000x128xf32, #tpu.memory_space<vmem>>) attributes {dimension_semantics = [#tpu.dimension_semantics<arbitrary>], iteration_bounds = array<i64: 10>, scalar_prefetch = 0 : i64, scratch_operands = 0 : i64, tpu.core_type = #tpu.core_type<tc>, window_params = [{transform_indices = @transform_0, window_bounds = array<i64: 1000, 128>}, {pipeline_mode = #tpu.pipeline_mode<synchronous>, transform_indices = @transform_1, window_bounds = array<i64: 128, 128>}, {transform_indices = @transform_2, window_bounds = array<i64: 1000, 128>}]} {
    %get3A = arith.constant 0 : index
    %get3A_0 = arith.constant 0 : index
    %get3A_1 = vector.load %arg1[%get3A, %get3A_0] : memref<1000x128xf32, #tpu.memory_space<vmem>>, vector<1000x128xf32>
    %get3A_2 = arith.constant 0 : index
    %get3A_3 = arith.constant 0 : index
    %get3A_4 = vector.load %arg2[%get3A_2, %get3A_3] : memref<128x128xf32, #tpu.memory_space<vmem>>, vector<128x128xf32>
    %dot_general3A = arith.constant dense<0.000000e+00> : vector<1000x128xf32>
    %dot_general3A_5 = tpu.matmul %get3A_1, %get3A_4, %dot_general3A {dimension_numbers = #tpu.dot_dimension_numbers<[1], [1], [0], [0], [0, 0, 1, 0], [], []>, transpose_lhs_hint = false} : vector<1000x128xf32>, vector<128x128xf32>, vector<1000x128xf32> -> vector<1000x128xf32>
    %swap3A = arith.constant 0 : index
    %swap3A_6 = arith.constant 0 : index
    %swap3A_7 = vector.load %arg3[%swap3A, %swap3A_6] : memref<1000x128xf32, #tpu.memory_space<vmem>>, vector<1000x128xf32>
    tpu.vector_store %arg3[%swap3A, %swap3A_6], %dot_general3A_5 {strides = array<i32>} : memref<1000x128xf32, #tpu.memory_space<vmem>>, vector<1000x128xf32>,
    return
  }
  func.func @transform_0(%arg0: i32) -> (i32, i32) {
    %c0_i32 = arith.constant 0 : i32
    %c0_i32_0 = arith.constant 0 : i32
    return %arg0, %c0_i32 : i32, i32
  }
  func.func @transform_1(%arg0: i32) -> (i32, i32) {
    %c0_i32 = arith.constant 0 : i32
    %c0_i32_0 = arith.constant 0 : i32
    %c0_i32_1 = arith.constant 0 : i32
    return %c0_i32, %c0_i32_0 : i32, i32
  }
  func.func @transform_2(%arg0: i32) -> (i32, i32) {
    %c0_i32 = arith.constant 0 : i32
    %c0_i32_0 = arith.constant 0 : i32
    return %arg0, %c0_i32 : i32, i32
  }
}

</mosaic_0001>

<sc_bundles>
// kernel: kernel.5.cloned.1.call-start
scs
__scs_entry_jumppad:
0x0: {  	(pc) =	sbr.rel $0x88, $3  }
0x1: {  	(tag) =	ssettag $0x0;
	lr =	simm.s32 $0x1  }
0x2: {  	[smem:$0x3F9D] =	sst lr;
	_ =	strace $0xD0000000  }
0x3: {  	_ = 	snop  }
0x4: {  	_ = 	snop  }
0x5: {  	_ = 	snop  }
0x6: {  	_ = 	snop  }
0x7: {  	_ = 	snop  }
__scs_overlays_trampoline_lowered:
0x8: {  	[smem:$0x3FAC] =	sst s0  }
0x9: {  	[smem:$0x3FAD] =	sst s1  }
0xa: {  	[smem:$0x3FAE] =	sst s2  }
0xb: {  	[smem:$0x3FAF] =	sst s3  }
0xc: {  	[smem:$0x3FB0] =	sst s4  }
0xd: {  	[smem:$0x3FB1] =	sst s5  }
0xe: {  	[smem:$0x3FB2] =	sst s6  }
0xf: {  	[smem:$0x3FB3] =	sst s7  }
0x10: {  	[smem:$0x3FB4] =	sst s8  }
0x11: {  	[smem:$0x3FB5] =	sst s9;
	s0 =	simm.s32 @!p0 $0x0  }
0x12: {  	s1 =	sld [smem:$0x3F9B];
	s0 =	simm.s32 @p0 $0x1  }
0x13: {  	[smem:$0x3FB6] =	sst s0;
	s0 =	simm.s32 @!p1 $0x0  }
0x14: {  	s2 =	sld [smem:$0x3F9A];
	s0 =	simm.s32 @p1 $0x1  }
0x15: {  	[smem:$0x3FB7] =	sst s0;
	s0 =	simm.s32 @!p2 $0x0  }
0x16: {  	s3 =	sld [smem:$0x3FDB];
	s0 =	simm.s32 @p2 $0x1  }
0x17: {  	s4 =	simm.s32 $0x1BF5;
	[smem:$0x3FB9] =	sst s0  }
0x18: {  	s0 =	sld [smem:$0x3F9C];
	_ =	swait.ge [sflag:s4], $0x0  }
0x19: {  	s7 =	sld [smem:$0x3F9D]  }
0x1a: {  	s8 =	sadd.s32 $0xFFFFE003, lr  }
0x1b: {  	s9 =	sadd.s32 $0xFFFFFEF7, lr;
	s5 =	simm.s32 $0xFFFFFFFF;
	p2 =	slt.u32 s8, $0xFFFFF086  }
0x1c: {  	p1 =	slt.u32 s9, $0xF7A;
	s5 =	simm.s32 @!p2 $0x0  }
0x1d: {  	s5 =	simm.s32 @p1 $0x1;
	p0 =	seq.s32 s7, s2  }
0x1e: {  	s7 =	smul.u32 @!p0 $0xF7A, s2;
	p2 =	seq.s32 @!p0 s5, $0x0  }
0x1f: {  	s9 =	smul.u32 $0xF7A, s1;
	s8 =	simm.s32 @!p0 $0x1BF5;
	p2 =	por !p2, p0  }
0x20: {  	[sflag:s8] =	ssyncset.s32 @!p0 $0xFFFFF086;
	s6 =	sadd.s32 @!p0 s3, s7;
	s7 =	simm.s32 @!p0 $0x108  }
0x21: {  	s3 =	sadd.s32 s3, s9;
	s6 =	sadd.s32 @!p0 $0x88, s6;
	s7 =	simm.s32 @p2 $0x1082  }
0x22: {  	[simem:s7], [sflag:s8] =	dma.local @!p0 [hbm:s6], $0xF7A  }
0x23: {  	s9 =	sor.u32 $0xD0000000, s2;
	s6 =	simm.s32 $0x108;
	_ =	swait.ge @!p0 [sflag:s8], $0x0  }
0x24: {  	s3 =	sadd.s32 $0x88, s3;
	s6 =	simm.s32 @!p1 $0x1082;
	[sflag:s4] =	ssyncset.s32 $0xFFFFF086  }
0x25: {  	[simem:s6], [sflag:s4] =	dma.local [hbm:s3], $0xF7A  }
0x26: {  	[smem:$0x3F9D] =	sst s1;
	(tag) =	ssettag s2;
	_ =	strace s9  }
0x27: {  	s1 =	sld [smem:$0x3FAD]  }
0x28: {  	s2 =	sld [smem:$0x3FAE]  }
0x29: {  	s4 =	sld [smem:$0x3FB0]  }
0x2a: {  	p0 =	seq.s32 s5, $0x0;
	s5 =	sld [smem:$0x3FB1]  }
0x2b: {  	s6 =	sld [smem:$0x3FB2]  }
0x2c: {  	s7 =	sld [smem:$0x3FB3]  }
0x2d: {  	s3 =	simm.s32 $0x108;
	s8 =	sld [smem:$0x3FB4]  }
0x2e: {  	s3 =	simm.s32 @!p0 $0x1082;
	s9 =	sld [smem:$0x3FB5]  }
0x2f: {  	lr =	sadd.s32 s0, s3;
	s0 =	sld [smem:$0x3FAC]  }
0x30: {  	s3 =	sld [smem:$0x3FAF]  }
0x31: {  	[smem:$0x3FB8] =	sst s10  }
0x32: {  	s10 =	sld [smem:$0x3FB6];
	_ =	sdelay $0x3  }
0x33: {  	p0 =	seq.s32 s10, $0x1;
	s10 =	sld [smem:$0x3FB8];
	_ =	sdelay $0x3  }
0x34: {  	[smem:$0x3FB8] =	sst s10  }
0x35: {  	s10 =	sld [smem:$0x3FB7];
	_ =	sdelay $0x3  }
0x36: {  	p1 =	seq.s32 s10, $0x1;
	s10 =	sld [smem:$0x3FB8];
	_ =	sdelay $0x3  }
0x37: {  	[smem:$0x3FB8] =	sst s10  }
0x38: {  	s10 =	sld [smem:$0x3FB9]  }
0x39: {  	_ = 	snop;
	(pc) =	sbr.ind lr, $3  }
0x3a: {  	_ = 	snop  }
0x3b: {  	_ = 	snop  }
0x3c: {  	p2 =	seq.s32 s10, $0x1;
	s10 =	sld [smem:$0x3FB8]  }
0x3d: {  	_ =	shalt  }
0x3e: {  	_ =	shalt  }
0x3f: {  	_ =	shalt  }
0x40: {  	_ =	shalt  }
0x41: {  	_ =	shalt  }
0x42: {  	_ =	shalt  }
0x43: {  	_ =	shalt  }
0x44: {  	_ =	shalt  }
0x45: {  	_ =	shalt  }
0x46: {  	_ =	shalt  }
0x47: {  	_ =	shalt  }
0x48: {  	_ =	shalt  }
0x49: {  	_ =	shalt  }
0x4a: {  	_ =	shalt  }
0x4b: {  	_ =	shalt  }
0x4c: {  	_ =	shalt  }
0x4d: {  	_ =	shalt  }
0x4e: {  	_ =	shalt  }
0x4f: {  	_ =	shalt  }
0x50: {  	_ =	shalt  }
0x51: {  	_ =	shalt  }
0x52: {  	_ =	shalt  }
0x53: {  	_ =	shalt  }
0x54: {  	_ =	shalt  }
0x55: {  	_ =	shalt  }
0x56: {  	_ =	shalt  }
0x57: {  	_ =	shalt  }
0x58: {  	_ =	shalt  }
0x59: {  	_ =	shalt  }
0x5a: {  	_ =	shalt  }
0x5b: {  	_ =	shalt  }
0x5c: {  	_ =	shalt  }
0x5d: {  	_ =	shalt  }
0x5e: {  	_ =	shalt  }
0x5f: {  	_ =	shalt  }
0x60: {  	_ =	shalt  }
0x61: {  	_ =	shalt  }
0x62: {  	_ =	shalt  }
0x63: {  	_ =	shalt  }
0x64: {  	_ =	shalt  }
0x65: {  	_ =	shalt  }
0x66: {  	_ =	shalt  }
0x67: {  	_ =	shalt  }
0x68: {  	_ =	shalt  }
0x69: {  	_ =	shalt  }
0x6a: {  	_ =	shalt  }
0x6b: {  	_ =	shalt  }
0x6c: {  	_ =	shalt  }
0x6d: {  	_ =	shalt  }
0x6e: {  	_ =	shalt  }
0x6f: {  	_ =	shalt  }
0x70: {  	_ =	shalt  }
0x71: {  	_ =	shalt  }
0x72: {  	_ =	shalt  }
0x73: {  	_ =	shalt  }
0x74: {  	_ =	shalt  }
0x75: {  	_ =	shalt  }
0x76: {  	_ =	shalt  }
0x77: {  	_ =	shalt  }
0x78: {  	_ =	shalt  }
0x79: {  	_ =	shalt  }
0x7a: {  	_ =	shalt  }
0x7b: {  	_ =	shalt  }
0x7c: {  	_ =	shalt  }
0x7d: {  	_ =	shalt  }
0x7e: {  	_ =	shalt  }
0x7f: {  	_ =	shalt  }
0x80: {  	_ =	shalt  }
0x81: {  	_ =	shalt  }
0x82: {  	_ =	shalt  }
0x83: {  	_ =	shalt  }
0x84: {  	_ =	shalt  }
0x85: {  	_ =	shalt  }
0x86: {  	_ =	shalt  }
0x87: {  	_ =	shalt  }
.Lfunc_end0:
.L_simem_size_0:
called_computation_lowered:
.L_overlay_start_0:
0x88: {  	s2 =	sld [smem:$0x3FD9]  }
0x89: {  	s3 =	sld [smem:$0x3FFE];
	_ =	sdelay $0x1  }
0x8a: {  	s1 =	srdreg.scid  }
0x8b: {  	s0 =	sand.u32 $0x1, s1  }
0x8c: {  	s17 =	sshll.u32 s0, $0xA;
	s2 =	sadd.s32 s3, s2  }
0x8d: {  	s2 =	sadd.s32 s2, s17  }
0x8e: {  	[smem:$0x3FC4] =	sst s2  }
0x8f: {  	_ = 	snop  }
0x90: {  	s2 =	sld [smem:$0x3FD0];
	(tm) =	ssettm $0x1  }
0x91: {  	s18 =	sld [smem:$0x3FFB];
	_ =	sdelay $0x3  }
0x92: {  	_ =	strace s18  }
0x93: {  	s3 =	sld [smem:$0x3FFC];
	_ =	sdelay $0x3  }
0x94: {  	_ =	strace s3  }
0x95: {  	s3 =	sld [smem:$0x3FFD];
	_ =	sdelay $0x3  }
0x96: {  	_ =	strace s3  }
0x97: {  	_ =	strace $0x8FFFFFFF  }
0x98: {  	s19 =	sld [smem:$0x3FDB];
	_ =	sdelay $0x1  }
0x99: {  	s4 =	simm.s32 $_scs_section_size  }
0x9a: {  	s5 =	simm.s32 $_size__tile_overlayer_lowered;
	s6 =	simm.s32 $_tile_overlayer_lowered  }
0x9b: {  	s22 =	simm.s32 $0x1BFF;
	s21 =	sshll.u32 s6, $0x1;
	s3 =	sadd.s32 s4, s19  }
0x9c: {  	s7 =	simm.s32 $0x0;
	s20 =	sshll.u32 s5, $0x1;
	s5 =	sadd.s32 s21, s3  }
0x9d: {  	[timem:s7], [sflag:s22] =	dma.local [hbm:s5], s20  }
0x9e: {  	_ =	swait.ge [sflag:s22], s20  }
0x9f: {  	s4 =	ssub.s32 $0x0, s20;
	[sflag:s22] =	ssyncset.done $0x0  }
0xa0: {  	[sflag:s22] =	ssyncadd.s32 s4;
	_ =	sdelay $0x1  }
0xa1: {  	s23 =	simm.s32 $0x1B8B  }
0xa2: {  	_ =	swait.ge [sflag:s23], $0x1  }
0xa3: {  	[sflag:s23] =	ssyncset.done $0x0  }
0xa4: {  	s25 =	simm.s32 $0x1B8E;
	s24 =	sld [smem:$0x3FFE];
	[sflag:s23] =	ssyncadd.s32 $0xFFFFFFFF  }
0xa5: {  	s26 =	simm.s32 $execute0_lowered;
	[smem:$0x3FD2] =	sst s25  }
0xa6: {  	s5 =	sshll.u32 s26, $0x1;
	_ =	strace $0x80000046;
	[dreg:$0x1] =	wrdreg $0xFFFFFFFF  }
0xa7: {  	s28 =	simm.s32 $_size_execute0_lowered;
	s3 =	sadd.s32 s3, s5;
	[dreg:$0x0] =	wrdreg $0x0  }
0xa8: {  	s5 =	sshll.u32 s28, $0x1;
	[dreg:$0x2] =	wrdreg s3  }
0xa9: {  	[dreg:$0x3] =	wrdreg s5  }
0xaa: {  	[dreg:$0x4] =	wrdreg $0xC0  }
0xab: {  	_ =	task [dreg:s7], $0x5FFFF  }
0xac: {  	[dreg:$0x1] =	wrdreg $0xFFFFFFFF  }
0xad: {  	[dreg:$0x0] =	wrdreg $0x60  }
0xae: {  	[dreg:$0x2] =	wrdreg s2  }
0xaf: {  	[dreg:$0x3] =	wrdreg s24  }
0xb0: {  	[dreg:$0x4] =	wrdreg $0xB9000  }
0xb1: {  	[dreg:$0x5] =	wrdreg $0x9  }
0xb2: {  	_ =	task.clear_ibuf [dreg:s7], $0x6FFFF;
	_ =	strace $0x90000046  }
0xb3: {  	s29 =	simm.s32 $0x9;
	_ =	strace $0x80000048  }
0xb4: {  	_ =	swait.ge [sflag:s29], $0x1  }
0xb5: {  	[sflag:s29] =	ssyncadd.s32 $0xFFFFFFFF  }
0xb6: {  	_ =	strace $0x90000048  }
0xb7: {  	_ =	sfence  }
0xb8: {  	s30 =	sld [smem:$0x0];
	_ =	sdelay $0x2  }
0xb9: {  	s31 =	sshll.u32 s1, $0xD;
	s1 =	sshrl.u32 s1, $0x2  }
0xba: {  	s3 =	sand.u32 $0x4000, s31;
	s1 =	sadd.s32 s1, s30  }
0xbb: {  	s0 =	sor.u32 s3, s0;
	s1 =	sshll.u32 s1, $0x11  }
0xbc: {  	s0 =	sor.u32 s1, s0  }
0xbd: {  	s0 =	sadd.s32 $0x8F2B, s0  }
0xbe: {  	[sflag:s0] =	ssyncadd.remote.s32 $0x1  }
0xbf: {  	_ =	sfence.sel $0xFFFF  }
0xc0: {  	[dreg:$0x0] =	wrdreg $0xFFFFFFFF;
	(pc) =	sbr.abs _section_cstart, $3  }
0xc1: {  	[dreg:$0x1] =	wrdreg $0xFFFFFFFF  }
0xc2: {  	_ =	task.clear_ibuf [dreg:s7], $0x2FFFF;
	_ =	strace $0x9FFFFFFF  }
0xc3: {  	(tm) =	ssettm $0x7FFFFFFF  }
tec
execute0_lowered:
.L_overlay_start_1:
0x0: {  	(tag) =	ssettag $0x1  }
0x1: {  	s2 =	rddreg [dreg:$0x0]  }
0x2: {  	s1 =	srdreg.scid;
	s6 =	rddreg [dreg:$0x1]  }
0x3: {  	s0 =	stileid.u32;
	s3 =	rddreg [dreg:$0x2];
	s4 =	simm.s32 $0x0  }
0x4: {  	s15 =	simm.s32 $0x7800;
	s16 =	simm.s32 $0x2;
	s17 =	simm.s32 $0x2800  }
0x5: {  	s18 =	simm.s32 $0x5000;
	s19 =	simm.s32 $0x80;
	s20 =	simm.s32 $0xB800  }
0x6: {  	s21 =	simm.s32 $0x1;
	s22 =	simm.s32 $0xB880;
	s9 =	smul.u32 $0x14000, s0  }
0x7: {  	s5 =	sand.u32 $0x1, s1;
	s26 =	sshll.u32 s0, $0x1;
	s10 =	smul.u32 $0x50000, s0  }
0x8: {  	[smem:$0x7FF] =	sst s4;
	s1 =	sor.u32 s5, s26;
	s8 =	smul.u32 $0x140000, s5  }
0x9: {  	s29 =	ssub.s32 $0x2, s5;
	s7 =	smul.u32 $0x500, s1;
	s1 =	rddreg [dreg:$0x3]  }
0xa: {  	_ =	strace $0x80000047;
	s30 =	sshrl.u32 s10, $0x2;
	s31 =	sshrl.u32 s29, $0x1  }
0xb: {  	s28 =	sadd.s32 s9, s8;
	s5 =	sadd.s32 s30, s3;
	s14 =	ssub.s32 s29, s31  }
0xc: {  	s12 =	sadd.s32 s7, s6;
	s7 =	sshrl.u32 s28, $0x3;
	s8 =	sadd.s32 $0xC000, s5  }
0xd: {  	s9 =	sadd.s32 $0x10000, s5;
	s14 =	smax.u32 s14, $0x1;
	s13 =	sadd.s32 s7, s6  }
0xe: {  	s6 =	sadd.s32 $0x4000, s5;
	s7 =	sadd.s32 $0x8000, s5;
	s10 =	sadd.s32 $0x14800, s12  }
0xf: {  	v0 =	vimm.f32 $0.0e+00;
	s11 =	sadd.s32 $0xA800, s12;
	s12 =	sadd.s32 $0x800, s12;
	s13 =	sadd.s32 $0x1E800, s13  }
.LBB2_1:
0x10: {  	s23 =	simm.s32 $0x0;
	s24 =	simm.s32 $0x200  }
.LBB2_2:
0x11: {  	p0 =	sne.s32 s24, $0xFE00;
	[tilespmem:s23+$0x7870] =	vst v0  }
0x12: {  	[tilespmem:s23+$0x7800] =	vst v0  }
0x13: {  	[tilespmem:s23+$0x7810] =	vst v0  }
.Ltmp0:
0x14: {  	[tilespmem:s23+$0x7820] =	vst v0;
	(pc) =	sbr.rel @p0 .LBB2_2-.Ltmp0, $4  }
0x15: {  	[tilespmem:s23+$0x7830] =	vst v0  }
0x16: {  	[tilespmem:s23+$0x7840] =	vst v0  }
0x17: {  	[tilespmem:s23+$0x7850] =	vst v0  }
0x18: {  	[tilespmem:s23+$0x7860] =	vst v0;
	s23 =	sshra.s32 s24, $0x2;
	s24 =	sadd.s32 $0x200, s24  }
0x19: {  	[tilespmem:s23+$0x7870] =	vst v0  }
0x1a: {  	[tilespmem:s23+$0x7800] =	vst v0  }
0x1b: {  	[tilespmem:s23+$0x7810] =	vst v0  }
0x1c: {  	[tilespmem:s23+$0x7820] =	vst v0  }
0x1d: {  	[tilespmem:s23+$0x7830] =	vst v0  }
0x1e: {  	[tilespmem:s23+$0x7840] =	vst v0  }
0x1f: {  	[tilespmem:s23+$0x7850] =	vst v0  }
0x20: {  	[tilespmem:s23+$0x7860] =	vst v0  }
0x21: {  	[spmem:s5] =	stream.linear.scatter [tilespmem:s15], [sflag:$0x2], $0x4000, $0x38;
	[tilespmem:$0x1F900] =	vst v63  }
0x22: {  	_ =	swait.ge [sflag:s16], $0x4000  }
0x23: {  	[sflag:s16] =	ssyncset.done $0x0  }
0x24: {  	[sflag:s16] =	ssyncadd.s32 $0xFFFFC000  }
0x25: {  	[spmem:s6] =	stream.linear.scatter [tilespmem:s15], [sflag:$0x2], $0x4000, $0x38;
	[tilespmem:$0x1F900] =	vst v63  }
0x26: {  	_ =	swait.ge [sflag:s16], $0x4000  }
0x27: {  	[sflag:s16] =	ssyncset.done $0x0  }
0x28: {  	[sflag:s16] =	ssyncadd.s32 $0xFFFFC000  }
0x29: {  	[spmem:s7] =	stream.linear.scatter [tilespmem:s15], [sflag:$0x2], $0x4000, $0x38;
	[tilespmem:$0x1F900] =	vst v63  }
0x2a: {  	_ =	swait.ge [sflag:s16], $0x4000  }
0x2b: {  	[sflag:s16] =	ssyncset.done $0x0  }
0x2c: {  	[sflag:s16] =	ssyncadd.s32 $0xFFFFC000  }
0x2d: {  	[spmem:s8] =	stream.linear.scatter [tilespmem:s15], [sflag:$0x2], $0x4000, $0x38;
	[tilespmem:$0x1F900] =	vst v63  }
0x2e: {  	_ =	swait.ge [sflag:s16], $0x4000  }
0x2f: {  	[sflag:s16] =	ssyncset.done $0x0  }
0x30: {  	[sflag:s16] =	ssyncadd.s32 $0xFFFFC000  }
0x31: {  	[spmem:s9] =	stream.linear.scatter [tilespmem:s15], [sflag:$0x2], $0x4000, $0x38;
	[tilespmem:$0x1F900] =	vst v63  }
0x32: {  	_ =	swait.ge [sflag:s16], $0x4000  }
0x33: {  	[sflag:s16] =	ssyncset.done $0x0  }
0x34: {  	[sflag:s16] =	ssyncadd.s32 $0xFFFFC000  }
0x35: {  	s23 =	simm.s32 $0x0;
	[bflag:$0x0] =	sbarrier.arrive $0xFFFF  }
0x36: {  	[tilespmem:s23], [sflag:$0x2] =	stream.linear.gather [hbm4b:s10+s23], $0x2800, $0x38;
	[tilespmem:$0x1F900] =	vst v63  }
0x37: {  	_ =	swait.ge [sflag:s16], $0x2800  }
0x38: {  	[sflag:s16] =	ssyncset.done $0x0  }
0x39: {  	[sflag:s16] =	ssyncadd.s32 $0xFFFFD800  }
0x3a: {  	[tilespmem:s17], [sflag:$0x2] =	stream.linear.gather [hbm4b:s11+s23], $0x2800, $0x38;
	[tilespmem:$0x1F900] =	vst v63  }
0x3b: {  	_ =	swait.ge [sflag:s16], $0x2800  }
0x3c: {  	[sflag:s16] =	ssyncset.done $0x0  }
0x3d: {  	[sflag:s16] =	ssyncadd.s32 $0xFFFFD800  }
0x3e: {  	[tilespmem:s18], [sflag:$0x2] =	stream.linear.gather [hbm4b:s12+s23], $0x2800, $0x38;
	[tilespmem:$0x1F900] =	vst v63  }
0x3f: {  	_ =	swait.ge [sflag:s16], $0x2800  }
0x40: {  	[sflag:s16] =	ssyncset.done $0x0  }
0x41: {  	[sflag:s16] =	ssyncadd.s32 $0xFFFFD800  }
.LBB2_4:
0x42: {  	s24 =	sshll.u32 s23, $0x7  }
0x43: {  	v1 =	vld [tilespmem:s24+$0x0];
	_ =	sdelay $0x4  }
0x44: {  	[tilespmem:$0xB800] =	vst v1  }
0x45: {  	v1 =	vld [tilespmem:s24+$0x2800];
	_ =	sdelay $0x4  }
0x46: {  	[tilespmem:$0xB880] =	vst v1  }
0x47: {  	v1 =	vld [tilespmem:s24+$0x10];
	_ =	sdelay $0x4  }
0x48: {  	[tilespmem:$0xB810] =	vst v1  }
0x49: {  	v1 =	vld [tilespmem:s24+$0x2810];
	_ =	sdelay $0x4  }
0x4a: {  	[tilespmem:$0xB890] =	vst v1  }
0x4b: {  	v1 =	vld [tilespmem:s24+$0x20];
	_ =	sdelay $0x4  }
0x4c: {  	[tilespmem:$0xB820] =	vst v1  }
0x4d: {  	v1 =	vld [tilespmem:s24+$0x2820];
	_ =	sdelay $0x4  }
0x4e: {  	[tilespmem:$0xB8A0] =	vst v1  }
0x4f: {  	v1 =	vld [tilespmem:s24+$0x30];
	_ =	sdelay $0x4  }
0x50: {  	[tilespmem:$0xB830] =	vst v1  }
0x51: {  	v1 =	vld [tilespmem:s24+$0x2830];
	_ =	sdelay $0x4  }
0x52: {  	[tilespmem:$0xB8B0] =	vst v1  }
0x53: {  	v1 =	vld [tilespmem:s24+$0x40];
	_ =	sdelay $0x4  }
0x54: {  	[tilespmem:$0xB840] =	vst v1  }
0x55: {  	v1 =	vld [tilespmem:s24+$0x2840];
	_ =	sdelay $0x4  }
0x56: {  	[tilespmem:$0xB8C0] =	vst v1  }
0x57: {  	v1 =	vld [tilespmem:s24+$0x50];
	_ =	sdelay $0x4  }
0x58: {  	[tilespmem:$0xB850] =	vst v1  }
0x59: {  	v1 =	vld [tilespmem:s24+$0x2850];
	_ =	sdelay $0x4  }
0x5a: {  	[tilespmem:$0xB8D0] =	vst v1  }
0x5b: {  	v1 =	vld [tilespmem:s24+$0x60];
	_ =	sdelay $0x4  }
0x5c: {  	[tilespmem:$0xB860] =	vst v1  }
0x5d: {  	v1 =	vld [tilespmem:s24+$0x2860];
	_ =	sdelay $0x4  }
0x5e: {  	[tilespmem:$0xB8E0] =	vst v1  }
0x5f: {  	v1 =	vld [tilespmem:s24+$0x70];
	_ =	sdelay $0x4  }
0x60: {  	[tilespmem:$0xB870] =	vst v1  }
0x61: {  	v1 =	vld [tilespmem:s24+$0x2870];
	_ =	sdelay $0x3  }
0x62: {  	s24 =	sadd.s32 $0x5000, s24  }
0x63: {  	[tilespmem:$0xB8F0] =	vst v1;
	v1 =	vmov s24  }
0x64: {  	[tilespmem:s15], [sflag:$0x1] =	stream.indirect.gather [hbm4b:s2+s19], $0x80, s20, s19, $0xb8;
	[tilespmem:$0x1F900] =	vst v63  }
0x65: {  	_ =	swait.ge [sflag:s21], $0x4000  }
0x66: {  	s31 =	simm.s32 $0x0;
	[sflag:s21] =	ssyncset.done $0x0  }
0x67: {  	s25 =	simm.s32 $0x0;
	s24 =	sand.u32 $0x3FFFFFF0, s31;
	[sflag:s21] =	ssyncadd.s32 $0xFFFFC000  }
0x68: {  	v2 =	vld.idx.msk [tilespmem:v1+s24+$0x0 ss:$0x1], $0xffff;
	s24 =	sand.u32 $0x3FFFF800, s25  }
0x69: {  	v8 =	vld [tilespmem:s24+$0x78C0]  }
0x6a: {  	v4 =	vld [tilespmem:s24+$0x7820]  }
0x6b: {  	v5 =	vld [tilespmem:s24+$0x7830]  }
0x6c: {  	v11 =	vld [tilespmem:s24+$0x7860]  }
0x6d: {  	v12 =	vld [tilespmem:s24+$0x7870];
	v3 =	vbroadcast v2, $0x0  }
0x6e: {  	v13 =	vld [tilespmem:s24+$0x7880]  }
0x6f: {  	v14 =	vld [tilespmem:s24+$0x7890];
	v4 =	vmul.f32 v4, v3  }
0x70: {  	v15 =	vld [tilespmem:s24+$0x78A0];
	v5 =	vmul.f32 v5, v3  }
0x71: {  	v10 =	vld [tilespmem:s24+$0x78B0];
	v21 =	vbroadcast v2, $0x1;
	v20 =	vmul.f32 v11, v3;
	[tilespmem:s24+$0x7820] =	vst v4  }
0x72: {  	v9 =	vld [tilespmem:s24+$0x78D0];
	v12 =	vmul.f32 v12, v3;
	[tilespmem:s24+$0x7830] =	vst v5  }
0x73: {  	v7 =	vld [tilespmem:s24+$0x7D70];
	v13 =	vmul.f32 v13, v21;
	[tilespmem:s24+$0x7860] =	vst v20  }
0x74: {  	v23 =	vld [tilespmem:s24+$0x78F0];
	v14 =	vmul.f32 v14, v21;
	[tilespmem:s24+$0x7870] =	vst v12  }
0x75: {  	v24 =	vld [tilespmem:s24+$0x7900];
	v15 =	vmul.f32 v15, v21;
	[tilespmem:s24+$0x7880] =	vst v13  }
0x76: {  	v25 =	vld [tilespmem:s24+$0x7910];
	v10 =	vmul.f32 v10, v21;
	[tilespmem:s24+$0x7890] =	vst v14  }
0x77: {  	v22 =	vld [tilespmem:s24+$0x78E0];
	v8 =	vmul.f32 v8, v21;
	[tilespmem:s24+$0x78A0] =	vst v15  }
0x78: {  	v26 =	vld [tilespmem:s24+$0x7920];
	v16 =	vbroadcast v2, $0x2;
	v9 =	vmul.f32 v9, v21;
	[tilespmem:s24+$0x78B0] =	vst v10  }
0x79: {  	v27 =	vld [tilespmem:s24+$0x7930];
	v11 =	vmul.f32 v23, v21;
	[tilespmem:s24+$0x78C0] =	vst v8  }
0x7a: {  	v28 =	vld [tilespmem:s24+$0x7940];
	v6 =	vbroadcast v2, $0xA;
	v30 =	vmul.f32 v24, v16;
	[tilespmem:s24+$0x78D0] =	vst v9  }
0x7b: {  	v29 =	vld [tilespmem:s24+$0x7950];
	v32 =	vmul.f32 v25, v16;
	[tilespmem:s24+$0x78F0] =	vst v11  }
0x7c: {  	v31 =	vld [tilespmem:s24+$0x7960];
	v4 =	vmul.f32 v7, v6;
	[tilespmem:s24+$0x7900] =	vst v30  }
0x7d: {  	v33 =	vld [tilespmem:s24+$0x7970];
	v12 =	vmul.f32 v22, v21;
	[tilespmem:s24+$0x7910] =	vst v32  }
0x7e: {  	v34 =	vld [tilespmem:s24+$0x7980];
	v10 =	vmul.f32 v26, v16;
	[tilespmem:s24+$0x7D70] =	vst v4  }
0x7f: {  	v35 =	vld [tilespmem:s24+$0x7990];
	v8 =	vmul.f32 v27, v16;
	[tilespmem:s24+$0x78E0] =	vst v12  }
0x80: {  	v36 =	vld [tilespmem:s24+$0x79A0];
	v9 =	vmul.f32 v28, v16;
	[tilespmem:s24+$0x7920] =	vst v10  }
0x81: {  	v37 =	vld [tilespmem:s24+$0x79B0];
	v39 =	vbroadcast v2, $0x3;
	v11 =	vmul.f32 v31, v16;
	[tilespmem:s24+$0x7930] =	vst v8  }
0x82: {  	v38 =	vld [tilespmem:s24+$0x79C0];
	v13 =	vmul.f32 v33, v16;
	[tilespmem:s24+$0x7940] =	vst v9  }
0x83: {  	v40 =	vld [tilespmem:s24+$0x79D0];
	v14 =	vmul.f32 v34, v39;
	[tilespmem:s24+$0x7960] =	vst v11  }
0x84: {  	v41 =	vld [tilespmem:s24+$0x79E0];
	v12 =	vmul.f32 v29, v16;
	[tilespmem:s24+$0x7970] =	vst v13  }
0x85: {  	v42 =	vld [tilespmem:s24+$0x79F0];
	v10 =	vmul.f32 v35, v39;
	[tilespmem:s24+$0x7980] =	vst v14  }
0x86: {  	v43 =	vld [tilespmem:s24+$0x7A00];
	v8 =	vmul.f32 v36, v39;
	[tilespmem:s24+$0x7950] =	vst v12  }
0x87: {  	v44 =	vld [tilespmem:s24+$0x7A10];
	v9 =	vmul.f32 v37, v39;
	[tilespmem:s24+$0x7990] =	vst v10  }
0x88: {  	v45 =	vld [tilespmem:s24+$0x7A20];
	v11 =	vmul.f32 v40, v39;
	[tilespmem:s24+$0x79A0] =	vst v8  }
0x89: {  	v46 =	vld [tilespmem:s24+$0x7A30];
	v13 =	vmul.f32 v41, v39;
	[tilespmem:s24+$0x79B0] =	vst v9  }
0x8a: {  	v47 =	vld [tilespmem:s24+$0x7A40];
	v48 =	vbroadcast v2, $0x4;
	v14 =	vmul.f32 v42, v39;
	[tilespmem:s24+$0x79D0] =	vst v11  }
0x8b: {  	v49 =	vld [tilespmem:s24+$0x7A50];
	v12 =	vmul.f32 v38, v39;
	[tilespmem:s24+$0x79E0] =	vst v13  }
0x8c: {  	v50 =	vld [tilespmem:s24+$0x7A60];
	v10 =	vmul.f32 v43, v48;
	[tilespmem:s24+$0x79F0] =	vst v14  }
0x8d: {  	v51 =	vld [tilespmem:s24+$0x7A70];
	v8 =	vmul.f32 v44, v48;
	[tilespmem:s24+$0x79C0] =	vst v12  }
0x8e: {  	v52 =	vld [tilespmem:s24+$0x7A80];
	v9 =	vmul.f32 v45, v48;
	[tilespmem:s24+$0x7A00] =	vst v10  }
0x8f: {  	v53 =	vld [tilespmem:s24+$0x7A90];
	v11 =	vmul.f32 v47, v48;
	[tilespmem:s24+$0x7A10] =	vst v8  }
0x90: {  	v54 =	vld [tilespmem:s24+$0x7AA0];
	v13 =	vmul.f32 v49, v48;
	[tilespmem:s24+$0x7A20] =	vst v9  }
0x91: {  	v55 =	vld [tilespmem:s24+$0x7AB0];
	v14 =	vmul.f32 v50, v48;
	[tilespmem:s24+$0x7A40] =	vst v11  }
0x92: {  	v56 =	vld [tilespmem:s24+$0x7AC0];
	v57 =	vbroadcast v2, $0x5;
	v12 =	vmul.f32 v46, v48;
	[tilespmem:s24+$0x7A50] =	vst v13  }
0x93: {  	v58 =	vld [tilespmem:s24+$0x7AD0];
	v10 =	vmul.f32 v51, v48;
	[tilespmem:s24+$0x7A60] =	vst v14  }
0x94: {  	v59 =	vld [tilespmem:s24+$0x7AE0];
	v8 =	vmul.f32 v52, v57;
	[tilespmem:s24+$0x7A30] =	vst v12  }
0x95: {  	v60 =	vld [tilespmem:s24+$0x7AF0];
	v9 =	vmul.f32 v53, v57;
	[tilespmem:s24+$0x7A70] =	vst v10  }
0x96: {  	v61 =	vld [tilespmem:s24+$0x7B00];
	v11 =	vmul.f32 v55, v57;
	[tilespmem:s24+$0x7A80] =	vst v8  }
0x97: {  	v62 =	vld [tilespmem:s24+$0x7B10];
	v13 =	vmul.f32 v56, v57;
	[tilespmem:s24+$0x7A90] =	vst v9  }
0x98: {  	v63 =	vld [tilespmem:s24+$0x7B20];
	v14 =	vmul.f32 v58, v57;
	[tilespmem:s24+$0x7AB0] =	vst v11  }
0x99: {  	v20 =	vld [tilespmem:s24+$0x7B30];
	v12 =	vmul.f32 v54, v57;
	[tilespmem:s24+$0x7AC0] =	vst v13  }
0x9a: {  	v21 =	vld [tilespmem:s24+$0x7B40];
	v22 =	vbroadcast v2, $0x6;
	v10 =	vmul.f32 v59, v57;
	[tilespmem:s24+$0x7AD0] =	vst v14  }
0x9b: {  	v23 =	vld [tilespmem:s24+$0x7B50];
	v8 =	vmul.f32 v60, v57;
	[tilespmem:s24+$0x7AA0] =	vst v12  }
0x9c: {  	v24 =	vld [tilespmem:s24+$0x7B60];
	v9 =	vmul.f32 v61, v22;
	[tilespmem:s24+$0x7AE0] =	vst v10  }
0x9d: {  	v25 =	vld [tilespmem:s24+$0x7B70];
	v11 =	vmul.f32 v63, v22;
	[tilespmem:s24+$0x7AF0] =	vst v8  }
0x9e: {  	v5 =	vld [tilespmem:s24+$0x7D80];
	v13 =	vmul.f32 v20, v22;
	[tilespmem:s24+$0x7B00] =	vst v9  }
0x9f: {  	v27 =	vld [tilespmem:s24+$0x7B90];
	v14 =	vmul.f32 v21, v22;
	[tilespmem:s24+$0x7B20] =	vst v11  }
0xa0: {  	v28 =	vld [tilespmem:s24+$0x7BA0];
	v12 =	vmul.f32 v62, v22;
	[tilespmem:s24+$0x7B30] =	vst v13  }
0xa1: {  	v29 =	vld [tilespmem:s24+$0x7BB0];
	v10 =	vmul.f32 v23, v22;
	[tilespmem:s24+$0x7B40] =	vst v14  }
0xa2: {  	v31 =	vbroadcast v2, $0x7;
	v53 =	vld [tilespmem:s24+$0x7D00];
	v8 =	vmul.f32 v24, v22;
	[tilespmem:s24+$0x7B10] =	vst v12  }
0xa3: {  	v58 =	vld [tilespmem:s24+$0x7D50];
	v9 =	vmul.f32 v25, v22;
	[tilespmem:s24+$0x7B50] =	vst v10  }
0xa4: {  	v26 =	vld [tilespmem:s24+$0x7B80];
	v11 =	vmul.f32 v27, v31;
	[tilespmem:s24+$0x7B60] =	vst v8  }
0xa5: {  	v30 =	vld [tilespmem:s24+$0x7BC0];
	v13 =	vmul.f32 v28, v31;
	[tilespmem:s24+$0x7B70] =	vst v9  }
0xa6: {  	v32 =	vld [tilespmem:s24+$0x7BD0];
	v14 =	vmul.f32 v29, v31;
	[tilespmem:s24+$0x7B90] =	vst v11  }
0xa7: {  	v33 =	vld [tilespmem:s24+$0x7BE0];
	v59 =	vmul.f32 v53, v6;
	[tilespmem:s24+$0x7BA0] =	vst v13  }
0xa8: {  	v35 =	vld [tilespmem:s24+$0x7C00];
	v21 =	vmul.f32 v58, v6;
	[tilespmem:s24+$0x7BB0] =	vst v14  }
0xa9: {  	v36 =	vld [tilespmem:s24+$0x7C10];
	v12 =	vmul.f32 v26, v31;
	[tilespmem:s24+$0x7D00] =	vst v59  }
0xaa: {  	v37 =	vld [tilespmem:s24+$0x7C20];
	v10 =	vmul.f32 v30, v31;
	[tilespmem:s24+$0x7D50] =	vst v21  }
0xab: {  	v7 =	vld [tilespmem:s24+$0x7D90];
	v40 =	vbroadcast v2, $0x8;
	v8 =	vmul.f32 v32, v31;
	[tilespmem:s24+$0x7B80] =	vst v12  }
0xac: {  	v34 =	vld [tilespmem:s24+$0x7BF0];
	v9 =	vmul.f32 v33, v31;
	[tilespmem:s24+$0x7BC0] =	vst v10  }
0xad: {  	v57 =	vld [tilespmem:s24+$0x7D40];
	v11 =	vmul.f32 v35, v40;
	[tilespmem:s24+$0x7BD0] =	vst v8  }
0xae: {  	v61 =	vld [tilespmem:s24+$0x7800];
	v24 =	vbroadcast v2, $0xB;
	v13 =	vmul.f32 v36, v40;
	[tilespmem:s24+$0x7BE0] =	vst v9  }
0xaf: {  	v4 =	vld [tilespmem:s24+$0x7FD0];
	v14 =	vmul.f32 v37, v40;
	[tilespmem:s24+$0x7C00] =	vst v11  }
0xb0: {  	v38 =	vld [tilespmem:s24+$0x7C30];
	v5 =	vmul.f32 v5, v24;
	[tilespmem:s24+$0x7C10] =	vst v13  }
0xb1: {  	v39 =	vld [tilespmem:s24+$0x7C40];
	v7 =	vmul.f32 v7, v24;
	[tilespmem:s24+$0x7C20] =	vst v14  }
0xb2: {  	v41 =	vld [tilespmem:s24+$0x7C50];
	v19 =	vmul.f32 v57, v6;
	[tilespmem:s24+$0x7D80] =	vst v5  }
0xb3: {  	v43 =	vld [tilespmem:s24+$0x7C70];
	v25 =	vmul.f32 v3, v61;
	[tilespmem:s24+$0x7D90] =	vst v7  }
0xb4: {  	v44 =	vld [tilespmem:s24+$0x7C80];
	v12 =	vmul.f32 v34, v31;
	[tilespmem:s24+$0x7D40] =	vst v19  }
0xb5: {  	v45 =	vld [tilespmem:s24+$0x7C90];
	v10 =	vmul.f32 v38, v40;
	[tilespmem:s24+$0x7800] =	vst v25  }
0xb6: {  	v27 =	vld [tilespmem:s24+$0x7DD0];
	v8 =	vmul.f32 v39, v40;
	[tilespmem:s24+$0x7BF0] =	vst v12  }
0xb7: {  	v49 =	vbroadcast v2, $0x9;
	v29 =	vld [tilespmem:s24+$0x7DF0];
	v9 =	vmul.f32 v41, v40;
	[tilespmem:s24+$0x7C30] =	vst v10  }
0xb8: {  	v42 =	vld [tilespmem:s24+$0x7C60];
	v11 =	vmul.f32 v43, v40;
	[tilespmem:s24+$0x7C40] =	vst v8  }
0xb9: {  	v46 =	vld [tilespmem:s24+$0x7CA0];
	v13 =	vmul.f32 v44, v49;
	[tilespmem:s24+$0x7C50] =	vst v9  }
0xba: {  	v47 =	vld [tilespmem:s24+$0x7CB0];
	v14 =	vmul.f32 v45, v49;
	[tilespmem:s24+$0x7C70] =	vst v11  }
0xbb: {  	v48 =	vld [tilespmem:s24+$0x7CC0];
	v32 =	vmul.f32 v27, v24;
	[tilespmem:s24+$0x7C80] =	vst v13  }
0xbc: {  	v51 =	vld [tilespmem:s24+$0x7CE0];
	v7 =	vmul.f32 v29, v24;
	[tilespmem:s24+$0x7C90] =	vst v14  }
0xbd: {  	v52 =	vld [tilespmem:s24+$0x7CF0];
	v12 =	vmul.f32 v42, v40;
	[tilespmem:s24+$0x7DD0] =	vst v32  }
0xbe: {  	v10 =	vmul.f32 v46, v49;
	[tilespmem:s24+$0x7DF0] =	vst v7  }
0xbf: {  	v28 =	vld [tilespmem:s24+$0x7DE0];
	v8 =	vmul.f32 v47, v49;
	[tilespmem:s24+$0x7C60] =	vst v12  }
0xc0: {  	v30 =	vld [tilespmem:s24+$0x7E00];
	v9 =	vmul.f32 v48, v49;
	[tilespmem:s24+$0x7CA0] =	vst v10  }
0xc1: {  	v50 =	vld [tilespmem:s24+$0x7CD0];
	v5 =	vbroadcast v2, $0xF;
	v11 =	vmul.f32 v51, v49;
	[tilespmem:s24+$0x7CB0] =	vst v8  }
0xc2: {  	v54 =	vld [tilespmem:s24+$0x7D10];
	v13 =	vmul.f32 v52, v49;
	[tilespmem:s24+$0x7CC0] =	vst v9  }
0xc3: {  	v55 =	vld [tilespmem:s24+$0x7D20];
	v35 =	vbroadcast v2, $0xC;
	v4 =	vmul.f32 v4, v5;
	[tilespmem:s24+$0x7CE0] =	vst v11  }
0xc4: {  	v56 =	vld [tilespmem:s24+$0x7D30];
	v40 =	vmul.f32 v28, v24;
	[tilespmem:s24+$0x7CF0] =	vst v13  }
0xc5: {  	v60 =	vld [tilespmem:s24+$0x7D60];
	v16 =	vmul.f32 v30, v35;
	[tilespmem:s24+$0x7FD0] =	vst v4  }
0xc6: {  	v62 =	vld [tilespmem:s24+$0x7810];
	v12 =	vmul.f32 v50, v49;
	[tilespmem:s24+$0x7DE0] =	vst v40  }
0xc7: {  	v63 =	vld [tilespmem:s24+$0x7840];
	v10 =	vmul.f32 v54, v6;
	[tilespmem:s24+$0x7E00] =	vst v16  }
0xc8: {  	v20 =	vld [tilespmem:s24+$0x7850];
	v8 =	vmul.f32 v55, v6;
	[tilespmem:s24+$0x7CD0] =	vst v12  }
0xc9: {  	v33 =	vld [tilespmem:s24+$0x7E30];
	v9 =	vmul.f32 v56, v6;
	[tilespmem:s24+$0x7D10] =	vst v10  }
0xca: {  	v61 =	vld [tilespmem:s24+$0x7FF0];
	v6 =	vmul.f32 v60, v6;
	[tilespmem:s24+$0x7D20] =	vst v8  }
0xcb: {  	v38 =	vld [tilespmem:s24+$0x7E70];
	v13 =	vmul.f32 v62, v3;
	[tilespmem:s24+$0x7D30] =	vst v9  }
0xcc: {  	v22 =	vld [tilespmem:s24+$0x7DA0];
	v4 =	vmul.f32 v63, v3;
	[tilespmem:s24+$0x7D60] =	vst v6  }
0xcd: {  	v23 =	vld [tilespmem:s24+$0x7DB0];
	v3 =	vmul.f32 v20, v3;
	[tilespmem:s24+$0x7810] =	vst v13  }
0xce: {  	v26 =	vld [tilespmem:s24+$0x7DC0];
	v62 =	vmul.f32 v33, v35;
	[tilespmem:s24+$0x7840] =	vst v4  }
0xcf: {  	v31 =	vld [tilespmem:s24+$0x7E10];
	v63 =	vmul.f32 v61, v5;
	[tilespmem:s24+$0x7850] =	vst v3  }
0xd0: {  	v34 =	vld [tilespmem:s24+$0x7E40];
	v16 =	vmul.f32 v38, v35;
	[tilespmem:s24+$0x7E30] =	vst v62  }
0xd1: {  	v41 =	vld [tilespmem:s24+$0x7EA0];
	v8 =	vmul.f32 v22, v24;
	[tilespmem:s24+$0x7FF0] =	vst v63  }
0xd2: {  	v46 =	vld [tilespmem:s24+$0x7EE0];
	v9 =	vmul.f32 v23, v24;
	[tilespmem:s24+$0x7E70] =	vst v16  }
0xd3: {  	v6 =	vmul.f32 v26, v24;
	v3 =	vld [tilespmem:s24+$0x7E90];
	[tilespmem:s24+$0x7DA0] =	vst v8  }
0xd4: {  	v36 =	vld [tilespmem:s24+$0x7E50];
	v44 =	vbroadcast v2, $0xD;
	v10 =	vmul.f32 v31, v35;
	[tilespmem:s24+$0x7DB0] =	vst v9  }
0xd5: {  	v37 =	vld [tilespmem:s24+$0x7E60];
	v13 =	vmul.f32 v34, v35;
	[tilespmem:s24+$0x7DC0] =	vst v6  }
0xd6: {  	v39 =	vld [tilespmem:s24+$0x7E80];
	v12 =	vmul.f32 v41, v44;
	[tilespmem:s24+$0x7E10] =	vst v10  }
0xd7: {  	v42 =	vld [tilespmem:s24+$0x7EB0];
	v51 =	vmul.f32 v46, v44;
	[tilespmem:s24+$0x7E40] =	vst v13  }
0xd8: {  	v48 =	vld [tilespmem:s24+$0x7F10];
	[tilespmem:s24+$0x7EA0] =	vst v12;
	v3 =	vmul.f32 v3, v44  }
0xd9: {  	v49 =	vld [tilespmem:s24+$0x7F20];
	v9 =	vmul.f32 v36, v35;
	[tilespmem:s24+$0x7EE0] =	vst v51  }
0xda: {  	v6 =	vmul.f32 v37, v35;
	[tilespmem:s24+$0x7E90] =	vst v3;
	v3 =	vld [tilespmem:s24+$0x7F00]  }
0xdb: {  	v2 =	vbroadcast v2, $0xE;
	v50 =	vld [tilespmem:s24+$0x7F30];
	v10 =	vmul.f32 v39, v44;
	[tilespmem:s24+$0x7E50] =	vst v9  }
0xdc: {  	v45 =	vld [tilespmem:s24+$0x7ED0];
	v13 =	vmul.f32 v42, v44;
	[tilespmem:s24+$0x7E60] =	vst v6  }
0xdd: {  	v47 =	vld [tilespmem:s24+$0x7EF0];
	v12 =	vmul.f32 v48, v2;
	[tilespmem:s24+$0x7E80] =	vst v10  }
0xde: {  	v43 =	vld [tilespmem:s24+$0x7EC0];
	v11 =	vmul.f32 v49, v2;
	[tilespmem:s24+$0x7EB0] =	vst v13  }
0xdf: {  	v55 =	vld [tilespmem:s24+$0x7F80];
	[tilespmem:s24+$0x7F10] =	vst v12;
	v3 =	vmul.f32 v3, v2  }
0xe0: {  	v57 =	vld [tilespmem:s24+$0x7FA0];
	v7 =	vmul.f32 v50, v2;
	[tilespmem:s24+$0x7F20] =	vst v11  }
0xe1: {  	v6 =	vmul.f32 v45, v44;
	[tilespmem:s24+$0x7F00] =	vst v3;
	v3 =	vld [tilespmem:s24+$0x7F70]  }
0xe2: {  	v52 =	vld [tilespmem:s24+$0x7F40];
	v10 =	vmul.f32 v47, v44;
	[tilespmem:s24+$0x7F30] =	vst v7  }
0xe3: {  	v56 =	vld [tilespmem:s24+$0x7F90];
	v9 =	vmul.f32 v43, v44;
	[tilespmem:s24+$0x7ED0] =	vst v6  }
0xe4: {  	v54 =	vld [tilespmem:s24+$0x7F60];
	v12 =	vmul.f32 v55, v5;
	[tilespmem:s24+$0x7EF0] =	vst v10  }
0xe5: {  	v58 =	vld [tilespmem:s24+$0x7FB0];
	v7 =	vmul.f32 v57, v5;
	[tilespmem:s24+$0x7EC0] =	vst v9  }
0xe6: {  	v53 =	vld [tilespmem:s24+$0x7F50];
	[tilespmem:s24+$0x7F80] =	vst v12;
	v3 =	vmul.f32 v3, v2  }
0xe7: {  	v59 =	vld [tilespmem:s24+$0x7FC0];
	v6 =	vmul.f32 v52, v2;
	[tilespmem:s24+$0x7FA0] =	vst v7  }
0xe8: {  	v60 =	vld [tilespmem:s24+$0x7FE0];
	[tilespmem:s24+$0x7F70] =	vst v3;
	v3 =	vmul.f32 v56, v5  }
0xe9: {  	v10 =	vmul.f32 v54, v2;
	[tilespmem:s24+$0x7F40] =	vst v6  }
0xea: {  	v4 =	vld [tilespmem:s24+$0x7E20];
	[tilespmem:s24+$0x7F90] =	vst v3;
	v3 =	vmul.f32 v58, v5  }
0xeb: {  	[tilespmem:s24+$0x7F60] =	vst v10;
	v2 =	vmul.f32 v53, v2  }
0xec: {  	[tilespmem:s24+$0x7FB0] =	vst v3;
	v3 =	vmul.f32 v59, v5  }
0xed: {  	[tilespmem:s24+$0x7F50] =	vst v2;
	v5 =	vmul.f32 v60, v5  }
0xee: {  	[tilespmem:s24+$0x7FC0] =	vst v3  }
0xef: {  	s25 =	simm.s32 $0x1;
	v3 =	vmul.f32 v4, v35;
	[tilespmem:s24+$0x7FE0] =	vst v5  }
.LBB2_5:
0xf0: {  	s26 =	sshll.u32 s25, $0x4  }
0xf1: {  	p0 =	sne.s32 s25, $0x7;
	[tilespmem:s24+$0x7E20] =	vst v3;
	s24 =	smov.u32 s25;
	s25 =	sadd.s32 $0x1, s25  }
0xf2: {  	s26 =	sand.u32 $0x3FFFFFF0, s26  }
0xf3: {  	v2 =	vld.idx.msk [tilespmem:v1+s26+$0x0 ss:$0x1], $0xffff  }
0xf4: {  	s24 =	sshll.u32 s24, $0xB  }
0xf5: {  	s24 =	sand.u32 $0x3FFFF800, s24  }
0xf6: {  	v9 =	vld [tilespmem:s24+$0x78C0]  }
0xf7: {  	v10 =	vld [tilespmem:s24+$0x78D0]  }
0xf8: {  	v11 =	vld [tilespmem:s24+$0x78B0]  }
0xf9: {  	v3 =	vbroadcast v2, $0x0;
	v8 =	vbroadcast v2, $0x4;
	v4 =	vld [tilespmem:s24+$0x7820]  }
0xfa: {  	v6 =	vld [tilespmem:s24+$0x7830]  }
0xfb: {  	v7 =	vld [tilespmem:s24+$0x7D70]  }
0xfc: {  	v12 =	vld [tilespmem:s24+$0x7860]  }
0xfd: {  	v13 =	vld [tilespmem:s24+$0x7870]  }
0xfe: {  	v5 =	vbroadcast v2, $0xA;
	v4 =	vmul.f32 v4, v3;
	v14 =	vld [tilespmem:s24+$0x7880]  }
0xff: {  	v6 =	vmul.f32 v6, v3;
	v15 =	vld [tilespmem:s24+$0x7890]  }
0x100: {  	[tilespmem:s24+$0x7820] =	vst v4;
	v16 =	vld [tilespmem:s24+$0x78A0];
	v4 =	vmul.f32 v7, v5  }
0x101: {  	[tilespmem:s24+$0x7830] =	vst v6;
	v7 =	vmul.f32 v12, v3;
	v12 =	vbroadcast v2, $0x1;
	v6 =	vld [tilespmem:s24+$0x7D80]  }
0x102: {  	v13 =	vmul.f32 v13, v3;
	[tilespmem:s24+$0x7D70] =	vst v4;
	v4 =	vld [tilespmem:s24+$0x7FD0]  }
0x103: {  	[tilespmem:s24+$0x7860] =	vst v7;
	v14 =	vmul.f32 v14, v12;
	v7 =	vld [tilespmem:s24+$0x7D90]  }
0x104: {  	[tilespmem:s24+$0x7870] =	vst v13;
	v13 =	vmul.f32 v15, v12;
	v15 =	vld [tilespmem:s24+$0x78E0]  }
0x105: {  	[tilespmem:s24+$0x7880] =	vst v14;
	v14 =	vmul.f32 v16, v12;
	v16 =	vld [tilespmem:s24+$0x78F0]  }
0x106: {  	v11 =	vmul.f32 v11, v12;
	[tilespmem:s24+$0x7890] =	vst v13;
	v13 =	vld [tilespmem:s24+$0x7900]  }
0x107: {  	v9 =	vmul.f32 v9, v12;
	[tilespmem:s24+$0x78A0] =	vst v14;
	v14 =	vld [tilespmem:s24+$0x7910]  }
0x108: {  	v10 =	vmul.f32 v10, v12;
	[tilespmem:s24+$0x78B0] =	vst v11;
	v11 =	vld [tilespmem:s24+$0x7920]  }
0x109: {  	[tilespmem:s24+$0x78C0] =	vst v9;
	v9 =	vmul.f32 v15, v12;
	v15 =	vbroadcast v2, $0x2;
	v17 =	vld [tilespmem:s24+$0x7930]  }
0x10a: {  	[tilespmem:s24+$0x78D0] =	vst v10;
	v10 =	vmul.f32 v16, v12;
	v12 =	vld [tilespmem:s24+$0x7940]  }
0x10b: {  	[tilespmem:s24+$0x78E0] =	vst v9;
	v9 =	vmul.f32 v13, v15;
	v13 =	vld [tilespmem:s24+$0x7950]  }
0x10c: {  	[tilespmem:s24+$0x78F0] =	vst v10;
	v10 =	vmul.f32 v14, v15;
	v14 =	vld [tilespmem:s24+$0x7960]  }
0x10d: {  	[tilespmem:s24+$0x7900] =	vst v9;
	v9 =	vmul.f32 v11, v15;
	v11 =	vld [tilespmem:s24+$0x7970]  }
0x10e: {  	[tilespmem:s24+$0x7910] =	vst v10;
	v10 =	vmul.f32 v17, v15;
	v16 =	vld [tilespmem:s24+$0x7980]  }
0x10f: {  	[tilespmem:s24+$0x7920] =	vst v9;
	v9 =	vmul.f32 v12, v15;
	v12 =	vld [tilespmem:s24+$0x7990]  }
0x110: {  	[tilespmem:s24+$0x7930] =	vst v10;
	v10 =	vmul.f32 v13, v15;
	v13 =	vld [tilespmem:s24+$0x79A0]  }
0x111: {  	[tilespmem:s24+$0x7940] =	vst v9;
	v9 =	vmul.f32 v14, v15;
	v14 =	vbroadcast v2, $0x3;
	v17 =	vld [tilespmem:s24+$0x79B0]  }
0x112: {  	[tilespmem:s24+$0x7950] =	vst v10;
	v10 =	vmul.f32 v11, v15;
	v11 =	vld [tilespmem:s24+$0x79C0]  }
0x113: {  	[tilespmem:s24+$0x7960] =	vst v9;
	v9 =	vmul.f32 v16, v14;
	v15 =	vld [tilespmem:s24+$0x79D0]  }
0x114: {  	[tilespmem:s24+$0x7970] =	vst v10;
	v10 =	vmul.f32 v12, v14;
	v12 =	vld [tilespmem:s24+$0x79E0]  }
0x115: {  	[tilespmem:s24+$0x7980] =	vst v9;
	v9 =	vmul.f32 v13, v14;
	v13 =	vld [tilespmem:s24+$0x79F0]  }
0x116: {  	[tilespmem:s24+$0x7990] =	vst v10;
	v10 =	vmul.f32 v17, v14;
	v16 =	vld [tilespmem:s24+$0x7A00]  }
0x117: {  	[tilespmem:s24+$0x79A0] =	vst v9;
	v9 =	vmul.f32 v11, v14;
	v11 =	vld [tilespmem:s24+$0x7A10]  }
0x118: {  	[tilespmem:s24+$0x79B0] =	vst v10;
	v10 =	vmul.f32 v15, v14;
	v15 =	vld [tilespmem:s24+$0x7A20]  }
0x119: {  	[tilespmem:s24+$0x79C0] =	vst v9;
	v9 =	vmul.f32 v12, v14;
	v12 =	vld [tilespmem:s24+$0x7A30]  }
0x11a: {  	[tilespmem:s24+$0x79D0] =	vst v10;
	v10 =	vmul.f32 v13, v14;
	v13 =	vld [tilespmem:s24+$0x7A40]  }
0x11b: {  	[tilespmem:s24+$0x79E0] =	vst v9;
	v9 =	vmul.f32 v16, v8;
	v14 =	vld [tilespmem:s24+$0x7A50]  }
0x11c: {  	[tilespmem:s24+$0x79F0] =	vst v10;
	v10 =	vmul.f32 v11, v8;
	v11 =	vld [tilespmem:s24+$0x7A60]  }
0x11d: {  	[tilespmem:s24+$0x7A00] =	vst v9;
	v9 =	vmul.f32 v15, v8;
	v15 =	vld [tilespmem:s24+$0x7A70]  }
0x11e: {  	[tilespmem:s24+$0x7A10] =	vst v10;
	v10 =	vmul.f32 v12, v8;
	v12 =	vld [tilespmem:s24+$0x7A80]  }
0x11f: {  	[tilespmem:s24+$0x7A20] =	vst v9;
	v9 =	vmul.f32 v13, v8;
	v13 =	vld [tilespmem:s24+$0x7A90]  }
0x120: {  	[tilespmem:s24+$0x7A30] =	vst v10;
	v10 =	vmul.f32 v14, v8;
	v14 =	vld [tilespmem:s24+$0x7AA0]  }
0x121: {  	[tilespmem:s24+$0x7A40] =	vst v9;
	v9 =	vmul.f32 v11, v8;
	v11 =	vbroadcast v2, $0x5;
	v16 =	vld [tilespmem:s24+$0x7AB0]  }
0x122: {  	[tilespmem:s24+$0x7A50] =	vst v10;
	v8 =	vmul.f32 v15, v8;
	v10 =	vld [tilespmem:s24+$0x7AC0]  }
0x123: {  	[tilespmem:s24+$0x7A60] =	vst v9;
	v9 =	vmul.f32 v12, v11;
	v12 =	vld [tilespmem:s24+$0x7AD0]  }
0x124: {  	[tilespmem:s24+$0x7A70] =	vst v8;
	v8 =	vmul.f32 v13, v11;
	v13 =	vld [tilespmem:s24+$0x7AE0]  }
0x125: {  	[tilespmem:s24+$0x7A80] =	vst v9;
	v9 =	vmul.f32 v14, v11;
	v14 =	vld [tilespmem:s24+$0x7AF0]  }
0x126: {  	[tilespmem:s24+$0x7A90] =	vst v8;
	v8 =	vmul.f32 v16, v11;
	v15 =	vld [tilespmem:s24+$0x7B00]  }
0x127: {  	[tilespmem:s24+$0x7AA0] =	vst v9;
	v9 =	vmul.f32 v10, v11;
	v10 =	vld [tilespmem:s24+$0x7B10]  }
0x128: {  	[tilespmem:s24+$0x7AB0] =	vst v8;
	v8 =	vmul.f32 v12, v11;
	v12 =	vld [tilespmem:s24+$0x7B20]  }
0x129: {  	[tilespmem:s24+$0x7AC0] =	vst v9;
	v9 =	vmul.f32 v13, v11;
	v13 =	vbroadcast v2, $0x6;
	v16 =	vld [tilespmem:s24+$0x7B30]  }
0x12a: {  	[tilespmem:s24+$0x7AD0] =	vst v8;
	v8 =	vmul.f32 v14, v11;
	v11 =	vld [tilespmem:s24+$0x7B40]  }
0x12b: {  	[tilespmem:s24+$0x7AE0] =	vst v9;
	v9 =	vmul.f32 v15, v13;
	v14 =	vld [tilespmem:s24+$0x7B50]  }
0x12c: {  	[tilespmem:s24+$0x7AF0] =	vst v8;
	v8 =	vmul.f32 v10, v13;
	v10 =	vld [tilespmem:s24+$0x7B60]  }
0x12d: {  	[tilespmem:s24+$0x7B00] =	vst v9;
	v9 =	vmul.f32 v12, v13;
	v12 =	vld [tilespmem:s24+$0x7B70]  }
0x12e: {  	[tilespmem:s24+$0x7B10] =	vst v8;
	v8 =	vmul.f32 v16, v13;
	v15 =	vld [tilespmem:s24+$0x7B80]  }
0x12f: {  	[tilespmem:s24+$0x7B20] =	vst v9;
	v9 =	vmul.f32 v11, v13;
	v11 =	vld [tilespmem:s24+$0x7B90]  }
0x130: {  	[tilespmem:s24+$0x7B30] =	vst v8;
	v8 =	vmul.f32 v14, v13;
	v14 =	vld [tilespmem:s24+$0x7BA0]  }
0x131: {  	[tilespmem:s24+$0x7B40] =	vst v9;
	v9 =	vmul.f32 v10, v13;
	v10 =	vbroadcast v2, $0x7;
	v16 =	vld [tilespmem:s24+$0x7BB0]  }
0x132: {  	[tilespmem:s24+$0x7B50] =	vst v8;
	v8 =	vmul.f32 v12, v13;
	v12 =	vld [tilespmem:s24+$0x7BC0]  }
0x133: {  	[tilespmem:s24+$0x7B60] =	vst v9;
	v9 =	vmul.f32 v15, v10;
	v13 =	vld [tilespmem:s24+$0x7BD0]  }
0x134: {  	[tilespmem:s24+$0x7B70] =	vst v8;
	v8 =	vmul.f32 v11, v10;
	v11 =	vld [tilespmem:s24+$0x7BE0]  }
0x135: {  	[tilespmem:s24+$0x7B80] =	vst v9;
	v9 =	vmul.f32 v14, v10;
	v14 =	vld [tilespmem:s24+$0x7BF0]  }
0x136: {  	[tilespmem:s24+$0x7B90] =	vst v8;
	v8 =	vmul.f32 v16, v10;
	v15 =	vld [tilespmem:s24+$0x7C00]  }
0x137: {  	[tilespmem:s24+$0x7BA0] =	vst v9;
	v9 =	vmul.f32 v12, v10;
	v12 =	vld [tilespmem:s24+$0x7C10]  }
0x138: {  	[tilespmem:s24+$0x7BB0] =	vst v8;
	v8 =	vmul.f32 v13, v10;
	v13 =	vld [tilespmem:s24+$0x7C20]  }
0x139: {  	[tilespmem:s24+$0x7BC0] =	vst v9;
	v9 =	vmul.f32 v11, v10;
	v11 =	vbroadcast v2, $0x8;
	v16 =	vld [tilespmem:s24+$0x7C30]  }
0x13a: {  	[tilespmem:s24+$0x7BD0] =	vst v8;
	v8 =	vmul.f32 v14, v10;
	v10 =	vld [tilespmem:s24+$0x7C40]  }
0x13b: {  	[tilespmem:s24+$0x7BE0] =	vst v9;
	v9 =	vmul.f32 v15, v11;
	v14 =	vld [tilespmem:s24+$0x7C50]  }
0x13c: {  	[tilespmem:s24+$0x7BF0] =	vst v8;
	v8 =	vmul.f32 v12, v11;
	v12 =	vld [tilespmem:s24+$0x7C60]  }
0x13d: {  	[tilespmem:s24+$0x7C00] =	vst v9;
	v9 =	vmul.f32 v13, v11;
	v13 =	vld [tilespmem:s24+$0x7C70]  }
0x13e: {  	[tilespmem:s24+$0x7C10] =	vst v8;
	v8 =	vmul.f32 v16, v11;
	v15 =	vld [tilespmem:s24+$0x7C80]  }
0x13f: {  	[tilespmem:s24+$0x7C20] =	vst v9;
	v9 =	vmul.f32 v10, v11;
	v10 =	vld [tilespmem:s24+$0x7C90]  }
0x140: {  	[tilespmem:s24+$0x7C30] =	vst v8;
	v8 =	vmul.f32 v14, v11;
	v14 =	vld [tilespmem:s24+$0x7CA0]  }
0x141: {  	[tilespmem:s24+$0x7C40] =	vst v9;
	v9 =	vmul.f32 v12, v11;
	v12 =	vbroadcast v2, $0x9;
	v16 =	vld [tilespmem:s24+$0x7CB0]  }
0x142: {  	[tilespmem:s24+$0x7C50] =	vst v8;
	v8 =	vmul.f32 v13, v11;
	v11 =	vld [tilespmem:s24+$0x7CC0]  }
0x143: {  	[tilespmem:s24+$0x7C60] =	vst v9;
	v9 =	vmul.f32 v15, v12;
	v13 =	vld [tilespmem:s24+$0x7CD0]  }
0x144: {  	[tilespmem:s24+$0x7C70] =	vst v8;
	v8 =	vmul.f32 v10, v12;
	v10 =	vld [tilespmem:s24+$0x7CE0]  }
0x145: {  	[tilespmem:s24+$0x7C80] =	vst v9;
	v9 =	vmul.f32 v14, v12;
	v14 =	vld [tilespmem:s24+$0x7CF0]  }
0x146: {  	[tilespmem:s24+$0x7C90] =	vst v8;
	v8 =	vmul.f32 v16, v12;
	v15 =	vld [tilespmem:s24+$0x7D00]  }
0x147: {  	[tilespmem:s24+$0x7CA0] =	vst v9;
	v9 =	vmul.f32 v11, v12;
	v11 =	vld [tilespmem:s24+$0x7D10]  }
0x148: {  	[tilespmem:s24+$0x7CB0] =	vst v8;
	v8 =	vmul.f32 v13, v12;
	v13 =	vld [tilespmem:s24+$0x7D20]  }
0x149: {  	[tilespmem:s24+$0x7CC0] =	vst v9;
	v9 =	vmul.f32 v10, v12;
	v10 =	vld [tilespmem:s24+$0x7D30]  }
0x14a: {  	[tilespmem:s24+$0x7CD0] =	vst v8;
	v8 =	vmul.f32 v14, v12;
	v12 =	vld [tilespmem:s24+$0x7D40]  }
0x14b: {  	[tilespmem:s24+$0x7CE0] =	vst v9;
	v9 =	vmul.f32 v15, v5;
	v14 =	vld [tilespmem:s24+$0x7D50]  }
0x14c: {  	[tilespmem:s24+$0x7CF0] =	vst v8;
	v8 =	vmul.f32 v11, v5;
	v11 =	vld [tilespmem:s24+$0x7D60]  }
0x14d: {  	v15 =	vld [tilespmem:s24+$0x7800];
	[tilespmem:s24+$0x7D00] =	vst v9;
	v9 =	vmul.f32 v13, v5  }
0x14e: {  	v13 =	vld [tilespmem:s24+$0x7810];
	[tilespmem:s24+$0x7D10] =	vst v8;
	v8 =	vmul.f32 v10, v5  }
0x14f: {  	v10 =	vld [tilespmem:s24+$0x7840];
	[tilespmem:s24+$0x7D20] =	vst v9;
	v9 =	vmul.f32 v12, v5  }
0x150: {  	v12 =	vld [tilespmem:s24+$0x7850];
	[tilespmem:s24+$0x7D30] =	vst v8;
	v8 =	vmul.f32 v14, v5  }
0x151: {  	[tilespmem:s24+$0x7D40] =	vst v9;
	v9 =	vmul.f32 v11, v5;
	v11 =	vbroadcast v2, $0xB;
	v14 =	vld [tilespmem:s24+$0x7DA0]  }
0x152: {  	v5 =	vbroadcast v2, $0xF;
	v15 =	vmul.f32 v3, v15;
	[tilespmem:s24+$0x7D50] =	vst v8;
	v8 =	vld [tilespmem:s24+$0x7DB0]  }
0x153: {  	v13 =	vmul.f32 v13, v3;
	[tilespmem:s24+$0x7D60] =	vst v9;
	v6 =	vmul.f32 v6, v11;
	v9 =	vld [tilespmem:s24+$0x7DC0]  }
0x154: {  	v7 =	vmul.f32 v7, v11;
	[tilespmem:s24+$0x7800] =	vst v15;
	v10 =	vmul.f32 v10, v3;
	v15 =	vld [tilespmem:s24+$0x7DD0]  }
0x155: {  	v4 =	vmul.f32 v4, v5;
	v12 =	vmul.f32 v12, v3;
	[tilespmem:s24+$0x7D80] =	vst v6;
	v3 =	vld [tilespmem:s24+$0x7DE0]  }
0x156: {  	[tilespmem:s24+$0x7D90] =	vst v7;
	v6 =	vmul.f32 v14, v11;
	v7 =	vld [tilespmem:s24+$0x7DF0]  }
0x157: {  	v8 =	vmul.f32 v8, v11;
	v14 =	vld [tilespmem:s24+$0x7E00];
	[tilespmem:s24+$0x7FD0] =	vst v4  }
0x158: {  	[tilespmem:s24+$0x7810] =	vst v13;
	v4 =	vmul.f32 v9, v11;
	v9 =	vld [tilespmem:s24+$0x7E10]  }
0x159: {  	[tilespmem:s24+$0x7840] =	vst v10;
	v10 =	vmul.f32 v15, v11;
	v13 =	vld [tilespmem:s24+$0x7E20]  }
0x15a: {  	v15 =	vbroadcast v2, $0xC;
	[tilespmem:s24+$0x7DA0] =	vst v6;
	v6 =	vmul.f32 v3, v11;
	v16 =	vld [tilespmem:s24+$0x7E30]  }
0x15b: {  	[tilespmem:s24+$0x7DD0] =	vst v10;
	v7 =	vmul.f32 v7, v11;
	v10 =	vld [tilespmem:s24+$0x7E40]  }
0x15c: {  	[tilespmem:s24+$0x7DB0] =	vst v8;
	v3 =	vmul.f32 v14, v15;
	v8 =	vld [tilespmem:s24+$0x7E50]  }
0x15d: {  	[tilespmem:s24+$0x7DC0] =	vst v4;
	v4 =	vmul.f32 v9, v15;
	v9 =	vld [tilespmem:s24+$0x7E60]  }
0x15e: {  	[tilespmem:s24+$0x7E00] =	vst v3;
	v3 =	vmul.f32 v13, v15;
	v11 =	vld [tilespmem:s24+$0x7E70]  }
0x15f: {  	[tilespmem:s24+$0x7E10] =	vst v4;
	v4 =	vld [tilespmem:s24+$0x7E80]  }
0x160: {  	[tilespmem:s24+$0x7850] =	vst v12;
	v10 =	vmul.f32 v10, v15;
	v12 =	vld [tilespmem:s24+$0x7E90]  }
0x161: {  	[tilespmem:s24+$0x7DE0] =	vst v6;
	v6 =	vmul.f32 v8, v15;
	v8 =	vld [tilespmem:s24+$0x7EA0]  }
0x162: {  	[tilespmem:s24+$0x7E40] =	vst v10;
	v9 =	vmul.f32 v9, v15;
	v10 =	vbroadcast v2, $0xD;
	v13 =	vld [tilespmem:s24+$0x7EB0]  }
0x163: {  	[tilespmem:s24+$0x7E50] =	vst v6;
	v6 =	vmul.f32 v11, v15;
	v11 =	vld [tilespmem:s24+$0x7EC0]  }
0x164: {  	[tilespmem:s24+$0x7E60] =	vst v9;
	v4 =	vmul.f32 v4, v10;
	v9 =	vld [tilespmem:s24+$0x7ED0]  }
0x165: {  	[tilespmem:s24+$0x7E70] =	vst v6;
	v6 =	vmul.f32 v12, v10;
	v12 =	vld [tilespmem:s24+$0x7EE0]  }
0x166: {  	[tilespmem:s24+$0x7E80] =	vst v4;
	v4 =	vmul.f32 v8, v10;
	v8 =	vld [tilespmem:s24+$0x7EF0]  }
0x167: {  	[tilespmem:s24+$0x7E90] =	vst v6;
	v6 =	vmul.f32 v13, v10;
	v13 =	vld [tilespmem:s24+$0x7F00]  }
0x168: {  	[tilespmem:s24+$0x7EA0] =	vst v4;
	v4 =	vmul.f32 v11, v10;
	v11 =	vld [tilespmem:s24+$0x7F10]  }
0x169: {  	[tilespmem:s24+$0x7EB0] =	vst v6;
	v6 =	vmul.f32 v9, v10;
	v9 =	vld [tilespmem:s24+$0x7F20]  }
0x16a: {  	v2 =	vbroadcast v2, $0xE;
	[tilespmem:s24+$0x7DF0] =	vst v7;
	v7 =	vmul.f32 v12, v10;
	v12 =	vld [tilespmem:s24+$0x7F30]  }
0x16b: {  	[tilespmem:s24+$0x7ED0] =	vst v6;
	v6 =	vmul.f32 v8, v10;
	v8 =	vld [tilespmem:s24+$0x7F40]  }
0x16c: {  	[tilespmem:s24+$0x7EE0] =	vst v7;
	v7 =	vmul.f32 v13, v2;
	v10 =	vld [tilespmem:s24+$0x7F50]  }
0x16d: {  	[tilespmem:s24+$0x7EF0] =	vst v6;
	v6 =	vmul.f32 v11, v2;
	v11 =	vld [tilespmem:s24+$0x7F60]  }
0x16e: {  	[tilespmem:s24+$0x7F00] =	vst v7;
	v7 =	vmul.f32 v9, v2;
	v9 =	vld [tilespmem:s24+$0x7F70]  }
0x16f: {  	[tilespmem:s24+$0x7F10] =	vst v6;
	v6 =	vmul.f32 v12, v2;
	v12 =	vld [tilespmem:s24+$0x7F80]  }
0x170: {  	[tilespmem:s24+$0x7F20] =	vst v7;
	v7 =	vmul.f32 v8, v2;
	v8 =	vld [tilespmem:s24+$0x7F90]  }
0x171: {  	[tilespmem:s24+$0x7F30] =	vst v6;
	v6 =	vmul.f32 v10, v2;
	v10 =	vld [tilespmem:s24+$0x7FA0]  }
0x172: {  	[tilespmem:s24+$0x7F40] =	vst v7;
	v7 =	vmul.f32 v11, v2;
	v11 =	vld [tilespmem:s24+$0x7FB0]  }
0x173: {  	[tilespmem:s24+$0x7EC0] =	vst v4;
	v2 =	vmul.f32 v9, v2;
	v4 =	vld [tilespmem:s24+$0x7FC0]  }
0x174: {  	[tilespmem:s24+$0x7F60] =	vst v7;
	v7 =	vmul.f32 v12, v5;
	v9 =	vld [tilespmem:s24+$0x7FE0]  }
0x175: {  	[tilespmem:s24+$0x7F70] =	vst v2;
	v2 =	vmul.f32 v8, v5;
	v8 =	vld [tilespmem:s24+$0x7FF0]  }
0x176: {  	[tilespmem:s24+$0x7F80] =	vst v7;
	v7 =	vmul.f32 v10, v5  }
0x177: {  	[tilespmem:s24+$0x7F90] =	vst v2;
	v2 =	vmul.f32 v11, v5  }
0x178: {  	v10 =	vmul.f32 v16, v15;
	[tilespmem:s24+$0x7FA0] =	vst v7  }
0x179: {  	[tilespmem:s24+$0x7FB0] =	vst v2;
	v2 =	vmul.f32 v4, v5  }
.Ltmp1:
0x17a: {  	[tilespmem:s24+$0x7E30] =	vst v10;
	v4 =	vmul.f32 v8, v5;
	(pc) =	sbr.rel @p0 .LBB2_5-.Ltmp1, $4  }
0x17b: {  	[tilespmem:s24+$0x7FC0] =	vst v2  }
0x17c: {  	v2 =	vmul.f32 v9, v5;
	[tilespmem:s24+$0x7FF0] =	vst v4  }
0x17d: {  	[tilespmem:s24+$0x7F50] =	vst v6  }
0x17e: {  	[tilespmem:s24+$0x7FE0] =	vst v2  }
0x17f: {  	s23 =	sadd.s32 $0x1, s23  }
0x180: {  	p0 =	sne.s32 s23, $0x50  }
.Ltmp2:
0x181: {  	[tilespmem:s24+$0x7E20] =	vst v3;
	(pc) =	sbr.rel @p0 .LBB2_4-.Ltmp2, $4  }
0x182: {  	[spmem:s3] =	stream.indirect.scatter.add.f32 [tilespmem:s15], [sflag:$0x2], $0x80, s22, s19, $0xb8;
	[tilespmem:$0x1F900] =	vst v63  }
0x183: {  	_ =	swait.ge [sflag:s16], $0x4000  }
0x184: {  	[sflag:s16] =	ssyncset.done $0x0  }
0x185: {  	[sflag:s16] =	ssyncadd.s32 $0xFFFFC000  }
0x186: {  	s4 =	sadd.s32 $0x1, s4  }
0x187: {  	s23 =	sshll.u32 s0, $0x6;
	[bflag:$0x0] =	sbarrier.arrive $0xFFFF;
	p0 =	sne.s32 s4, s14  }
.Ltmp3:
0x188: {  	s24 =	sshrl.u32 s5, $0x3;
	s23 =	sor.u32 $0x1C02, s23;
	(pc) =	sbr.rel @p0 .LBB2_1-.Ltmp3, $4  }
0x189: {  	[hbm:s13], [sflag:s23] =	dma.local [spmem:s24], $0x2800  }
0x18a: {  	_ =	swait.ge [sflag:s16], $0x2800  }
0x18b: {  	[sflag:s16] =	ssyncset.done $0x0  }
0x18c: {  	[sflag:s16] =	ssyncadd.s32 $0xFFFFD800  }
0x18d: {  	_ =	sfence.sel $0x180000  }
0x18e: {  	[bflag:$0x0] =	sbarrier.arrive $0xFFFF  }
0x18f: {  	p0 =	sne.s32 s0, $0x0;
	_ =	strace $0x90000047  }
0x190: {  	s0 =	sadd.s32 @!p0 $0x100000, s1;
	[bflag:$0x2] =	sbarrier.arrive $0xFFFF  }
0x191: {  	[sflag:s0] =	ssyncadd.tile.s32 @!p0 $0x1;
	_ =	shalt  }
.Lfunc_end2:
_tile_overlayer_lowered:
.L_overlay_start_2:
0x192: {  	(tag) =	ssettag $0x2  }
0x193: {  	s0 =	rddreg [dreg:$0x0];
	s2 =	stileid.u32  }
0x194: {  	s1 =	rddreg [dreg:$0x1];
	p0 =	sne.s32 s2, $0x0  }
0x195: {  	s3 =	rddreg [dreg:$0x2];
	[bflag:$0x3] =	sbarrier.arrive $0xFFFF;
	s2 =	simm.s32 @!p0 $0x1C02  }
0x196: {  	[timem:s3], [sflag:s2] =	dma.local @!p0 [hbm:s0], s1  }
0x197: {  	s0 =	simm.s32 @!p0 $0x2  }
0x198: {  	_ =	swait.ge @!p0 [sflag:s0], s1  }
0x199: {  	s1 =	ssub.s32 @!p0 $0x0, s1;
	[sflag:s0] =	ssyncset.done @!p0 $0x0  }
0x19a: {  	[sflag:s0] =	ssyncadd.s32 @!p0 s1  }
0x19b: {  	[bflag:$0x3] =	sbarrier.arrive $0xFFFF  }
0x19c: {  	_ =	shalt  }

// kernel: kernel.8.cloned.1.call-start
scs
__scs_entry_jumppad:
0x0: {  	(pc) =	sbr.rel $0x88, $3  }
0x1: {  	(tag) =	ssettag $0x0;
	lr =	simm.s32 $0x1  }
0x2: {  	[smem:$0x3F9D] =	sst lr;
	_ =	strace $0xD0000000  }
0x3: {  	_ = 	snop  }
0x4: {  	_ = 	snop  }
0x5: {  	_ = 	snop  }
0x6: {  	_ = 	snop  }
0x7: {  	_ = 	snop  }
__scs_overlays_trampoline_lowered:
0x8: {  	[smem:$0x3FAC] =	sst s0  }
0x9: {  	[smem:$0x3FAD] =	sst s1  }
0xa: {  	[smem:$0x3FAE] =	sst s2  }
0xb: {  	[smem:$0x3FAF] =	sst s3  }
0xc: {  	[smem:$0x3FB0] =	sst s4  }
0xd: {  	[smem:$0x3FB1] =	sst s5  }
0xe: {  	[smem:$0x3FB2] =	sst s6  }
0xf: {  	[smem:$0x3FB3] =	sst s7  }
0x10: {  	[smem:$0x3FB4] =	sst s8  }
0x11: {  	[smem:$0x3FB5] =	sst s9;
	s0 =	simm.s32 @!p0 $0x0  }
0x12: {  	s1 =	sld [smem:$0x3F9B];
	s0 =	simm.s32 @p0 $0x1  }
0x13: {  	[smem:$0x3FB6] =	sst s0;
	s0 =	simm.s32 @!p1 $0x0  }
0x14: {  	s2 =	sld [smem:$0x3F9A];
	s0 =	simm.s32 @p1 $0x1  }
0x15: {  	[smem:$0x3FB7] =	sst s0;
	s0 =	simm.s32 @!p2 $0x0  }
0x16: {  	s3 =	sld [smem:$0x3FDB];
	s0 =	simm.s32 @p2 $0x1  }
0x17: {  	s4 =	simm.s32 $0x1BF5;
	[smem:$0x3FB9] =	sst s0  }
0x18: {  	s0 =	sld [smem:$0x3F9C];
	_ =	swait.ge [sflag:s4], $0x0  }
0x19: {  	s7 =	sld [smem:$0x3F9D]  }
0x1a: {  	s8 =	sadd.s32 $0xFFFFE003, lr  }
0x1b: {  	s9 =	sadd.s32 $0xFFFFFEF7, lr;
	s5 =	simm.s32 $0xFFFFFFFF;
	p2 =	slt.u32 s8, $0xFFFFF086  }
0x1c: {  	p1 =	slt.u32 s9, $0xF7A;
	s5 =	simm.s32 @!p2 $0x0  }
0x1d: {  	s5 =	simm.s32 @p1 $0x1;
	p0 =	seq.s32 s7, s2  }
0x1e: {  	s7 =	smul.u32 @!p0 $0xF7A, s2;
	p2 =	seq.s32 @!p0 s5, $0x0  }
0x1f: {  	s9 =	smul.u32 $0xF7A, s1;
	s8 =	simm.s32 @!p0 $0x1BF5;
	p2 =	por !p2, p0  }
0x20: {  	[sflag:s8] =	ssyncset.s32 @!p0 $0xFFFFF086;
	s6 =	sadd.s32 @!p0 s3, s7;
	s7 =	simm.s32 @!p0 $0x108  }
0x21: {  	s3 =	sadd.s32 s3, s9;
	s6 =	sadd.s32 @!p0 $0x88, s6;
	s7 =	simm.s32 @p2 $0x1082  }
0x22: {  	[simem:s7], [sflag:s8] =	dma.local @!p0 [hbm:s6], $0xF7A  }
0x23: {  	s9 =	sor.u32 $0xD0000000, s2;
	s6 =	simm.s32 $0x108;
	_ =	swait.ge @!p0 [sflag:s8], $0x0  }
0x24: {  	s3 =	sadd.s32 $0x88, s3;
	s6 =	simm.s32 @!p1 $0x1082;
	[sflag:s4] =	ssyncset.s32 $0xFFFFF086  }
0x25: {  	[simem:s6], [sflag:s4] =	dma.local [hbm:s3], $0xF7A  }
0x26: {  	[smem:$0x3F9D] =	sst s1;
	(tag) =	ssettag s2;
	_ =	strace s9  }
0x27: {  	s1 =	sld [smem:$0x3FAD]  }
0x28: {  	s2 =	sld [smem:$0x3FAE]  }
0x29: {  	s4 =	sld [smem:$0x3FB0]  }
0x2a: {  	p0 =	seq.s32 s5, $0x0;
	s5 =	sld [smem:$0x3FB1]  }
0x2b: {  	s6 =	sld [smem:$0x3FB2]  }
0x2c: {  	s7 =	sld [smem:$0x3FB3]  }
0x2d: {  	s3 =	simm.s32 $0x108;
	s8 =	sld [smem:$0x3FB4]  }
0x2e: {  	s3 =	simm.s32 @!p0 $0x1082;
	s9 =	sld [smem:$0x3FB5]  }
0x2f: {  	lr =	sadd.s32 s0, s3;
	s0 =	sld [smem:$0x3FAC]  }
0x30: {  	s3 =	sld [smem:$0x3FAF]  }
0x31: {  	[smem:$0x3FB8] =	sst s10  }
0x32: {  	s10 =	sld [smem:$0x3FB6];
	_ =	sdelay $0x3  }
0x33: {  	p0 =	seq.s32 s10, $0x1;
	s10 =	sld [smem:$0x3FB8];
	_ =	sdelay $0x3  }
0x34: {  	[smem:$0x3FB8] =	sst s10  }
0x35: {  	s10 =	sld [smem:$0x3FB7];
	_ =	sdelay $0x3  }
0x36: {  	p1 =	seq.s32 s10, $0x1;
	s10 =	sld [smem:$0x3FB8];
	_ =	sdelay $0x3  }
0x37: {  	[smem:$0x3FB8] =	sst s10  }
0x38: {  	s10 =	sld [smem:$0x3FB9]  }
0x39: {  	_ = 	snop;
	(pc) =	sbr.ind lr, $3  }
0x3a: {  	_ = 	snop  }
0x3b: {  	_ = 	snop  }
0x3c: {  	p2 =	seq.s32 s10, $0x1;
	s10 =	sld [smem:$0x3FB8]  }
0x3d: {  	_ =	shalt  }
0x3e: {  	_ =	shalt  }
0x3f: {  	_ =	shalt  }
0x40: {  	_ =	shalt  }
0x41: {  	_ =	shalt  }
0x42: {  	_ =	shalt  }
0x43: {  	_ =	shalt  }
0x44: {  	_ =	shalt  }
0x45: {  	_ =	shalt  }
0x46: {  	_ =	shalt  }
0x47: {  	_ =	shalt  }
0x48: {  	_ =	shalt  }
0x49: {  	_ =	shalt  }
0x4a: {  	_ =	shalt  }
0x4b: {  	_ =	shalt  }
0x4c: {  	_ =	shalt  }
0x4d: {  	_ =	shalt  }
0x4e: {  	_ =	shalt  }
0x4f: {  	_ =	shalt  }
0x50: {  	_ =	shalt  }
0x51: {  	_ =	shalt  }
0x52: {  	_ =	shalt  }
0x53: {  	_ =	shalt  }
0x54: {  	_ =	shalt  }
0x55: {  	_ =	shalt  }
0x56: {  	_ =	shalt  }
0x57: {  	_ =	shalt  }
0x58: {  	_ =	shalt  }
0x59: {  	_ =	shalt  }
0x5a: {  	_ =	shalt  }
0x5b: {  	_ =	shalt  }
0x5c: {  	_ =	shalt  }
0x5d: {  	_ =	shalt  }
0x5e: {  	_ =	shalt  }
0x5f: {  	_ =	shalt  }
0x60: {  	_ =	shalt  }
0x61: {  	_ =	shalt  }
0x62: {  	_ =	shalt  }
0x63: {  	_ =	shalt  }
0x64: {  	_ =	shalt  }
0x65: {  	_ =	shalt  }
0x66: {  	_ =	shalt  }
0x67: {  	_ =	shalt  }
0x68: {  	_ =	shalt  }
0x69: {  	_ =	shalt  }
0x6a: {  	_ =	shalt  }
0x6b: {  	_ =	shalt  }
0x6c: {  	_ =	shalt  }
0x6d: {  	_ =	shalt  }
0x6e: {  	_ =	shalt  }
0x6f: {  	_ =	shalt  }
0x70: {  	_ =	shalt  }
0x71: {  	_ =	shalt  }
0x72: {  	_ =	shalt  }
0x73: {  	_ =	shalt  }
0x74: {  	_ =	shalt  }
0x75: {  	_ =	shalt  }
0x76: {  	_ =	shalt  }
0x77: {  	_ =	shalt  }
0x78: {  	_ =	shalt  }
0x79: {  	_ =	shalt  }
0x7a: {  	_ =	shalt  }
0x7b: {  	_ =	shalt  }
0x7c: {  	_ =	shalt  }
0x7d: {  	_ =	shalt  }
0x7e: {  	_ =	shalt  }
0x7f: {  	_ =	shalt  }
0x80: {  	_ =	shalt  }
0x81: {  	_ =	shalt  }
0x82: {  	_ =	shalt  }
0x83: {  	_ =	shalt  }
0x84: {  	_ =	shalt  }
0x85: {  	_ =	shalt  }
0x86: {  	_ =	shalt  }
0x87: {  	_ =	shalt  }
.Lfunc_end0:
.L_simem_size_0:
called_computation.1_lowered:
.L_overlay_start_0:
0x88: {  	s2 =	sld [smem:$0x3FD9]  }
0x89: {  	s3 =	sld [smem:$0x3FFE];
	_ =	sdelay $0x1  }
0x8a: {  	s1 =	srdreg.scid  }
0x8b: {  	s0 =	sand.u32 $0x1, s1  }
0x8c: {  	s16 =	sshll.u32 s0, $0xA;
	s2 =	sadd.s32 s3, s2  }
0x8d: {  	s2 =	sadd.s32 s2, s16  }
0x8e: {  	[smem:$0x3FC4] =	sst s2  }
0x8f: {  	_ = 	snop  }
0x90: {  	(tm) =	ssettm $0x1  }
0x91: {  	s17 =	sld [smem:$0x3FFB];
	_ =	sdelay $0x3  }
0x92: {  	_ =	strace s17  }
0x93: {  	s2 =	sld [smem:$0x3FFC];
	_ =	sdelay $0x3  }
0x94: {  	_ =	strace s2  }
0x95: {  	s2 =	sld [smem:$0x3FFD];
	_ =	sdelay $0x3  }
0x96: {  	_ =	strace s2  }
0x97: {  	_ =	strace $0x8FFFFFFF  }
0x98: {  	s18 =	sld [smem:$0x3FDB];
	_ =	sdelay $0x1  }
0x99: {  	s19 =	simm.s32 $_scs_section_size  }
0x9a: {  	s4 =	simm.s32 $_size__tile_overlayer_lowered;
	s5 =	simm.s32 $_tile_overlayer_lowered  }
0x9b: {  	s22 =	simm.s32 $0x1BFF;
	s21 =	sshll.u32 s5, $0x1;
	s2 =	sadd.s32 s19, s18  }
0x9c: {  	s6 =	simm.s32 $0x0;
	s20 =	sshll.u32 s4, $0x1;
	s4 =	sadd.s32 s21, s2  }
0x9d: {  	[timem:s6], [sflag:s22] =	dma.local [hbm:s4], s20  }
0x9e: {  	_ =	swait.ge [sflag:s22], s20  }
0x9f: {  	s3 =	ssub.s32 $0x0, s20;
	[sflag:s22] =	ssyncset.done $0x0  }
0xa0: {  	[sflag:s22] =	ssyncadd.s32 s3;
	_ =	sdelay $0x1  }
0xa1: {  	s23 =	simm.s32 $0x1B8B  }
0xa2: {  	_ =	swait.ge [sflag:s23], $0x1  }
0xa3: {  	[sflag:s23] =	ssyncset.done $0x0  }
0xa4: {  	s25 =	simm.s32 $0x1B8E;
	s24 =	sld [smem:$0x3FFE];
	[sflag:s23] =	ssyncadd.s32 $0xFFFFFFFF  }
0xa5: {  	s26 =	simm.s32 $execute0_lowered;
	[smem:$0x3FD2] =	sst s25  }
0xa6: {  	s4 =	sshll.u32 s26, $0x1;
	_ =	strace $0x80000049;
	[dreg:$0x1] =	wrdreg $0xFFFFFFFF  }
0xa7: {  	s28 =	simm.s32 $_size_execute0_lowered;
	s2 =	sadd.s32 s2, s4;
	[dreg:$0x0] =	wrdreg $0x0  }
0xa8: {  	s4 =	sshll.u32 s28, $0x1;
	[dreg:$0x2] =	wrdreg s2  }
0xa9: {  	[dreg:$0x3] =	wrdreg s4  }
0xaa: {  	[dreg:$0x4] =	wrdreg $0xC0  }
0xab: {  	_ =	task [dreg:s6], $0x5FFFF  }
0xac: {  	[dreg:$0x1] =	wrdreg $0xFFFFFFFF  }
0xad: {  	[dreg:$0x0] =	wrdreg $0x60  }
0xae: {  	[dreg:$0x2] =	wrdreg s24  }
0xaf: {  	[dreg:$0x3] =	wrdreg $0x9  }
0xb0: {  	_ =	task.clear_ibuf [dreg:s6], $0x4FFFF;
	_ =	strace $0x90000049  }
0xb1: {  	s29 =	simm.s32 $0x9;
	_ =	strace $0x8000004B  }
0xb2: {  	_ =	swait.ge [sflag:s29], $0x1  }
0xb3: {  	[sflag:s29] =	ssyncadd.s32 $0xFFFFFFFF  }
0xb4: {  	_ =	strace $0x9000004B  }
0xb5: {  	_ =	sfence  }
0xb6: {  	s30 =	sld [smem:$0x0];
	_ =	sdelay $0x2  }
0xb7: {  	s31 =	sshll.u32 s1, $0xD;
	s1 =	sshrl.u32 s1, $0x2  }
0xb8: {  	s3 =	sand.u32 $0x4000, s31;
	s1 =	sadd.s32 s1, s30  }
0xb9: {  	s0 =	sor.u32 s3, s0;
	s1 =	sshll.u32 s1, $0x11  }
0xba: {  	s0 =	sor.u32 s1, s0  }
0xbb: {  	s0 =	sadd.s32 $0x8F2B, s0  }
0xbc: {  	[sflag:s0] =	ssyncadd.remote.s32 $0x1  }
0xbd: {  	_ =	sfence.sel $0xFFFF  }
0xbe: {  	[dreg:$0x0] =	wrdreg $0xFFFFFFFF;
	(pc) =	sbr.abs _section_cstart, $3  }
0xbf: {  	[dreg:$0x1] =	wrdreg $0xFFFFFFFF  }
0xc0: {  	_ =	task.clear_ibuf [dreg:s6], $0x2FFFF;
	_ =	strace $0x9FFFFFFF  }
0xc1: {  	(tm) =	ssettm $0x7FFFFFFF  }
tec
execute0_lowered:
.L_overlay_start_1:
0x0: {  	(tag) =	ssettag $0x1  }
0x1: {  	s1 =	srdreg.scid  }
0x2: {  	s0 =	stileid.u32;
	s3 =	rddreg [dreg:$0x0]  }
0x3: {  	s2 =	simm.s32 $0x0;
	s4 =	sand.u32 $0x1, s1;
	s5 =	sshll.u32 s0, $0x1  }
0x4: {  	s17 =	simm.s32 $0x2800;
	s18 =	simm.s32 $0x0;
	s5 =	sor.u32 s4, s5  }
0x5: {  	s1 =	rddreg [dreg:$0x1];
	s4 =	ssub.s32 $0x2, s4;
	s5 =	smul.u32 $0xA000, s5  }
0x6: {  	[smem:$0x7FF] =	sst s2;
	s12 =	sadd.s32 $0x1E800, s3;
	s6 =	sshrl.u32 s4, $0x1  }
0x7: {  	s14 =	sadd.s32 $0x6E800, s3;
	s15 =	ssub.s32 s4, s6;
	s10 =	sshrl.u32 s5, $0x3  }
0x8: {  	_ =	strace $0x8000004A;
	s15 =	smax.u32 s15, $0x1;
	s3 =	sadd.s32 s12, s10  }
0x9: {  	s5 =	sadd.s32 s14, s10;
	s8 =	sadd.s32 $0x500, s10;
	s11 =	sadd.s32 $0xA00, s10  }
0xa: {  	s16 =	sadd.s32 $0xF00, s10;
	s4 =	sadd.s32 $0x28000, s3;
	s6 =	sadd.s32 s12, s8  }
0xb: {  	s7 =	sadd.s32 $0x28500, s3;
	s8 =	sadd.s32 s14, s8;
	s9 =	sadd.s32 s12, s11  }
0xc: {  	s10 =	sadd.s32 $0x28A00, s3;
	s11 =	sadd.s32 s14, s11;
	s12 =	sadd.s32 s12, s16  }
0xd: {  	s13 =	sadd.s32 $0x28F00, s3;
	s14 =	sadd.s32 s14, s16;
	s16 =	simm.s32 $0x1  }
.LBB2_1:
0xe: {  	[tilespmem:s2], [sflag:$0x1] =	stream.linear.gather [hbm4b:s3+s2], $0x2800, $0x38;
	[tilespmem:$0x5000] =	vst v63  }
0xf: {  	_ =	swait.ge [sflag:s16], $0x2800  }
0x10: {  	[sflag:s16] =	ssyncset.done $0x0  }
0x11: {  	[sflag:s16] =	ssyncadd.s32 $0xFFFFD800  }
0x12: {  	[tilespmem:s17], [sflag:$0x1] =	stream.linear.gather [hbm4b:s4+s2], $0x2800, $0x38;
	[tilespmem:$0x5000] =	vst v63  }
0x13: {  	_ =	swait.ge [sflag:s16], $0x2800  }
0x14: {  	[sflag:s16] =	ssyncset.done $0x0  }
0x15: {  	s19 =	simm.s32 $0x0;
	[sflag:s16] =	ssyncadd.s32 $0xFFFFD800  }
0x16: {  	v7 =	vld [tilespmem:s19+$0x2800]  }
0x17: {  	v11 =	vld [tilespmem:s19+$0x2810]  }
0x18: {  	v5 =	vld [tilespmem:s19+$0x2820]  }
0x19: {  	v4 =	vld [tilespmem:s19+$0x2830]  }
0x1a: {  	v3 =	vld [tilespmem:s19+$0x2840]  }
0x1b: {  	v2 =	vld [tilespmem:s19+$0x2850]  }
0x1c: {  	v1 =	vld [tilespmem:s19+$0x2860]  }
0x1d: {  	v0 =	vld [tilespmem:s19+$0x2870]  }
0x1e: {  	v12 =	vld [tilespmem:s19+$0x0]  }
0x1f: {  	v13 =	vld [tilespmem:s19+$0x10]  }
0x20: {  	v10 =	vld [tilespmem:s19+$0x20]  }
0x21: {  	v9 =	vld [tilespmem:s19+$0x30]  }
0x22: {  	v8 =	vld [tilespmem:s19+$0x40]  }
0x23: {  	v6 =	vld [tilespmem:s19+$0x50];
	v12 =	vadd.f32 v7, v12  }
0x24: {  	s20 =	simm.s32 $0x200;
	v11 =	vadd.f32 v11, v13;
	v7 =	vld [tilespmem:s19+$0x60]  }
.LBB2_2:
0x25: {  	s21 =	sshra.s32 s20, $0x2;
	p0 =	sne.s32 s20, $0x9E00;
	[tilespmem:s19+$0x0] =	vst v12;
	v5 =	vadd.f32 v5, v10;
	v10 =	vld [tilespmem:s19+$0x70]  }
0x26: {  	v12 =	vld [tilespmem:s21+$0x2800];
	[tilespmem:s19+$0x10] =	vst v11;
	v4 =	vadd.f32 v4, v9  }
0x27: {  	v11 =	vld [tilespmem:s21+$0x2810];
	[tilespmem:s19+$0x20] =	vst v5;
	v3 =	vadd.f32 v3, v8  }
0x28: {  	v5 =	vld [tilespmem:s21+$0x2820];
	[tilespmem:s19+$0x30] =	vst v4;
	v2 =	vadd.f32 v2, v6  }
0x29: {  	v4 =	vld [tilespmem:s21+$0x2830];
	[tilespmem:s19+$0x40] =	vst v3;
	v1 =	vadd.f32 v1, v7  }
0x2a: {  	v3 =	vld [tilespmem:s21+$0x2840];
	[tilespmem:s19+$0x50] =	vst v2;
	v0 =	vadd.f32 v0, v10  }
0x2b: {  	v2 =	vld [tilespmem:s21+$0x2850];
	[tilespmem:s19+$0x60] =	vst v1  }
0x2c: {  	v1 =	vld [tilespmem:s21+$0x2860];
	[tilespmem:s19+$0x70] =	vst v0;
	s19 =	smov.u32 s21  }
0x2d: {  	v0 =	vld [tilespmem:s19+$0x2870]  }
0x2e: {  	v6 =	vld [tilespmem:s19+$0x0]  }
0x2f: {  	v7 =	vld [tilespmem:s19+$0x10]  }
.Ltmp0:
0x30: {  	v10 =	vld [tilespmem:s19+$0x20];
	(pc) =	sbr.rel @p0 .LBB2_2-.Ltmp0, $4  }
0x31: {  	v9 =	vld [tilespmem:s19+$0x30]  }
0x32: {  	v8 =	vld [tilespmem:s19+$0x40]  }
0x33: {  	v12 =	vadd.f32 v12, v6;
	v6 =	vld [tilespmem:s19+$0x50]  }
0x34: {  	s20 =	sadd.s32 $0x200, s20;
	v11 =	vadd.f32 v11, v7;
	v7 =	vld [tilespmem:s19+$0x60]  }
0x35: {  	[tilespmem:s19+$0x0] =	vst v12;
	v5 =	vadd.f32 v5, v10;
	v10 =	vld [tilespmem:s19+$0x70]  }
0x36: {  	[tilespmem:s19+$0x10] =	vst v11;
	v4 =	vadd.f32 v4, v9  }
0x37: {  	[tilespmem:s19+$0x20] =	vst v5;
	v3 =	vadd.f32 v3, v8  }
0x38: {  	[tilespmem:s19+$0x30] =	vst v4;
	v2 =	vadd.f32 v2, v6  }
0x39: {  	[tilespmem:s19+$0x40] =	vst v3;
	v1 =	vadd.f32 v1, v7  }
0x3a: {  	[tilespmem:s19+$0x50] =	vst v2;
	v0 =	vadd.f32 v0, v10  }
0x3b: {  	[tilespmem:s19+$0x60] =	vst v1  }
0x3c: {  	s31 =	simm.s32 $0x0;
	[tilespmem:s19+$0x70] =	vst v0  }
0x3d: {  	[hbm4b:s5+s31] =	stream.linear.scatter [tilespmem:s31], [sflag:$0x1], $0x2800, $0x38;
	[tilespmem:$0x5000] =	vst v63  }
0x3e: {  	_ =	swait.ge [sflag:s16], $0x2800  }
0x3f: {  	[sflag:s16] =	ssyncset.done $0x0  }
0x40: {  	[sflag:s16] =	ssyncadd.s32 $0xFFFFD800  }
0x41: {  	[tilespmem:s31], [sflag:$0x1] =	stream.linear.gather [hbm4b:s6+s31], $0x2800, $0x38;
	[tilespmem:$0x5000] =	vst v63  }
0x42: {  	_ =	swait.ge [sflag:s16], $0x2800  }
0x43: {  	[sflag:s16] =	ssyncset.done $0x0  }
0x44: {  	[sflag:s16] =	ssyncadd.s32 $0xFFFFD800  }
0x45: {  	[tilespmem:s17], [sflag:$0x1] =	stream.linear.gather [hbm4b:s7+s31], $0x2800, $0x38;
	[tilespmem:$0x5000] =	vst v63  }
0x46: {  	_ =	swait.ge [sflag:s16], $0x2800  }
0x47: {  	[sflag:s16] =	ssyncset.done $0x0  }
0x48: {  	s19 =	simm.s32 $0x0;
	[sflag:s16] =	ssyncadd.s32 $0xFFFFD800  }
0x49: {  	v7 =	vld [tilespmem:s19+$0x2800]  }
0x4a: {  	v11 =	vld [tilespmem:s19+$0x2810]  }
0x4b: {  	v5 =	vld [tilespmem:s19+$0x2820]  }
0x4c: {  	v4 =	vld [tilespmem:s19+$0x2830]  }
0x4d: {  	v3 =	vld [tilespmem:s19+$0x2840]  }
0x4e: {  	v2 =	vld [tilespmem:s19+$0x2850]  }
0x4f: {  	v1 =	vld [tilespmem:s19+$0x2860]  }
0x50: {  	v0 =	vld [tilespmem:s19+$0x2870]  }
0x51: {  	v12 =	vld [tilespmem:s19+$0x0]  }
0x52: {  	v13 =	vld [tilespmem:s19+$0x10]  }
0x53: {  	v10 =	vld [tilespmem:s19+$0x20]  }
0x54: {  	v9 =	vld [tilespmem:s19+$0x30]  }
0x55: {  	v8 =	vld [tilespmem:s19+$0x40]  }
0x56: {  	v6 =	vld [tilespmem:s19+$0x50];
	v12 =	vadd.f32 v7, v12  }
0x57: {  	s20 =	simm.s32 $0x200;
	v11 =	vadd.f32 v11, v13;
	v7 =	vld [tilespmem:s19+$0x60]  }
.LBB2_4:
0x58: {  	s21 =	sshra.s32 s20, $0x2;
	p0 =	sne.s32 s20, $0x9E00;
	[tilespmem:s19+$0x0] =	vst v12;
	v5 =	vadd.f32 v5, v10;
	v10 =	vld [tilespmem:s19+$0x70]  }
0x59: {  	v12 =	vld [tilespmem:s21+$0x2800];
	[tilespmem:s19+$0x10] =	vst v11;
	v4 =	vadd.f32 v4, v9  }
0x5a: {  	v11 =	vld [tilespmem:s21+$0x2810];
	[tilespmem:s19+$0x20] =	vst v5;
	v3 =	vadd.f32 v3, v8  }
0x5b: {  	v5 =	vld [tilespmem:s21+$0x2820];
	[tilespmem:s19+$0x30] =	vst v4;
	v2 =	vadd.f32 v2, v6  }
0x5c: {  	v4 =	vld [tilespmem:s21+$0x2830];
	[tilespmem:s19+$0x40] =	vst v3;
	v1 =	vadd.f32 v1, v7  }
0x5d: {  	v3 =	vld [tilespmem:s21+$0x2840];
	[tilespmem:s19+$0x50] =	vst v2;
	v0 =	vadd.f32 v0, v10  }
0x5e: {  	v2 =	vld [tilespmem:s21+$0x2850];
	[tilespmem:s19+$0x60] =	vst v1  }
0x5f: {  	v1 =	vld [tilespmem:s21+$0x2860];
	[tilespmem:s19+$0x70] =	vst v0;
	s19 =	smov.u32 s21  }
0x60: {  	v0 =	vld [tilespmem:s19+$0x2870]  }
0x61: {  	v6 =	vld [tilespmem:s19+$0x0]  }
0x62: {  	v7 =	vld [tilespmem:s19+$0x10]  }
.Ltmp1:
0x63: {  	v10 =	vld [tilespmem:s19+$0x20];
	(pc) =	sbr.rel @p0 .LBB2_4-.Ltmp1, $4  }
0x64: {  	v9 =	vld [tilespmem:s19+$0x30]  }
0x65: {  	v8 =	vld [tilespmem:s19+$0x40]  }
0x66: {  	v12 =	vadd.f32 v12, v6;
	v6 =	vld [tilespmem:s19+$0x50]  }
0x67: {  	s20 =	sadd.s32 $0x200, s20;
	v11 =	vadd.f32 v11, v7;
	v7 =	vld [tilespmem:s19+$0x60]  }
0x68: {  	[tilespmem:s19+$0x0] =	vst v12;
	v5 =	vadd.f32 v5, v10;
	v10 =	vld [tilespmem:s19+$0x70]  }
0x69: {  	[tilespmem:s19+$0x10] =	vst v11;
	v4 =	vadd.f32 v4, v9  }
0x6a: {  	[tilespmem:s19+$0x20] =	vst v5;
	v3 =	vadd.f32 v3, v8  }
0x6b: {  	[tilespmem:s19+$0x30] =	vst v4;
	v2 =	vadd.f32 v2, v6  }
0x6c: {  	[tilespmem:s19+$0x40] =	vst v3;
	v1 =	vadd.f32 v1, v7  }
0x6d: {  	[tilespmem:s19+$0x50] =	vst v2;
	v0 =	vadd.f32 v0, v10  }
0x6e: {  	[tilespmem:s19+$0x60] =	vst v1  }
0x6f: {  	s31 =	simm.s32 $0x0;
	[tilespmem:s19+$0x70] =	vst v0  }
0x70: {  	[hbm4b:s8+s31] =	stream.linear.scatter [tilespmem:s31], [sflag:$0x1], $0x2800, $0x38;
	[tilespmem:$0x5000] =	vst v63  }
0x71: {  	_ =	swait.ge [sflag:s16], $0x2800  }
0x72: {  	[sflag:s16] =	ssyncset.done $0x0  }
0x73: {  	[sflag:s16] =	ssyncadd.s32 $0xFFFFD800  }
0x74: {  	[tilespmem:s31], [sflag:$0x1] =	stream.linear.gather [hbm4b:s9+s31], $0x2800, $0x38;
	[tilespmem:$0x5000] =	vst v63  }
0x75: {  	_ =	swait.ge [sflag:s16], $0x2800  }
0x76: {  	[sflag:s16] =	ssyncset.done $0x0  }
0x77: {  	[sflag:s16] =	ssyncadd.s32 $0xFFFFD800  }
0x78: {  	[tilespmem:s17], [sflag:$0x1] =	stream.linear.gather [hbm4b:s10+s31], $0x2800, $0x38;
	[tilespmem:$0x5000] =	vst v63  }
0x79: {  	_ =	swait.ge [sflag:s16], $0x2800  }
0x7a: {  	[sflag:s16] =	ssyncset.done $0x0  }
0x7b: {  	s19 =	simm.s32 $0x0;
	[sflag:s16] =	ssyncadd.s32 $0xFFFFD800  }
0x7c: {  	v7 =	vld [tilespmem:s19+$0x2800]  }
0x7d: {  	v11 =	vld [tilespmem:s19+$0x2810]  }
0x7e: {  	v5 =	vld [tilespmem:s19+$0x2820]  }
0x7f: {  	v4 =	vld [tilespmem:s19+$0x2830]  }
0x80: {  	v3 =	vld [tilespmem:s19+$0x2840]  }
0x81: {  	v2 =	vld [tilespmem:s19+$0x2850]  }
0x82: {  	v1 =	vld [tilespmem:s19+$0x2860]  }
0x83: {  	v0 =	vld [tilespmem:s19+$0x2870]  }
0x84: {  	v12 =	vld [tilespmem:s19+$0x0]  }
0x85: {  	v13 =	vld [tilespmem:s19+$0x10]  }
0x86: {  	v10 =	vld [tilespmem:s19+$0x20]  }
0x87: {  	v9 =	vld [tilespmem:s19+$0x30]  }
0x88: {  	v8 =	vld [tilespmem:s19+$0x40]  }
0x89: {  	v6 =	vld [tilespmem:s19+$0x50];
	v12 =	vadd.f32 v7, v12  }
0x8a: {  	s20 =	simm.s32 $0x200;
	v11 =	vadd.f32 v11, v13;
	v7 =	vld [tilespmem:s19+$0x60]  }
.LBB2_6:
0x8b: {  	s21 =	sshra.s32 s20, $0x2;
	p0 =	sne.s32 s20, $0x9E00;
	[tilespmem:s19+$0x0] =	vst v12;
	v5 =	vadd.f32 v5, v10;
	v10 =	vld [tilespmem:s19+$0x70]  }
0x8c: {  	v12 =	vld [tilespmem:s21+$0x2800];
	[tilespmem:s19+$0x10] =	vst v11;
	v4 =	vadd.f32 v4, v9  }
0x8d: {  	v11 =	vld [tilespmem:s21+$0x2810];
	[tilespmem:s19+$0x20] =	vst v5;
	v3 =	vadd.f32 v3, v8  }
0x8e: {  	v5 =	vld [tilespmem:s21+$0x2820];
	[tilespmem:s19+$0x30] =	vst v4;
	v2 =	vadd.f32 v2, v6  }
0x8f: {  	v4 =	vld [tilespmem:s21+$0x2830];
	[tilespmem:s19+$0x40] =	vst v3;
	v1 =	vadd.f32 v1, v7  }
0x90: {  	v3 =	vld [tilespmem:s21+$0x2840];
	[tilespmem:s19+$0x50] =	vst v2;
	v0 =	vadd.f32 v0, v10  }
0x91: {  	v2 =	vld [tilespmem:s21+$0x2850];
	[tilespmem:s19+$0x60] =	vst v1  }
0x92: {  	v1 =	vld [tilespmem:s21+$0x2860];
	[tilespmem:s19+$0x70] =	vst v0;
	s19 =	smov.u32 s21  }
0x93: {  	v0 =	vld [tilespmem:s19+$0x2870]  }
0x94: {  	v6 =	vld [tilespmem:s19+$0x0]  }
0x95: {  	v7 =	vld [tilespmem:s19+$0x10]  }
.Ltmp2:
0x96: {  	v10 =	vld [tilespmem:s19+$0x20];
	(pc) =	sbr.rel @p0 .LBB2_6-.Ltmp2, $4  }
0x97: {  	v9 =	vld [tilespmem:s19+$0x30]  }
0x98: {  	v8 =	vld [tilespmem:s19+$0x40]  }
0x99: {  	v12 =	vadd.f32 v12, v6;
	v6 =	vld [tilespmem:s19+$0x50]  }
0x9a: {  	s20 =	sadd.s32 $0x200, s20;
	v11 =	vadd.f32 v11, v7;
	v7 =	vld [tilespmem:s19+$0x60]  }
0x9b: {  	[tilespmem:s19+$0x0] =	vst v12;
	v5 =	vadd.f32 v5, v10;
	v10 =	vld [tilespmem:s19+$0x70]  }
0x9c: {  	[tilespmem:s19+$0x10] =	vst v11;
	v4 =	vadd.f32 v4, v9  }
0x9d: {  	[tilespmem:s19+$0x20] =	vst v5;
	v3 =	vadd.f32 v3, v8  }
0x9e: {  	[tilespmem:s19+$0x30] =	vst v4;
	v2 =	vadd.f32 v2, v6  }
0x9f: {  	[tilespmem:s19+$0x40] =	vst v3;
	v1 =	vadd.f32 v1, v7  }
0xa0: {  	[tilespmem:s19+$0x50] =	vst v2;
	v0 =	vadd.f32 v0, v10  }
0xa1: {  	[tilespmem:s19+$0x60] =	vst v1  }
0xa2: {  	s31 =	simm.s32 $0x0;
	[tilespmem:s19+$0x70] =	vst v0  }
0xa3: {  	[hbm4b:s11+s31] =	stream.linear.scatter [tilespmem:s31], [sflag:$0x1], $0x2800, $0x38;
	[tilespmem:$0x5000] =	vst v63  }
0xa4: {  	_ =	swait.ge [sflag:s16], $0x2800  }
0xa5: {  	[sflag:s16] =	ssyncset.done $0x0  }
0xa6: {  	[sflag:s16] =	ssyncadd.s32 $0xFFFFD800  }
0xa7: {  	[tilespmem:s31], [sflag:$0x1] =	stream.linear.gather [hbm4b:s12+s31], $0x2800, $0x38;
	[tilespmem:$0x5000] =	vst v63  }
0xa8: {  	_ =	swait.ge [sflag:s16], $0x2800  }
0xa9: {  	[sflag:s16] =	ssyncset.done $0x0  }
0xaa: {  	[sflag:s16] =	ssyncadd.s32 $0xFFFFD800  }
0xab: {  	[tilespmem:s17], [sflag:$0x1] =	stream.linear.gather [hbm4b:s13+s31], $0x2800, $0x38;
	[tilespmem:$0x5000] =	vst v63  }
0xac: {  	_ =	swait.ge [sflag:s16], $0x2800  }
0xad: {  	[sflag:s16] =	ssyncset.done $0x0  }
0xae: {  	s19 =	simm.s32 $0x0;
	[sflag:s16] =	ssyncadd.s32 $0xFFFFD800  }
0xaf: {  	v7 =	vld [tilespmem:s19+$0x2800]  }
0xb0: {  	v11 =	vld [tilespmem:s19+$0x2810]  }
0xb1: {  	v5 =	vld [tilespmem:s19+$0x2820]  }
0xb2: {  	v4 =	vld [tilespmem:s19+$0x2830]  }
0xb3: {  	v3 =	vld [tilespmem:s19+$0x2840]  }
0xb4: {  	v2 =	vld [tilespmem:s19+$0x2850]  }
0xb5: {  	v1 =	vld [tilespmem:s19+$0x2860]  }
0xb6: {  	v0 =	vld [tilespmem:s19+$0x2870]  }
0xb7: {  	v12 =	vld [tilespmem:s19+$0x0]  }
0xb8: {  	v13 =	vld [tilespmem:s19+$0x10]  }
0xb9: {  	v10 =	vld [tilespmem:s19+$0x20]  }
0xba: {  	v9 =	vld [tilespmem:s19+$0x30]  }
0xbb: {  	v8 =	vld [tilespmem:s19+$0x40]  }
0xbc: {  	v6 =	vld [tilespmem:s19+$0x50];
	v12 =	vadd.f32 v7, v12  }
0xbd: {  	s20 =	simm.s32 $0x200;
	v11 =	vadd.f32 v11, v13;
	v7 =	vld [tilespmem:s19+$0x60]  }
.LBB2_8:
0xbe: {  	s21 =	sshra.s32 s20, $0x2;
	p0 =	sne.s32 s20, $0x9E00;
	[tilespmem:s19+$0x0] =	vst v12;
	v5 =	vadd.f32 v5, v10;
	v10 =	vld [tilespmem:s19+$0x70]  }
0xbf: {  	v12 =	vld [tilespmem:s21+$0x2800];
	[tilespmem:s19+$0x10] =	vst v11;
	v4 =	vadd.f32 v4, v9  }
0xc0: {  	v11 =	vld [tilespmem:s21+$0x2810];
	[tilespmem:s19+$0x20] =	vst v5;
	v3 =	vadd.f32 v3, v8  }
0xc1: {  	v5 =	vld [tilespmem:s21+$0x2820];
	[tilespmem:s19+$0x30] =	vst v4;
	v2 =	vadd.f32 v2, v6  }
0xc2: {  	v4 =	vld [tilespmem:s21+$0x2830];
	[tilespmem:s19+$0x40] =	vst v3;
	v1 =	vadd.f32 v1, v7  }
0xc3: {  	v3 =	vld [tilespmem:s21+$0x2840];
	[tilespmem:s19+$0x50] =	vst v2;
	v0 =	vadd.f32 v0, v10  }
0xc4: {  	v2 =	vld [tilespmem:s21+$0x2850];
	[tilespmem:s19+$0x60] =	vst v1  }
0xc5: {  	v1 =	vld [tilespmem:s21+$0x2860];
	[tilespmem:s19+$0x70] =	vst v0;
	s19 =	smov.u32 s21  }
0xc6: {  	v0 =	vld [tilespmem:s19+$0x2870]  }
0xc7: {  	v6 =	vld [tilespmem:s19+$0x0]  }
0xc8: {  	v7 =	vld [tilespmem:s19+$0x10]  }
.Ltmp3:
0xc9: {  	v10 =	vld [tilespmem:s19+$0x20];
	(pc) =	sbr.rel @p0 .LBB2_8-.Ltmp3, $4  }
0xca: {  	v9 =	vld [tilespmem:s19+$0x30]  }
0xcb: {  	v8 =	vld [tilespmem:s19+$0x40]  }
0xcc: {  	v12 =	vadd.f32 v12, v6;
	v6 =	vld [tilespmem:s19+$0x50]  }
0xcd: {  	s20 =	sadd.s32 $0x200, s20;
	v11 =	vadd.f32 v11, v7;
	v7 =	vld [tilespmem:s19+$0x60]  }
0xce: {  	[tilespmem:s19+$0x0] =	vst v12;
	v5 =	vadd.f32 v5, v10;
	v63 =	vld [tilespmem:s19+$0x70]  }
0xcf: {  	[tilespmem:s19+$0x10] =	vst v11;
	v4 =	vadd.f32 v4, v9  }
0xd0: {  	[tilespmem:s19+$0x20] =	vst v5;
	v3 =	vadd.f32 v3, v8  }
0xd1: {  	[tilespmem:s19+$0x30] =	vst v4;
	v2 =	vadd.f32 v2, v6  }
0xd2: {  	[tilespmem:s19+$0x40] =	vst v3;
	v1 =	vadd.f32 v1, v7  }
0xd3: {  	s18 =	sadd.s32 $0x1, s18;
	[tilespmem:s19+$0x50] =	vst v2;
	v0 =	vadd.f32 v0, v63  }
0xd4: {  	p0 =	sne.s32 s18, s15;
	[tilespmem:s19+$0x60] =	vst v1  }
.Ltmp4:
0xd5: {  	[tilespmem:s19+$0x70] =	vst v0;
	(pc) =	sbr.rel @p0 .LBB2_1-.Ltmp4, $4  }
0xd6: {  	[hbm4b:s14+s2] =	stream.linear.scatter [tilespmem:s2], [sflag:$0x1], $0x2800, $0x38;
	[tilespmem:$0x5000] =	vst v63  }
0xd7: {  	_ =	swait.ge [sflag:s16], $0x2800  }
0xd8: {  	[sflag:s16] =	ssyncset.done $0x0  }
0xd9: {  	[sflag:s16] =	ssyncadd.s32 $0xFFFFD800  }
0xda: {  	_ =	sfence.sel $0x180000  }
0xdb: {  	[bflag:$0x0] =	sbarrier.arrive $0xFFFF  }
0xdc: {  	p0 =	sne.s32 s0, $0x0;
	_ =	strace $0x9000004A  }
0xdd: {  	s0 =	sadd.s32 @!p0 $0x100000, s1;
	[bflag:$0x2] =	sbarrier.arrive $0xFFFF  }
0xde: {  	[sflag:s0] =	ssyncadd.tile.s32 @!p0 $0x1;
	_ =	shalt  }
.Lfunc_end2:
_tile_overlayer_lowered:
.L_overlay_start_2:
0xdf: {  	(tag) =	ssettag $0x2  }
0xe0: {  	s0 =	rddreg [dreg:$0x0];
	s2 =	stileid.u32  }
0xe1: {  	s1 =	rddreg [dreg:$0x1];
	p0 =	sne.s32 s2, $0x0  }
0xe2: {  	s3 =	rddreg [dreg:$0x2];
	[bflag:$0x3] =	sbarrier.arrive $0xFFFF;
	s2 =	simm.s32 @!p0 $0x1C01  }
0xe3: {  	[timem:s3], [sflag:s2] =	dma.local @!p0 [hbm:s0], s1  }
0xe4: {  	s0 =	simm.s32 @!p0 $0x1  }
0xe5: {  	_ =	swait.ge @!p0 [sflag:s0], s1  }
0xe6: {  	s1 =	ssub.s32 @!p0 $0x0, s1;
	[sflag:s0] =	ssyncset.done @!p0 $0x0  }
0xe7: {  	[sflag:s0] =	ssyncadd.s32 @!p0 s1  }
0xe8: {  	[bflag:$0x3] =	sbarrier.arrive $0xFFFF  }
0xe9: {  	_ =	shalt  }

</sc_bundles>
